<compile_context>
chip_gen: v7x
topology: tpu7x:2x2x1
jax: 0.10.2.dev20260603
libtpu: 0.0.44.dev20260713+nightly
codegen_flags: <defaults>
</compile_context>

<pallas_src>
import functools

import jax
import jax.numpy as jnp
from jax import lax
from jax.experimental import pallas as pl
from jax.experimental.pallas import tpu as pltpu
from jax.experimental.pallas import tpu_sc as plsc

VOCAB = 49408
N_WORDS = 77
D = 768
B = 1024

NW = 32
CHUNK = B // NW
LANES = 16
D_SLICES = D // LANES


def _sc_embed(tok_ids, pos_ids, tok_emb, pos_emb):
    mesh = plsc.VectorSubcoreMesh(core_axis_name="c", subcore_axis_name="s")

    @functools.partial(
        pl.kernel,
        mesh=mesh,
        out_type=jax.ShapeDtypeStruct((N_WORDS, B, D), jnp.float32),
        scratch_types=[
            pltpu.VMEM((N_WORDS, CHUNK), jnp.int32),
            pltpu.VMEM((N_WORDS, CHUNK), jnp.int32),
            pltpu.VMEM((CHUNK, D), jnp.float32),
            pltpu.VMEM((CHUNK, D), jnp.float32),
            pltpu.VMEM((CHUNK, D), jnp.float32),
            pltpu.VMEM((CHUNK, D), jnp.float32),
            pltpu.SemaphoreType.DMA,
            pltpu.SemaphoreType.DMA,
            pltpu.SemaphoreType.DMA,
            pltpu.SemaphoreType.DMA,
        ],
    )
    def k(tok_ids_hbm, pos_ids_hbm, tok_emb_hbm, pos_emb_hbm, out_hbm,
          tok_idx_v, pos_idx_v, trows0, trows1, prows0, prows1,
          gsem0, gsem1, wsem0, wsem1):
        wid = lax.axis_index("s") * 2 + lax.axis_index("c")
        col0 = wid * CHUNK
        pltpu.sync_copy(tok_ids_hbm.at[wid], tok_idx_v)
        pltpu.sync_copy(pos_ids_hbm.at[wid], pos_idx_v)

        pltpu.async_copy(tok_emb_hbm.at[tok_idx_v.at[0]], trows0, gsem0)
        pltpu.async_copy(pos_emb_hbm.at[pos_idx_v.at[0]], prows0, gsem0)

        def make_step(tcur, pcur, gsem_c, wsem_c, tnxt, pnxt, gsem_n, wsem_n):
            def step(i):
                @pl.when(i + 1 < N_WORDS)
                def _issue_next():
                    @pl.when(i >= 1)
                    def _drain_write():
                        pltpu.make_async_copy(
                            tnxt, out_hbm.at[0, pl.ds(col0, CHUNK)],
                            wsem_n).wait()
                    pltpu.async_copy(
                        tok_emb_hbm.at[tok_idx_v.at[i + 1]], tnxt, gsem_n)
                    pltpu.async_copy(
                        pos_emb_hbm.at[pos_idx_v.at[i + 1]], pnxt, gsem_n)

                pltpu.make_async_copy(
                    tok_emb_hbm.at[tok_idx_v.at[i]], tcur, gsem_c).wait()
                pltpu.make_async_copy(
                    pos_emb_hbm.at[pos_idx_v.at[i]], pcur, gsem_c).wait()

                def row_body(r, carry):
                    for j in range(D_SLICES):
                        sl = pl.ds(j * LANES, LANES)
                        tcur[r, sl] = tcur[r, sl] + pcur[r, sl]
                    return carry

                half = CHUNK // 2
                lax.fori_loop(0, half, row_body, 0)
                pltpu.async_copy(
                    tcur.at[pl.ds(0, half)],
                    out_hbm.at[i, pl.ds(col0, half)], wsem_c)
                lax.fori_loop(half, CHUNK, row_body, 0)
                pltpu.async_copy(
                    tcur.at[pl.ds(half, half)],
                    out_hbm.at[i, pl.ds(col0 + half, half)], wsem_c)
            return step

        step_even = make_step(trows0, prows0, gsem0, wsem0,
                              trows1, prows1, gsem1, wsem1)
        step_odd = make_step(trows1, prows1, gsem1, wsem1,
                             trows0, prows0, gsem0, wsem0)

        def word_body(i, carry):
            @pl.when(i % 2 == 0)
            def _even():
                step_even(i)

            @pl.when(i % 2 == 1)
            def _odd():
                step_odd(i)
            return carry

        lax.fori_loop(0, N_WORDS, word_body, 0)

        pltpu.make_async_copy(
            trows0, out_hbm.at[0, pl.ds(col0, CHUNK)], wsem0).wait()
        pltpu.make_async_copy(
            trows1, out_hbm.at[0, pl.ds(col0, CHUNK)], wsem1).wait()

    return k(tok_ids, pos_ids, tok_emb, pos_emb)


def kernel(input_ids, position_ids, token_embedding, position_embedding):
    tok_ids = (input_ids.astype(jnp.int32)
               .reshape(NW, CHUNK, N_WORDS)
               .transpose(0, 2, 1)
               .reshape(NW, N_WORDS, CHUNK))
    pos_ids = (position_ids.astype(jnp.int32)
               .reshape(NW, CHUNK, N_WORDS)
               .transpose(0, 2, 1)
               .reshape(NW, N_WORDS, CHUNK))
    out = _sc_embed(tok_ids, pos_ids, token_embedding, position_embedding)
    return out.transpose(1, 0, 2)

# --- scband reference (transcript-rebuilt; emitter-appended) ---
"""Pipeline reference for scband-cliptext-embeddings-50680614093280 (READ-ONLY COPY).

The authoritative reference and input builder live on the scoring server;
editing this copy changes nothing except your own understanding.
"""

import jax, jax.numpy as jnp
import numpy as np

VOCAB = 49408
N_WORDS = 77
D = 768
B = 1024

def setup_inputs(seed: int = 0) -> dict:
    key = jax.random.key(seed)
    k1, k2, k3, k4 = jax.random.split(key, 4)
    input_ids = jax.random.randint(k1, (B, N_WORDS), 0, VOCAB, dtype=jnp.int64 if jax.config.jax_enable_x64 else jnp.int32)
    position_ids = jax.random.randint(k2, (B, N_WORDS), 0, N_WORDS, dtype=jnp.int64 if jax.config.jax_enable_x64 else jnp.int32)
    token_embedding = jax.random.normal(k3, (VOCAB, D), dtype=jnp.float32) * 0.02
    position_embedding = jax.random.normal(k4, (N_WORDS, D), dtype=jnp.float32) * 0.02
    return {
        "input_ids": input_ids,
        "position_ids": position_ids,
        "token_embedding": token_embedding,
        "position_embedding": position_embedding,
    }

def reference(input_ids, position_ids, token_embedding, position_embedding):
    word_embeddings = jnp.take(token_embedding, input_ids, axis=0)
    position_embeddings = jnp.take(position_embedding, position_ids, axis=0)
    return word_embeddings + position_embeddings

if __name__ == "__main__":
    import jax
    _d = setup_inputs()
    print(jax.jit(kernel)(*tuple(_d.values())))

</pallas_src>

<mosaic_0001>
#map = affine_map<(d0, d1) -> (0, 0, 0)>
#map1 = affine_map<(d0, d1) -> (0, 0)>
module attributes {stable_mosaic.version = 14 : i64} {
  func.func @k(%arg0: i32, %arg1: i32, %arg2: memref<32x77x32xi32, #tpu.memory_space<hbm>>, %arg3: memref<32x77x32xi32, #tpu.memory_space<hbm>>, %arg4: memref<49408x768xf32, #tpu.memory_space<hbm>>, %arg5: memref<77x768xf32, #tpu.memory_space<hbm>>, %arg6: memref<77x1024x768xf32, #tpu.memory_space<hbm>>, %arg7: memref<77x32xi32, #tpu.memory_space<vmem>>, %arg8: memref<77x32xi32, #tpu.memory_space<vmem>>, %arg9: memref<32x768xf32, #tpu.memory_space<vmem>>, %arg10: memref<32x768xf32, #tpu.memory_space<vmem>>, %arg11: memref<32x768xf32, #tpu.memory_space<vmem>>, %arg12: memref<32x768xf32, #tpu.memory_space<vmem>>, %arg13: memref<!tpu.dma_semaphore, #tpu.memory_space<semaphore_mem>>, %arg14: memref<!tpu.dma_semaphore, #tpu.memory_space<semaphore_mem>>, %arg15: memref<!tpu.dma_semaphore, #tpu.memory_space<semaphore_mem>>, %arg16: memref<!tpu.dma_semaphore, #tpu.memory_space<semaphore_mem>>) attributes {dimension_semantics = [#tpu.dimension_semantics<core_parallel>, #tpu.dimension_semantics<subcore_parallel>], iteration_bounds = array<i64: 2, 16>, scalar_prefetch = 0 : i64, scratch_operands = 10 : i64, tpu.core_type = #tpu.core_type<sc_vector_subcore>, window_params = [{transform_indices = #map}, {transform_indices = #map}, {transform_indices = #map1}, {transform_indices = #map1}, {transform_indices = #map}]} {
    %mul3A = arith.constant 2 : i32
    %mul3A_0 = arith.muli %arg1, %mul3A : i32
    %add3A = arith.addi %mul3A_0, %arg0 : i32
    %mul3A_1 = arith.constant 32 : i32
    %mul3A_2 = arith.muli %add3A, %mul3A_1 : i32
    "tpu.region"() ({
      %run_scoped3A = tpu.sem_alloc : memref<!tpu.dma_semaphore, #tpu.memory_space<semaphore_mem>>
      %dma_start3A_34 = arith.constant 0 : i32
      %dma_start3A_35 = arith.constant 0 : i32
      %dma_start3A_36 = tpu.memref_slice %arg2[%add3A, %dma_start3A_34, %dma_start3A_35] : memref<32x77x32xi32, #tpu.memory_space<hbm>> -> memref<1x77x32xi32, #tpu.memory_space<hbm>>
      %dma_start3A_37 = tpu.memref_squeeze %dma_start3A_36 : memref<1x77x32xi32, #tpu.memory_space<hbm>> -> memref<77x32xi32, #tpu.memory_space<hbm>>
      %dma_start3A_38 = arith.constant 0 : i32
      %dma_start3A_39 = arith.constant 0 : i32
      %dma_start3A_40 = tpu.memref_slice %arg2[%add3A, %dma_start3A_38, %dma_start3A_39] : memref<32x77x32xi32, #tpu.memory_space<hbm>> -> memref<1x77x32xi32, #tpu.memory_space<hbm>>
      %dma_start3A_41 = tpu.memref_squeeze %dma_start3A_40 : memref<1x77x32xi32, #tpu.memory_space<hbm>> -> memref<77x32xi32, #tpu.memory_space<hbm>>
      tpu.enqueue_dma source(%dma_start3A_41 : memref<77x32xi32, #tpu.memory_space<hbm>>) target(%arg7 : memref<77x32xi32, #tpu.memory_space<vmem>>) target_semaphore(%run_scoped3A : memref<!tpu.dma_semaphore, #tpu.memory_space<semaphore_mem>>)
      %dma_wait3A_42 = arith.constant 0 : i32
      %dma_wait3A_43 = arith.constant 0 : i32
      %dma_wait3A_44 = tpu.memref_slice %arg2[%add3A, %dma_wait3A_42, %dma_wait3A_43] : memref<32x77x32xi32, #tpu.memory_space<hbm>> -> memref<1x77x32xi32, #tpu.memory_space<hbm>>
      %dma_wait3A_45 = tpu.memref_squeeze %dma_wait3A_44 : memref<1x77x32xi32, #tpu.memory_space<hbm>> -> memref<77x32xi32, #tpu.memory_space<hbm>>
      %dma_wait3A_46 = arith.constant 0 : i32
      %dma_wait3A_47 = arith.constant 0 : i32
      %dma_wait3A_48 = tpu.memref_slice %arg2[%add3A, %dma_wait3A_46, %dma_wait3A_47] : memref<32x77x32xi32, #tpu.memory_space<hbm>> -> memref<1x77x32xi32, #tpu.memory_space<hbm>>
      %dma_wait3A_49 = tpu.memref_squeeze %dma_wait3A_48 : memref<1x77x32xi32, #tpu.memory_space<hbm>> -> memref<77x32xi32, #tpu.memory_space<hbm>>
      tpu.wait_dma2 semaphore(%run_scoped3A : memref<!tpu.dma_semaphore, #tpu.memory_space<semaphore_mem>>) src(%dma_wait3A_49 : memref<77x32xi32, #tpu.memory_space<hbm>>) dst(%arg7 : memref<77x32xi32, #tpu.memory_space<vmem>>)
      tpu.yield
    }) : () -> ()
    "tpu.region"() ({
      %run_scoped3A = tpu.sem_alloc : memref<!tpu.dma_semaphore, #tpu.memory_space<semaphore_mem>>
      %dma_start3A_34 = arith.constant 0 : i32
      %dma_start3A_35 = arith.constant 0 : i32
      %dma_start3A_36 = tpu.memref_slice %arg3[%add3A, %dma_start3A_34, %dma_start3A_35] : memref<32x77x32xi32, #tpu.memory_space<hbm>> -> memref<1x77x32xi32, #tpu.memory_space<hbm>>
      %dma_start3A_37 = tpu.memref_squeeze %dma_start3A_36 : memref<1x77x32xi32, #tpu.memory_space<hbm>> -> memref<77x32xi32, #tpu.memory_space<hbm>>
      %dma_start3A_38 = arith.constant 0 : i32
      %dma_start3A_39 = arith.constant 0 : i32
      %dma_start3A_40 = tpu.memref_slice %arg3[%add3A, %dma_start3A_38, %dma_start3A_39] : memref<32x77x32xi32, #tpu.memory_space<hbm>> -> memref<1x77x32xi32, #tpu.memory_space<hbm>>
      %dma_start3A_41 = tpu.memref_squeeze %dma_start3A_40 : memref<1x77x32xi32, #tpu.memory_space<hbm>> -> memref<77x32xi32, #tpu.memory_space<hbm>>
      tpu.enqueue_dma source(%dma_start3A_41 : memref<77x32xi32, #tpu.memory_space<hbm>>) target(%arg8 : memref<77x32xi32, #tpu.memory_space<vmem>>) target_semaphore(%run_scoped3A : memref<!tpu.dma_semaphore, #tpu.memory_space<semaphore_mem>>)
      %dma_wait3A_42 = arith.constant 0 : i32
      %dma_wait3A_43 = arith.constant 0 : i32
      %dma_wait3A_44 = tpu.memref_slice %arg3[%add3A, %dma_wait3A_42, %dma_wait3A_43] : memref<32x77x32xi32, #tpu.memory_space<hbm>> -> memref<1x77x32xi32, #tpu.memory_space<hbm>>
      %dma_wait3A_45 = tpu.memref_squeeze %dma_wait3A_44 : memref<1x77x32xi32, #tpu.memory_space<hbm>> -> memref<77x32xi32, #tpu.memory_space<hbm>>
      %dma_wait3A_46 = arith.constant 0 : i32
      %dma_wait3A_47 = arith.constant 0 : i32
      %dma_wait3A_48 = tpu.memref_slice %arg3[%add3A, %dma_wait3A_46, %dma_wait3A_47] : memref<32x77x32xi32, #tpu.memory_space<hbm>> -> memref<1x77x32xi32, #tpu.memory_space<hbm>>
      %dma_wait3A_49 = tpu.memref_squeeze %dma_wait3A_48 : memref<1x77x32xi32, #tpu.memory_space<hbm>> -> memref<77x32xi32, #tpu.memory_space<hbm>>
      tpu.wait_dma2 semaphore(%run_scoped3A : memref<!tpu.dma_semaphore, #tpu.memory_space<semaphore_mem>>) src(%dma_wait3A_49 : memref<77x32xi32, #tpu.memory_space<hbm>>) dst(%arg8 : memref<77x32xi32, #tpu.memory_space<vmem>>)
      tpu.yield
    }) : () -> ()
    %dma_start3A = arith.constant 0 : i32
    %dma_start3A_3 = arith.constant 0 : i32
    %dma_start3A_4 = tpu.memref_slice %arg7[%dma_start3A, %dma_start3A_3] : memref<77x32xi32, #tpu.memory_space<vmem>> -> memref<1x32xi32, #tpu.memory_space<vmem>>
    %dma_start3A_5 = tpu.memref_squeeze %dma_start3A_4 : memref<1x32xi32, #tpu.memory_space<vmem>> -> memref<32xi32, #tpu.memory_space<vmem>>
    %dma_start3A_6 = arith.constant 0 : i32
    %dma_start3A_7 = arith.constant 0 : i32
    %dma_start3A_8 = tpu.memref_slice %arg4[%dma_start3A_6, %dma_start3A_7] : memref<49408x768xf32, #tpu.memory_space<hbm>> -> memref<49408x768xf32, #tpu.memory_space<hbm>>
    tpu.enqueue_indirect_dma source(%dma_start3A_8 : memref<49408x768xf32, #tpu.memory_space<hbm>>) target(%arg9 : memref<32x768xf32, #tpu.memory_space<vmem>>) offsets(%dma_start3A_5 : memref<32xi32, #tpu.memory_space<vmem>>) semaphore(%arg13 : memref<!tpu.dma_semaphore, #tpu.memory_space<semaphore_mem>>)
    %dma_start3A_9 = arith.constant 0 : i32
    %dma_start3A_10 = arith.constant 0 : i32
    %dma_start3A_11 = tpu.memref_slice %arg8[%dma_start3A_9, %dma_start3A_10] : memref<77x32xi32, #tpu.memory_space<vmem>> -> memref<1x32xi32, #tpu.memory_space<vmem>>
    %dma_start3A_12 = tpu.memref_squeeze %dma_start3A_11 : memref<1x32xi32, #tpu.memory_space<vmem>> -> memref<32xi32, #tpu.memory_space<vmem>>
    %dma_start3A_13 = arith.constant 0 : i32
    %dma_start3A_14 = arith.constant 0 : i32
    %dma_start3A_15 = tpu.memref_slice %arg5[%dma_start3A_13, %dma_start3A_14] : memref<77x768xf32, #tpu.memory_space<hbm>> -> memref<77x768xf32, #tpu.memory_space<hbm>>
    tpu.enqueue_indirect_dma source(%dma_start3A_15 : memref<77x768xf32, #tpu.memory_space<hbm>>) target(%arg11 : memref<32x768xf32, #tpu.memory_space<vmem>>) offsets(%dma_start3A_12 : memref<32xi32, #tpu.memory_space<vmem>>) semaphore(%arg13 : memref<!tpu.dma_semaphore, #tpu.memory_space<semaphore_mem>>)
    %scan3A = arith.constant 0 : i32
    %scan3A_16 = arith.constant 0 : i32
    %scan3A_17 = arith.constant 77 : i32
    %scan3A_18 = arith.addi %scan3A_16, %scan3A_17 : i32
    %scan3A_19 = arith.constant 1 : i32
    scf.for %scan3A_34 = %scan3A_16 to %scan3A_18 step %scan3A_19  : i32 {
      %jit3A = arith.constant 2 : i32
      %eq3A = arith.constant 0 : i32
      %eq3A_35 = arith.cmpi eq, %jit3A, %eq3A : i32
      %jit3A_36 = arith.constant 1 : i32
      %select_n3A = arith.select %eq3A_35, %jit3A_36, %jit3A : i32
      %rem3A = arith.remsi %scan3A_34, %select_n3A : i32
      %ne3A = arith.constant 0 : i32
      %ne3A_37 = arith.cmpi ne, %rem3A, %ne3A : i32
      %lt3A = arith.constant 0 : i32
      %lt3A_38 = arith.cmpi slt, %rem3A, %lt3A : i32
      %lt3A_39 = arith.constant 0 : i32
      %lt3A_40 = arith.cmpi slt, %select_n3A, %lt3A_39 : i32
      %ne3A_41 = arith.xori %lt3A_38, %lt3A_40 : i1
      %and3A = arith.andi %ne3A_41, %ne3A_37 : i1
      %add3A_42 = arith.addi %rem3A, %select_n3A : i32
      %select_n3A_43 = arith.select %and3A, %add3A_42, %rem3A : i32
      %eq3A_44 = arith.constant 0 : i32
      %eq3A_45 = arith.cmpi eq, %select_n3A_43, %eq3A_44 : i32
      %convert_element_type3A = arith.extui %eq3A_45 : i1 to i32
      %cond3A = arith.constant 0 : i32
      %cond3A_46 = arith.cmpi ne, %convert_element_type3A, %cond3A : i32
      scf.if %cond3A_46 {
        %add3A_68 = arith.constant 1 : i32
        %add3A_69 = arith.addi %scan3A_34, %add3A_68 : i32
        %lt3A_70 = arith.constant 77 : i32
        %lt3A_71 = arith.cmpi slt, %add3A_69, %lt3A_70 : i32
        %convert_element_type3A_72 = arith.extui %lt3A_71 : i1 to i32
        %cond3A_73 = arith.constant 0 : i32
        %cond3A_74 = arith.cmpi ne, %convert_element_type3A_72, %cond3A_73 : i32
        scf.if %cond3A_74 {
          %ge3A = arith.constant 1 : i32
          %ge3A_125 = arith.cmpi sge, %scan3A_34, %ge3A : i32
          %convert_element_type3A_126 = arith.extui %ge3A_125 : i1 to i32
          %cond3A_127 = arith.constant 0 : i32
          %cond3A_128 = arith.cmpi ne, %convert_element_type3A_126, %cond3A_127 : i32
          scf.if %cond3A_128 {
            %dma_wait3A_145 = arith.constant 0 : i32
            %dma_wait3A_146 = arith.constant 0 : i32
            %dma_wait3A_147 = tpu.memref_slice %arg6[%dma_wait3A_145, %mul3A_2, %dma_wait3A_146] : memref<77x1024x768xf32, #tpu.memory_space<hbm>> -> memref<1x32x768xf32, #tpu.memory_space<hbm>>
            %dma_wait3A_148 = tpu.memref_squeeze %dma_wait3A_147 : memref<1x32x768xf32, #tpu.memory_space<hbm>> -> memref<32x768xf32, #tpu.memory_space<hbm>>
            %dma_wait3A_149 = arith.constant 0 : i32
            %dma_wait3A_150 = tpu.memref_slice %arg6[%dma_wait3A_145, %mul3A_2, %dma_wait3A_149] : memref<77x1024x768xf32, #tpu.memory_space<hbm>> -> memref<1x32x768xf32, #tpu.memory_space<hbm>>
            %dma_wait3A_151 = tpu.memref_squeeze %dma_wait3A_150 : memref<1x32x768xf32, #tpu.memory_space<hbm>> -> memref<32x768xf32, #tpu.memory_space<hbm>>
            tpu.wait_dma2 semaphore(%arg16 : memref<!tpu.dma_semaphore, #tpu.memory_space<semaphore_mem>>) src(%arg10 : memref<32x768xf32, #tpu.memory_space<vmem>>) dst(%dma_wait3A_151 : memref<32x768xf32, #tpu.memory_space<hbm>>)
          } else {
          }
          %add3A_129 = arith.constant 1 : i32
          %add3A_130 = arith.addi %scan3A_34, %add3A_129 : i32
          %dma_start3A_131 = arith.constant 0 : i32
          %dma_start3A_132 = tpu.memref_slice %arg7[%add3A_130, %dma_start3A_131] : memref<77x32xi32, #tpu.memory_space<vmem>> -> memref<1x32xi32, #tpu.memory_space<vmem>>
          %dma_start3A_133 = tpu.memref_squeeze %dma_start3A_132 : memref<1x32xi32, #tpu.memory_space<vmem>> -> memref<32xi32, #tpu.memory_space<vmem>>
          %dma_start3A_134 = arith.constant 0 : i32
          %dma_start3A_135 = arith.constant 0 : i32
          %dma_start3A_136 = tpu.memref_slice %arg4[%dma_start3A_134, %dma_start3A_135] : memref<49408x768xf32, #tpu.memory_space<hbm>> -> memref<49408x768xf32, #tpu.memory_space<hbm>>
          tpu.enqueue_indirect_dma source(%dma_start3A_136 : memref<49408x768xf32, #tpu.memory_space<hbm>>) target(%arg10 : memref<32x768xf32, #tpu.memory_space<vmem>>) offsets(%dma_start3A_133 : memref<32xi32, #tpu.memory_space<vmem>>) semaphore(%arg14 : memref<!tpu.dma_semaphore, #tpu.memory_space<semaphore_mem>>)
          %add3A_137 = arith.constant 1 : i32
          %add3A_138 = arith.addi %scan3A_34, %add3A_137 : i32
          %dma_start3A_139 = arith.constant 0 : i32
          %dma_start3A_140 = tpu.memref_slice %arg8[%add3A_138, %dma_start3A_139] : memref<77x32xi32, #tpu.memory_space<vmem>> -> memref<1x32xi32, #tpu.memory_space<vmem>>
          %dma_start3A_141 = tpu.memref_squeeze %dma_start3A_140 : memref<1x32xi32, #tpu.memory_space<vmem>> -> memref<32xi32, #tpu.memory_space<vmem>>
          %dma_start3A_142 = arith.constant 0 : i32
          %dma_start3A_143 = arith.constant 0 : i32
          %dma_start3A_144 = tpu.memref_slice %arg5[%dma_start3A_142, %dma_start3A_143] : memref<77x768xf32, #tpu.memory_space<hbm>> -> memref<77x768xf32, #tpu.memory_space<hbm>>
          tpu.enqueue_indirect_dma source(%dma_start3A_144 : memref<77x768xf32, #tpu.memory_space<hbm>>) target(%arg12 : memref<32x768xf32, #tpu.memory_space<vmem>>) offsets(%dma_start3A_141 : memref<32xi32, #tpu.memory_space<vmem>>) semaphore(%arg14 : memref<!tpu.dma_semaphore, #tpu.memory_space<semaphore_mem>>)
        } else {
        }
        %dma_wait3A_75 = arith.constant 0 : i32
        %dma_wait3A_76 = tpu.memref_slice %arg7[%scan3A_34, %dma_wait3A_75] : memref<77x32xi32, #tpu.memory_space<vmem>> -> memref<1x32xi32, #tpu.memory_space<vmem>>
        %dma_wait3A_77 = tpu.memref_squeeze %dma_wait3A_76 : memref<1x32xi32, #tpu.memory_space<vmem>> -> memref<32xi32, #tpu.memory_space<vmem>>
        %dma_wait3A_78 = arith.constant 0 : i32
        %dma_wait3A_79 = arith.constant 0 : i32
        %dma_wait3A_80 = tpu.memref_slice %arg4[%dma_wait3A_78, %dma_wait3A_79] : memref<49408x768xf32, #tpu.memory_space<hbm>> -> memref<49408x768xf32, #tpu.memory_space<hbm>>
        tpu.wait_indirect_dma semaphore(%arg13 : memref<!tpu.dma_semaphore, #tpu.memory_space<semaphore_mem>>) src(%dma_wait3A_80 : memref<49408x768xf32, #tpu.memory_space<hbm>>) dst(%arg9 : memref<32x768xf32, #tpu.memory_space<vmem>>)
        %dma_wait3A_81 = arith.constant 0 : i32
        %dma_wait3A_82 = tpu.memref_slice %arg8[%scan3A_34, %dma_wait3A_81] : memref<77x32xi32, #tpu.memory_space<vmem>> -> memref<1x32xi32, #tpu.memory_space<vmem>>
        %dma_wait3A_83 = tpu.memref_squeeze %dma_wait3A_82 : memref<1x32xi32, #tpu.memory_space<vmem>> -> memref<32xi32, #tpu.memory_space<vmem>>
        %dma_wait3A_84 = arith.constant 0 : i32
        %dma_wait3A_85 = arith.constant 0 : i32
        %dma_wait3A_86 = tpu.memref_slice %arg5[%dma_wait3A_84, %dma_wait3A_85] : memref<77x768xf32, #tpu.memory_space<hbm>> -> memref<77x768xf32, #tpu.memory_space<hbm>>
        tpu.wait_indirect_dma semaphore(%arg13 : memref<!tpu.dma_semaphore, #tpu.memory_space<semaphore_mem>>) src(%dma_wait3A_86 : memref<77x768xf32, #tpu.memory_space<hbm>>) dst(%arg11 : memref<32x768xf32, #tpu.memory_space<vmem>>)
        %scan3A_87 = arith.constant 0 : i32
        %scan3A_88 = arith.constant 0 : i32
        %scan3A_89 = arith.constant 16 : i32
        %scan3A_90 = arith.addi %scan3A_88, %scan3A_89 : i32
        %scan3A_91 = arith.constant 1 : i32
        scf.for %scan3A_125 = %scan3A_88 to %scan3A_90 step %scan3A_91  : i32 {
          %get3A = arith.index_cast %scan3A_125 : i32 to index
          %get3A_126 = arith.constant 0 : index
          %get3A_127 = tpu.vector_load %arg9[%get3A, %get3A_126] {strides = array<i32>} : memref<32x768xf32, #tpu.memory_space<vmem>>, vector<1x16xf32>,
          %get3A_128 = vector.shape_cast %get3A_127 : vector<1x16xf32> to vector<16xf32>
          %get3A_129 = arith.index_cast %scan3A_125 : i32 to index
          %get3A_130 = arith.constant 0 : index
          %get3A_131 = tpu.vector_load %arg11[%get3A_129, %get3A_130] {strides = array<i32>} : memref<32x768xf32, #tpu.memory_space<vmem>>, vector<1x16xf32>,
          %get3A_132 = vector.shape_cast %get3A_131 : vector<1x16xf32> to vector<16xf32>
          %add3A_133 = arith.addf %get3A_128, %get3A_132 : vector<16xf32>
          %swap3A = arith.index_cast %scan3A_125 : i32 to index
          %swap3A_134 = arith.constant 0 : index
          %swap3A_135 = tpu.vector_load %arg9[%swap3A, %swap3A_134] {strides = array<i32>} : memref<32x768xf32, #tpu.memory_space<vmem>>, vector<1x16xf32>,
          %swap3A_136 = vector.shape_cast %swap3A_135 : vector<1x16xf32> to vector<16xf32>
          %swap3A_137 = vector.shape_cast %add3A_133 : vector<16xf32> to vector<1x16xf32>
          tpu.vector_store %arg9[%swap3A, %swap3A_134], %swap3A_137 {strides = array<i32>} : memref<32x768xf32, #tpu.memory_space<vmem>>, vector<1x16xf32>,
          %get3A_138 = arith.index_cast %scan3A_125 : i32 to index
          %get3A_139 = arith.constant 16 : index
          %get3A_140 = tpu.vector_load %arg9[%get3A_138, %get3A_139] {strides = array<i32>} : memref<32x768xf32, #tpu.memory_space<vmem>>, vector<1x16xf32>,
          %get3A_141 = vector.shape_cast %get3A_140 : vector<1x16xf32> to vector<16xf32>
          %get3A_142 = arith.index_cast %scan3A_125 : i32 to index
          %get3A_143 = arith.constant 16 : index
          %get3A_144 = tpu.vector_load %arg11[%get3A_142, %get3A_143] {strides = array<i32>} : memref<32x768xf32, #tpu.memory_space<vmem>>, vector<1x16xf32>,
          %get3A_145 = vector.shape_cast %get3A_144 : vector<1x16xf32> to vector<16xf32>
          %add3A_146 = arith.addf %get3A_141, %get3A_145 : vector<16xf32>
          %swap3A_147 = arith.index_cast %scan3A_125 : i32 to index
          %swap3A_148 = arith.constant 16 : index
          %swap3A_149 = tpu.vector_load %arg9[%swap3A_147, %swap3A_148] {strides = array<i32>} : memref<32x768xf32, #tpu.memory_space<vmem>>, vector<1x16xf32>,
          %swap3A_150 = vector.shape_cast %swap3A_149 : vector<1x16xf32> to vector<16xf32>
          %swap3A_151 = vector.shape_cast %add3A_146 : vector<16xf32> to vector<1x16xf32>
          tpu.vector_store %arg9[%swap3A_147, %swap3A_148], %swap3A_151 {strides = array<i32>} : memref<32x768xf32, #tpu.memory_space<vmem>>, vector<1x16xf32>,
          %get3A_152 = arith.index_cast %scan3A_125 : i32 to index
          %get3A_153 = arith.constant 32 : index
          %get3A_154 = tpu.vector_load %arg9[%get3A_152, %get3A_153] {strides = array<i32>} : memref<32x768xf32, #tpu.memory_space<vmem>>, vector<1x16xf32>,
          %get3A_155 = vector.shape_cast %get3A_154 : vector<1x16xf32> to vector<16xf32>
          %get3A_156 = arith.index_cast %scan3A_125 : i32 to index
          %get3A_157 = arith.constant 32 : index
          %get3A_158 = tpu.vector_load %arg11[%get3A_156, %get3A_157] {strides = array<i32>} : memref<32x768xf32, #tpu.memory_space<vmem>>, vector<1x16xf32>,
          %get3A_159 = vector.shape_cast %get3A_158 : vector<1x16xf32> to vector<16xf32>
          %add3A_160 = arith.addf %get3A_155, %get3A_159 : vector<16xf32>
          %swap3A_161 = arith.index_cast %scan3A_125 : i32 to index
          %swap3A_162 = arith.constant 32 : index
          %swap3A_163 = tpu.vector_load %arg9[%swap3A_161, %swap3A_162] {strides = array<i32>} : memref<32x768xf32, #tpu.memory_space<vmem>>, vector<1x16xf32>,
          %swap3A_164 = vector.shape_cast %swap3A_163 : vector<1x16xf32> to vector<16xf32>
          %swap3A_165 = vector.shape_cast %add3A_160 : vector<16xf32> to vector<1x16xf32>
          tpu.vector_store %arg9[%swap3A_161, %swap3A_162], %swap3A_165 {strides = array<i32>} : memref<32x768xf32, #tpu.memory_space<vmem>>, vector<1x16xf32>,
          %get3A_166 = arith.index_cast %scan3A_125 : i32 to index
          %get3A_167 = arith.constant 48 : index
          %get3A_168 = tpu.vector_load %arg9[%get3A_166, %get3A_167] {strides = array<i32>} : memref<32x768xf32, #tpu.memory_space<vmem>>, vector<1x16xf32>,
          %get3A_169 = vector.shape_cast %get3A_168 : vector<1x16xf32> to vector<16xf32>
          %get3A_170 = arith.index_cast %scan3A_125 : i32 to index
          %get3A_171 = arith.constant 48 : index
          %get3A_172 = tpu.vector_load %arg11[%get3A_170, %get3A_171] {strides = array<i32>} : memref<32x768xf32, #tpu.memory_space<vmem>>, vector<1x16xf32>,
          %get3A_173 = vector.shape_cast %get3A_172 : vector<1x16xf32> to vector<16xf32>
          %add3A_174 = arith.addf %get3A_169, %get3A_173 : vector<16xf32>
          %swap3A_175 = arith.index_cast %scan3A_125 : i32 to index
          %swap3A_176 = arith.constant 48 : index
          %swap3A_177 = tpu.vector_load %arg9[%swap3A_175, %swap3A_176] {strides = array<i32>} : memref<32x768xf32, #tpu.memory_space<vmem>>, vector<1x16xf32>,
          %swap3A_178 = vector.shape_cast %swap3A_177 : vector<1x16xf32> to vector<16xf32>
          %swap3A_179 = vector.shape_cast %add3A_174 : vector<16xf32> to vector<1x16xf32>
          tpu.vector_store %arg9[%swap3A_175, %swap3A_176], %swap3A_179 {strides = array<i32>} : memref<32x768xf32, #tpu.memory_space<vmem>>, vector<1x16xf32>,
          %get3A_180 = arith.index_cast %scan3A_125 : i32 to index
          %get3A_181 = arith.constant 64 : index
          %get3A_182 = tpu.vector_load %arg9[%get3A_180, %get3A_181] {strides = array<i32>} : memref<32x768xf32, #tpu.memory_space<vmem>>, vector<1x16xf32>,
          %get3A_183 = vector.shape_cast %get3A_182 : vector<1x16xf32> to vector<16xf32>
          %get3A_184 = arith.index_cast %scan3A_125 : i32 to index
          %get3A_185 = arith.constant 64 : index
          %get3A_186 = tpu.vector_load %arg11[%get3A_184, %get3A_185] {strides = array<i32>} : memref<32x768xf32, #tpu.memory_space<vmem>>, vector<1x16xf32>,
          %get3A_187 = vector.shape_cast %get3A_186 : vector<1x16xf32> to vector<16xf32>
          %add3A_188 = arith.addf %get3A_183, %get3A_187 : vector<16xf32>
          %swap3A_189 = arith.index_cast %scan3A_125 : i32 to index
          %swap3A_190 = arith.constant 64 : index
          %swap3A_191 = tpu.vector_load %arg9[%swap3A_189, %swap3A_190] {strides = array<i32>} : memref<32x768xf32, #tpu.memory_space<vmem>>, vector<1x16xf32>,
          %swap3A_192 = vector.shape_cast %swap3A_191 : vector<1x16xf32> to vector<16xf32>
          %swap3A_193 = vector.shape_cast %add3A_188 : vector<16xf32> to vector<1x16xf32>
          tpu.vector_store %arg9[%swap3A_189, %swap3A_190], %swap3A_193 {strides = array<i32>} : memref<32x768xf32, #tpu.memory_space<vmem>>, vector<1x16xf32>,
          %get3A_194 = arith.index_cast %scan3A_125 : i32 to index
          %get3A_195 = arith.constant 80 : index
          %get3A_196 = tpu.vector_load %arg9[%get3A_194, %get3A_195] {strides = array<i32>} : memref<32x768xf32, #tpu.memory_space<vmem>>, vector<1x16xf32>,
          %get3A_197 = vector.shape_cast %get3A_196 : vector<1x16xf32> to vector<16xf32>
          %get3A_198 = arith.index_cast %scan3A_125 : i32 to index
          %get3A_199 = arith.constant 80 : index
          %get3A_200 = tpu.vector_load %arg11[%get3A_198, %get3A_199] {strides = array<i32>} : memref<32x768xf32, #tpu.memory_space<vmem>>, vector<1x16xf32>,
          %get3A_201 = vector.shape_cast %get3A_200 : vector<1x16xf32> to vector<16xf32>
          %add3A_202 = arith.addf %get3A_197, %get3A_201 : vector<16xf32>
          %swap3A_203 = arith.index_cast %scan3A_125 : i32 to index
          %swap3A_204 = arith.constant 80 : index
          %swap3A_205 = tpu.vector_load %arg9[%swap3A_203, %swap3A_204] {strides = array<i32>} : memref<32x768xf32, #tpu.memory_space<vmem>>, vector<1x16xf32>,
          %swap3A_206 = vector.shape_cast %swap3A_205 : vector<1x16xf32> to vector<16xf32>
          %swap3A_207 = vector.shape_cast %add3A_202 : vector<16xf32> to vector<1x16xf32>
          tpu.vector_store %arg9[%swap3A_203, %swap3A_204], %swap3A_207 {strides = array<i32>} : memref<32x768xf32, #tpu.memory_space<vmem>>, vector<1x16xf32>,
          %get3A_208 = arith.index_cast %scan3A_125 : i32 to index
          %get3A_209 = arith.constant 96 : index
          %get3A_210 = tpu.vector_load %arg9[%get3A_208, %get3A_209] {strides = array<i32>} : memref<32x768xf32, #tpu.memory_space<vmem>>, vector<1x16xf32>,
          %get3A_211 = vector.shape_cast %get3A_210 : vector<1x16xf32> to vector<16xf32>
          %get3A_212 = arith.index_cast %scan3A_125 : i32 to index
          %get3A_213 = arith.constant 96 : index
          %get3A_214 = tpu.vector_load %arg11[%get3A_212, %get3A_213] {strides = array<i32>} : memref<32x768xf32, #tpu.memory_space<vmem>>, vector<1x16xf32>,
          %get3A_215 = vector.shape_cast %get3A_214 : vector<1x16xf32> to vector<16xf32>
          %add3A_216 = arith.addf %get3A_211, %get3A_215 : vector<16xf32>
          %swap3A_217 = arith.index_cast %scan3A_125 : i32 to index
          %swap3A_218 = arith.constant 96 : index
          %swap3A_219 = tpu.vector_load %arg9[%swap3A_217, %swap3A_218] {strides = array<i32>} : memref<32x768xf32, #tpu.memory_space<vmem>>, vector<1x16xf32>,
          %swap3A_220 = vector.shape_cast %swap3A_219 : vector<1x16xf32> to vector<16xf32>
          %swap3A_221 = vector.shape_cast %add3A_216 : vector<16xf32> to vector<1x16xf32>
          tpu.vector_store %arg9[%swap3A_217, %swap3A_218], %swap3A_221 {strides = array<i32>} : memref<32x768xf32, #tpu.memory_space<vmem>>, vector<1x16xf32>,
          %get3A_222 = arith.index_cast %scan3A_125 : i32 to index
          %get3A_223 = arith.constant 112 : index
          %get3A_224 = tpu.vector_load %arg9[%get3A_222, %get3A_223] {strides = array<i32>} : memref<32x768xf32, #tpu.memory_space<vmem>>, vector<1x16xf32>,
          %get3A_225 = vector.shape_cast %get3A_224 : vector<1x16xf32> to vector<16xf32>
          %get3A_226 = arith.index_cast %scan3A_125 : i32 to index
          %get3A_227 = arith.constant 112 : index
          %get3A_228 = tpu.vector_load %arg11[%get3A_226, %get3A_227] {strides = array<i32>} : memref<32x768xf32, #tpu.memory_space<vmem>>, vector<1x16xf32>,
          %get3A_229 = vector.shape_cast %get3A_228 : vector<1x16xf32> to vector<16xf32>
          %add3A_230 = arith.addf %get3A_225, %get3A_229 : vector<16xf32>
          %swap3A_231 = arith.index_cast %scan3A_125 : i32 to index
          %swap3A_232 = arith.constant 112 : index
          %swap3A_233 = tpu.vector_load %arg9[%swap3A_231, %swap3A_232] {strides = array<i32>} : memref<32x768xf32, #tpu.memory_space<vmem>>, vector<1x16xf32>,
          %swap3A_234 = vector.shape_cast %swap3A_233 : vector<1x16xf32> to vector<16xf32>
          %swap3A_235 = vector.shape_cast %add3A_230 : vector<16xf32> to vector<1x16xf32>
          tpu.vector_store %arg9[%swap3A_231, %swap3A_232], %swap3A_235 {strides = array<i32>} : memref<32x768xf32, #tpu.memory_space<vmem>>, vector<1x16xf32>,
          %get3A_236 = arith.index_cast %scan3A_125 : i32 to index
          %get3A_237 = arith.constant 128 : index
          %get3A_238 = tpu.vector_load %arg9[%get3A_236, %get3A_237] {strides = array<i32>} : memref<32x768xf32, #tpu.memory_space<vmem>>, vector<1x16xf32>,
          %get3A_239 = vector.shape_cast %get3A_238 : vector<1x16xf32> to vector<16xf32>
          %get3A_240 = arith.index_cast %scan3A_125 : i32 to index
          %get3A_241 = arith.constant 128 : index
          %get3A_242 = tpu.vector_load %arg11[%get3A_240, %get3A_241] {strides = array<i32>} : memref<32x768xf32, #tpu.memory_space<vmem>>, vector<1x16xf32>,
          %get3A_243 = vector.shape_cast %get3A_242 : vector<1x16xf32> to vector<16xf32>
          %add3A_244 = arith.addf %get3A_239, %get3A_243 : vector<16xf32>
          %swap3A_245 = arith.index_cast %scan3A_125 : i32 to index
          %swap3A_246 = arith.constant 128 : index
          %swap3A_247 = tpu.vector_load %arg9[%swap3A_245, %swap3A_246] {strides = array<i32>} : memref<32x768xf32, #tpu.memory_space<vmem>>, vector<1x16xf32>,
          %swap3A_248 = vector.shape_cast %swap3A_247 : vector<1x16xf32> to vector<16xf32>
          %swap3A_249 = vector.shape_cast %add3A_244 : vector<16xf32> to vector<1x16xf32>
          tpu.vector_store %arg9[%swap3A_245, %swap3A_246], %swap3A_249 {strides = array<i32>} : memref<32x768xf32, #tpu.memory_space<vmem>>, vector<1x16xf32>,
          %get3A_250 = arith.index_cast %scan3A_125 : i32 to index
          %get3A_251 = arith.constant 144 : index
          %get3A_252 = tpu.vector_load %arg9[%get3A_250, %get3A_251] {strides = array<i32>} : memref<32x768xf32, #tpu.memory_space<vmem>>, vector<1x16xf32>,
          %get3A_253 = vector.shape_cast %get3A_252 : vector<1x16xf32> to vector<16xf32>
          %get3A_254 = arith.index_cast %scan3A_125 : i32 to index
          %get3A_255 = arith.constant 144 : index
          %get3A_256 = tpu.vector_load %arg11[%get3A_254, %get3A_255] {strides = array<i32>} : memref<32x768xf32, #tpu.memory_space<vmem>>, vector<1x16xf32>,
          %get3A_257 = vector.shape_cast %get3A_256 : vector<1x16xf32> to vector<16xf32>
          %add3A_258 = arith.addf %get3A_253, %get3A_257 : vector<16xf32>
          %swap3A_259 = arith.index_cast %scan3A_125 : i32 to index
          %swap3A_260 = arith.constant 144 : index
          %swap3A_261 = tpu.vector_load %arg9[%swap3A_259, %swap3A_260] {strides = array<i32>} : memref<32x768xf32, #tpu.memory_space<vmem>>, vector<1x16xf32>,
          %swap3A_262 = vector.shape_cast %swap3A_261 : vector<1x16xf32> to vector<16xf32>
          %swap3A_263 = vector.shape_cast %add3A_258 : vector<16xf32> to vector<1x16xf32>
          tpu.vector_store %arg9[%swap3A_259, %swap3A_260], %swap3A_263 {strides = array<i32>} : memref<32x768xf32, #tpu.memory_space<vmem>>, vector<1x16xf32>,
          %get3A_264 = arith.index_cast %scan3A_125 : i32 to index
          %get3A_265 = arith.constant 160 : index
          %get3A_266 = tpu.vector_load %arg9[%get3A_264, %get3A_265] {strides = array<i32>} : memref<32x768xf32, #tpu.memory_space<vmem>>, vector<1x16xf32>,
          %get3A_267 = vector.shape_cast %get3A_266 : vector<1x16xf32> to vector<16xf32>
          %get3A_268 = arith.index_cast %scan3A_125 : i32 to index
          %get3A_269 = arith.constant 160 : index
          %get3A_270 = tpu.vector_load %arg11[%get3A_268, %get3A_269] {strides = array<i32>} : memref<32x768xf32, #tpu.memory_space<vmem>>, vector<1x16xf32>,
          %get3A_271 = vector.shape_cast %get3A_270 : vector<1x16xf32> to vector<16xf32>
          %add3A_272 = arith.addf %get3A_267, %get3A_271 : vector<16xf32>
          %swap3A_273 = arith.index_cast %scan3A_125 : i32 to index
          %swap3A_274 = arith.constant 160 : index
          %swap3A_275 = tpu.vector_load %arg9[%swap3A_273, %swap3A_274] {strides = array<i32>} : memref<32x768xf32, #tpu.memory_space<vmem>>, vector<1x16xf32>,
          %swap3A_276 = vector.shape_cast %swap3A_275 : vector<1x16xf32> to vector<16xf32>
          %swap3A_277 = vector.shape_cast %add3A_272 : vector<16xf32> to vector<1x16xf32>
          tpu.vector_store %arg9[%swap3A_273, %swap3A_274], %swap3A_277 {strides = array<i32>} : memref<32x768xf32, #tpu.memory_space<vmem>>, vector<1x16xf32>,
          %get3A_278 = arith.index_cast %scan3A_125 : i32 to index
          %get3A_279 = arith.constant 176 : index
          %get3A_280 = tpu.vector_load %arg9[%get3A_278, %get3A_279] {strides = array<i32>} : memref<32x768xf32, #tpu.memory_space<vmem>>, vector<1x16xf32>,
          %get3A_281 = vector.shape_cast %get3A_280 : vector<1x16xf32> to vector<16xf32>
          %get3A_282 = arith.index_cast %scan3A_125 : i32 to index
          %get3A_283 = arith.constant 176 : index
          %get3A_284 = tpu.vector_load %arg11[%get3A_282, %get3A_283] {strides = array<i32>} : memref<32x768xf32, #tpu.memory_space<vmem>>, vector<1x16xf32>,
          %get3A_285 = vector.shape_cast %get3A_284 : vector<1x16xf32> to vector<16xf32>
          %add3A_286 = arith.addf %get3A_281, %get3A_285 : vector<16xf32>
          %swap3A_287 = arith.index_cast %scan3A_125 : i32 to index
          %swap3A_288 = arith.constant 176 : index
          %swap3A_289 = tpu.vector_load %arg9[%swap3A_287, %swap3A_288] {strides = array<i32>} : memref<32x768xf32, #tpu.memory_space<vmem>>, vector<1x16xf32>,
          %swap3A_290 = vector.shape_cast %swap3A_289 : vector<1x16xf32> to vector<16xf32>
          %swap3A_291 = vector.shape_cast %add3A_286 : vector<16xf32> to vector<1x16xf32>
          tpu.vector_store %arg9[%swap3A_287, %swap3A_288], %swap3A_291 {strides = array<i32>} : memref<32x768xf32, #tpu.memory_space<vmem>>, vector<1x16xf32>,
          %get3A_292 = arith.index_cast %scan3A_125 : i32 to index
          %get3A_293 = arith.constant 192 : index
          %get3A_294 = tpu.vector_load %arg9[%get3A_292, %get3A_293] {strides = array<i32>} : memref<32x768xf32, #tpu.memory_space<vmem>>, vector<1x16xf32>,
          %get3A_295 = vector.shape_cast %get3A_294 : vector<1x16xf32> to vector<16xf32>
          %get3A_296 = arith.index_cast %scan3A_125 : i32 to index
          %get3A_297 = arith.constant 192 : index
          %get3A_298 = tpu.vector_load %arg11[%get3A_296, %get3A_297] {strides = array<i32>} : memref<32x768xf32, #tpu.memory_space<vmem>>, vector<1x16xf32>,
          %get3A_299 = vector.shape_cast %get3A_298 : vector<1x16xf32> to vector<16xf32>
          %add3A_300 = arith.addf %get3A_295, %get3A_299 : vector<16xf32>
          %swap3A_301 = arith.index_cast %scan3A_125 : i32 to index
          %swap3A_302 = arith.constant 192 : index
          %swap3A_303 = tpu.vector_load %arg9[%swap3A_301, %swap3A_302] {strides = array<i32>} : memref<32x768xf32, #tpu.memory_space<vmem>>, vector<1x16xf32>,
          %swap3A_304 = vector.shape_cast %swap3A_303 : vector<1x16xf32> to vector<16xf32>
          %swap3A_305 = vector.shape_cast %add3A_300 : vector<16xf32> to vector<1x16xf32>
          tpu.vector_store %arg9[%swap3A_301, %swap3A_302], %swap3A_305 {strides = array<i32>} : memref<32x768xf32, #tpu.memory_space<vmem>>, vector<1x16xf32>,
          %get3A_306 = arith.index_cast %scan3A_125 : i32 to index
          %get3A_307 = arith.constant 208 : index
          %get3A_308 = tpu.vector_load %arg9[%get3A_306, %get3A_307] {strides = array<i32>} : memref<32x768xf32, #tpu.memory_space<vmem>>, vector<1x16xf32>,
          %get3A_309 = vector.shape_cast %get3A_308 : vector<1x16xf32> to vector<16xf32>
          %get3A_310 = arith.index_cast %scan3A_125 : i32 to index
          %get3A_311 = arith.constant 208 : index
          %get3A_312 = tpu.vector_load %arg11[%get3A_310, %get3A_311] {strides = array<i32>} : memref<32x768xf32, #tpu.memory_space<vmem>>, vector<1x16xf32>,
          %get3A_313 = vector.shape_cast %get3A_312 : vector<1x16xf32> to vector<16xf32>
          %add3A_314 = arith.addf %get3A_309, %get3A_313 : vector<16xf32>
          %swap3A_315 = arith.index_cast %scan3A_125 : i32 to index
          %swap3A_316 = arith.constant 208 : index
          %swap3A_317 = tpu.vector_load %arg9[%swap3A_315, %swap3A_316] {strides = array<i32>} : memref<32x768xf32, #tpu.memory_space<vmem>>, vector<1x16xf32>,
          %swap3A_318 = vector.shape_cast %swap3A_317 : vector<1x16xf32> to vector<16xf32>
          %swap3A_319 = vector.shape_cast %add3A_314 : vector<16xf32> to vector<1x16xf32>
          tpu.vector_store %arg9[%swap3A_315, %swap3A_316], %swap3A_319 {strides = array<i32>} : memref<32x768xf32, #tpu.memory_space<vmem>>, vector<1x16xf32>,
          %get3A_320 = arith.index_cast %scan3A_125 : i32 to index
          %get3A_321 = arith.constant 224 : index
          %get3A_322 = tpu.vector_load %arg9[%get3A_320, %get3A_321] {strides = array<i32>} : memref<32x768xf32, #tpu.memory_space<vmem>>, vector<1x16xf32>,
          %get3A_323 = vector.shape_cast %get3A_322 : vector<1x16xf32> to vector<16xf32>
          %get3A_324 = arith.index_cast %scan3A_125 : i32 to index
          %get3A_325 = arith.constant 224 : index
          %get3A_326 = tpu.vector_load %arg11[%get3A_324, %get3A_325] {strides = array<i32>} : memref<32x768xf32, #tpu.memory_space<vmem>>, vector<1x16xf32>,
          %get3A_327 = vector.shape_cast %get3A_326 : vector<1x16xf32> to vector<16xf32>
          %add3A_328 = arith.addf %get3A_323, %get3A_327 : vector<16xf32>
          %swap3A_329 = arith.index_cast %scan3A_125 : i32 to index
          %swap3A_330 = arith.constant 224 : index
          %swap3A_331 = tpu.vector_load %arg9[%swap3A_329, %swap3A_330] {strides = array<i32>} : memref<32x768xf32, #tpu.memory_space<vmem>>, vector<1x16xf32>,
          %swap3A_332 = vector.shape_cast %swap3A_331 : vector<1x16xf32> to vector<16xf32>
          %swap3A_333 = vector.shape_cast %add3A_328 : vector<16xf32> to vector<1x16xf32>
          tpu.vector_store %arg9[%swap3A_329, %swap3A_330], %swap3A_333 {strides = array<i32>} : memref<32x768xf32, #tpu.memory_space<vmem>>, vector<1x16xf32>,
          %get3A_334 = arith.index_cast %scan3A_125 : i32 to index
          %get3A_335 = arith.constant 240 : index
          %get3A_336 = tpu.vector_load %arg9[%get3A_334, %get3A_335] {strides = array<i32>} : memref<32x768xf32, #tpu.memory_space<vmem>>, vector<1x16xf32>,
          %get3A_337 = vector.shape_cast %get3A_336 : vector<1x16xf32> to vector<16xf32>
          %get3A_338 = arith.index_cast %scan3A_125 : i32 to index
          %get3A_339 = arith.constant 240 : index
          %get3A_340 = tpu.vector_load %arg11[%get3A_338, %get3A_339] {strides = array<i32>} : memref<32x768xf32, #tpu.memory_space<vmem>>, vector<1x16xf32>,
          %get3A_341 = vector.shape_cast %get3A_340 : vector<1x16xf32> to vector<16xf32>
          %add3A_342 = arith.addf %get3A_337, %get3A_341 : vector<16xf32>
          %swap3A_343 = arith.index_cast %scan3A_125 : i32 to index
          %swap3A_344 = arith.constant 240 : index
          %swap3A_345 = tpu.vector_load %arg9[%swap3A_343, %swap3A_344] {strides = array<i32>} : memref<32x768xf32, #tpu.memory_space<vmem>>, vector<1x16xf32>,
          %swap3A_346 = vector.shape_cast %swap3A_345 : vector<1x16xf32> to vector<16xf32>
          %swap3A_347 = vector.shape_cast %add3A_342 : vector<16xf32> to vector<1x16xf32>
          tpu.vector_store %arg9[%swap3A_343, %swap3A_344], %swap3A_347 {strides = array<i32>} : memref<32x768xf32, #tpu.memory_space<vmem>>, vector<1x16xf32>,
          %get3A_348 = arith.index_cast %scan3A_125 : i32 to index
          %get3A_349 = arith.constant 256 : index
          %get3A_350 = tpu.vector_load %arg9[%get3A_348, %get3A_349] {strides = array<i32>} : memref<32x768xf32, #tpu.memory_space<vmem>>, vector<1x16xf32>,
          %get3A_351 = vector.shape_cast %get3A_350 : vector<1x16xf32> to vector<16xf32>
          %get3A_352 = arith.index_cast %scan3A_125 : i32 to index
          %get3A_353 = arith.constant 256 : index
          %get3A_354 = tpu.vector_load %arg11[%get3A_352, %get3A_353] {strides = array<i32>} : memref<32x768xf32, #tpu.memory_space<vmem>>, vector<1x16xf32>,
          %get3A_355 = vector.shape_cast %get3A_354 : vector<1x16xf32> to vector<16xf32>
          %add3A_356 = arith.addf %get3A_351, %get3A_355 : vector<16xf32>
          %swap3A_357 = arith.index_cast %scan3A_125 : i32 to index
          %swap3A_358 = arith.constant 256 : index
          %swap3A_359 = tpu.vector_load %arg9[%swap3A_357, %swap3A_358] {strides = array<i32>} : memref<32x768xf32, #tpu.memory_space<vmem>>, vector<1x16xf32>,
          %swap3A_360 = vector.shape_cast %swap3A_359 : vector<1x16xf32> to vector<16xf32>
          %swap3A_361 = vector.shape_cast %add3A_356 : vector<16xf32> to vector<1x16xf32>
          tpu.vector_store %arg9[%swap3A_357, %swap3A_358], %swap3A_361 {strides = array<i32>} : memref<32x768xf32, #tpu.memory_space<vmem>>, vector<1x16xf32>,
          %get3A_362 = arith.index_cast %scan3A_125 : i32 to index
          %get3A_363 = arith.constant 272 : index
          %get3A_364 = tpu.vector_load %arg9[%get3A_362, %get3A_363] {strides = array<i32>} : memref<32x768xf32, #tpu.memory_space<vmem>>, vector<1x16xf32>,
          %get3A_365 = vector.shape_cast %get3A_364 : vector<1x16xf32> to vector<16xf32>
          %get3A_366 = arith.index_cast %scan3A_125 : i32 to index
          %get3A_367 = arith.constant 272 : index
          %get3A_368 = tpu.vector_load %arg11[%get3A_366, %get3A_367] {strides = array<i32>} : memref<32x768xf32, #tpu.memory_space<vmem>>, vector<1x16xf32>,
          %get3A_369 = vector.shape_cast %get3A_368 : vector<1x16xf32> to vector<16xf32>
          %add3A_370 = arith.addf %get3A_365, %get3A_369 : vector<16xf32>
          %swap3A_371 = arith.index_cast %scan3A_125 : i32 to index
          %swap3A_372 = arith.constant 272 : index
          %swap3A_373 = tpu.vector_load %arg9[%swap3A_371, %swap3A_372] {strides = array<i32>} : memref<32x768xf32, #tpu.memory_space<vmem>>, vector<1x16xf32>,
          %swap3A_374 = vector.shape_cast %swap3A_373 : vector<1x16xf32> to vector<16xf32>
          %swap3A_375 = vector.shape_cast %add3A_370 : vector<16xf32> to vector<1x16xf32>
          tpu.vector_store %arg9[%swap3A_371, %swap3A_372], %swap3A_375 {strides = array<i32>} : memref<32x768xf32, #tpu.memory_space<vmem>>, vector<1x16xf32>,
          %get3A_376 = arith.index_cast %scan3A_125 : i32 to index
          %get3A_377 = arith.constant 288 : index
          %get3A_378 = tpu.vector_load %arg9[%get3A_376, %get3A_377] {strides = array<i32>} : memref<32x768xf32, #tpu.memory_space<vmem>>, vector<1x16xf32>,
          %get3A_379 = vector.shape_cast %get3A_378 : vector<1x16xf32> to vector<16xf32>
          %get3A_380 = arith.index_cast %scan3A_125 : i32 to index
          %get3A_381 = arith.constant 288 : index
          %get3A_382 = tpu.vector_load %arg11[%get3A_380, %get3A_381] {strides = array<i32>} : memref<32x768xf32, #tpu.memory_space<vmem>>, vector<1x16xf32>,
          %get3A_383 = vector.shape_cast %get3A_382 : vector<1x16xf32> to vector<16xf32>
          %add3A_384 = arith.addf %get3A_379, %get3A_383 : vector<16xf32>
          %swap3A_385 = arith.index_cast %scan3A_125 : i32 to index
          %swap3A_386 = arith.constant 288 : index
          %swap3A_387 = tpu.vector_load %arg9[%swap3A_385, %swap3A_386] {strides = array<i32>} : memref<32x768xf32, #tpu.memory_space<vmem>>, vector<1x16xf32>,
          %swap3A_388 = vector.shape_cast %swap3A_387 : vector<1x16xf32> to vector<16xf32>
          %swap3A_389 = vector.shape_cast %add3A_384 : vector<16xf32> to vector<1x16xf32>
          tpu.vector_store %arg9[%swap3A_385, %swap3A_386], %swap3A_389 {strides = array<i32>} : memref<32x768xf32, #tpu.memory_space<vmem>>, vector<1x16xf32>,
          %get3A_390 = arith.index_cast %scan3A_125 : i32 to index
          %get3A_391 = arith.constant 304 : index
          %get3A_392 = tpu.vector_load %arg9[%get3A_390, %get3A_391] {strides = array<i32>} : memref<32x768xf32, #tpu.memory_space<vmem>>, vector<1x16xf32>,
          %get3A_393 = vector.shape_cast %get3A_392 : vector<1x16xf32> to vector<16xf32>
          %get3A_394 = arith.index_cast %scan3A_125 : i32 to index
          %get3A_395 = arith.constant 304 : index
          %get3A_396 = tpu.vector_load %arg11[%get3A_394, %get3A_395] {strides = array<i32>} : memref<32x768xf32, #tpu.memory_space<vmem>>, vector<1x16xf32>,
          %get3A_397 = vector.shape_cast %get3A_396 : vector<1x16xf32> to vector<16xf32>
          %add3A_398 = arith.addf %get3A_393, %get3A_397 : vector<16xf32>
          %swap3A_399 = arith.index_cast %scan3A_125 : i32 to index
          %swap3A_400 = arith.constant 304 : index
          %swap3A_401 = tpu.vector_load %arg9[%swap3A_399, %swap3A_400] {strides = array<i32>} : memref<32x768xf32, #tpu.memory_space<vmem>>, vector<1x16xf32>,
          %swap3A_402 = vector.shape_cast %swap3A_401 : vector<1x16xf32> to vector<16xf32>
          %swap3A_403 = vector.shape_cast %add3A_398 : vector<16xf32> to vector<1x16xf32>
          tpu.vector_store %arg9[%swap3A_399, %swap3A_400], %swap3A_403 {strides = array<i32>} : memref<32x768xf32, #tpu.memory_space<vmem>>, vector<1x16xf32>,
          %get3A_404 = arith.index_cast %scan3A_125 : i32 to index
          %get3A_405 = arith.constant 320 : index
          %get3A_406 = tpu.vector_load %arg9[%get3A_404, %get3A_405] {strides = array<i32>} : memref<32x768xf32, #tpu.memory_space<vmem>>, vector<1x16xf32>,
          %get3A_407 = vector.shape_cast %get3A_406 : vector<1x16xf32> to vector<16xf32>
          %get3A_408 = arith.index_cast %scan3A_125 : i32 to index
          %get3A_409 = arith.constant 320 : index
          %get3A_410 = tpu.vector_load %arg11[%get3A_408, %get3A_409] {strides = array<i32>} : memref<32x768xf32, #tpu.memory_space<vmem>>, vector<1x16xf32>,
          %get3A_411 = vector.shape_cast %get3A_410 : vector<1x16xf32> to vector<16xf32>
          %add3A_412 = arith.addf %get3A_407, %get3A_411 : vector<16xf32>
          %swap3A_413 = arith.index_cast %scan3A_125 : i32 to index
          %swap3A_414 = arith.constant 320 : index
          %swap3A_415 = tpu.vector_load %arg9[%swap3A_413, %swap3A_414] {strides = array<i32>} : memref<32x768xf32, #tpu.memory_space<vmem>>, vector<1x16xf32>,
          %swap3A_416 = vector.shape_cast %swap3A_415 : vector<1x16xf32> to vector<16xf32>
          %swap3A_417 = vector.shape_cast %add3A_412 : vector<16xf32> to vector<1x16xf32>
          tpu.vector_store %arg9[%swap3A_413, %swap3A_414], %swap3A_417 {strides = array<i32>} : memref<32x768xf32, #tpu.memory_space<vmem>>, vector<1x16xf32>,
          %get3A_418 = arith.index_cast %scan3A_125 : i32 to index
          %get3A_419 = arith.constant 336 : index
          %get3A_420 = tpu.vector_load %arg9[%get3A_418, %get3A_419] {strides = array<i32>} : memref<32x768xf32, #tpu.memory_space<vmem>>, vector<1x16xf32>,
          %get3A_421 = vector.shape_cast %get3A_420 : vector<1x16xf32> to vector<16xf32>
          %get3A_422 = arith.index_cast %scan3A_125 : i32 to index
          %get3A_423 = arith.constant 336 : index
          %get3A_424 = tpu.vector_load %arg11[%get3A_422, %get3A_423] {strides = array<i32>} : memref<32x768xf32, #tpu.memory_space<vmem>>, vector<1x16xf32>,
          %get3A_425 = vector.shape_cast %get3A_424 : vector<1x16xf32> to vector<16xf32>
          %add3A_426 = arith.addf %get3A_421, %get3A_425 : vector<16xf32>
          %swap3A_427 = arith.index_cast %scan3A_125 : i32 to index
          %swap3A_428 = arith.constant 336 : index
          %swap3A_429 = tpu.vector_load %arg9[%swap3A_427, %swap3A_428] {strides = array<i32>} : memref<32x768xf32, #tpu.memory_space<vmem>>, vector<1x16xf32>,
          %swap3A_430 = vector.shape_cast %swap3A_429 : vector<1x16xf32> to vector<16xf32>
          %swap3A_431 = vector.shape_cast %add3A_426 : vector<16xf32> to vector<1x16xf32>
          tpu.vector_store %arg9[%swap3A_427, %swap3A_428], %swap3A_431 {strides = array<i32>} : memref<32x768xf32, #tpu.memory_space<vmem>>, vector<1x16xf32>,
          %get3A_432 = arith.index_cast %scan3A_125 : i32 to index
          %get3A_433 = arith.constant 352 : index
          %get3A_434 = tpu.vector_load %arg9[%get3A_432, %get3A_433] {strides = array<i32>} : memref<32x768xf32, #tpu.memory_space<vmem>>, vector<1x16xf32>,
          %get3A_435 = vector.shape_cast %get3A_434 : vector<1x16xf32> to vector<16xf32>
          %get3A_436 = arith.index_cast %scan3A_125 : i32 to index
          %get3A_437 = arith.constant 352 : index
          %get3A_438 = tpu.vector_load %arg11[%get3A_436, %get3A_437] {strides = array<i32>} : memref<32x768xf32, #tpu.memory_space<vmem>>, vector<1x16xf32>,
          %get3A_439 = vector.shape_cast %get3A_438 : vector<1x16xf32> to vector<16xf32>
          %add3A_440 = arith.addf %get3A_435, %get3A_439 : vector<16xf32>
          %swap3A_441 = arith.index_cast %scan3A_125 : i32 to index
          %swap3A_442 = arith.constant 352 : index
          %swap3A_443 = tpu.vector_load %arg9[%swap3A_441, %swap3A_442] {strides = array<i32>} : memref<32x768xf32, #tpu.memory_space<vmem>>, vector<1x16xf32>,
          %swap3A_444 = vector.shape_cast %swap3A_443 : vector<1x16xf32> to vector<16xf32>
          %swap3A_445 = vector.shape_cast %add3A_440 : vector<16xf32> to vector<1x16xf32>
          tpu.vector_store %arg9[%swap3A_441, %swap3A_442], %swap3A_445 {strides = array<i32>} : memref<32x768xf32, #tpu.memory_space<vmem>>, vector<1x16xf32>,
          %get3A_446 = arith.index_cast %scan3A_125 : i32 to index
          %get3A_447 = arith.constant 368 : index
          %get3A_448 = tpu.vector_load %arg9[%get3A_446, %get3A_447] {strides = array<i32>} : memref<32x768xf32, #tpu.memory_space<vmem>>, vector<1x16xf32>,
          %get3A_449 = vector.shape_cast %get3A_448 : vector<1x16xf32> to vector<16xf32>
          %get3A_450 = arith.index_cast %scan3A_125 : i32 to index
          %get3A_451 = arith.constant 368 : index
          %get3A_452 = tpu.vector_load %arg11[%get3A_450, %get3A_451] {strides = array<i32>} : memref<32x768xf32, #tpu.memory_space<vmem>>, vector<1x16xf32>,
          %get3A_453 = vector.shape_cast %get3A_452 : vector<1x16xf32> to vector<16xf32>
          %add3A_454 = arith.addf %get3A_449, %get3A_453 : vector<16xf32>
          %swap3A_455 = arith.index_cast %scan3A_125 : i32 to index
          %swap3A_456 = arith.constant 368 : index
          %swap3A_457 = tpu.vector_load %arg9[%swap3A_455, %swap3A_456] {strides = array<i32>} : memref<32x768xf32, #tpu.memory_space<vmem>>, vector<1x16xf32>,
          %swap3A_458 = vector.shape_cast %swap3A_457 : vector<1x16xf32> to vector<16xf32>
          %swap3A_459 = vector.shape_cast %add3A_454 : vector<16xf32> to vector<1x16xf32>
          tpu.vector_store %arg9[%swap3A_455, %swap3A_456], %swap3A_459 {strides = array<i32>} : memref<32x768xf32, #tpu.memory_space<vmem>>, vector<1x16xf32>,
          %get3A_460 = arith.index_cast %scan3A_125 : i32 to index
          %get3A_461 = arith.constant 384 : index
          %get3A_462 = tpu.vector_load %arg9[%get3A_460, %get3A_461] {strides = array<i32>} : memref<32x768xf32, #tpu.memory_space<vmem>>, vector<1x16xf32>,
          %get3A_463 = vector.shape_cast %get3A_462 : vector<1x16xf32> to vector<16xf32>
          %get3A_464 = arith.index_cast %scan3A_125 : i32 to index
          %get3A_465 = arith.constant 384 : index
          %get3A_466 = tpu.vector_load %arg11[%get3A_464, %get3A_465] {strides = array<i32>} : memref<32x768xf32, #tpu.memory_space<vmem>>, vector<1x16xf32>,
          %get3A_467 = vector.shape_cast %get3A_466 : vector<1x16xf32> to vector<16xf32>
          %add3A_468 = arith.addf %get3A_463, %get3A_467 : vector<16xf32>
          %swap3A_469 = arith.index_cast %scan3A_125 : i32 to index
          %swap3A_470 = arith.constant 384 : index
          %swap3A_471 = tpu.vector_load %arg9[%swap3A_469, %swap3A_470] {strides = array<i32>} : memref<32x768xf32, #tpu.memory_space<vmem>>, vector<1x16xf32>,
          %swap3A_472 = vector.shape_cast %swap3A_471 : vector<1x16xf32> to vector<16xf32>
          %swap3A_473 = vector.shape_cast %add3A_468 : vector<16xf32> to vector<1x16xf32>
          tpu.vector_store %arg9[%swap3A_469, %swap3A_470], %swap3A_473 {strides = array<i32>} : memref<32x768xf32, #tpu.memory_space<vmem>>, vector<1x16xf32>,
          %get3A_474 = arith.index_cast %scan3A_125 : i32 to index
          %get3A_475 = arith.constant 400 : index
          %get3A_476 = tpu.vector_load %arg9[%get3A_474, %get3A_475] {strides = array<i32>} : memref<32x768xf32, #tpu.memory_space<vmem>>, vector<1x16xf32>,
          %get3A_477 = vector.shape_cast %get3A_476 : vector<1x16xf32> to vector<16xf32>
          %get3A_478 = arith.index_cast %scan3A_125 : i32 to index
          %get3A_479 = arith.constant 400 : index
          %get3A_480 = tpu.vector_load %arg11[%get3A_478, %get3A_479] {strides = array<i32>} : memref<32x768xf32, #tpu.memory_space<vmem>>, vector<1x16xf32>,
          %get3A_481 = vector.shape_cast %get3A_480 : vector<1x16xf32> to vector<16xf32>
          %add3A_482 = arith.addf %get3A_477, %get3A_481 : vector<16xf32>
          %swap3A_483 = arith.index_cast %scan3A_125 : i32 to index
          %swap3A_484 = arith.constant 400 : index
          %swap3A_485 = tpu.vector_load %arg9[%swap3A_483, %swap3A_484] {strides = array<i32>} : memref<32x768xf32, #tpu.memory_space<vmem>>, vector<1x16xf32>,
          %swap3A_486 = vector.shape_cast %swap3A_485 : vector<1x16xf32> to vector<16xf32>
          %swap3A_487 = vector.shape_cast %add3A_482 : vector<16xf32> to vector<1x16xf32>
          tpu.vector_store %arg9[%swap3A_483, %swap3A_484], %swap3A_487 {strides = array<i32>} : memref<32x768xf32, #tpu.memory_space<vmem>>, vector<1x16xf32>,
          %get3A_488 = arith.index_cast %scan3A_125 : i32 to index
          %get3A_489 = arith.constant 416 : index
          %get3A_490 = tpu.vector_load %arg9[%get3A_488, %get3A_489] {strides = array<i32>} : memref<32x768xf32, #tpu.memory_space<vmem>>, vector<1x16xf32>,
          %get3A_491 = vector.shape_cast %get3A_490 : vector<1x16xf32> to vector<16xf32>
          %get3A_492 = arith.index_cast %scan3A_125 : i32 to index
          %get3A_493 = arith.constant 416 : index
          %get3A_494 = tpu.vector_load %arg11[%get3A_492, %get3A_493] {strides = array<i32>} : memref<32x768xf32, #tpu.memory_space<vmem>>, vector<1x16xf32>,
          %get3A_495 = vector.shape_cast %get3A_494 : vector<1x16xf32> to vector<16xf32>
          %add3A_496 = arith.addf %get3A_491, %get3A_495 : vector<16xf32>
          %swap3A_497 = arith.index_cast %scan3A_125 : i32 to index
          %swap3A_498 = arith.constant 416 : index
          %swap3A_499 = tpu.vector_load %arg9[%swap3A_497, %swap3A_498] {strides = array<i32>} : memref<32x768xf32, #tpu.memory_space<vmem>>, vector<1x16xf32>,
          %swap3A_500 = vector.shape_cast %swap3A_499 : vector<1x16xf32> to vector<16xf32>
          %swap3A_501 = vector.shape_cast %add3A_496 : vector<16xf32> to vector<1x16xf32>
          tpu.vector_store %arg9[%swap3A_497, %swap3A_498], %swap3A_501 {strides = array<i32>} : memref<32x768xf32, #tpu.memory_space<vmem>>, vector<1x16xf32>,
          %get3A_502 = arith.index_cast %scan3A_125 : i32 to index
          %get3A_503 = arith.constant 432 : index
          %get3A_504 = tpu.vector_load %arg9[%get3A_502, %get3A_503] {strides = array<i32>} : memref<32x768xf32, #tpu.memory_space<vmem>>, vector<1x16xf32>,
          %get3A_505 = vector.shape_cast %get3A_504 : vector<1x16xf32> to vector<16xf32>
          %get3A_506 = arith.index_cast %scan3A_125 : i32 to index
          %get3A_507 = arith.constant 432 : index
          %get3A_508 = tpu.vector_load %arg11[%get3A_506, %get3A_507] {strides = array<i32>} : memref<32x768xf32, #tpu.memory_space<vmem>>, vector<1x16xf32>,
          %get3A_509 = vector.shape_cast %get3A_508 : vector<1x16xf32> to vector<16xf32>
          %add3A_510 = arith.addf %get3A_505, %get3A_509 : vector<16xf32>
          %swap3A_511 = arith.index_cast %scan3A_125 : i32 to index
          %swap3A_512 = arith.constant 432 : index
          %swap3A_513 = tpu.vector_load %arg9[%swap3A_511, %swap3A_512] {strides = array<i32>} : memref<32x768xf32, #tpu.memory_space<vmem>>, vector<1x16xf32>,
          %swap3A_514 = vector.shape_cast %swap3A_513 : vector<1x16xf32> to vector<16xf32>
          %swap3A_515 = vector.shape_cast %add3A_510 : vector<16xf32> to vector<1x16xf32>
          tpu.vector_store %arg9[%swap3A_511, %swap3A_512], %swap3A_515 {strides = array<i32>} : memref<32x768xf32, #tpu.memory_space<vmem>>, vector<1x16xf32>,
          %get3A_516 = arith.index_cast %scan3A_125 : i32 to index
          %get3A_517 = arith.constant 448 : index
          %get3A_518 = tpu.vector_load %arg9[%get3A_516, %get3A_517] {strides = array<i32>} : memref<32x768xf32, #tpu.memory_space<vmem>>, vector<1x16xf32>,
          %get3A_519 = vector.shape_cast %get3A_518 : vector<1x16xf32> to vector<16xf32>
          %get3A_520 = arith.index_cast %scan3A_125 : i32 to index
          %get3A_521 = arith.constant 448 : index
          %get3A_522 = tpu.vector_load %arg11[%get3A_520, %get3A_521] {strides = array<i32>} : memref<32x768xf32, #tpu.memory_space<vmem>>, vector<1x16xf32>,
          %get3A_523 = vector.shape_cast %get3A_522 : vector<1x16xf32> to vector<16xf32>
          %add3A_524 = arith.addf %get3A_519, %get3A_523 : vector<16xf32>
          %swap3A_525 = arith.index_cast %scan3A_125 : i32 to index
          %swap3A_526 = arith.constant 448 : index
          %swap3A_527 = tpu.vector_load %arg9[%swap3A_525, %swap3A_526] {strides = array<i32>} : memref<32x768xf32, #tpu.memory_space<vmem>>, vector<1x16xf32>,
          %swap3A_528 = vector.shape_cast %swap3A_527 : vector<1x16xf32> to vector<16xf32>
          %swap3A_529 = vector.shape_cast %add3A_524 : vector<16xf32> to vector<1x16xf32>
          tpu.vector_store %arg9[%swap3A_525, %swap3A_526], %swap3A_529 {strides = array<i32>} : memref<32x768xf32, #tpu.memory_space<vmem>>, vector<1x16xf32>,
          %get3A_530 = arith.index_cast %scan3A_125 : i32 to index
          %get3A_531 = arith.constant 464 : index
          %get3A_532 = tpu.vector_load %arg9[%get3A_530, %get3A_531] {strides = array<i32>} : memref<32x768xf32, #tpu.memory_space<vmem>>, vector<1x16xf32>,
          %get3A_533 = vector.shape_cast %get3A_532 : vector<1x16xf32> to vector<16xf32>
          %get3A_534 = arith.index_cast %scan3A_125 : i32 to index
          %get3A_535 = arith.constant 464 : index
          %get3A_536 = tpu.vector_load %arg11[%get3A_534, %get3A_535] {strides = array<i32>} : memref<32x768xf32, #tpu.memory_space<vmem>>, vector<1x16xf32>,
          %get3A_537 = vector.shape_cast %get3A_536 : vector<1x16xf32> to vector<16xf32>
          %add3A_538 = arith.addf %get3A_533, %get3A_537 : vector<16xf32>
          %swap3A_539 = arith.index_cast %scan3A_125 : i32 to index
          %swap3A_540 = arith.constant 464 : index
          %swap3A_541 = tpu.vector_load %arg9[%swap3A_539, %swap3A_540] {strides = array<i32>} : memref<32x768xf32, #tpu.memory_space<vmem>>, vector<1x16xf32>,
          %swap3A_542 = vector.shape_cast %swap3A_541 : vector<1x16xf32> to vector<16xf32>
          %swap3A_543 = vector.shape_cast %add3A_538 : vector<16xf32> to vector<1x16xf32>
          tpu.vector_store %arg9[%swap3A_539, %swap3A_540], %swap3A_543 {strides = array<i32>} : memref<32x768xf32, #tpu.memory_space<vmem>>, vector<1x16xf32>,
          %get3A_544 = arith.index_cast %scan3A_125 : i32 to index
          %get3A_545 = arith.constant 480 : index
          %get3A_546 = tpu.vector_load %arg9[%get3A_544, %get3A_545] {strides = array<i32>} : memref<32x768xf32, #tpu.memory_space<vmem>>, vector<1x16xf32>,
          %get3A_547 = vector.shape_cast %get3A_546 : vector<1x16xf32> to vector<16xf32>
          %get3A_548 = arith.index_cast %scan3A_125 : i32 to index
          %get3A_549 = arith.constant 480 : index
          %get3A_550 = tpu.vector_load %arg11[%get3A_548, %get3A_549] {strides = array<i32>} : memref<32x768xf32, #tpu.memory_space<vmem>>, vector<1x16xf32>,
          %get3A_551 = vector.shape_cast %get3A_550 : vector<1x16xf32> to vector<16xf32>
          %add3A_552 = arith.addf %get3A_547, %get3A_551 : vector<16xf32>
          %swap3A_553 = arith.index_cast %scan3A_125 : i32 to index
          %swap3A_554 = arith.constant 480 : index
          %swap3A_555 = tpu.vector_load %arg9[%swap3A_553, %swap3A_554] {strides = array<i32>} : memref<32x768xf32, #tpu.memory_space<vmem>>, vector<1x16xf32>,
          %swap3A_556 = vector.shape_cast %swap3A_555 : vector<1x16xf32> to vector<16xf32>
          %swap3A_557 = vector.shape_cast %add3A_552 : vector<16xf32> to vector<1x16xf32>
          tpu.vector_store %arg9[%swap3A_553, %swap3A_554], %swap3A_557 {strides = array<i32>} : memref<32x768xf32, #tpu.memory_space<vmem>>, vector<1x16xf32>,
          %get3A_558 = arith.index_cast %scan3A_125 : i32 to index
          %get3A_559 = arith.constant 496 : index
          %get3A_560 = tpu.vector_load %arg9[%get3A_558, %get3A_559] {strides = array<i32>} : memref<32x768xf32, #tpu.memory_space<vmem>>, vector<1x16xf32>,
          %get3A_561 = vector.shape_cast %get3A_560 : vector<1x16xf32> to vector<16xf32>
          %get3A_562 = arith.index_cast %scan3A_125 : i32 to index
          %get3A_563 = arith.constant 496 : index
          %get3A_564 = tpu.vector_load %arg11[%get3A_562, %get3A_563] {strides = array<i32>} : memref<32x768xf32, #tpu.memory_space<vmem>>, vector<1x16xf32>,
          %get3A_565 = vector.shape_cast %get3A_564 : vector<1x16xf32> to vector<16xf32>
          %add3A_566 = arith.addf %get3A_561, %get3A_565 : vector<16xf32>
          %swap3A_567 = arith.index_cast %scan3A_125 : i32 to index
          %swap3A_568 = arith.constant 496 : index
          %swap3A_569 = tpu.vector_load %arg9[%swap3A_567, %swap3A_568] {strides = array<i32>} : memref<32x768xf32, #tpu.memory_space<vmem>>, vector<1x16xf32>,
          %swap3A_570 = vector.shape_cast %swap3A_569 : vector<1x16xf32> to vector<16xf32>
          %swap3A_571 = vector.shape_cast %add3A_566 : vector<16xf32> to vector<1x16xf32>
          tpu.vector_store %arg9[%swap3A_567, %swap3A_568], %swap3A_571 {strides = array<i32>} : memref<32x768xf32, #tpu.memory_space<vmem>>, vector<1x16xf32>,
          %get3A_572 = arith.index_cast %scan3A_125 : i32 to index
          %get3A_573 = arith.constant 512 : index
          %get3A_574 = tpu.vector_load %arg9[%get3A_572, %get3A_573] {strides = array<i32>} : memref<32x768xf32, #tpu.memory_space<vmem>>, vector<1x16xf32>,
          %get3A_575 = vector.shape_cast %get3A_574 : vector<1x16xf32> to vector<16xf32>
          %get3A_576 = arith.index_cast %scan3A_125 : i32 to index
          %get3A_577 = arith.constant 512 : index
          %get3A_578 = tpu.vector_load %arg11[%get3A_576, %get3A_577] {strides = array<i32>} : memref<32x768xf32, #tpu.memory_space<vmem>>, vector<1x16xf32>,
          %get3A_579 = vector.shape_cast %get3A_578 : vector<1x16xf32> to vector<16xf32>
          %add3A_580 = arith.addf %get3A_575, %get3A_579 : vector<16xf32>
          %swap3A_581 = arith.index_cast %scan3A_125 : i32 to index
          %swap3A_582 = arith.constant 512 : index
          %swap3A_583 = tpu.vector_load %arg9[%swap3A_581, %swap3A_582] {strides = array<i32>} : memref<32x768xf32, #tpu.memory_space<vmem>>, vector<1x16xf32>,
          %swap3A_584 = vector.shape_cast %swap3A_583 : vector<1x16xf32> to vector<16xf32>
          %swap3A_585 = vector.shape_cast %add3A_580 : vector<16xf32> to vector<1x16xf32>
          tpu.vector_store %arg9[%swap3A_581, %swap3A_582], %swap3A_585 {strides = array<i32>} : memref<32x768xf32, #tpu.memory_space<vmem>>, vector<1x16xf32>,
          %get3A_586 = arith.index_cast %scan3A_125 : i32 to index
          %get3A_587 = arith.constant 528 : index
          %get3A_588 = tpu.vector_load %arg9[%get3A_586, %get3A_587] {strides = array<i32>} : memref<32x768xf32, #tpu.memory_space<vmem>>, vector<1x16xf32>,
          %get3A_589 = vector.shape_cast %get3A_588 : vector<1x16xf32> to vector<16xf32>
          %get3A_590 = arith.index_cast %scan3A_125 : i32 to index
          %get3A_591 = arith.constant 528 : index
          %get3A_592 = tpu.vector_load %arg11[%get3A_590, %get3A_591] {strides = array<i32>} : memref<32x768xf32, #tpu.memory_space<vmem>>, vector<1x16xf32>,
          %get3A_593 = vector.shape_cast %get3A_592 : vector<1x16xf32> to vector<16xf32>
          %add3A_594 = arith.addf %get3A_589, %get3A_593 : vector<16xf32>
          %swap3A_595 = arith.index_cast %scan3A_125 : i32 to index
          %swap3A_596 = arith.constant 528 : index
          %swap3A_597 = tpu.vector_load %arg9[%swap3A_595, %swap3A_596] {strides = array<i32>} : memref<32x768xf32, #tpu.memory_space<vmem>>, vector<1x16xf32>,
          %swap3A_598 = vector.shape_cast %swap3A_597 : vector<1x16xf32> to vector<16xf32>
          %swap3A_599 = vector.shape_cast %add3A_594 : vector<16xf32> to vector<1x16xf32>
          tpu.vector_store %arg9[%swap3A_595, %swap3A_596], %swap3A_599 {strides = array<i32>} : memref<32x768xf32, #tpu.memory_space<vmem>>, vector<1x16xf32>,
          %get3A_600 = arith.index_cast %scan3A_125 : i32 to index
          %get3A_601 = arith.constant 544 : index
          %get3A_602 = tpu.vector_load %arg9[%get3A_600, %get3A_601] {strides = array<i32>} : memref<32x768xf32, #tpu.memory_space<vmem>>, vector<1x16xf32>,
          %get3A_603 = vector.shape_cast %get3A_602 : vector<1x16xf32> to vector<16xf32>
          %get3A_604 = arith.index_cast %scan3A_125 : i32 to index
          %get3A_605 = arith.constant 544 : index
          %get3A_606 = tpu.vector_load %arg11[%get3A_604, %get3A_605] {strides = array<i32>} : memref<32x768xf32, #tpu.memory_space<vmem>>, vector<1x16xf32>,
          %get3A_607 = vector.shape_cast %get3A_606 : vector<1x16xf32> to vector<16xf32>
          %add3A_608 = arith.addf %get3A_603, %get3A_607 : vector<16xf32>
          %swap3A_609 = arith.index_cast %scan3A_125 : i32 to index
          %swap3A_610 = arith.constant 544 : index
          %swap3A_611 = tpu.vector_load %arg9[%swap3A_609, %swap3A_610] {strides = array<i32>} : memref<32x768xf32, #tpu.memory_space<vmem>>, vector<1x16xf32>,
          %swap3A_612 = vector.shape_cast %swap3A_611 : vector<1x16xf32> to vector<16xf32>
          %swap3A_613 = vector.shape_cast %add3A_608 : vector<16xf32> to vector<1x16xf32>
          tpu.vector_store %arg9[%swap3A_609, %swap3A_610], %swap3A_613 {strides = array<i32>} : memref<32x768xf32, #tpu.memory_space<vmem>>, vector<1x16xf32>,
          %get3A_614 = arith.index_cast %scan3A_125 : i32 to index
          %get3A_615 = arith.constant 560 : index
          %get3A_616 = tpu.vector_load %arg9[%get3A_614, %get3A_615] {strides = array<i32>} : memref<32x768xf32, #tpu.memory_space<vmem>>, vector<1x16xf32>,
          %get3A_617 = vector.shape_cast %get3A_616 : vector<1x16xf32> to vector<16xf32>
          %get3A_618 = arith.index_cast %scan3A_125 : i32 to index
          %get3A_619 = arith.constant 560 : index
          %get3A_620 = tpu.vector_load %arg11[%get3A_618, %get3A_619] {strides = array<i32>} : memref<32x768xf32, #tpu.memory_space<vmem>>, vector<1x16xf32>,
          %get3A_621 = vector.shape_cast %get3A_620 : vector<1x16xf32> to vector<16xf32>
          %add3A_622 = arith.addf %get3A_617, %get3A_621 : vector<16xf32>
          %swap3A_623 = arith.index_cast %scan3A_125 : i32 to index
          %swap3A_624 = arith.constant 560 : index
          %swap3A_625 = tpu.vector_load %arg9[%swap3A_623, %swap3A_624] {strides = array<i32>} : memref<32x768xf32, #tpu.memory_space<vmem>>, vector<1x16xf32>,
          %swap3A_626 = vector.shape_cast %swap3A_625 : vector<1x16xf32> to vector<16xf32>
          %swap3A_627 = vector.shape_cast %add3A_622 : vector<16xf32> to vector<1x16xf32>
          tpu.vector_store %arg9[%swap3A_623, %swap3A_624], %swap3A_627 {strides = array<i32>} : memref<32x768xf32, #tpu.memory_space<vmem>>, vector<1x16xf32>,
          %get3A_628 = arith.index_cast %scan3A_125 : i32 to index
          %get3A_629 = arith.constant 576 : index
          %get3A_630 = tpu.vector_load %arg9[%get3A_628, %get3A_629] {strides = array<i32>} : memref<32x768xf32, #tpu.memory_space<vmem>>, vector<1x16xf32>,
          %get3A_631 = vector.shape_cast %get3A_630 : vector<1x16xf32> to vector<16xf32>
          %get3A_632 = arith.index_cast %scan3A_125 : i32 to index
          %get3A_633 = arith.constant 576 : index
          %get3A_634 = tpu.vector_load %arg11[%get3A_632, %get3A_633] {strides = array<i32>} : memref<32x768xf32, #tpu.memory_space<vmem>>, vector<1x16xf32>,
          %get3A_635 = vector.shape_cast %get3A_634 : vector<1x16xf32> to vector<16xf32>
          %add3A_636 = arith.addf %get3A_631, %get3A_635 : vector<16xf32>
          %swap3A_637 = arith.index_cast %scan3A_125 : i32 to index
          %swap3A_638 = arith.constant 576 : index
          %swap3A_639 = tpu.vector_load %arg9[%swap3A_637, %swap3A_638] {strides = array<i32>} : memref<32x768xf32, #tpu.memory_space<vmem>>, vector<1x16xf32>,
          %swap3A_640 = vector.shape_cast %swap3A_639 : vector<1x16xf32> to vector<16xf32>
          %swap3A_641 = vector.shape_cast %add3A_636 : vector<16xf32> to vector<1x16xf32>
          tpu.vector_store %arg9[%swap3A_637, %swap3A_638], %swap3A_641 {strides = array<i32>} : memref<32x768xf32, #tpu.memory_space<vmem>>, vector<1x16xf32>,
          %get3A_642 = arith.index_cast %scan3A_125 : i32 to index
          %get3A_643 = arith.constant 592 : index
          %get3A_644 = tpu.vector_load %arg9[%get3A_642, %get3A_643] {strides = array<i32>} : memref<32x768xf32, #tpu.memory_space<vmem>>, vector<1x16xf32>,
          %get3A_645 = vector.shape_cast %get3A_644 : vector<1x16xf32> to vector<16xf32>
          %get3A_646 = arith.index_cast %scan3A_125 : i32 to index
          %get3A_647 = arith.constant 592 : index
          %get3A_648 = tpu.vector_load %arg11[%get3A_646, %get3A_647] {strides = array<i32>} : memref<32x768xf32, #tpu.memory_space<vmem>>, vector<1x16xf32>,
          %get3A_649 = vector.shape_cast %get3A_648 : vector<1x16xf32> to vector<16xf32>
          %add3A_650 = arith.addf %get3A_645, %get3A_649 : vector<16xf32>
          %swap3A_651 = arith.index_cast %scan3A_125 : i32 to index
          %swap3A_652 = arith.constant 592 : index
          %swap3A_653 = tpu.vector_load %arg9[%swap3A_651, %swap3A_652] {strides = array<i32>} : memref<32x768xf32, #tpu.memory_space<vmem>>, vector<1x16xf32>,
          %swap3A_654 = vector.shape_cast %swap3A_653 : vector<1x16xf32> to vector<16xf32>
          %swap3A_655 = vector.shape_cast %add3A_650 : vector<16xf32> to vector<1x16xf32>
          tpu.vector_store %arg9[%swap3A_651, %swap3A_652], %swap3A_655 {strides = array<i32>} : memref<32x768xf32, #tpu.memory_space<vmem>>, vector<1x16xf32>,
          %get3A_656 = arith.index_cast %scan3A_125 : i32 to index
          %get3A_657 = arith.constant 608 : index
          %get3A_658 = tpu.vector_load %arg9[%get3A_656, %get3A_657] {strides = array<i32>} : memref<32x768xf32, #tpu.memory_space<vmem>>, vector<1x16xf32>,
          %get3A_659 = vector.shape_cast %get3A_658 : vector<1x16xf32> to vector<16xf32>
          %get3A_660 = arith.index_cast %scan3A_125 : i32 to index
          %get3A_661 = arith.constant 608 : index
          %get3A_662 = tpu.vector_load %arg11[%get3A_660, %get3A_661] {strides = array<i32>} : memref<32x768xf32, #tpu.memory_space<vmem>>, vector<1x16xf32>,
          %get3A_663 = vector.shape_cast %get3A_662 : vector<1x16xf32> to vector<16xf32>
          %add3A_664 = arith.addf %get3A_659, %get3A_663 : vector<16xf32>
          %swap3A_665 = arith.index_cast %scan3A_125 : i32 to index
          %swap3A_666 = arith.constant 608 : index
          %swap3A_667 = tpu.vector_load %arg9[%swap3A_665, %swap3A_666] {strides = array<i32>} : memref<32x768xf32, #tpu.memory_space<vmem>>, vector<1x16xf32>,
          %swap3A_668 = vector.shape_cast %swap3A_667 : vector<1x16xf32> to vector<16xf32>
          %swap3A_669 = vector.shape_cast %add3A_664 : vector<16xf32> to vector<1x16xf32>
          tpu.vector_store %arg9[%swap3A_665, %swap3A_666], %swap3A_669 {strides = array<i32>} : memref<32x768xf32, #tpu.memory_space<vmem>>, vector<1x16xf32>,
          %get3A_670 = arith.index_cast %scan3A_125 : i32 to index
          %get3A_671 = arith.constant 624 : index
          %get3A_672 = tpu.vector_load %arg9[%get3A_670, %get3A_671] {strides = array<i32>} : memref<32x768xf32, #tpu.memory_space<vmem>>, vector<1x16xf32>,
          %get3A_673 = vector.shape_cast %get3A_672 : vector<1x16xf32> to vector<16xf32>
          %get3A_674 = arith.index_cast %scan3A_125 : i32 to index
          %get3A_675 = arith.constant 624 : index
          %get3A_676 = tpu.vector_load %arg11[%get3A_674, %get3A_675] {strides = array<i32>} : memref<32x768xf32, #tpu.memory_space<vmem>>, vector<1x16xf32>,
          %get3A_677 = vector.shape_cast %get3A_676 : vector<1x16xf32> to vector<16xf32>
          %add3A_678 = arith.addf %get3A_673, %get3A_677 : vector<16xf32>
          %swap3A_679 = arith.index_cast %scan3A_125 : i32 to index
          %swap3A_680 = arith.constant 624 : index
          %swap3A_681 = tpu.vector_load %arg9[%swap3A_679, %swap3A_680] {strides = array<i32>} : memref<32x768xf32, #tpu.memory_space<vmem>>, vector<1x16xf32>,
          %swap3A_682 = vector.shape_cast %swap3A_681 : vector<1x16xf32> to vector<16xf32>
          %swap3A_683 = vector.shape_cast %add3A_678 : vector<16xf32> to vector<1x16xf32>
          tpu.vector_store %arg9[%swap3A_679, %swap3A_680], %swap3A_683 {strides = array<i32>} : memref<32x768xf32, #tpu.memory_space<vmem>>, vector<1x16xf32>,
          %get3A_684 = arith.index_cast %scan3A_125 : i32 to index
          %get3A_685 = arith.constant 640 : index
          %get3A_686 = tpu.vector_load %arg9[%get3A_684, %get3A_685] {strides = array<i32>} : memref<32x768xf32, #tpu.memory_space<vmem>>, vector<1x16xf32>,
          %get3A_687 = vector.shape_cast %get3A_686 : vector<1x16xf32> to vector<16xf32>
          %get3A_688 = arith.index_cast %scan3A_125 : i32 to index
          %get3A_689 = arith.constant 640 : index
          %get3A_690 = tpu.vector_load %arg11[%get3A_688, %get3A_689] {strides = array<i32>} : memref<32x768xf32, #tpu.memory_space<vmem>>, vector<1x16xf32>,
          %get3A_691 = vector.shape_cast %get3A_690 : vector<1x16xf32> to vector<16xf32>
          %add3A_692 = arith.addf %get3A_687, %get3A_691 : vector<16xf32>
          %swap3A_693 = arith.index_cast %scan3A_125 : i32 to index
          %swap3A_694 = arith.constant 640 : index
          %swap3A_695 = tpu.vector_load %arg9[%swap3A_693, %swap3A_694] {strides = array<i32>} : memref<32x768xf32, #tpu.memory_space<vmem>>, vector<1x16xf32>,
          %swap3A_696 = vector.shape_cast %swap3A_695 : vector<1x16xf32> to vector<16xf32>
          %swap3A_697 = vector.shape_cast %add3A_692 : vector<16xf32> to vector<1x16xf32>
          tpu.vector_store %arg9[%swap3A_693, %swap3A_694], %swap3A_697 {strides = array<i32>} : memref<32x768xf32, #tpu.memory_space<vmem>>, vector<1x16xf32>,
          %get3A_698 = arith.index_cast %scan3A_125 : i32 to index
          %get3A_699 = arith.constant 656 : index
          %get3A_700 = tpu.vector_load %arg9[%get3A_698, %get3A_699] {strides = array<i32>} : memref<32x768xf32, #tpu.memory_space<vmem>>, vector<1x16xf32>,
          %get3A_701 = vector.shape_cast %get3A_700 : vector<1x16xf32> to vector<16xf32>
          %get3A_702 = arith.index_cast %scan3A_125 : i32 to index
          %get3A_703 = arith.constant 656 : index
          %get3A_704 = tpu.vector_load %arg11[%get3A_702, %get3A_703] {strides = array<i32>} : memref<32x768xf32, #tpu.memory_space<vmem>>, vector<1x16xf32>,
          %get3A_705 = vector.shape_cast %get3A_704 : vector<1x16xf32> to vector<16xf32>
          %add3A_706 = arith.addf %get3A_701, %get3A_705 : vector<16xf32>
          %swap3A_707 = arith.index_cast %scan3A_125 : i32 to index
          %swap3A_708 = arith.constant 656 : index
          %swap3A_709 = tpu.vector_load %arg9[%swap3A_707, %swap3A_708] {strides = array<i32>} : memref<32x768xf32, #tpu.memory_space<vmem>>, vector<1x16xf32>,
          %swap3A_710 = vector.shape_cast %swap3A_709 : vector<1x16xf32> to vector<16xf32>
          %swap3A_711 = vector.shape_cast %add3A_706 : vector<16xf32> to vector<1x16xf32>
          tpu.vector_store %arg9[%swap3A_707, %swap3A_708], %swap3A_711 {strides = array<i32>} : memref<32x768xf32, #tpu.memory_space<vmem>>, vector<1x16xf32>,
          %get3A_712 = arith.index_cast %scan3A_125 : i32 to index
          %get3A_713 = arith.constant 672 : index
          %get3A_714 = tpu.vector_load %arg9[%get3A_712, %get3A_713] {strides = array<i32>} : memref<32x768xf32, #tpu.memory_space<vmem>>, vector<1x16xf32>,
          %get3A_715 = vector.shape_cast %get3A_714 : vector<1x16xf32> to vector<16xf32>
          %get3A_716 = arith.index_cast %scan3A_125 : i32 to index
          %get3A_717 = arith.constant 672 : index
          %get3A_718 = tpu.vector_load %arg11[%get3A_716, %get3A_717] {strides = array<i32>} : memref<32x768xf32, #tpu.memory_space<vmem>>, vector<1x16xf32>,
          %get3A_719 = vector.shape_cast %get3A_718 : vector<1x16xf32> to vector<16xf32>
          %add3A_720 = arith.addf %get3A_715, %get3A_719 : vector<16xf32>
          %swap3A_721 = arith.index_cast %scan3A_125 : i32 to index
          %swap3A_722 = arith.constant 672 : index
          %swap3A_723 = tpu.vector_load %arg9[%swap3A_721, %swap3A_722] {strides = array<i32>} : memref<32x768xf32, #tpu.memory_space<vmem>>, vector<1x16xf32>,
          %swap3A_724 = vector.shape_cast %swap3A_723 : vector<1x16xf32> to vector<16xf32>
          %swap3A_725 = vector.shape_cast %add3A_720 : vector<16xf32> to vector<1x16xf32>
          tpu.vector_store %arg9[%swap3A_721, %swap3A_722], %swap3A_725 {strides = array<i32>} : memref<32x768xf32, #tpu.memory_space<vmem>>, vector<1x16xf32>,
          %get3A_726 = arith.index_cast %scan3A_125 : i32 to index
          %get3A_727 = arith.constant 688 : index
          %get3A_728 = tpu.vector_load %arg9[%get3A_726, %get3A_727] {strides = array<i32>} : memref<32x768xf32, #tpu.memory_space<vmem>>, vector<1x16xf32>,
          %get3A_729 = vector.shape_cast %get3A_728 : vector<1x16xf32> to vector<16xf32>
          %get3A_730 = arith.index_cast %scan3A_125 : i32 to index
          %get3A_731 = arith.constant 688 : index
          %get3A_732 = tpu.vector_load %arg11[%get3A_730, %get3A_731] {strides = array<i32>} : memref<32x768xf32, #tpu.memory_space<vmem>>, vector<1x16xf32>,
          %get3A_733 = vector.shape_cast %get3A_732 : vector<1x16xf32> to vector<16xf32>
          %add3A_734 = arith.addf %get3A_729, %get3A_733 : vector<16xf32>
          %swap3A_735 = arith.index_cast %scan3A_125 : i32 to index
          %swap3A_736 = arith.constant 688 : index
          %swap3A_737 = tpu.vector_load %arg9[%swap3A_735, %swap3A_736] {strides = array<i32>} : memref<32x768xf32, #tpu.memory_space<vmem>>, vector<1x16xf32>,
          %swap3A_738 = vector.shape_cast %swap3A_737 : vector<1x16xf32> to vector<16xf32>
          %swap3A_739 = vector.shape_cast %add3A_734 : vector<16xf32> to vector<1x16xf32>
          tpu.vector_store %arg9[%swap3A_735, %swap3A_736], %swap3A_739 {strides = array<i32>} : memref<32x768xf32, #tpu.memory_space<vmem>>, vector<1x16xf32>,
          %get3A_740 = arith.index_cast %scan3A_125 : i32 to index
          %get3A_741 = arith.constant 704 : index
          %get3A_742 = tpu.vector_load %arg9[%get3A_740, %get3A_741] {strides = array<i32>} : memref<32x768xf32, #tpu.memory_space<vmem>>, vector<1x16xf32>,
          %get3A_743 = vector.shape_cast %get3A_742 : vector<1x16xf32> to vector<16xf32>
          %get3A_744 = arith.index_cast %scan3A_125 : i32 to index
          %get3A_745 = arith.constant 704 : index
          %get3A_746 = tpu.vector_load %arg11[%get3A_744, %get3A_745] {strides = array<i32>} : memref<32x768xf32, #tpu.memory_space<vmem>>, vector<1x16xf32>,
          %get3A_747 = vector.shape_cast %get3A_746 : vector<1x16xf32> to vector<16xf32>
          %add3A_748 = arith.addf %get3A_743, %get3A_747 : vector<16xf32>
          %swap3A_749 = arith.index_cast %scan3A_125 : i32 to index
          %swap3A_750 = arith.constant 704 : index
          %swap3A_751 = tpu.vector_load %arg9[%swap3A_749, %swap3A_750] {strides = array<i32>} : memref<32x768xf32, #tpu.memory_space<vmem>>, vector<1x16xf32>,
          %swap3A_752 = vector.shape_cast %swap3A_751 : vector<1x16xf32> to vector<16xf32>
          %swap3A_753 = vector.shape_cast %add3A_748 : vector<16xf32> to vector<1x16xf32>
          tpu.vector_store %arg9[%swap3A_749, %swap3A_750], %swap3A_753 {strides = array<i32>} : memref<32x768xf32, #tpu.memory_space<vmem>>, vector<1x16xf32>,
          %get3A_754 = arith.index_cast %scan3A_125 : i32 to index
          %get3A_755 = arith.constant 720 : index
          %get3A_756 = tpu.vector_load %arg9[%get3A_754, %get3A_755] {strides = array<i32>} : memref<32x768xf32, #tpu.memory_space<vmem>>, vector<1x16xf32>,
          %get3A_757 = vector.shape_cast %get3A_756 : vector<1x16xf32> to vector<16xf32>
          %get3A_758 = arith.index_cast %scan3A_125 : i32 to index
          %get3A_759 = arith.constant 720 : index
          %get3A_760 = tpu.vector_load %arg11[%get3A_758, %get3A_759] {strides = array<i32>} : memref<32x768xf32, #tpu.memory_space<vmem>>, vector<1x16xf32>,
          %get3A_761 = vector.shape_cast %get3A_760 : vector<1x16xf32> to vector<16xf32>
          %add3A_762 = arith.addf %get3A_757, %get3A_761 : vector<16xf32>
          %swap3A_763 = arith.index_cast %scan3A_125 : i32 to index
          %swap3A_764 = arith.constant 720 : index
          %swap3A_765 = tpu.vector_load %arg9[%swap3A_763, %swap3A_764] {strides = array<i32>} : memref<32x768xf32, #tpu.memory_space<vmem>>, vector<1x16xf32>,
          %swap3A_766 = vector.shape_cast %swap3A_765 : vector<1x16xf32> to vector<16xf32>
          %swap3A_767 = vector.shape_cast %add3A_762 : vector<16xf32> to vector<1x16xf32>
          tpu.vector_store %arg9[%swap3A_763, %swap3A_764], %swap3A_767 {strides = array<i32>} : memref<32x768xf32, #tpu.memory_space<vmem>>, vector<1x16xf32>,
          %get3A_768 = arith.index_cast %scan3A_125 : i32 to index
          %get3A_769 = arith.constant 736 : index
          %get3A_770 = tpu.vector_load %arg9[%get3A_768, %get3A_769] {strides = array<i32>} : memref<32x768xf32, #tpu.memory_space<vmem>>, vector<1x16xf32>,
          %get3A_771 = vector.shape_cast %get3A_770 : vector<1x16xf32> to vector<16xf32>
          %get3A_772 = arith.index_cast %scan3A_125 : i32 to index
          %get3A_773 = arith.constant 736 : index
          %get3A_774 = tpu.vector_load %arg11[%get3A_772, %get3A_773] {strides = array<i32>} : memref<32x768xf32, #tpu.memory_space<vmem>>, vector<1x16xf32>,
          %get3A_775 = vector.shape_cast %get3A_774 : vector<1x16xf32> to vector<16xf32>
          %add3A_776 = arith.addf %get3A_771, %get3A_775 : vector<16xf32>
          %swap3A_777 = arith.index_cast %scan3A_125 : i32 to index
          %swap3A_778 = arith.constant 736 : index
          %swap3A_779 = tpu.vector_load %arg9[%swap3A_777, %swap3A_778] {strides = array<i32>} : memref<32x768xf32, #tpu.memory_space<vmem>>, vector<1x16xf32>,
          %swap3A_780 = vector.shape_cast %swap3A_779 : vector<1x16xf32> to vector<16xf32>
          %swap3A_781 = vector.shape_cast %add3A_776 : vector<16xf32> to vector<1x16xf32>
          tpu.vector_store %arg9[%swap3A_777, %swap3A_778], %swap3A_781 {strides = array<i32>} : memref<32x768xf32, #tpu.memory_space<vmem>>, vector<1x16xf32>,
          %get3A_782 = arith.index_cast %scan3A_125 : i32 to index
          %get3A_783 = arith.constant 752 : index
          %get3A_784 = tpu.vector_load %arg9[%get3A_782, %get3A_783] {strides = array<i32>} : memref<32x768xf32, #tpu.memory_space<vmem>>, vector<1x16xf32>,
          %get3A_785 = vector.shape_cast %get3A_784 : vector<1x16xf32> to vector<16xf32>
          %get3A_786 = arith.index_cast %scan3A_125 : i32 to index
          %get3A_787 = arith.constant 752 : index
          %get3A_788 = tpu.vector_load %arg11[%get3A_786, %get3A_787] {strides = array<i32>} : memref<32x768xf32, #tpu.memory_space<vmem>>, vector<1x16xf32>,
          %get3A_789 = vector.shape_cast %get3A_788 : vector<1x16xf32> to vector<16xf32>
          %add3A_790 = arith.addf %get3A_785, %get3A_789 : vector<16xf32>
          %swap3A_791 = arith.index_cast %scan3A_125 : i32 to index
          %swap3A_792 = arith.constant 752 : index
          %swap3A_793 = tpu.vector_load %arg9[%swap3A_791, %swap3A_792] {strides = array<i32>} : memref<32x768xf32, #tpu.memory_space<vmem>>, vector<1x16xf32>,
          %swap3A_794 = vector.shape_cast %swap3A_793 : vector<1x16xf32> to vector<16xf32>
          %swap3A_795 = vector.shape_cast %add3A_790 : vector<16xf32> to vector<1x16xf32>
          tpu.vector_store %arg9[%swap3A_791, %swap3A_792], %swap3A_795 {strides = array<i32>} : memref<32x768xf32, #tpu.memory_space<vmem>>, vector<1x16xf32>,
        }
        %scan3A_92 = arith.constant 16 : i32
        %dma_start3A_93 = arith.constant 0 : i32
        %dma_start3A_94 = arith.constant 0 : i32
        %dma_start3A_95 = tpu.memref_slice %arg9[%dma_start3A_93, %dma_start3A_94] : memref<32x768xf32, #tpu.memory_space<vmem>> -> memref<16x768xf32, #tpu.memory_space<vmem>>
        %dma_start3A_96 = arith.constant 0 : i32
        %dma_start3A_97 = tpu.memref_slice %arg6[%scan3A_34, %mul3A_2, %dma_start3A_96] : memref<77x1024x768xf32, #tpu.memory_space<hbm>> -> memref<1x16x768xf32, #tpu.memory_space<hbm>>
        %dma_start3A_98 = tpu.memref_squeeze %dma_start3A_97 : memref<1x16x768xf32, #tpu.memory_space<hbm>> -> memref<16x768xf32, #tpu.memory_space<hbm>>
        %dma_start3A_99 = arith.constant 0 : i32
        %dma_start3A_100 = tpu.memref_slice %arg6[%scan3A_34, %mul3A_2, %dma_start3A_99] : memref<77x1024x768xf32, #tpu.memory_space<hbm>> -> memref<1x16x768xf32, #tpu.memory_space<hbm>>
        %dma_start3A_101 = tpu.memref_squeeze %dma_start3A_100 : memref<1x16x768xf32, #tpu.memory_space<hbm>> -> memref<16x768xf32, #tpu.memory_space<hbm>>
        %dma_start3A_102 = arith.constant 0 : i32
        %dma_start3A_103 = arith.constant 0 : i32
        %dma_start3A_104 = tpu.memref_slice %arg9[%dma_start3A_102, %dma_start3A_103] : memref<32x768xf32, #tpu.memory_space<vmem>> -> memref<16x768xf32, #tpu.memory_space<vmem>>
        tpu.enqueue_dma source(%dma_start3A_104 : memref<16x768xf32, #tpu.memory_space<vmem>>) target(%dma_start3A_101 : memref<16x768xf32, #tpu.memory_space<hbm>>) target_semaphore(%arg15 : memref<!tpu.dma_semaphore, #tpu.memory_space<semaphore_mem>>)
        %scan3A_105 = arith.constant 0 : i32
        %scan3A_106 = arith.constant 16 : i32
        %scan3A_107 = arith.constant 16 : i32
        %scan3A_108 = arith.addi %scan3A_106, %scan3A_107 : i32
        %scan3A_109 = arith.constant 1 : i32
        scf.for %scan3A_125 = %scan3A_106 to %scan3A_108 step %scan3A_109  : i32 {
          %get3A = arith.index_cast %scan3A_125 : i32 to index
          %get3A_126 = arith.constant 0 : index
          %get3A_127 = tpu.vector_load %arg9[%get3A, %get3A_126] {strides = array<i32>} : memref<32x768xf32, #tpu.memory_space<vmem>>, vector<1x16xf32>,
          %get3A_128 = vector.shape_cast %get3A_127 : vector<1x16xf32> to vector<16xf32>
          %get3A_129 = arith.index_cast %scan3A_125 : i32 to index
          %get3A_130 = arith.constant 0 : index
          %get3A_131 = tpu.vector_load %arg11[%get3A_129, %get3A_130] {strides = array<i32>} : memref<32x768xf32, #tpu.memory_space<vmem>>, vector<1x16xf32>,
          %get3A_132 = vector.shape_cast %get3A_131 : vector<1x16xf32> to vector<16xf32>
          %add3A_133 = arith.addf %get3A_128, %get3A_132 : vector<16xf32>
          %swap3A = arith.index_cast %scan3A_125 : i32 to index
          %swap3A_134 = arith.constant 0 : index
          %swap3A_135 = tpu.vector_load %arg9[%swap3A, %swap3A_134] {strides = array<i32>} : memref<32x768xf32, #tpu.memory_space<vmem>>, vector<1x16xf32>,
          %swap3A_136 = vector.shape_cast %swap3A_135 : vector<1x16xf32> to vector<16xf32>
          %swap3A_137 = vector.shape_cast %add3A_133 : vector<16xf32> to vector<1x16xf32>
          tpu.vector_store %arg9[%swap3A, %swap3A_134], %swap3A_137 {strides = array<i32>} : memref<32x768xf32, #tpu.memory_space<vmem>>, vector<1x16xf32>,
          %get3A_138 = arith.index_cast %scan3A_125 : i32 to index
          %get3A_139 = arith.constant 16 : index
          %get3A_140 = tpu.vector_load %arg9[%get3A_138, %get3A_139] {strides = array<i32>} : memref<32x768xf32, #tpu.memory_space<vmem>>, vector<1x16xf32>,
          %get3A_141 = vector.shape_cast %get3A_140 : vector<1x16xf32> to vector<16xf32>
          %get3A_142 = arith.index_cast %scan3A_125 : i32 to index
          %get3A_143 = arith.constant 16 : index
          %get3A_144 = tpu.vector_load %arg11[%get3A_142, %get3A_143] {strides = array<i32>} : memref<32x768xf32, #tpu.memory_space<vmem>>, vector<1x16xf32>,
          %get3A_145 = vector.shape_cast %get3A_144 : vector<1x16xf32> to vector<16xf32>
          %add3A_146 = arith.addf %get3A_141, %get3A_145 : vector<16xf32>
          %swap3A_147 = arith.index_cast %scan3A_125 : i32 to index
          %swap3A_148 = arith.constant 16 : index
          %swap3A_149 = tpu.vector_load %arg9[%swap3A_147, %swap3A_148] {strides = array<i32>} : memref<32x768xf32, #tpu.memory_space<vmem>>, vector<1x16xf32>,
          %swap3A_150 = vector.shape_cast %swap3A_149 : vector<1x16xf32> to vector<16xf32>
          %swap3A_151 = vector.shape_cast %add3A_146 : vector<16xf32> to vector<1x16xf32>
          tpu.vector_store %arg9[%swap3A_147, %swap3A_148], %swap3A_151 {strides = array<i32>} : memref<32x768xf32, #tpu.memory_space<vmem>>, vector<1x16xf32>,
          %get3A_152 = arith.index_cast %scan3A_125 : i32 to index
          %get3A_153 = arith.constant 32 : index
          %get3A_154 = tpu.vector_load %arg9[%get3A_152, %get3A_153] {strides = array<i32>} : memref<32x768xf32, #tpu.memory_space<vmem>>, vector<1x16xf32>,
          %get3A_155 = vector.shape_cast %get3A_154 : vector<1x16xf32> to vector<16xf32>
          %get3A_156 = arith.index_cast %scan3A_125 : i32 to index
          %get3A_157 = arith.constant 32 : index
          %get3A_158 = tpu.vector_load %arg11[%get3A_156, %get3A_157] {strides = array<i32>} : memref<32x768xf32, #tpu.memory_space<vmem>>, vector<1x16xf32>,
          %get3A_159 = vector.shape_cast %get3A_158 : vector<1x16xf32> to vector<16xf32>
          %add3A_160 = arith.addf %get3A_155, %get3A_159 : vector<16xf32>
          %swap3A_161 = arith.index_cast %scan3A_125 : i32 to index
          %swap3A_162 = arith.constant 32 : index
          %swap3A_163 = tpu.vector_load %arg9[%swap3A_161, %swap3A_162] {strides = array<i32>} : memref<32x768xf32, #tpu.memory_space<vmem>>, vector<1x16xf32>,
          %swap3A_164 = vector.shape_cast %swap3A_163 : vector<1x16xf32> to vector<16xf32>
          %swap3A_165 = vector.shape_cast %add3A_160 : vector<16xf32> to vector<1x16xf32>
          tpu.vector_store %arg9[%swap3A_161, %swap3A_162], %swap3A_165 {strides = array<i32>} : memref<32x768xf32, #tpu.memory_space<vmem>>, vector<1x16xf32>,
          %get3A_166 = arith.index_cast %scan3A_125 : i32 to index
          %get3A_167 = arith.constant 48 : index
          %get3A_168 = tpu.vector_load %arg9[%get3A_166, %get3A_167] {strides = array<i32>} : memref<32x768xf32, #tpu.memory_space<vmem>>, vector<1x16xf32>,
          %get3A_169 = vector.shape_cast %get3A_168 : vector<1x16xf32> to vector<16xf32>
          %get3A_170 = arith.index_cast %scan3A_125 : i32 to index
          %get3A_171 = arith.constant 48 : index
          %get3A_172 = tpu.vector_load %arg11[%get3A_170, %get3A_171] {strides = array<i32>} : memref<32x768xf32, #tpu.memory_space<vmem>>, vector<1x16xf32>,
          %get3A_173 = vector.shape_cast %get3A_172 : vector<1x16xf32> to vector<16xf32>
          %add3A_174 = arith.addf %get3A_169, %get3A_173 : vector<16xf32>
          %swap3A_175 = arith.index_cast %scan3A_125 : i32 to index
          %swap3A_176 = arith.constant 48 : index
          %swap3A_177 = tpu.vector_load %arg9[%swap3A_175, %swap3A_176] {strides = array<i32>} : memref<32x768xf32, #tpu.memory_space<vmem>>, vector<1x16xf32>,
          %swap3A_178 = vector.shape_cast %swap3A_177 : vector<1x16xf32> to vector<16xf32>
          %swap3A_179 = vector.shape_cast %add3A_174 : vector<16xf32> to vector<1x16xf32>
          tpu.vector_store %arg9[%swap3A_175, %swap3A_176], %swap3A_179 {strides = array<i32>} : memref<32x768xf32, #tpu.memory_space<vmem>>, vector<1x16xf32>,
          %get3A_180 = arith.index_cast %scan3A_125 : i32 to index
          %get3A_181 = arith.constant 64 : index
          %get3A_182 = tpu.vector_load %arg9[%get3A_180, %get3A_181] {strides = array<i32>} : memref<32x768xf32, #tpu.memory_space<vmem>>, vector<1x16xf32>,
          %get3A_183 = vector.shape_cast %get3A_182 : vector<1x16xf32> to vector<16xf32>
          %get3A_184 = arith.index_cast %scan3A_125 : i32 to index
          %get3A_185 = arith.constant 64 : index
          %get3A_186 = tpu.vector_load %arg11[%get3A_184, %get3A_185] {strides = array<i32>} : memref<32x768xf32, #tpu.memory_space<vmem>>, vector<1x16xf32>,
          %get3A_187 = vector.shape_cast %get3A_186 : vector<1x16xf32> to vector<16xf32>
          %add3A_188 = arith.addf %get3A_183, %get3A_187 : vector<16xf32>
          %swap3A_189 = arith.index_cast %scan3A_125 : i32 to index
          %swap3A_190 = arith.constant 64 : index
          %swap3A_191 = tpu.vector_load %arg9[%swap3A_189, %swap3A_190] {strides = array<i32>} : memref<32x768xf32, #tpu.memory_space<vmem>>, vector<1x16xf32>,
          %swap3A_192 = vector.shape_cast %swap3A_191 : vector<1x16xf32> to vector<16xf32>
          %swap3A_193 = vector.shape_cast %add3A_188 : vector<16xf32> to vector<1x16xf32>
          tpu.vector_store %arg9[%swap3A_189, %swap3A_190], %swap3A_193 {strides = array<i32>} : memref<32x768xf32, #tpu.memory_space<vmem>>, vector<1x16xf32>,
          %get3A_194 = arith.index_cast %scan3A_125 : i32 to index
          %get3A_195 = arith.constant 80 : index
          %get3A_196 = tpu.vector_load %arg9[%get3A_194, %get3A_195] {strides = array<i32>} : memref<32x768xf32, #tpu.memory_space<vmem>>, vector<1x16xf32>,
          %get3A_197 = vector.shape_cast %get3A_196 : vector<1x16xf32> to vector<16xf32>
          %get3A_198 = arith.index_cast %scan3A_125 : i32 to index
          %get3A_199 = arith.constant 80 : index
          %get3A_200 = tpu.vector_load %arg11[%get3A_198, %get3A_199] {strides = array<i32>} : memref<32x768xf32, #tpu.memory_space<vmem>>, vector<1x16xf32>,
          %get3A_201 = vector.shape_cast %get3A_200 : vector<1x16xf32> to vector<16xf32>
          %add3A_202 = arith.addf %get3A_197, %get3A_201 : vector<16xf32>
          %swap3A_203 = arith.index_cast %scan3A_125 : i32 to index
          %swap3A_204 = arith.constant 80 : index
          %swap3A_205 = tpu.vector_load %arg9[%swap3A_203, %swap3A_204] {strides = array<i32>} : memref<32x768xf32, #tpu.memory_space<vmem>>, vector<1x16xf32>,
          %swap3A_206 = vector.shape_cast %swap3A_205 : vector<1x16xf32> to vector<16xf32>
          %swap3A_207 = vector.shape_cast %add3A_202 : vector<16xf32> to vector<1x16xf32>
          tpu.vector_store %arg9[%swap3A_203, %swap3A_204], %swap3A_207 {strides = array<i32>} : memref<32x768xf32, #tpu.memory_space<vmem>>, vector<1x16xf32>,
          %get3A_208 = arith.index_cast %scan3A_125 : i32 to index
          %get3A_209 = arith.constant 96 : index
          %get3A_210 = tpu.vector_load %arg9[%get3A_208, %get3A_209] {strides = array<i32>} : memref<32x768xf32, #tpu.memory_space<vmem>>, vector<1x16xf32>,
          %get3A_211 = vector.shape_cast %get3A_210 : vector<1x16xf32> to vector<16xf32>
          %get3A_212 = arith.index_cast %scan3A_125 : i32 to index
          %get3A_213 = arith.constant 96 : index
          %get3A_214 = tpu.vector_load %arg11[%get3A_212, %get3A_213] {strides = array<i32>} : memref<32x768xf32, #tpu.memory_space<vmem>>, vector<1x16xf32>,
          %get3A_215 = vector.shape_cast %get3A_214 : vector<1x16xf32> to vector<16xf32>
          %add3A_216 = arith.addf %get3A_211, %get3A_215 : vector<16xf32>
          %swap3A_217 = arith.index_cast %scan3A_125 : i32 to index
          %swap3A_218 = arith.constant 96 : index
          %swap3A_219 = tpu.vector_load %arg9[%swap3A_217, %swap3A_218] {strides = array<i32>} : memref<32x768xf32, #tpu.memory_space<vmem>>, vector<1x16xf32>,
          %swap3A_220 = vector.shape_cast %swap3A_219 : vector<1x16xf32> to vector<16xf32>
          %swap3A_221 = vector.shape_cast %add3A_216 : vector<16xf32> to vector<1x16xf32>
          tpu.vector_store %arg9[%swap3A_217, %swap3A_218], %swap3A_221 {strides = array<i32>} : memref<32x768xf32, #tpu.memory_space<vmem>>, vector<1x16xf32>,
          %get3A_222 = arith.index_cast %scan3A_125 : i32 to index
          %get3A_223 = arith.constant 112 : index
          %get3A_224 = tpu.vector_load %arg9[%get3A_222, %get3A_223] {strides = array<i32>} : memref<32x768xf32, #tpu.memory_space<vmem>>, vector<1x16xf32>,
          %get3A_225 = vector.shape_cast %get3A_224 : vector<1x16xf32> to vector<16xf32>
          %get3A_226 = arith.index_cast %scan3A_125 : i32 to index
          %get3A_227 = arith.constant 112 : index
          %get3A_228 = tpu.vector_load %arg11[%get3A_226, %get3A_227] {strides = array<i32>} : memref<32x768xf32, #tpu.memory_space<vmem>>, vector<1x16xf32>,
          %get3A_229 = vector.shape_cast %get3A_228 : vector<1x16xf32> to vector<16xf32>
          %add3A_230 = arith.addf %get3A_225, %get3A_229 : vector<16xf32>
          %swap3A_231 = arith.index_cast %scan3A_125 : i32 to index
          %swap3A_232 = arith.constant 112 : index
          %swap3A_233 = tpu.vector_load %arg9[%swap3A_231, %swap3A_232] {strides = array<i32>} : memref<32x768xf32, #tpu.memory_space<vmem>>, vector<1x16xf32>,
          %swap3A_234 = vector.shape_cast %swap3A_233 : vector<1x16xf32> to vector<16xf32>
          %swap3A_235 = vector.shape_cast %add3A_230 : vector<16xf32> to vector<1x16xf32>
          tpu.vector_store %arg9[%swap3A_231, %swap3A_232], %swap3A_235 {strides = array<i32>} : memref<32x768xf32, #tpu.memory_space<vmem>>, vector<1x16xf32>,
          %get3A_236 = arith.index_cast %scan3A_125 : i32 to index
          %get3A_237 = arith.constant 128 : index
          %get3A_238 = tpu.vector_load %arg9[%get3A_236, %get3A_237] {strides = array<i32>} : memref<32x768xf32, #tpu.memory_space<vmem>>, vector<1x16xf32>,
          %get3A_239 = vector.shape_cast %get3A_238 : vector<1x16xf32> to vector<16xf32>
          %get3A_240 = arith.index_cast %scan3A_125 : i32 to index
          %get3A_241 = arith.constant 128 : index
          %get3A_242 = tpu.vector_load %arg11[%get3A_240, %get3A_241] {strides = array<i32>} : memref<32x768xf32, #tpu.memory_space<vmem>>, vector<1x16xf32>,
          %get3A_243 = vector.shape_cast %get3A_242 : vector<1x16xf32> to vector<16xf32>
          %add3A_244 = arith.addf %get3A_239, %get3A_243 : vector<16xf32>
          %swap3A_245 = arith.index_cast %scan3A_125 : i32 to index
          %swap3A_246 = arith.constant 128 : index
          %swap3A_247 = tpu.vector_load %arg9[%swap3A_245, %swap3A_246] {strides = array<i32>} : memref<32x768xf32, #tpu.memory_space<vmem>>, vector<1x16xf32>,
          %swap3A_248 = vector.shape_cast %swap3A_247 : vector<1x16xf32> to vector<16xf32>
          %swap3A_249 = vector.shape_cast %add3A_244 : vector<16xf32> to vector<1x16xf32>
          tpu.vector_store %arg9[%swap3A_245, %swap3A_246], %swap3A_249 {strides = array<i32>} : memref<32x768xf32, #tpu.memory_space<vmem>>, vector<1x16xf32>,
          %get3A_250 = arith.index_cast %scan3A_125 : i32 to index
          %get3A_251 = arith.constant 144 : index
          %get3A_252 = tpu.vector_load %arg9[%get3A_250, %get3A_251] {strides = array<i32>} : memref<32x768xf32, #tpu.memory_space<vmem>>, vector<1x16xf32>,
          %get3A_253 = vector.shape_cast %get3A_252 : vector<1x16xf32> to vector<16xf32>
          %get3A_254 = arith.index_cast %scan3A_125 : i32 to index
          %get3A_255 = arith.constant 144 : index
          %get3A_256 = tpu.vector_load %arg11[%get3A_254, %get3A_255] {strides = array<i32>} : memref<32x768xf32, #tpu.memory_space<vmem>>, vector<1x16xf32>,
          %get3A_257 = vector.shape_cast %get3A_256 : vector<1x16xf32> to vector<16xf32>
          %add3A_258 = arith.addf %get3A_253, %get3A_257 : vector<16xf32>
          %swap3A_259 = arith.index_cast %scan3A_125 : i32 to index
          %swap3A_260 = arith.constant 144 : index
          %swap3A_261 = tpu.vector_load %arg9[%swap3A_259, %swap3A_260] {strides = array<i32>} : memref<32x768xf32, #tpu.memory_space<vmem>>, vector<1x16xf32>,
          %swap3A_262 = vector.shape_cast %swap3A_261 : vector<1x16xf32> to vector<16xf32>
          %swap3A_263 = vector.shape_cast %add3A_258 : vector<16xf32> to vector<1x16xf32>
          tpu.vector_store %arg9[%swap3A_259, %swap3A_260], %swap3A_263 {strides = array<i32>} : memref<32x768xf32, #tpu.memory_space<vmem>>, vector<1x16xf32>,
          %get3A_264 = arith.index_cast %scan3A_125 : i32 to index
          %get3A_265 = arith.constant 160 : index
          %get3A_266 = tpu.vector_load %arg9[%get3A_264, %get3A_265] {strides = array<i32>} : memref<32x768xf32, #tpu.memory_space<vmem>>, vector<1x16xf32>,
          %get3A_267 = vector.shape_cast %get3A_266 : vector<1x16xf32> to vector<16xf32>
          %get3A_268 = arith.index_cast %scan3A_125 : i32 to index
          %get3A_269 = arith.constant 160 : index
          %get3A_270 = tpu.vector_load %arg11[%get3A_268, %get3A_269] {strides = array<i32>} : memref<32x768xf32, #tpu.memory_space<vmem>>, vector<1x16xf32>,
          %get3A_271 = vector.shape_cast %get3A_270 : vector<1x16xf32> to vector<16xf32>
          %add3A_272 = arith.addf %get3A_267, %get3A_271 : vector<16xf32>
          %swap3A_273 = arith.index_cast %scan3A_125 : i32 to index
          %swap3A_274 = arith.constant 160 : index
          %swap3A_275 = tpu.vector_load %arg9[%swap3A_273, %swap3A_274] {strides = array<i32>} : memref<32x768xf32, #tpu.memory_space<vmem>>, vector<1x16xf32>,
          %swap3A_276 = vector.shape_cast %swap3A_275 : vector<1x16xf32> to vector<16xf32>
          %swap3A_277 = vector.shape_cast %add3A_272 : vector<16xf32> to vector<1x16xf32>
          tpu.vector_store %arg9[%swap3A_273, %swap3A_274], %swap3A_277 {strides = array<i32>} : memref<32x768xf32, #tpu.memory_space<vmem>>, vector<1x16xf32>,
          %get3A_278 = arith.index_cast %scan3A_125 : i32 to index
          %get3A_279 = arith.constant 176 : index
          %get3A_280 = tpu.vector_load %arg9[%get3A_278, %get3A_279] {strides = array<i32>} : memref<32x768xf32, #tpu.memory_space<vmem>>, vector<1x16xf32>,
          %get3A_281 = vector.shape_cast %get3A_280 : vector<1x16xf32> to vector<16xf32>
          %get3A_282 = arith.index_cast %scan3A_125 : i32 to index
          %get3A_283 = arith.constant 176 : index
          %get3A_284 = tpu.vector_load %arg11[%get3A_282, %get3A_283] {strides = array<i32>} : memref<32x768xf32, #tpu.memory_space<vmem>>, vector<1x16xf32>,
          %get3A_285 = vector.shape_cast %get3A_284 : vector<1x16xf32> to vector<16xf32>
          %add3A_286 = arith.addf %get3A_281, %get3A_285 : vector<16xf32>
          %swap3A_287 = arith.index_cast %scan3A_125 : i32 to index
          %swap3A_288 = arith.constant 176 : index
          %swap3A_289 = tpu.vector_load %arg9[%swap3A_287, %swap3A_288] {strides = array<i32>} : memref<32x768xf32, #tpu.memory_space<vmem>>, vector<1x16xf32>,
          %swap3A_290 = vector.shape_cast %swap3A_289 : vector<1x16xf32> to vector<16xf32>
          %swap3A_291 = vector.shape_cast %add3A_286 : vector<16xf32> to vector<1x16xf32>
          tpu.vector_store %arg9[%swap3A_287, %swap3A_288], %swap3A_291 {strides = array<i32>} : memref<32x768xf32, #tpu.memory_space<vmem>>, vector<1x16xf32>,
          %get3A_292 = arith.index_cast %scan3A_125 : i32 to index
          %get3A_293 = arith.constant 192 : index
          %get3A_294 = tpu.vector_load %arg9[%get3A_292, %get3A_293] {strides = array<i32>} : memref<32x768xf32, #tpu.memory_space<vmem>>, vector<1x16xf32>,
          %get3A_295 = vector.shape_cast %get3A_294 : vector<1x16xf32> to vector<16xf32>
          %get3A_296 = arith.index_cast %scan3A_125 : i32 to index
          %get3A_297 = arith.constant 192 : index
          %get3A_298 = tpu.vector_load %arg11[%get3A_296, %get3A_297] {strides = array<i32>} : memref<32x768xf32, #tpu.memory_space<vmem>>, vector<1x16xf32>,
          %get3A_299 = vector.shape_cast %get3A_298 : vector<1x16xf32> to vector<16xf32>
          %add3A_300 = arith.addf %get3A_295, %get3A_299 : vector<16xf32>
          %swap3A_301 = arith.index_cast %scan3A_125 : i32 to index
          %swap3A_302 = arith.constant 192 : index
          %swap3A_303 = tpu.vector_load %arg9[%swap3A_301, %swap3A_302] {strides = array<i32>} : memref<32x768xf32, #tpu.memory_space<vmem>>, vector<1x16xf32>,
          %swap3A_304 = vector.shape_cast %swap3A_303 : vector<1x16xf32> to vector<16xf32>
          %swap3A_305 = vector.shape_cast %add3A_300 : vector<16xf32> to vector<1x16xf32>
          tpu.vector_store %arg9[%swap3A_301, %swap3A_302], %swap3A_305 {strides = array<i32>} : memref<32x768xf32, #tpu.memory_space<vmem>>, vector<1x16xf32>,
          %get3A_306 = arith.index_cast %scan3A_125 : i32 to index
          %get3A_307 = arith.constant 208 : index
          %get3A_308 = tpu.vector_load %arg9[%get3A_306, %get3A_307] {strides = array<i32>} : memref<32x768xf32, #tpu.memory_space<vmem>>, vector<1x16xf32>,
          %get3A_309 = vector.shape_cast %get3A_308 : vector<1x16xf32> to vector<16xf32>
          %get3A_310 = arith.index_cast %scan3A_125 : i32 to index
          %get3A_311 = arith.constant 208 : index
          %get3A_312 = tpu.vector_load %arg11[%get3A_310, %get3A_311] {strides = array<i32>} : memref<32x768xf32, #tpu.memory_space<vmem>>, vector<1x16xf32>,
          %get3A_313 = vector.shape_cast %get3A_312 : vector<1x16xf32> to vector<16xf32>
          %add3A_314 = arith.addf %get3A_309, %get3A_313 : vector<16xf32>
          %swap3A_315 = arith.index_cast %scan3A_125 : i32 to index
          %swap3A_316 = arith.constant 208 : index
          %swap3A_317 = tpu.vector_load %arg9[%swap3A_315, %swap3A_316] {strides = array<i32>} : memref<32x768xf32, #tpu.memory_space<vmem>>, vector<1x16xf32>,
          %swap3A_318 = vector.shape_cast %swap3A_317 : vector<1x16xf32> to vector<16xf32>
          %swap3A_319 = vector.shape_cast %add3A_314 : vector<16xf32> to vector<1x16xf32>
          tpu.vector_store %arg9[%swap3A_315, %swap3A_316], %swap3A_319 {strides = array<i32>} : memref<32x768xf32, #tpu.memory_space<vmem>>, vector<1x16xf32>,
          %get3A_320 = arith.index_cast %scan3A_125 : i32 to index
          %get3A_321 = arith.constant 224 : index
          %get3A_322 = tpu.vector_load %arg9[%get3A_320, %get3A_321] {strides = array<i32>} : memref<32x768xf32, #tpu.memory_space<vmem>>, vector<1x16xf32>,
          %get3A_323 = vector.shape_cast %get3A_322 : vector<1x16xf32> to vector<16xf32>
          %get3A_324 = arith.index_cast %scan3A_125 : i32 to index
          %get3A_325 = arith.constant 224 : index
          %get3A_326 = tpu.vector_load %arg11[%get3A_324, %get3A_325] {strides = array<i32>} : memref<32x768xf32, #tpu.memory_space<vmem>>, vector<1x16xf32>,
          %get3A_327 = vector.shape_cast %get3A_326 : vector<1x16xf32> to vector<16xf32>
          %add3A_328 = arith.addf %get3A_323, %get3A_327 : vector<16xf32>
          %swap3A_329 = arith.index_cast %scan3A_125 : i32 to index
          %swap3A_330 = arith.constant 224 : index
          %swap3A_331 = tpu.vector_load %arg9[%swap3A_329, %swap3A_330] {strides = array<i32>} : memref<32x768xf32, #tpu.memory_space<vmem>>, vector<1x16xf32>,
          %swap3A_332 = vector.shape_cast %swap3A_331 : vector<1x16xf32> to vector<16xf32>
          %swap3A_333 = vector.shape_cast %add3A_328 : vector<16xf32> to vector<1x16xf32>
          tpu.vector_store %arg9[%swap3A_329, %swap3A_330], %swap3A_333 {strides = array<i32>} : memref<32x768xf32, #tpu.memory_space<vmem>>, vector<1x16xf32>,
          %get3A_334 = arith.index_cast %scan3A_125 : i32 to index
          %get3A_335 = arith.constant 240 : index
          %get3A_336 = tpu.vector_load %arg9[%get3A_334, %get3A_335] {strides = array<i32>} : memref<32x768xf32, #tpu.memory_space<vmem>>, vector<1x16xf32>,
          %get3A_337 = vector.shape_cast %get3A_336 : vector<1x16xf32> to vector<16xf32>
          %get3A_338 = arith.index_cast %scan3A_125 : i32 to index
          %get3A_339 = arith.constant 240 : index
          %get3A_340 = tpu.vector_load %arg11[%get3A_338, %get3A_339] {strides = array<i32>} : memref<32x768xf32, #tpu.memory_space<vmem>>, vector<1x16xf32>,
          %get3A_341 = vector.shape_cast %get3A_340 : vector<1x16xf32> to vector<16xf32>
          %add3A_342 = arith.addf %get3A_337, %get3A_341 : vector<16xf32>
          %swap3A_343 = arith.index_cast %scan3A_125 : i32 to index
          %swap3A_344 = arith.constant 240 : index
          %swap3A_345 = tpu.vector_load %arg9[%swap3A_343, %swap3A_344] {strides = array<i32>} : memref<32x768xf32, #tpu.memory_space<vmem>>, vector<1x16xf32>,
          %swap3A_346 = vector.shape_cast %swap3A_345 : vector<1x16xf32> to vector<16xf32>
          %swap3A_347 = vector.shape_cast %add3A_342 : vector<16xf32> to vector<1x16xf32>
          tpu.vector_store %arg9[%swap3A_343, %swap3A_344], %swap3A_347 {strides = array<i32>} : memref<32x768xf32, #tpu.memory_space<vmem>>, vector<1x16xf32>,
          %get3A_348 = arith.index_cast %scan3A_125 : i32 to index
          %get3A_349 = arith.constant 256 : index
          %get3A_350 = tpu.vector_load %arg9[%get3A_348, %get3A_349] {strides = array<i32>} : memref<32x768xf32, #tpu.memory_space<vmem>>, vector<1x16xf32>,
          %get3A_351 = vector.shape_cast %get3A_350 : vector<1x16xf32> to vector<16xf32>
          %get3A_352 = arith.index_cast %scan3A_125 : i32 to index
          %get3A_353 = arith.constant 256 : index
          %get3A_354 = tpu.vector_load %arg11[%get3A_352, %get3A_353] {strides = array<i32>} : memref<32x768xf32, #tpu.memory_space<vmem>>, vector<1x16xf32>,
          %get3A_355 = vector.shape_cast %get3A_354 : vector<1x16xf32> to vector<16xf32>
          %add3A_356 = arith.addf %get3A_351, %get3A_355 : vector<16xf32>
          %swap3A_357 = arith.index_cast %scan3A_125 : i32 to index
          %swap3A_358 = arith.constant 256 : index
          %swap3A_359 = tpu.vector_load %arg9[%swap3A_357, %swap3A_358] {strides = array<i32>} : memref<32x768xf32, #tpu.memory_space<vmem>>, vector<1x16xf32>,
          %swap3A_360 = vector.shape_cast %swap3A_359 : vector<1x16xf32> to vector<16xf32>
          %swap3A_361 = vector.shape_cast %add3A_356 : vector<16xf32> to vector<1x16xf32>
          tpu.vector_store %arg9[%swap3A_357, %swap3A_358], %swap3A_361 {strides = array<i32>} : memref<32x768xf32, #tpu.memory_space<vmem>>, vector<1x16xf32>,
          %get3A_362 = arith.index_cast %scan3A_125 : i32 to index
          %get3A_363 = arith.constant 272 : index
          %get3A_364 = tpu.vector_load %arg9[%get3A_362, %get3A_363] {strides = array<i32>} : memref<32x768xf32, #tpu.memory_space<vmem>>, vector<1x16xf32>,
          %get3A_365 = vector.shape_cast %get3A_364 : vector<1x16xf32> to vector<16xf32>
          %get3A_366 = arith.index_cast %scan3A_125 : i32 to index
          %get3A_367 = arith.constant 272 : index
          %get3A_368 = tpu.vector_load %arg11[%get3A_366, %get3A_367] {strides = array<i32>} : memref<32x768xf32, #tpu.memory_space<vmem>>, vector<1x16xf32>,
          %get3A_369 = vector.shape_cast %get3A_368 : vector<1x16xf32> to vector<16xf32>
          %add3A_370 = arith.addf %get3A_365, %get3A_369 : vector<16xf32>
          %swap3A_371 = arith.index_cast %scan3A_125 : i32 to index
          %swap3A_372 = arith.constant 272 : index
          %swap3A_373 = tpu.vector_load %arg9[%swap3A_371, %swap3A_372] {strides = array<i32>} : memref<32x768xf32, #tpu.memory_space<vmem>>, vector<1x16xf32>,
          %swap3A_374 = vector.shape_cast %swap3A_373 : vector<1x16xf32> to vector<16xf32>
          %swap3A_375 = vector.shape_cast %add3A_370 : vector<16xf32> to vector<1x16xf32>
          tpu.vector_store %arg9[%swap3A_371, %swap3A_372], %swap3A_375 {strides = array<i32>} : memref<32x768xf32, #tpu.memory_space<vmem>>, vector<1x16xf32>,
          %get3A_376 = arith.index_cast %scan3A_125 : i32 to index
          %get3A_377 = arith.constant 288 : index
          %get3A_378 = tpu.vector_load %arg9[%get3A_376, %get3A_377] {strides = array<i32>} : memref<32x768xf32, #tpu.memory_space<vmem>>, vector<1x16xf32>,
          %get3A_379 = vector.shape_cast %get3A_378 : vector<1x16xf32> to vector<16xf32>
          %get3A_380 = arith.index_cast %scan3A_125 : i32 to index
          %get3A_381 = arith.constant 288 : index
          %get3A_382 = tpu.vector_load %arg11[%get3A_380, %get3A_381] {strides = array<i32>} : memref<32x768xf32, #tpu.memory_space<vmem>>, vector<1x16xf32>,
          %get3A_383 = vector.shape_cast %get3A_382 : vector<1x16xf32> to vector<16xf32>
          %add3A_384 = arith.addf %get3A_379, %get3A_383 : vector<16xf32>
          %swap3A_385 = arith.index_cast %scan3A_125 : i32 to index
          %swap3A_386 = arith.constant 288 : index
          %swap3A_387 = tpu.vector_load %arg9[%swap3A_385, %swap3A_386] {strides = array<i32>} : memref<32x768xf32, #tpu.memory_space<vmem>>, vector<1x16xf32>,
          %swap3A_388 = vector.shape_cast %swap3A_387 : vector<1x16xf32> to vector<16xf32>
          %swap3A_389 = vector.shape_cast %add3A_384 : vector<16xf32> to vector<1x16xf32>
          tpu.vector_store %arg9[%swap3A_385, %swap3A_386], %swap3A_389 {strides = array<i32>} : memref<32x768xf32, #tpu.memory_space<vmem>>, vector<1x16xf32>,
          %get3A_390 = arith.index_cast %scan3A_125 : i32 to index
          %get3A_391 = arith.constant 304 : index
          %get3A_392 = tpu.vector_load %arg9[%get3A_390, %get3A_391] {strides = array<i32>} : memref<32x768xf32, #tpu.memory_space<vmem>>, vector<1x16xf32>,
          %get3A_393 = vector.shape_cast %get3A_392 : vector<1x16xf32> to vector<16xf32>
          %get3A_394 = arith.index_cast %scan3A_125 : i32 to index
          %get3A_395 = arith.constant 304 : index
          %get3A_396 = tpu.vector_load %arg11[%get3A_394, %get3A_395] {strides = array<i32>} : memref<32x768xf32, #tpu.memory_space<vmem>>, vector<1x16xf32>,
          %get3A_397 = vector.shape_cast %get3A_396 : vector<1x16xf32> to vector<16xf32>
          %add3A_398 = arith.addf %get3A_393, %get3A_397 : vector<16xf32>
          %swap3A_399 = arith.index_cast %scan3A_125 : i32 to index
          %swap3A_400 = arith.constant 304 : index
          %swap3A_401 = tpu.vector_load %arg9[%swap3A_399, %swap3A_400] {strides = array<i32>} : memref<32x768xf32, #tpu.memory_space<vmem>>, vector<1x16xf32>,
          %swap3A_402 = vector.shape_cast %swap3A_401 : vector<1x16xf32> to vector<16xf32>
          %swap3A_403 = vector.shape_cast %add3A_398 : vector<16xf32> to vector<1x16xf32>
          tpu.vector_store %arg9[%swap3A_399, %swap3A_400], %swap3A_403 {strides = array<i32>} : memref<32x768xf32, #tpu.memory_space<vmem>>, vector<1x16xf32>,
          %get3A_404 = arith.index_cast %scan3A_125 : i32 to index
          %get3A_405 = arith.constant 320 : index
          %get3A_406 = tpu.vector_load %arg9[%get3A_404, %get3A_405] {strides = array<i32>} : memref<32x768xf32, #tpu.memory_space<vmem>>, vector<1x16xf32>,
          %get3A_407 = vector.shape_cast %get3A_406 : vector<1x16xf32> to vector<16xf32>
          %get3A_408 = arith.index_cast %scan3A_125 : i32 to index
          %get3A_409 = arith.constant 320 : index
          %get3A_410 = tpu.vector_load %arg11[%get3A_408, %get3A_409] {strides = array<i32>} : memref<32x768xf32, #tpu.memory_space<vmem>>, vector<1x16xf32>,
          %get3A_411 = vector.shape_cast %get3A_410 : vector<1x16xf32> to vector<16xf32>
          %add3A_412 = arith.addf %get3A_407, %get3A_411 : vector<16xf32>
          %swap3A_413 = arith.index_cast %scan3A_125 : i32 to index
          %swap3A_414 = arith.constant 320 : index
          %swap3A_415 = tpu.vector_load %arg9[%swap3A_413, %swap3A_414] {strides = array<i32>} : memref<32x768xf32, #tpu.memory_space<vmem>>, vector<1x16xf32>,
          %swap3A_416 = vector.shape_cast %swap3A_415 : vector<1x16xf32> to vector<16xf32>
          %swap3A_417 = vector.shape_cast %add3A_412 : vector<16xf32> to vector<1x16xf32>
          tpu.vector_store %arg9[%swap3A_413, %swap3A_414], %swap3A_417 {strides = array<i32>} : memref<32x768xf32, #tpu.memory_space<vmem>>, vector<1x16xf32>,
          %get3A_418 = arith.index_cast %scan3A_125 : i32 to index
          %get3A_419 = arith.constant 336 : index
          %get3A_420 = tpu.vector_load %arg9[%get3A_418, %get3A_419] {strides = array<i32>} : memref<32x768xf32, #tpu.memory_space<vmem>>, vector<1x16xf32>,
          %get3A_421 = vector.shape_cast %get3A_420 : vector<1x16xf32> to vector<16xf32>
          %get3A_422 = arith.index_cast %scan3A_125 : i32 to index
          %get3A_423 = arith.constant 336 : index
          %get3A_424 = tpu.vector_load %arg11[%get3A_422, %get3A_423] {strides = array<i32>} : memref<32x768xf32, #tpu.memory_space<vmem>>, vector<1x16xf32>,
          %get3A_425 = vector.shape_cast %get3A_424 : vector<1x16xf32> to vector<16xf32>
          %add3A_426 = arith.addf %get3A_421, %get3A_425 : vector<16xf32>
          %swap3A_427 = arith.index_cast %scan3A_125 : i32 to index
          %swap3A_428 = arith.constant 336 : index
          %swap3A_429 = tpu.vector_load %arg9[%swap3A_427, %swap3A_428] {strides = array<i32>} : memref<32x768xf32, #tpu.memory_space<vmem>>, vector<1x16xf32>,
          %swap3A_430 = vector.shape_cast %swap3A_429 : vector<1x16xf32> to vector<16xf32>
          %swap3A_431 = vector.shape_cast %add3A_426 : vector<16xf32> to vector<1x16xf32>
          tpu.vector_store %arg9[%swap3A_427, %swap3A_428], %swap3A_431 {strides = array<i32>} : memref<32x768xf32, #tpu.memory_space<vmem>>, vector<1x16xf32>,
          %get3A_432 = arith.index_cast %scan3A_125 : i32 to index
          %get3A_433 = arith.constant 352 : index
          %get3A_434 = tpu.vector_load %arg9[%get3A_432, %get3A_433] {strides = array<i32>} : memref<32x768xf32, #tpu.memory_space<vmem>>, vector<1x16xf32>,
          %get3A_435 = vector.shape_cast %get3A_434 : vector<1x16xf32> to vector<16xf32>
          %get3A_436 = arith.index_cast %scan3A_125 : i32 to index
          %get3A_437 = arith.constant 352 : index
          %get3A_438 = tpu.vector_load %arg11[%get3A_436, %get3A_437] {strides = array<i32>} : memref<32x768xf32, #tpu.memory_space<vmem>>, vector<1x16xf32>,
          %get3A_439 = vector.shape_cast %get3A_438 : vector<1x16xf32> to vector<16xf32>
          %add3A_440 = arith.addf %get3A_435, %get3A_439 : vector<16xf32>
          %swap3A_441 = arith.index_cast %scan3A_125 : i32 to index
          %swap3A_442 = arith.constant 352 : index
          %swap3A_443 = tpu.vector_load %arg9[%swap3A_441, %swap3A_442] {strides = array<i32>} : memref<32x768xf32, #tpu.memory_space<vmem>>, vector<1x16xf32>,
          %swap3A_444 = vector.shape_cast %swap3A_443 : vector<1x16xf32> to vector<16xf32>
          %swap3A_445 = vector.shape_cast %add3A_440 : vector<16xf32> to vector<1x16xf32>
          tpu.vector_store %arg9[%swap3A_441, %swap3A_442], %swap3A_445 {strides = array<i32>} : memref<32x768xf32, #tpu.memory_space<vmem>>, vector<1x16xf32>,
          %get3A_446 = arith.index_cast %scan3A_125 : i32 to index
          %get3A_447 = arith.constant 368 : index
          %get3A_448 = tpu.vector_load %arg9[%get3A_446, %get3A_447] {strides = array<i32>} : memref<32x768xf32, #tpu.memory_space<vmem>>, vector<1x16xf32>,
          %get3A_449 = vector.shape_cast %get3A_448 : vector<1x16xf32> to vector<16xf32>
          %get3A_450 = arith.index_cast %scan3A_125 : i32 to index
          %get3A_451 = arith.constant 368 : index
          %get3A_452 = tpu.vector_load %arg11[%get3A_450, %get3A_451] {strides = array<i32>} : memref<32x768xf32, #tpu.memory_space<vmem>>, vector<1x16xf32>,
          %get3A_453 = vector.shape_cast %get3A_452 : vector<1x16xf32> to vector<16xf32>
          %add3A_454 = arith.addf %get3A_449, %get3A_453 : vector<16xf32>
          %swap3A_455 = arith.index_cast %scan3A_125 : i32 to index
          %swap3A_456 = arith.constant 368 : index
          %swap3A_457 = tpu.vector_load %arg9[%swap3A_455, %swap3A_456] {strides = array<i32>} : memref<32x768xf32, #tpu.memory_space<vmem>>, vector<1x16xf32>,
          %swap3A_458 = vector.shape_cast %swap3A_457 : vector<1x16xf32> to vector<16xf32>
          %swap3A_459 = vector.shape_cast %add3A_454 : vector<16xf32> to vector<1x16xf32>
          tpu.vector_store %arg9[%swap3A_455, %swap3A_456], %swap3A_459 {strides = array<i32>} : memref<32x768xf32, #tpu.memory_space<vmem>>, vector<1x16xf32>,
          %get3A_460 = arith.index_cast %scan3A_125 : i32 to index
          %get3A_461 = arith.constant 384 : index
          %get3A_462 = tpu.vector_load %arg9[%get3A_460, %get3A_461] {strides = array<i32>} : memref<32x768xf32, #tpu.memory_space<vmem>>, vector<1x16xf32>,
          %get3A_463 = vector.shape_cast %get3A_462 : vector<1x16xf32> to vector<16xf32>
          %get3A_464 = arith.index_cast %scan3A_125 : i32 to index
          %get3A_465 = arith.constant 384 : index
          %get3A_466 = tpu.vector_load %arg11[%get3A_464, %get3A_465] {strides = array<i32>} : memref<32x768xf32, #tpu.memory_space<vmem>>, vector<1x16xf32>,
          %get3A_467 = vector.shape_cast %get3A_466 : vector<1x16xf32> to vector<16xf32>
          %add3A_468 = arith.addf %get3A_463, %get3A_467 : vector<16xf32>
          %swap3A_469 = arith.index_cast %scan3A_125 : i32 to index
          %swap3A_470 = arith.constant 384 : index
          %swap3A_471 = tpu.vector_load %arg9[%swap3A_469, %swap3A_470] {strides = array<i32>} : memref<32x768xf32, #tpu.memory_space<vmem>>, vector<1x16xf32>,
          %swap3A_472 = vector.shape_cast %swap3A_471 : vector<1x16xf32> to vector<16xf32>
          %swap3A_473 = vector.shape_cast %add3A_468 : vector<16xf32> to vector<1x16xf32>
          tpu.vector_store %arg9[%swap3A_469, %swap3A_470], %swap3A_473 {strides = array<i32>} : memref<32x768xf32, #tpu.memory_space<vmem>>, vector<1x16xf32>,
          %get3A_474 = arith.index_cast %scan3A_125 : i32 to index
          %get3A_475 = arith.constant 400 : index
          %get3A_476 = tpu.vector_load %arg9[%get3A_474, %get3A_475] {strides = array<i32>} : memref<32x768xf32, #tpu.memory_space<vmem>>, vector<1x16xf32>,
          %get3A_477 = vector.shape_cast %get3A_476 : vector<1x16xf32> to vector<16xf32>
          %get3A_478 = arith.index_cast %scan3A_125 : i32 to index
          %get3A_479 = arith.constant 400 : index
          %get3A_480 = tpu.vector_load %arg11[%get3A_478, %get3A_479] {strides = array<i32>} : memref<32x768xf32, #tpu.memory_space<vmem>>, vector<1x16xf32>,
          %get3A_481 = vector.shape_cast %get3A_480 : vector<1x16xf32> to vector<16xf32>
          %add3A_482 = arith.addf %get3A_477, %get3A_481 : vector<16xf32>
          %swap3A_483 = arith.index_cast %scan3A_125 : i32 to index
          %swap3A_484 = arith.constant 400 : index
          %swap3A_485 = tpu.vector_load %arg9[%swap3A_483, %swap3A_484] {strides = array<i32>} : memref<32x768xf32, #tpu.memory_space<vmem>>, vector<1x16xf32>,
          %swap3A_486 = vector.shape_cast %swap3A_485 : vector<1x16xf32> to vector<16xf32>
          %swap3A_487 = vector.shape_cast %add3A_482 : vector<16xf32> to vector<1x16xf32>
          tpu.vector_store %arg9[%swap3A_483, %swap3A_484], %swap3A_487 {strides = array<i32>} : memref<32x768xf32, #tpu.memory_space<vmem>>, vector<1x16xf32>,
          %get3A_488 = arith.index_cast %scan3A_125 : i32 to index
          %get3A_489 = arith.constant 416 : index
          %get3A_490 = tpu.vector_load %arg9[%get3A_488, %get3A_489] {strides = array<i32>} : memref<32x768xf32, #tpu.memory_space<vmem>>, vector<1x16xf32>,
          %get3A_491 = vector.shape_cast %get3A_490 : vector<1x16xf32> to vector<16xf32>
          %get3A_492 = arith.index_cast %scan3A_125 : i32 to index
          %get3A_493 = arith.constant 416 : index
          %get3A_494 = tpu.vector_load %arg11[%get3A_492, %get3A_493] {strides = array<i32>} : memref<32x768xf32, #tpu.memory_space<vmem>>, vector<1x16xf32>,
          %get3A_495 = vector.shape_cast %get3A_494 : vector<1x16xf32> to vector<16xf32>
          %add3A_496 = arith.addf %get3A_491, %get3A_495 : vector<16xf32>
          %swap3A_497 = arith.index_cast %scan3A_125 : i32 to index
          %swap3A_498 = arith.constant 416 : index
          %swap3A_499 = tpu.vector_load %arg9[%swap3A_497, %swap3A_498] {strides = array<i32>} : memref<32x768xf32, #tpu.memory_space<vmem>>, vector<1x16xf32>,
          %swap3A_500 = vector.shape_cast %swap3A_499 : vector<1x16xf32> to vector<16xf32>
          %swap3A_501 = vector.shape_cast %add3A_496 : vector<16xf32> to vector<1x16xf32>
          tpu.vector_store %arg9[%swap3A_497, %swap3A_498], %swap3A_501 {strides = array<i32>} : memref<32x768xf32, #tpu.memory_space<vmem>>, vector<1x16xf32>,
          %get3A_502 = arith.index_cast %scan3A_125 : i32 to index
          %get3A_503 = arith.constant 432 : index
          %get3A_504 = tpu.vector_load %arg9[%get3A_502, %get3A_503] {strides = array<i32>} : memref<32x768xf32, #tpu.memory_space<vmem>>, vector<1x16xf32>,
          %get3A_505 = vector.shape_cast %get3A_504 : vector<1x16xf32> to vector<16xf32>
          %get3A_506 = arith.index_cast %scan3A_125 : i32 to index
          %get3A_507 = arith.constant 432 : index
          %get3A_508 = tpu.vector_load %arg11[%get3A_506, %get3A_507] {strides = array<i32>} : memref<32x768xf32, #tpu.memory_space<vmem>>, vector<1x16xf32>,
          %get3A_509 = vector.shape_cast %get3A_508 : vector<1x16xf32> to vector<16xf32>
          %add3A_510 = arith.addf %get3A_505, %get3A_509 : vector<16xf32>
          %swap3A_511 = arith.index_cast %scan3A_125 : i32 to index
          %swap3A_512 = arith.constant 432 : index
          %swap3A_513 = tpu.vector_load %arg9[%swap3A_511, %swap3A_512] {strides = array<i32>} : memref<32x768xf32, #tpu.memory_space<vmem>>, vector<1x16xf32>,
          %swap3A_514 = vector.shape_cast %swap3A_513 : vector<1x16xf32> to vector<16xf32>
          %swap3A_515 = vector.shape_cast %add3A_510 : vector<16xf32> to vector<1x16xf32>
          tpu.vector_store %arg9[%swap3A_511, %swap3A_512], %swap3A_515 {strides = array<i32>} : memref<32x768xf32, #tpu.memory_space<vmem>>, vector<1x16xf32>,
          %get3A_516 = arith.index_cast %scan3A_125 : i32 to index
          %get3A_517 = arith.constant 448 : index
          %get3A_518 = tpu.vector_load %arg9[%get3A_516, %get3A_517] {strides = array<i32>} : memref<32x768xf32, #tpu.memory_space<vmem>>, vector<1x16xf32>,
          %get3A_519 = vector.shape_cast %get3A_518 : vector<1x16xf32> to vector<16xf32>
          %get3A_520 = arith.index_cast %scan3A_125 : i32 to index
          %get3A_521 = arith.constant 448 : index
          %get3A_522 = tpu.vector_load %arg11[%get3A_520, %get3A_521] {strides = array<i32>} : memref<32x768xf32, #tpu.memory_space<vmem>>, vector<1x16xf32>,
          %get3A_523 = vector.shape_cast %get3A_522 : vector<1x16xf32> to vector<16xf32>
          %add3A_524 = arith.addf %get3A_519, %get3A_523 : vector<16xf32>
          %swap3A_525 = arith.index_cast %scan3A_125 : i32 to index
          %swap3A_526 = arith.constant 448 : index
          %swap3A_527 = tpu.vector_load %arg9[%swap3A_525, %swap3A_526] {strides = array<i32>} : memref<32x768xf32, #tpu.memory_space<vmem>>, vector<1x16xf32>,
          %swap3A_528 = vector.shape_cast %swap3A_527 : vector<1x16xf32> to vector<16xf32>
          %swap3A_529 = vector.shape_cast %add3A_524 : vector<16xf32> to vector<1x16xf32>
          tpu.vector_store %arg9[%swap3A_525, %swap3A_526], %swap3A_529 {strides = array<i32>} : memref<32x768xf32, #tpu.memory_space<vmem>>, vector<1x16xf32>,
          %get3A_530 = arith.index_cast %scan3A_125 : i32 to index
          %get3A_531 = arith.constant 464 : index
          %get3A_532 = tpu.vector_load %arg9[%get3A_530, %get3A_531] {strides = array<i32>} : memref<32x768xf32, #tpu.memory_space<vmem>>, vector<1x16xf32>,
          %get3A_533 = vector.shape_cast %get3A_532 : vector<1x16xf32> to vector<16xf32>
          %get3A_534 = arith.index_cast %scan3A_125 : i32 to index
          %get3A_535 = arith.constant 464 : index
          %get3A_536 = tpu.vector_load %arg11[%get3A_534, %get3A_535] {strides = array<i32>} : memref<32x768xf32, #tpu.memory_space<vmem>>, vector<1x16xf32>,
          %get3A_537 = vector.shape_cast %get3A_536 : vector<1x16xf32> to vector<16xf32>
          %add3A_538 = arith.addf %get3A_533, %get3A_537 : vector<16xf32>
          %swap3A_539 = arith.index_cast %scan3A_125 : i32 to index
          %swap3A_540 = arith.constant 464 : index
          %swap3A_541 = tpu.vector_load %arg9[%swap3A_539, %swap3A_540] {strides = array<i32>} : memref<32x768xf32, #tpu.memory_space<vmem>>, vector<1x16xf32>,
          %swap3A_542 = vector.shape_cast %swap3A_541 : vector<1x16xf32> to vector<16xf32>
          %swap3A_543 = vector.shape_cast %add3A_538 : vector<16xf32> to vector<1x16xf32>
          tpu.vector_store %arg9[%swap3A_539, %swap3A_540], %swap3A_543 {strides = array<i32>} : memref<32x768xf32, #tpu.memory_space<vmem>>, vector<1x16xf32>,
          %get3A_544 = arith.index_cast %scan3A_125 : i32 to index
          %get3A_545 = arith.constant 480 : index
          %get3A_546 = tpu.vector_load %arg9[%get3A_544, %get3A_545] {strides = array<i32>} : memref<32x768xf32, #tpu.memory_space<vmem>>, vector<1x16xf32>,
          %get3A_547 = vector.shape_cast %get3A_546 : vector<1x16xf32> to vector<16xf32>
          %get3A_548 = arith.index_cast %scan3A_125 : i32 to index
          %get3A_549 = arith.constant 480 : index
          %get3A_550 = tpu.vector_load %arg11[%get3A_548, %get3A_549] {strides = array<i32>} : memref<32x768xf32, #tpu.memory_space<vmem>>, vector<1x16xf32>,
          %get3A_551 = vector.shape_cast %get3A_550 : vector<1x16xf32> to vector<16xf32>
          %add3A_552 = arith.addf %get3A_547, %get3A_551 : vector<16xf32>
          %swap3A_553 = arith.index_cast %scan3A_125 : i32 to index
          %swap3A_554 = arith.constant 480 : index
          %swap3A_555 = tpu.vector_load %arg9[%swap3A_553, %swap3A_554] {strides = array<i32>} : memref<32x768xf32, #tpu.memory_space<vmem>>, vector<1x16xf32>,
          %swap3A_556 = vector.shape_cast %swap3A_555 : vector<1x16xf32> to vector<16xf32>
          %swap3A_557 = vector.shape_cast %add3A_552 : vector<16xf32> to vector<1x16xf32>
          tpu.vector_store %arg9[%swap3A_553, %swap3A_554], %swap3A_557 {strides = array<i32>} : memref<32x768xf32, #tpu.memory_space<vmem>>, vector<1x16xf32>,
          %get3A_558 = arith.index_cast %scan3A_125 : i32 to index
          %get3A_559 = arith.constant 496 : index
          %get3A_560 = tpu.vector_load %arg9[%get3A_558, %get3A_559] {strides = array<i32>} : memref<32x768xf32, #tpu.memory_space<vmem>>, vector<1x16xf32>,
          %get3A_561 = vector.shape_cast %get3A_560 : vector<1x16xf32> to vector<16xf32>
          %get3A_562 = arith.index_cast %scan3A_125 : i32 to index
          %get3A_563 = arith.constant 496 : index
          %get3A_564 = tpu.vector_load %arg11[%get3A_562, %get3A_563] {strides = array<i32>} : memref<32x768xf32, #tpu.memory_space<vmem>>, vector<1x16xf32>,
          %get3A_565 = vector.shape_cast %get3A_564 : vector<1x16xf32> to vector<16xf32>
          %add3A_566 = arith.addf %get3A_561, %get3A_565 : vector<16xf32>
          %swap3A_567 = arith.index_cast %scan3A_125 : i32 to index
          %swap3A_568 = arith.constant 496 : index
          %swap3A_569 = tpu.vector_load %arg9[%swap3A_567, %swap3A_568] {strides = array<i32>} : memref<32x768xf32, #tpu.memory_space<vmem>>, vector<1x16xf32>,
          %swap3A_570 = vector.shape_cast %swap3A_569 : vector<1x16xf32> to vector<16xf32>
          %swap3A_571 = vector.shape_cast %add3A_566 : vector<16xf32> to vector<1x16xf32>
          tpu.vector_store %arg9[%swap3A_567, %swap3A_568], %swap3A_571 {strides = array<i32>} : memref<32x768xf32, #tpu.memory_space<vmem>>, vector<1x16xf32>,
          %get3A_572 = arith.index_cast %scan3A_125 : i32 to index
          %get3A_573 = arith.constant 512 : index
          %get3A_574 = tpu.vector_load %arg9[%get3A_572, %get3A_573] {strides = array<i32>} : memref<32x768xf32, #tpu.memory_space<vmem>>, vector<1x16xf32>,
          %get3A_575 = vector.shape_cast %get3A_574 : vector<1x16xf32> to vector<16xf32>
          %get3A_576 = arith.index_cast %scan3A_125 : i32 to index
          %get3A_577 = arith.constant 512 : index
          %get3A_578 = tpu.vector_load %arg11[%get3A_576, %get3A_577] {strides = array<i32>} : memref<32x768xf32, #tpu.memory_space<vmem>>, vector<1x16xf32>,
          %get3A_579 = vector.shape_cast %get3A_578 : vector<1x16xf32> to vector<16xf32>
          %add3A_580 = arith.addf %get3A_575, %get3A_579 : vector<16xf32>
          %swap3A_581 = arith.index_cast %scan3A_125 : i32 to index
          %swap3A_582 = arith.constant 512 : index
          %swap3A_583 = tpu.vector_load %arg9[%swap3A_581, %swap3A_582] {strides = array<i32>} : memref<32x768xf32, #tpu.memory_space<vmem>>, vector<1x16xf32>,
          %swap3A_584 = vector.shape_cast %swap3A_583 : vector<1x16xf32> to vector<16xf32>
          %swap3A_585 = vector.shape_cast %add3A_580 : vector<16xf32> to vector<1x16xf32>
          tpu.vector_store %arg9[%swap3A_581, %swap3A_582], %swap3A_585 {strides = array<i32>} : memref<32x768xf32, #tpu.memory_space<vmem>>, vector<1x16xf32>,
          %get3A_586 = arith.index_cast %scan3A_125 : i32 to index
          %get3A_587 = arith.constant 528 : index
          %get3A_588 = tpu.vector_load %arg9[%get3A_586, %get3A_587] {strides = array<i32>} : memref<32x768xf32, #tpu.memory_space<vmem>>, vector<1x16xf32>,
          %get3A_589 = vector.shape_cast %get3A_588 : vector<1x16xf32> to vector<16xf32>
          %get3A_590 = arith.index_cast %scan3A_125 : i32 to index
          %get3A_591 = arith.constant 528 : index
          %get3A_592 = tpu.vector_load %arg11[%get3A_590, %get3A_591] {strides = array<i32>} : memref<32x768xf32, #tpu.memory_space<vmem>>, vector<1x16xf32>,
          %get3A_593 = vector.shape_cast %get3A_592 : vector<1x16xf32> to vector<16xf32>
          %add3A_594 = arith.addf %get3A_589, %get3A_593 : vector<16xf32>
          %swap3A_595 = arith.index_cast %scan3A_125 : i32 to index
          %swap3A_596 = arith.constant 528 : index
          %swap3A_597 = tpu.vector_load %arg9[%swap3A_595, %swap3A_596] {strides = array<i32>} : memref<32x768xf32, #tpu.memory_space<vmem>>, vector<1x16xf32>,
          %swap3A_598 = vector.shape_cast %swap3A_597 : vector<1x16xf32> to vector<16xf32>
          %swap3A_599 = vector.shape_cast %add3A_594 : vector<16xf32> to vector<1x16xf32>
          tpu.vector_store %arg9[%swap3A_595, %swap3A_596], %swap3A_599 {strides = array<i32>} : memref<32x768xf32, #tpu.memory_space<vmem>>, vector<1x16xf32>,
          %get3A_600 = arith.index_cast %scan3A_125 : i32 to index
          %get3A_601 = arith.constant 544 : index
          %get3A_602 = tpu.vector_load %arg9[%get3A_600, %get3A_601] {strides = array<i32>} : memref<32x768xf32, #tpu.memory_space<vmem>>, vector<1x16xf32>,
          %get3A_603 = vector.shape_cast %get3A_602 : vector<1x16xf32> to vector<16xf32>
          %get3A_604 = arith.index_cast %scan3A_125 : i32 to index
          %get3A_605 = arith.constant 544 : index
          %get3A_606 = tpu.vector_load %arg11[%get3A_604, %get3A_605] {strides = array<i32>} : memref<32x768xf32, #tpu.memory_space<vmem>>, vector<1x16xf32>,
          %get3A_607 = vector.shape_cast %get3A_606 : vector<1x16xf32> to vector<16xf32>
          %add3A_608 = arith.addf %get3A_603, %get3A_607 : vector<16xf32>
          %swap3A_609 = arith.index_cast %scan3A_125 : i32 to index
          %swap3A_610 = arith.constant 544 : index
          %swap3A_611 = tpu.vector_load %arg9[%swap3A_609, %swap3A_610] {strides = array<i32>} : memref<32x768xf32, #tpu.memory_space<vmem>>, vector<1x16xf32>,
          %swap3A_612 = vector.shape_cast %swap3A_611 : vector<1x16xf32> to vector<16xf32>
          %swap3A_613 = vector.shape_cast %add3A_608 : vector<16xf32> to vector<1x16xf32>
          tpu.vector_store %arg9[%swap3A_609, %swap3A_610], %swap3A_613 {strides = array<i32>} : memref<32x768xf32, #tpu.memory_space<vmem>>, vector<1x16xf32>,
          %get3A_614 = arith.index_cast %scan3A_125 : i32 to index
          %get3A_615 = arith.constant 560 : index
          %get3A_616 = tpu.vector_load %arg9[%get3A_614, %get3A_615] {strides = array<i32>} : memref<32x768xf32, #tpu.memory_space<vmem>>, vector<1x16xf32>,
          %get3A_617 = vector.shape_cast %get3A_616 : vector<1x16xf32> to vector<16xf32>
          %get3A_618 = arith.index_cast %scan3A_125 : i32 to index
          %get3A_619 = arith.constant 560 : index
          %get3A_620 = tpu.vector_load %arg11[%get3A_618, %get3A_619] {strides = array<i32>} : memref<32x768xf32, #tpu.memory_space<vmem>>, vector<1x16xf32>,
          %get3A_621 = vector.shape_cast %get3A_620 : vector<1x16xf32> to vector<16xf32>
          %add3A_622 = arith.addf %get3A_617, %get3A_621 : vector<16xf32>
          %swap3A_623 = arith.index_cast %scan3A_125 : i32 to index
          %swap3A_624 = arith.constant 560 : index
          %swap3A_625 = tpu.vector_load %arg9[%swap3A_623, %swap3A_624] {strides = array<i32>} : memref<32x768xf32, #tpu.memory_space<vmem>>, vector<1x16xf32>,
          %swap3A_626 = vector.shape_cast %swap3A_625 : vector<1x16xf32> to vector<16xf32>
          %swap3A_627 = vector.shape_cast %add3A_622 : vector<16xf32> to vector<1x16xf32>
          tpu.vector_store %arg9[%swap3A_623, %swap3A_624], %swap3A_627 {strides = array<i32>} : memref<32x768xf32, #tpu.memory_space<vmem>>, vector<1x16xf32>,
          %get3A_628 = arith.index_cast %scan3A_125 : i32 to index
          %get3A_629 = arith.constant 576 : index
          %get3A_630 = tpu.vector_load %arg9[%get3A_628, %get3A_629] {strides = array<i32>} : memref<32x768xf32, #tpu.memory_space<vmem>>, vector<1x16xf32>,
          %get3A_631 = vector.shape_cast %get3A_630 : vector<1x16xf32> to vector<16xf32>
          %get3A_632 = arith.index_cast %scan3A_125 : i32 to index
          %get3A_633 = arith.constant 576 : index
          %get3A_634 = tpu.vector_load %arg11[%get3A_632, %get3A_633] {strides = array<i32>} : memref<32x768xf32, #tpu.memory_space<vmem>>, vector<1x16xf32>,
          %get3A_635 = vector.shape_cast %get3A_634 : vector<1x16xf32> to vector<16xf32>
          %add3A_636 = arith.addf %get3A_631, %get3A_635 : vector<16xf32>
          %swap3A_637 = arith.index_cast %scan3A_125 : i32 to index
          %swap3A_638 = arith.constant 576 : index
          %swap3A_639 = tpu.vector_load %arg9[%swap3A_637, %swap3A_638] {strides = array<i32>} : memref<32x768xf32, #tpu.memory_space<vmem>>, vector<1x16xf32>,
          %swap3A_640 = vector.shape_cast %swap3A_639 : vector<1x16xf32> to vector<16xf32>
          %swap3A_641 = vector.shape_cast %add3A_636 : vector<16xf32> to vector<1x16xf32>
          tpu.vector_store %arg9[%swap3A_637, %swap3A_638], %swap3A_641 {strides = array<i32>} : memref<32x768xf32, #tpu.memory_space<vmem>>, vector<1x16xf32>,
          %get3A_642 = arith.index_cast %scan3A_125 : i32 to index
          %get3A_643 = arith.constant 592 : index
          %get3A_644 = tpu.vector_load %arg9[%get3A_642, %get3A_643] {strides = array<i32>} : memref<32x768xf32, #tpu.memory_space<vmem>>, vector<1x16xf32>,
          %get3A_645 = vector.shape_cast %get3A_644 : vector<1x16xf32> to vector<16xf32>
          %get3A_646 = arith.index_cast %scan3A_125 : i32 to index
          %get3A_647 = arith.constant 592 : index
          %get3A_648 = tpu.vector_load %arg11[%get3A_646, %get3A_647] {strides = array<i32>} : memref<32x768xf32, #tpu.memory_space<vmem>>, vector<1x16xf32>,
          %get3A_649 = vector.shape_cast %get3A_648 : vector<1x16xf32> to vector<16xf32>
          %add3A_650 = arith.addf %get3A_645, %get3A_649 : vector<16xf32>
          %swap3A_651 = arith.index_cast %scan3A_125 : i32 to index
          %swap3A_652 = arith.constant 592 : index
          %swap3A_653 = tpu.vector_load %arg9[%swap3A_651, %swap3A_652] {strides = array<i32>} : memref<32x768xf32, #tpu.memory_space<vmem>>, vector<1x16xf32>,
          %swap3A_654 = vector.shape_cast %swap3A_653 : vector<1x16xf32> to vector<16xf32>
          %swap3A_655 = vector.shape_cast %add3A_650 : vector<16xf32> to vector<1x16xf32>
          tpu.vector_store %arg9[%swap3A_651, %swap3A_652], %swap3A_655 {strides = array<i32>} : memref<32x768xf32, #tpu.memory_space<vmem>>, vector<1x16xf32>,
          %get3A_656 = arith.index_cast %scan3A_125 : i32 to index
          %get3A_657 = arith.constant 608 : index
          %get3A_658 = tpu.vector_load %arg9[%get3A_656, %get3A_657] {strides = array<i32>} : memref<32x768xf32, #tpu.memory_space<vmem>>, vector<1x16xf32>,
          %get3A_659 = vector.shape_cast %get3A_658 : vector<1x16xf32> to vector<16xf32>
          %get3A_660 = arith.index_cast %scan3A_125 : i32 to index
          %get3A_661 = arith.constant 608 : index
          %get3A_662 = tpu.vector_load %arg11[%get3A_660, %get3A_661] {strides = array<i32>} : memref<32x768xf32, #tpu.memory_space<vmem>>, vector<1x16xf32>,
          %get3A_663 = vector.shape_cast %get3A_662 : vector<1x16xf32> to vector<16xf32>
          %add3A_664 = arith.addf %get3A_659, %get3A_663 : vector<16xf32>
          %swap3A_665 = arith.index_cast %scan3A_125 : i32 to index
          %swap3A_666 = arith.constant 608 : index
          %swap3A_667 = tpu.vector_load %arg9[%swap3A_665, %swap3A_666] {strides = array<i32>} : memref<32x768xf32, #tpu.memory_space<vmem>>, vector<1x16xf32>,
          %swap3A_668 = vector.shape_cast %swap3A_667 : vector<1x16xf32> to vector<16xf32>
          %swap3A_669 = vector.shape_cast %add3A_664 : vector<16xf32> to vector<1x16xf32>
          tpu.vector_store %arg9[%swap3A_665, %swap3A_666], %swap3A_669 {strides = array<i32>} : memref<32x768xf32, #tpu.memory_space<vmem>>, vector<1x16xf32>,
          %get3A_670 = arith.index_cast %scan3A_125 : i32 to index
          %get3A_671 = arith.constant 624 : index
          %get3A_672 = tpu.vector_load %arg9[%get3A_670, %get3A_671] {strides = array<i32>} : memref<32x768xf32, #tpu.memory_space<vmem>>, vector<1x16xf32>,
          %get3A_673 = vector.shape_cast %get3A_672 : vector<1x16xf32> to vector<16xf32>
          %get3A_674 = arith.index_cast %scan3A_125 : i32 to index
          %get3A_675 = arith.constant 624 : index
          %get3A_676 = tpu.vector_load %arg11[%get3A_674, %get3A_675] {strides = array<i32>} : memref<32x768xf32, #tpu.memory_space<vmem>>, vector<1x16xf32>,
          %get3A_677 = vector.shape_cast %get3A_676 : vector<1x16xf32> to vector<16xf32>
          %add3A_678 = arith.addf %get3A_673, %get3A_677 : vector<16xf32>
          %swap3A_679 = arith.index_cast %scan3A_125 : i32 to index
          %swap3A_680 = arith.constant 624 : index
          %swap3A_681 = tpu.vector_load %arg9[%swap3A_679, %swap3A_680] {strides = array<i32>} : memref<32x768xf32, #tpu.memory_space<vmem>>, vector<1x16xf32>,
          %swap3A_682 = vector.shape_cast %swap3A_681 : vector<1x16xf32> to vector<16xf32>
          %swap3A_683 = vector.shape_cast %add3A_678 : vector<16xf32> to vector<1x16xf32>
          tpu.vector_store %arg9[%swap3A_679, %swap3A_680], %swap3A_683 {strides = array<i32>} : memref<32x768xf32, #tpu.memory_space<vmem>>, vector<1x16xf32>,
          %get3A_684 = arith.index_cast %scan3A_125 : i32 to index
          %get3A_685 = arith.constant 640 : index
          %get3A_686 = tpu.vector_load %arg9[%get3A_684, %get3A_685] {strides = array<i32>} : memref<32x768xf32, #tpu.memory_space<vmem>>, vector<1x16xf32>,
          %get3A_687 = vector.shape_cast %get3A_686 : vector<1x16xf32> to vector<16xf32>
          %get3A_688 = arith.index_cast %scan3A_125 : i32 to index
          %get3A_689 = arith.constant 640 : index
          %get3A_690 = tpu.vector_load %arg11[%get3A_688, %get3A_689] {strides = array<i32>} : memref<32x768xf32, #tpu.memory_space<vmem>>, vector<1x16xf32>,
          %get3A_691 = vector.shape_cast %get3A_690 : vector<1x16xf32> to vector<16xf32>
          %add3A_692 = arith.addf %get3A_687, %get3A_691 : vector<16xf32>
          %swap3A_693 = arith.index_cast %scan3A_125 : i32 to index
          %swap3A_694 = arith.constant 640 : index
          %swap3A_695 = tpu.vector_load %arg9[%swap3A_693, %swap3A_694] {strides = array<i32>} : memref<32x768xf32, #tpu.memory_space<vmem>>, vector<1x16xf32>,
          %swap3A_696 = vector.shape_cast %swap3A_695 : vector<1x16xf32> to vector<16xf32>
          %swap3A_697 = vector.shape_cast %add3A_692 : vector<16xf32> to vector<1x16xf32>
          tpu.vector_store %arg9[%swap3A_693, %swap3A_694], %swap3A_697 {strides = array<i32>} : memref<32x768xf32, #tpu.memory_space<vmem>>, vector<1x16xf32>,
          %get3A_698 = arith.index_cast %scan3A_125 : i32 to index
          %get3A_699 = arith.constant 656 : index
          %get3A_700 = tpu.vector_load %arg9[%get3A_698, %get3A_699] {strides = array<i32>} : memref<32x768xf32, #tpu.memory_space<vmem>>, vector<1x16xf32>,
          %get3A_701 = vector.shape_cast %get3A_700 : vector<1x16xf32> to vector<16xf32>
          %get3A_702 = arith.index_cast %scan3A_125 : i32 to index
          %get3A_703 = arith.constant 656 : index
          %get3A_704 = tpu.vector_load %arg11[%get3A_702, %get3A_703] {strides = array<i32>} : memref<32x768xf32, #tpu.memory_space<vmem>>, vector<1x16xf32>,
          %get3A_705 = vector.shape_cast %get3A_704 : vector<1x16xf32> to vector<16xf32>
          %add3A_706 = arith.addf %get3A_701, %get3A_705 : vector<16xf32>
          %swap3A_707 = arith.index_cast %scan3A_125 : i32 to index
          %swap3A_708 = arith.constant 656 : index
          %swap3A_709 = tpu.vector_load %arg9[%swap3A_707, %swap3A_708] {strides = array<i32>} : memref<32x768xf32, #tpu.memory_space<vmem>>, vector<1x16xf32>,
          %swap3A_710 = vector.shape_cast %swap3A_709 : vector<1x16xf32> to vector<16xf32>
          %swap3A_711 = vector.shape_cast %add3A_706 : vector<16xf32> to vector<1x16xf32>
          tpu.vector_store %arg9[%swap3A_707, %swap3A_708], %swap3A_711 {strides = array<i32>} : memref<32x768xf32, #tpu.memory_space<vmem>>, vector<1x16xf32>,
          %get3A_712 = arith.index_cast %scan3A_125 : i32 to index
          %get3A_713 = arith.constant 672 : index
          %get3A_714 = tpu.vector_load %arg9[%get3A_712, %get3A_713] {strides = array<i32>} : memref<32x768xf32, #tpu.memory_space<vmem>>, vector<1x16xf32>,
          %get3A_715 = vector.shape_cast %get3A_714 : vector<1x16xf32> to vector<16xf32>
          %get3A_716 = arith.index_cast %scan3A_125 : i32 to index
          %get3A_717 = arith.constant 672 : index
          %get3A_718 = tpu.vector_load %arg11[%get3A_716, %get3A_717] {strides = array<i32>} : memref<32x768xf32, #tpu.memory_space<vmem>>, vector<1x16xf32>,
          %get3A_719 = vector.shape_cast %get3A_718 : vector<1x16xf32> to vector<16xf32>
          %add3A_720 = arith.addf %get3A_715, %get3A_719 : vector<16xf32>
          %swap3A_721 = arith.index_cast %scan3A_125 : i32 to index
          %swap3A_722 = arith.constant 672 : index
          %swap3A_723 = tpu.vector_load %arg9[%swap3A_721, %swap3A_722] {strides = array<i32>} : memref<32x768xf32, #tpu.memory_space<vmem>>, vector<1x16xf32>,
          %swap3A_724 = vector.shape_cast %swap3A_723 : vector<1x16xf32> to vector<16xf32>
          %swap3A_725 = vector.shape_cast %add3A_720 : vector<16xf32> to vector<1x16xf32>
          tpu.vector_store %arg9[%swap3A_721, %swap3A_722], %swap3A_725 {strides = array<i32>} : memref<32x768xf32, #tpu.memory_space<vmem>>, vector<1x16xf32>,
          %get3A_726 = arith.index_cast %scan3A_125 : i32 to index
          %get3A_727 = arith.constant 688 : index
          %get3A_728 = tpu.vector_load %arg9[%get3A_726, %get3A_727] {strides = array<i32>} : memref<32x768xf32, #tpu.memory_space<vmem>>, vector<1x16xf32>,
          %get3A_729 = vector.shape_cast %get3A_728 : vector<1x16xf32> to vector<16xf32>
          %get3A_730 = arith.index_cast %scan3A_125 : i32 to index
          %get3A_731 = arith.constant 688 : index
          %get3A_732 = tpu.vector_load %arg11[%get3A_730, %get3A_731] {strides = array<i32>} : memref<32x768xf32, #tpu.memory_space<vmem>>, vector<1x16xf32>,
          %get3A_733 = vector.shape_cast %get3A_732 : vector<1x16xf32> to vector<16xf32>
          %add3A_734 = arith.addf %get3A_729, %get3A_733 : vector<16xf32>
          %swap3A_735 = arith.index_cast %scan3A_125 : i32 to index
          %swap3A_736 = arith.constant 688 : index
          %swap3A_737 = tpu.vector_load %arg9[%swap3A_735, %swap3A_736] {strides = array<i32>} : memref<32x768xf32, #tpu.memory_space<vmem>>, vector<1x16xf32>,
          %swap3A_738 = vector.shape_cast %swap3A_737 : vector<1x16xf32> to vector<16xf32>
          %swap3A_739 = vector.shape_cast %add3A_734 : vector<16xf32> to vector<1x16xf32>
          tpu.vector_store %arg9[%swap3A_735, %swap3A_736], %swap3A_739 {strides = array<i32>} : memref<32x768xf32, #tpu.memory_space<vmem>>, vector<1x16xf32>,
          %get3A_740 = arith.index_cast %scan3A_125 : i32 to index
          %get3A_741 = arith.constant 704 : index
          %get3A_742 = tpu.vector_load %arg9[%get3A_740, %get3A_741] {strides = array<i32>} : memref<32x768xf32, #tpu.memory_space<vmem>>, vector<1x16xf32>,
          %get3A_743 = vector.shape_cast %get3A_742 : vector<1x16xf32> to vector<16xf32>
          %get3A_744 = arith.index_cast %scan3A_125 : i32 to index
          %get3A_745 = arith.constant 704 : index
          %get3A_746 = tpu.vector_load %arg11[%get3A_744, %get3A_745] {strides = array<i32>} : memref<32x768xf32, #tpu.memory_space<vmem>>, vector<1x16xf32>,
          %get3A_747 = vector.shape_cast %get3A_746 : vector<1x16xf32> to vector<16xf32>
          %add3A_748 = arith.addf %get3A_743, %get3A_747 : vector<16xf32>
          %swap3A_749 = arith.index_cast %scan3A_125 : i32 to index
          %swap3A_750 = arith.constant 704 : index
          %swap3A_751 = tpu.vector_load %arg9[%swap3A_749, %swap3A_750] {strides = array<i32>} : memref<32x768xf32, #tpu.memory_space<vmem>>, vector<1x16xf32>,
          %swap3A_752 = vector.shape_cast %swap3A_751 : vector<1x16xf32> to vector<16xf32>
          %swap3A_753 = vector.shape_cast %add3A_748 : vector<16xf32> to vector<1x16xf32>
          tpu.vector_store %arg9[%swap3A_749, %swap3A_750], %swap3A_753 {strides = array<i32>} : memref<32x768xf32, #tpu.memory_space<vmem>>, vector<1x16xf32>,
          %get3A_754 = arith.index_cast %scan3A_125 : i32 to index
          %get3A_755 = arith.constant 720 : index
          %get3A_756 = tpu.vector_load %arg9[%get3A_754, %get3A_755] {strides = array<i32>} : memref<32x768xf32, #tpu.memory_space<vmem>>, vector<1x16xf32>,
          %get3A_757 = vector.shape_cast %get3A_756 : vector<1x16xf32> to vector<16xf32>
          %get3A_758 = arith.index_cast %scan3A_125 : i32 to index
          %get3A_759 = arith.constant 720 : index
          %get3A_760 = tpu.vector_load %arg11[%get3A_758, %get3A_759] {strides = array<i32>} : memref<32x768xf32, #tpu.memory_space<vmem>>, vector<1x16xf32>,
          %get3A_761 = vector.shape_cast %get3A_760 : vector<1x16xf32> to vector<16xf32>
          %add3A_762 = arith.addf %get3A_757, %get3A_761 : vector<16xf32>
          %swap3A_763 = arith.index_cast %scan3A_125 : i32 to index
          %swap3A_764 = arith.constant 720 : index
          %swap3A_765 = tpu.vector_load %arg9[%swap3A_763, %swap3A_764] {strides = array<i32>} : memref<32x768xf32, #tpu.memory_space<vmem>>, vector<1x16xf32>,
          %swap3A_766 = vector.shape_cast %swap3A_765 : vector<1x16xf32> to vector<16xf32>
          %swap3A_767 = vector.shape_cast %add3A_762 : vector<16xf32> to vector<1x16xf32>
          tpu.vector_store %arg9[%swap3A_763, %swap3A_764], %swap3A_767 {strides = array<i32>} : memref<32x768xf32, #tpu.memory_space<vmem>>, vector<1x16xf32>,
          %get3A_768 = arith.index_cast %scan3A_125 : i32 to index
          %get3A_769 = arith.constant 736 : index
          %get3A_770 = tpu.vector_load %arg9[%get3A_768, %get3A_769] {strides = array<i32>} : memref<32x768xf32, #tpu.memory_space<vmem>>, vector<1x16xf32>,
          %get3A_771 = vector.shape_cast %get3A_770 : vector<1x16xf32> to vector<16xf32>
          %get3A_772 = arith.index_cast %scan3A_125 : i32 to index
          %get3A_773 = arith.constant 736 : index
          %get3A_774 = tpu.vector_load %arg11[%get3A_772, %get3A_773] {strides = array<i32>} : memref<32x768xf32, #tpu.memory_space<vmem>>, vector<1x16xf32>,
          %get3A_775 = vector.shape_cast %get3A_774 : vector<1x16xf32> to vector<16xf32>
          %add3A_776 = arith.addf %get3A_771, %get3A_775 : vector<16xf32>
          %swap3A_777 = arith.index_cast %scan3A_125 : i32 to index
          %swap3A_778 = arith.constant 736 : index
          %swap3A_779 = tpu.vector_load %arg9[%swap3A_777, %swap3A_778] {strides = array<i32>} : memref<32x768xf32, #tpu.memory_space<vmem>>, vector<1x16xf32>,
          %swap3A_780 = vector.shape_cast %swap3A_779 : vector<1x16xf32> to vector<16xf32>
          %swap3A_781 = vector.shape_cast %add3A_776 : vector<16xf32> to vector<1x16xf32>
          tpu.vector_store %arg9[%swap3A_777, %swap3A_778], %swap3A_781 {strides = array<i32>} : memref<32x768xf32, #tpu.memory_space<vmem>>, vector<1x16xf32>,
          %get3A_782 = arith.index_cast %scan3A_125 : i32 to index
          %get3A_783 = arith.constant 752 : index
          %get3A_784 = tpu.vector_load %arg9[%get3A_782, %get3A_783] {strides = array<i32>} : memref<32x768xf32, #tpu.memory_space<vmem>>, vector<1x16xf32>,
          %get3A_785 = vector.shape_cast %get3A_784 : vector<1x16xf32> to vector<16xf32>
          %get3A_786 = arith.index_cast %scan3A_125 : i32 to index
          %get3A_787 = arith.constant 752 : index
          %get3A_788 = tpu.vector_load %arg11[%get3A_786, %get3A_787] {strides = array<i32>} : memref<32x768xf32, #tpu.memory_space<vmem>>, vector<1x16xf32>,
          %get3A_789 = vector.shape_cast %get3A_788 : vector<1x16xf32> to vector<16xf32>
          %add3A_790 = arith.addf %get3A_785, %get3A_789 : vector<16xf32>
          %swap3A_791 = arith.index_cast %scan3A_125 : i32 to index
          %swap3A_792 = arith.constant 752 : index
          %swap3A_793 = tpu.vector_load %arg9[%swap3A_791, %swap3A_792] {strides = array<i32>} : memref<32x768xf32, #tpu.memory_space<vmem>>, vector<1x16xf32>,
          %swap3A_794 = vector.shape_cast %swap3A_793 : vector<1x16xf32> to vector<16xf32>
          %swap3A_795 = vector.shape_cast %add3A_790 : vector<16xf32> to vector<1x16xf32>
          tpu.vector_store %arg9[%swap3A_791, %swap3A_792], %swap3A_795 {strides = array<i32>} : memref<32x768xf32, #tpu.memory_space<vmem>>, vector<1x16xf32>,
        }
        %scan3A_110 = arith.constant 16 : i32
        %add3A_111 = arith.constant 16 : i32
        %add3A_112 = arith.addi %mul3A_2, %add3A_111 : i32
        %dma_start3A_113 = arith.constant 16 : i32
        %dma_start3A_114 = arith.constant 0 : i32
        %dma_start3A_115 = tpu.memref_slice %arg9[%dma_start3A_113, %dma_start3A_114] : memref<32x768xf32, #tpu.memory_space<vmem>> -> memref<16x768xf32, #tpu.memory_space<vmem>>
        %dma_start3A_116 = arith.constant 0 : i32
        %dma_start3A_117 = tpu.memref_slice %arg6[%scan3A_34, %add3A_112, %dma_start3A_116] : memref<77x1024x768xf32, #tpu.memory_space<hbm>> -> memref<1x16x768xf32, #tpu.memory_space<hbm>>
        %dma_start3A_118 = tpu.memref_squeeze %dma_start3A_117 : memref<1x16x768xf32, #tpu.memory_space<hbm>> -> memref<16x768xf32, #tpu.memory_space<hbm>>
        %dma_start3A_119 = arith.constant 0 : i32
        %dma_start3A_120 = tpu.memref_slice %arg6[%scan3A_34, %add3A_112, %dma_start3A_119] : memref<77x1024x768xf32, #tpu.memory_space<hbm>> -> memref<1x16x768xf32, #tpu.memory_space<hbm>>
        %dma_start3A_121 = tpu.memref_squeeze %dma_start3A_120 : memref<1x16x768xf32, #tpu.memory_space<hbm>> -> memref<16x768xf32, #tpu.memory_space<hbm>>
        %dma_start3A_122 = arith.constant 16 : i32
        %dma_start3A_123 = arith.constant 0 : i32
        %dma_start3A_124 = tpu.memref_slice %arg9[%dma_start3A_122, %dma_start3A_123] : memref<32x768xf32, #tpu.memory_space<vmem>> -> memref<16x768xf32, #tpu.memory_space<vmem>>
        tpu.enqueue_dma source(%dma_start3A_124 : memref<16x768xf32, #tpu.memory_space<vmem>>) target(%dma_start3A_121 : memref<16x768xf32, #tpu.memory_space<hbm>>) target_semaphore(%arg15 : memref<!tpu.dma_semaphore, #tpu.memory_space<semaphore_mem>>)
      } else {
      }
      %jit3A_47 = arith.constant 2 : i32
      %eq3A_48 = arith.constant 0 : i32
      %eq3A_49 = arith.cmpi eq, %jit3A_47, %eq3A_48 : i32
      %jit3A_50 = arith.constant 1 : i32
      %select_n3A_51 = arith.select %eq3A_49, %jit3A_50, %jit3A_47 : i32
      %rem3A_52 = arith.remsi %scan3A_34, %select_n3A_51 : i32
      %ne3A_53 = arith.constant 0 : i32
      %ne3A_54 = arith.cmpi ne, %rem3A_52, %ne3A_53 : i32
      %lt3A_55 = arith.constant 0 : i32
      %lt3A_56 = arith.cmpi slt, %rem3A_52, %lt3A_55 : i32
      %lt3A_57 = arith.constant 0 : i32
      %lt3A_58 = arith.cmpi slt, %select_n3A_51, %lt3A_57 : i32
      %ne3A_59 = arith.xori %lt3A_56, %lt3A_58 : i1
      %and3A_60 = arith.andi %ne3A_59, %ne3A_54 : i1
      %add3A_61 = arith.addi %rem3A_52, %select_n3A_51 : i32
      %select_n3A_62 = arith.select %and3A_60, %add3A_61, %rem3A_52 : i32
      %eq3A_63 = arith.constant 1 : i32
      %eq3A_64 = arith.cmpi eq, %select_n3A_62, %eq3A_63 : i32
      %convert_element_type3A_65 = arith.extui %eq3A_64 : i1 to i32
      %cond3A_66 = arith.constant 0 : i32
      %cond3A_67 = arith.cmpi ne, %convert_element_type3A_65, %cond3A_66 : i32
      scf.if %cond3A_67 {
        %add3A_68 = arith.constant 1 : i32
        %add3A_69 = arith.addi %scan3A_34, %add3A_68 : i32
        %lt3A_70 = arith.constant 77 : i32
        %lt3A_71 = arith.cmpi slt, %add3A_69, %lt3A_70 : i32
        %convert_element_type3A_72 = arith.extui %lt3A_71 : i1 to i32
        %cond3A_73 = arith.constant 0 : i32
        %cond3A_74 = arith.cmpi ne, %convert_element_type3A_72, %cond3A_73 : i32
        scf.if %cond3A_74 {
          %ge3A = arith.constant 1 : i32
          %ge3A_125 = arith.cmpi sge, %scan3A_34, %ge3A : i32
          %convert_element_type3A_126 = arith.extui %ge3A_125 : i1 to i32
          %cond3A_127 = arith.constant 0 : i32
          %cond3A_128 = arith.cmpi ne, %convert_element_type3A_126, %cond3A_127 : i32
          scf.if %cond3A_128 {
            %dma_wait3A_145 = arith.constant 0 : i32
            %dma_wait3A_146 = arith.constant 0 : i32
            %dma_wait3A_147 = tpu.memref_slice %arg6[%dma_wait3A_145, %mul3A_2, %dma_wait3A_146] : memref<77x1024x768xf32, #tpu.memory_space<hbm>> -> memref<1x32x768xf32, #tpu.memory_space<hbm>>
            %dma_wait3A_148 = tpu.memref_squeeze %dma_wait3A_147 : memref<1x32x768xf32, #tpu.memory_space<hbm>> -> memref<32x768xf32, #tpu.memory_space<hbm>>
            %dma_wait3A_149 = arith.constant 0 : i32
            %dma_wait3A_150 = tpu.memref_slice %arg6[%dma_wait3A_145, %mul3A_2, %dma_wait3A_149] : memref<77x1024x768xf32, #tpu.memory_space<hbm>> -> memref<1x32x768xf32, #tpu.memory_space<hbm>>
            %dma_wait3A_151 = tpu.memref_squeeze %dma_wait3A_150 : memref<1x32x768xf32, #tpu.memory_space<hbm>> -> memref<32x768xf32, #tpu.memory_space<hbm>>
            tpu.wait_dma2 semaphore(%arg15 : memref<!tpu.dma_semaphore, #tpu.memory_space<semaphore_mem>>) src(%arg9 : memref<32x768xf32, #tpu.memory_space<vmem>>) dst(%dma_wait3A_151 : memref<32x768xf32, #tpu.memory_space<hbm>>)
          } else {
          }
          %add3A_129 = arith.constant 1 : i32
          %add3A_130 = arith.addi %scan3A_34, %add3A_129 : i32
          %dma_start3A_131 = arith.constant 0 : i32
          %dma_start3A_132 = tpu.memref_slice %arg7[%add3A_130, %dma_start3A_131] : memref<77x32xi32, #tpu.memory_space<vmem>> -> memref<1x32xi32, #tpu.memory_space<vmem>>
          %dma_start3A_133 = tpu.memref_squeeze %dma_start3A_132 : memref<1x32xi32, #tpu.memory_space<vmem>> -> memref<32xi32, #tpu.memory_space<vmem>>
          %dma_start3A_134 = arith.constant 0 : i32
          %dma_start3A_135 = arith.constant 0 : i32
          %dma_start3A_136 = tpu.memref_slice %arg4[%dma_start3A_134, %dma_start3A_135] : memref<49408x768xf32, #tpu.memory_space<hbm>> -> memref<49408x768xf32, #tpu.memory_space<hbm>>
          tpu.enqueue_indirect_dma source(%dma_start3A_136 : memref<49408x768xf32, #tpu.memory_space<hbm>>) target(%arg9 : memref<32x768xf32, #tpu.memory_space<vmem>>) offsets(%dma_start3A_133 : memref<32xi32, #tpu.memory_space<vmem>>) semaphore(%arg13 : memref<!tpu.dma_semaphore, #tpu.memory_space<semaphore_mem>>)
          %add3A_137 = arith.constant 1 : i32
          %add3A_138 = arith.addi %scan3A_34, %add3A_137 : i32
          %dma_start3A_139 = arith.constant 0 : i32
          %dma_start3A_140 = tpu.memref_slice %arg8[%add3A_138, %dma_start3A_139] : memref<77x32xi32, #tpu.memory_space<vmem>> -> memref<1x32xi32, #tpu.memory_space<vmem>>
          %dma_start3A_141 = tpu.memref_squeeze %dma_start3A_140 : memref<1x32xi32, #tpu.memory_space<vmem>> -> memref<32xi32, #tpu.memory_space<vmem>>
          %dma_start3A_142 = arith.constant 0 : i32
          %dma_start3A_143 = arith.constant 0 : i32
          %dma_start3A_144 = tpu.memref_slice %arg5[%dma_start3A_142, %dma_start3A_143] : memref<77x768xf32, #tpu.memory_space<hbm>> -> memref<77x768xf32, #tpu.memory_space<hbm>>
          tpu.enqueue_indirect_dma source(%dma_start3A_144 : memref<77x768xf32, #tpu.memory_space<hbm>>) target(%arg11 : memref<32x768xf32, #tpu.memory_space<vmem>>) offsets(%dma_start3A_141 : memref<32xi32, #tpu.memory_space<vmem>>) semaphore(%arg13 : memref<!tpu.dma_semaphore, #tpu.memory_space<semaphore_mem>>)
        } else {
        }
        %dma_wait3A_75 = arith.constant 0 : i32
        %dma_wait3A_76 = tpu.memref_slice %arg7[%scan3A_34, %dma_wait3A_75] : memref<77x32xi32, #tpu.memory_space<vmem>> -> memref<1x32xi32, #tpu.memory_space<vmem>>
        %dma_wait3A_77 = tpu.memref_squeeze %dma_wait3A_76 : memref<1x32xi32, #tpu.memory_space<vmem>> -> memref<32xi32, #tpu.memory_space<vmem>>
        %dma_wait3A_78 = arith.constant 0 : i32
        %dma_wait3A_79 = arith.constant 0 : i32
        %dma_wait3A_80 = tpu.memref_slice %arg4[%dma_wait3A_78, %dma_wait3A_79] : memref<49408x768xf32, #tpu.memory_space<hbm>> -> memref<49408x768xf32, #tpu.memory_space<hbm>>
        tpu.wait_indirect_dma semaphore(%arg14 : memref<!tpu.dma_semaphore, #tpu.memory_space<semaphore_mem>>) src(%dma_wait3A_80 : memref<49408x768xf32, #tpu.memory_space<hbm>>) dst(%arg10 : memref<32x768xf32, #tpu.memory_space<vmem>>)
        %dma_wait3A_81 = arith.constant 0 : i32
        %dma_wait3A_82 = tpu.memref_slice %arg8[%scan3A_34, %dma_wait3A_81] : memref<77x32xi32, #tpu.memory_space<vmem>> -> memref<1x32xi32, #tpu.memory_space<vmem>>
        %dma_wait3A_83 = tpu.memref_squeeze %dma_wait3A_82 : memref<1x32xi32, #tpu.memory_space<vmem>> -> memref<32xi32, #tpu.memory_space<vmem>>
        %dma_wait3A_84 = arith.constant 0 : i32
        %dma_wait3A_85 = arith.constant 0 : i32
        %dma_wait3A_86 = tpu.memref_slice %arg5[%dma_wait3A_84, %dma_wait3A_85] : memref<77x768xf32, #tpu.memory_space<hbm>> -> memref<77x768xf32, #tpu.memory_space<hbm>>
        tpu.wait_indirect_dma semaphore(%arg14 : memref<!tpu.dma_semaphore, #tpu.memory_space<semaphore_mem>>) src(%dma_wait3A_86 : memref<77x768xf32, #tpu.memory_space<hbm>>) dst(%arg12 : memref<32x768xf32, #tpu.memory_space<vmem>>)
        %scan3A_87 = arith.constant 0 : i32
        %scan3A_88 = arith.constant 0 : i32
        %scan3A_89 = arith.constant 16 : i32
        %scan3A_90 = arith.addi %scan3A_88, %scan3A_89 : i32
        %scan3A_91 = arith.constant 1 : i32
        scf.for %scan3A_125 = %scan3A_88 to %scan3A_90 step %scan3A_91  : i32 {
          %get3A = arith.index_cast %scan3A_125 : i32 to index
          %get3A_126 = arith.constant 0 : index
          %get3A_127 = tpu.vector_load %arg10[%get3A, %get3A_126] {strides = array<i32>} : memref<32x768xf32, #tpu.memory_space<vmem>>, vector<1x16xf32>,
          %get3A_128 = vector.shape_cast %get3A_127 : vector<1x16xf32> to vector<16xf32>
          %get3A_129 = arith.index_cast %scan3A_125 : i32 to index
          %get3A_130 = arith.constant 0 : index
          %get3A_131 = tpu.vector_load %arg12[%get3A_129, %get3A_130] {strides = array<i32>} : memref<32x768xf32, #tpu.memory_space<vmem>>, vector<1x16xf32>,
          %get3A_132 = vector.shape_cast %get3A_131 : vector<1x16xf32> to vector<16xf32>
          %add3A_133 = arith.addf %get3A_128, %get3A_132 : vector<16xf32>
          %swap3A = arith.index_cast %scan3A_125 : i32 to index
          %swap3A_134 = arith.constant 0 : index
          %swap3A_135 = tpu.vector_load %arg10[%swap3A, %swap3A_134] {strides = array<i32>} : memref<32x768xf32, #tpu.memory_space<vmem>>, vector<1x16xf32>,
          %swap3A_136 = vector.shape_cast %swap3A_135 : vector<1x16xf32> to vector<16xf32>
          %swap3A_137 = vector.shape_cast %add3A_133 : vector<16xf32> to vector<1x16xf32>
          tpu.vector_store %arg10[%swap3A, %swap3A_134], %swap3A_137 {strides = array<i32>} : memref<32x768xf32, #tpu.memory_space<vmem>>, vector<1x16xf32>,
          %get3A_138 = arith.index_cast %scan3A_125 : i32 to index
          %get3A_139 = arith.constant 16 : index
          %get3A_140 = tpu.vector_load %arg10[%get3A_138, %get3A_139] {strides = array<i32>} : memref<32x768xf32, #tpu.memory_space<vmem>>, vector<1x16xf32>,
          %get3A_141 = vector.shape_cast %get3A_140 : vector<1x16xf32> to vector<16xf32>
          %get3A_142 = arith.index_cast %scan3A_125 : i32 to index
          %get3A_143 = arith.constant 16 : index
          %get3A_144 = tpu.vector_load %arg12[%get3A_142, %get3A_143] {strides = array<i32>} : memref<32x768xf32, #tpu.memory_space<vmem>>, vector<1x16xf32>,
          %get3A_145 = vector.shape_cast %get3A_144 : vector<1x16xf32> to vector<16xf32>
          %add3A_146 = arith.addf %get3A_141, %get3A_145 : vector<16xf32>
          %swap3A_147 = arith.index_cast %scan3A_125 : i32 to index
          %swap3A_148 = arith.constant 16 : index
          %swap3A_149 = tpu.vector_load %arg10[%swap3A_147, %swap3A_148] {strides = array<i32>} : memref<32x768xf32, #tpu.memory_space<vmem>>, vector<1x16xf32>,
          %swap3A_150 = vector.shape_cast %swap3A_149 : vector<1x16xf32> to vector<16xf32>
          %swap3A_151 = vector.shape_cast %add3A_146 : vector<16xf32> to vector<1x16xf32>
          tpu.vector_store %arg10[%swap3A_147, %swap3A_148], %swap3A_151 {strides = array<i32>} : memref<32x768xf32, #tpu.memory_space<vmem>>, vector<1x16xf32>,
          %get3A_152 = arith.index_cast %scan3A_125 : i32 to index
          %get3A_153 = arith.constant 32 : index
          %get3A_154 = tpu.vector_load %arg10[%get3A_152, %get3A_153] {strides = array<i32>} : memref<32x768xf32, #tpu.memory_space<vmem>>, vector<1x16xf32>,
          %get3A_155 = vector.shape_cast %get3A_154 : vector<1x16xf32> to vector<16xf32>
          %get3A_156 = arith.index_cast %scan3A_125 : i32 to index
          %get3A_157 = arith.constant 32 : index
          %get3A_158 = tpu.vector_load %arg12[%get3A_156, %get3A_157] {strides = array<i32>} : memref<32x768xf32, #tpu.memory_space<vmem>>, vector<1x16xf32>,
          %get3A_159 = vector.shape_cast %get3A_158 : vector<1x16xf32> to vector<16xf32>
          %add3A_160 = arith.addf %get3A_155, %get3A_159 : vector<16xf32>
          %swap3A_161 = arith.index_cast %scan3A_125 : i32 to index
          %swap3A_162 = arith.constant 32 : index
          %swap3A_163 = tpu.vector_load %arg10[%swap3A_161, %swap3A_162] {strides = array<i32>} : memref<32x768xf32, #tpu.memory_space<vmem>>, vector<1x16xf32>,
          %swap3A_164 = vector.shape_cast %swap3A_163 : vector<1x16xf32> to vector<16xf32>
          %swap3A_165 = vector.shape_cast %add3A_160 : vector<16xf32> to vector<1x16xf32>
          tpu.vector_store %arg10[%swap3A_161, %swap3A_162], %swap3A_165 {strides = array<i32>} : memref<32x768xf32, #tpu.memory_space<vmem>>, vector<1x16xf32>,
          %get3A_166 = arith.index_cast %scan3A_125 : i32 to index
          %get3A_167 = arith.constant 48 : index
          %get3A_168 = tpu.vector_load %arg10[%get3A_166, %get3A_167] {strides = array<i32>} : memref<32x768xf32, #tpu.memory_space<vmem>>, vector<1x16xf32>,
          %get3A_169 = vector.shape_cast %get3A_168 : vector<1x16xf32> to vector<16xf32>
          %get3A_170 = arith.index_cast %scan3A_125 : i32 to index
          %get3A_171 = arith.constant 48 : index
          %get3A_172 = tpu.vector_load %arg12[%get3A_170, %get3A_171] {strides = array<i32>} : memref<32x768xf32, #tpu.memory_space<vmem>>, vector<1x16xf32>,
          %get3A_173 = vector.shape_cast %get3A_172 : vector<1x16xf32> to vector<16xf32>
          %add3A_174 = arith.addf %get3A_169, %get3A_173 : vector<16xf32>
          %swap3A_175 = arith.index_cast %scan3A_125 : i32 to index
          %swap3A_176 = arith.constant 48 : index
          %swap3A_177 = tpu.vector_load %arg10[%swap3A_175, %swap3A_176] {strides = array<i32>} : memref<32x768xf32, #tpu.memory_space<vmem>>, vector<1x16xf32>,
          %swap3A_178 = vector.shape_cast %swap3A_177 : vector<1x16xf32> to vector<16xf32>
          %swap3A_179 = vector.shape_cast %add3A_174 : vector<16xf32> to vector<1x16xf32>
          tpu.vector_store %arg10[%swap3A_175, %swap3A_176], %swap3A_179 {strides = array<i32>} : memref<32x768xf32, #tpu.memory_space<vmem>>, vector<1x16xf32>,
          %get3A_180 = arith.index_cast %scan3A_125 : i32 to index
          %get3A_181 = arith.constant 64 : index
          %get3A_182 = tpu.vector_load %arg10[%get3A_180, %get3A_181] {strides = array<i32>} : memref<32x768xf32, #tpu.memory_space<vmem>>, vector<1x16xf32>,
          %get3A_183 = vector.shape_cast %get3A_182 : vector<1x16xf32> to vector<16xf32>
          %get3A_184 = arith.index_cast %scan3A_125 : i32 to index
          %get3A_185 = arith.constant 64 : index
          %get3A_186 = tpu.vector_load %arg12[%get3A_184, %get3A_185] {strides = array<i32>} : memref<32x768xf32, #tpu.memory_space<vmem>>, vector<1x16xf32>,
          %get3A_187 = vector.shape_cast %get3A_186 : vector<1x16xf32> to vector<16xf32>
          %add3A_188 = arith.addf %get3A_183, %get3A_187 : vector<16xf32>
          %swap3A_189 = arith.index_cast %scan3A_125 : i32 to index
          %swap3A_190 = arith.constant 64 : index
          %swap3A_191 = tpu.vector_load %arg10[%swap3A_189, %swap3A_190] {strides = array<i32>} : memref<32x768xf32, #tpu.memory_space<vmem>>, vector<1x16xf32>,
          %swap3A_192 = vector.shape_cast %swap3A_191 : vector<1x16xf32> to vector<16xf32>
          %swap3A_193 = vector.shape_cast %add3A_188 : vector<16xf32> to vector<1x16xf32>
          tpu.vector_store %arg10[%swap3A_189, %swap3A_190], %swap3A_193 {strides = array<i32>} : memref<32x768xf32, #tpu.memory_space<vmem>>, vector<1x16xf32>,
          %get3A_194 = arith.index_cast %scan3A_125 : i32 to index
          %get3A_195 = arith.constant 80 : index
          %get3A_196 = tpu.vector_load %arg10[%get3A_194, %get3A_195] {strides = array<i32>} : memref<32x768xf32, #tpu.memory_space<vmem>>, vector<1x16xf32>,
          %get3A_197 = vector.shape_cast %get3A_196 : vector<1x16xf32> to vector<16xf32>
          %get3A_198 = arith.index_cast %scan3A_125 : i32 to index
          %get3A_199 = arith.constant 80 : index
          %get3A_200 = tpu.vector_load %arg12[%get3A_198, %get3A_199] {strides = array<i32>} : memref<32x768xf32, #tpu.memory_space<vmem>>, vector<1x16xf32>,
          %get3A_201 = vector.shape_cast %get3A_200 : vector<1x16xf32> to vector<16xf32>
          %add3A_202 = arith.addf %get3A_197, %get3A_201 : vector<16xf32>
          %swap3A_203 = arith.index_cast %scan3A_125 : i32 to index
          %swap3A_204 = arith.constant 80 : index
          %swap3A_205 = tpu.vector_load %arg10[%swap3A_203, %swap3A_204] {strides = array<i32>} : memref<32x768xf32, #tpu.memory_space<vmem>>, vector<1x16xf32>,
          %swap3A_206 = vector.shape_cast %swap3A_205 : vector<1x16xf32> to vector<16xf32>
          %swap3A_207 = vector.shape_cast %add3A_202 : vector<16xf32> to vector<1x16xf32>
          tpu.vector_store %arg10[%swap3A_203, %swap3A_204], %swap3A_207 {strides = array<i32>} : memref<32x768xf32, #tpu.memory_space<vmem>>, vector<1x16xf32>,
          %get3A_208 = arith.index_cast %scan3A_125 : i32 to index
          %get3A_209 = arith.constant 96 : index
          %get3A_210 = tpu.vector_load %arg10[%get3A_208, %get3A_209] {strides = array<i32>} : memref<32x768xf32, #tpu.memory_space<vmem>>, vector<1x16xf32>,
          %get3A_211 = vector.shape_cast %get3A_210 : vector<1x16xf32> to vector<16xf32>
          %get3A_212 = arith.index_cast %scan3A_125 : i32 to index
          %get3A_213 = arith.constant 96 : index
          %get3A_214 = tpu.vector_load %arg12[%get3A_212, %get3A_213] {strides = array<i32>} : memref<32x768xf32, #tpu.memory_space<vmem>>, vector<1x16xf32>,
          %get3A_215 = vector.shape_cast %get3A_214 : vector<1x16xf32> to vector<16xf32>
          %add3A_216 = arith.addf %get3A_211, %get3A_215 : vector<16xf32>
          %swap3A_217 = arith.index_cast %scan3A_125 : i32 to index
          %swap3A_218 = arith.constant 96 : index
          %swap3A_219 = tpu.vector_load %arg10[%swap3A_217, %swap3A_218] {strides = array<i32>} : memref<32x768xf32, #tpu.memory_space<vmem>>, vector<1x16xf32>,
          %swap3A_220 = vector.shape_cast %swap3A_219 : vector<1x16xf32> to vector<16xf32>
          %swap3A_221 = vector.shape_cast %add3A_216 : vector<16xf32> to vector<1x16xf32>
          tpu.vector_store %arg10[%swap3A_217, %swap3A_218], %swap3A_221 {strides = array<i32>} : memref<32x768xf32, #tpu.memory_space<vmem>>, vector<1x16xf32>,
          %get3A_222 = arith.index_cast %scan3A_125 : i32 to index
          %get3A_223 = arith.constant 112 : index
          %get3A_224 = tpu.vector_load %arg10[%get3A_222, %get3A_223] {strides = array<i32>} : memref<32x768xf32, #tpu.memory_space<vmem>>, vector<1x16xf32>,
          %get3A_225 = vector.shape_cast %get3A_224 : vector<1x16xf32> to vector<16xf32>
          %get3A_226 = arith.index_cast %scan3A_125 : i32 to index
          %get3A_227 = arith.constant 112 : index
          %get3A_228 = tpu.vector_load %arg12[%get3A_226, %get3A_227] {strides = array<i32>} : memref<32x768xf32, #tpu.memory_space<vmem>>, vector<1x16xf32>,
          %get3A_229 = vector.shape_cast %get3A_228 : vector<1x16xf32> to vector<16xf32>
          %add3A_230 = arith.addf %get3A_225, %get3A_229 : vector<16xf32>
          %swap3A_231 = arith.index_cast %scan3A_125 : i32 to index
          %swap3A_232 = arith.constant 112 : index
          %swap3A_233 = tpu.vector_load %arg10[%swap3A_231, %swap3A_232] {strides = array<i32>} : memref<32x768xf32, #tpu.memory_space<vmem>>, vector<1x16xf32>,
          %swap3A_234 = vector.shape_cast %swap3A_233 : vector<1x16xf32> to vector<16xf32>
          %swap3A_235 = vector.shape_cast %add3A_230 : vector<16xf32> to vector<1x16xf32>
          tpu.vector_store %arg10[%swap3A_231, %swap3A_232], %swap3A_235 {strides = array<i32>} : memref<32x768xf32, #tpu.memory_space<vmem>>, vector<1x16xf32>,
          %get3A_236 = arith.index_cast %scan3A_125 : i32 to index
          %get3A_237 = arith.constant 128 : index
          %get3A_238 = tpu.vector_load %arg10[%get3A_236, %get3A_237] {strides = array<i32>} : memref<32x768xf32, #tpu.memory_space<vmem>>, vector<1x16xf32>,
          %get3A_239 = vector.shape_cast %get3A_238 : vector<1x16xf32> to vector<16xf32>
          %get3A_240 = arith.index_cast %scan3A_125 : i32 to index
          %get3A_241 = arith.constant 128 : index
          %get3A_242 = tpu.vector_load %arg12[%get3A_240, %get3A_241] {strides = array<i32>} : memref<32x768xf32, #tpu.memory_space<vmem>>, vector<1x16xf32>,
          %get3A_243 = vector.shape_cast %get3A_242 : vector<1x16xf32> to vector<16xf32>
          %add3A_244 = arith.addf %get3A_239, %get3A_243 : vector<16xf32>
          %swap3A_245 = arith.index_cast %scan3A_125 : i32 to index
          %swap3A_246 = arith.constant 128 : index
          %swap3A_247 = tpu.vector_load %arg10[%swap3A_245, %swap3A_246] {strides = array<i32>} : memref<32x768xf32, #tpu.memory_space<vmem>>, vector<1x16xf32>,
          %swap3A_248 = vector.shape_cast %swap3A_247 : vector<1x16xf32> to vector<16xf32>
          %swap3A_249 = vector.shape_cast %add3A_244 : vector<16xf32> to vector<1x16xf32>
          tpu.vector_store %arg10[%swap3A_245, %swap3A_246], %swap3A_249 {strides = array<i32>} : memref<32x768xf32, #tpu.memory_space<vmem>>, vector<1x16xf32>,
          %get3A_250 = arith.index_cast %scan3A_125 : i32 to index
          %get3A_251 = arith.constant 144 : index
          %get3A_252 = tpu.vector_load %arg10[%get3A_250, %get3A_251] {strides = array<i32>} : memref<32x768xf32, #tpu.memory_space<vmem>>, vector<1x16xf32>,
          %get3A_253 = vector.shape_cast %get3A_252 : vector<1x16xf32> to vector<16xf32>
          %get3A_254 = arith.index_cast %scan3A_125 : i32 to index
          %get3A_255 = arith.constant 144 : index
          %get3A_256 = tpu.vector_load %arg12[%get3A_254, %get3A_255] {strides = array<i32>} : memref<32x768xf32, #tpu.memory_space<vmem>>, vector<1x16xf32>,
          %get3A_257 = vector.shape_cast %get3A_256 : vector<1x16xf32> to vector<16xf32>
          %add3A_258 = arith.addf %get3A_253, %get3A_257 : vector<16xf32>
          %swap3A_259 = arith.index_cast %scan3A_125 : i32 to index
          %swap3A_260 = arith.constant 144 : index
          %swap3A_261 = tpu.vector_load %arg10[%swap3A_259, %swap3A_260] {strides = array<i32>} : memref<32x768xf32, #tpu.memory_space<vmem>>, vector<1x16xf32>,
          %swap3A_262 = vector.shape_cast %swap3A_261 : vector<1x16xf32> to vector<16xf32>
          %swap3A_263 = vector.shape_cast %add3A_258 : vector<16xf32> to vector<1x16xf32>
          tpu.vector_store %arg10[%swap3A_259, %swap3A_260], %swap3A_263 {strides = array<i32>} : memref<32x768xf32, #tpu.memory_space<vmem>>, vector<1x16xf32>,
          %get3A_264 = arith.index_cast %scan3A_125 : i32 to index
          %get3A_265 = arith.constant 160 : index
          %get3A_266 = tpu.vector_load %arg10[%get3A_264, %get3A_265] {strides = array<i32>} : memref<32x768xf32, #tpu.memory_space<vmem>>, vector<1x16xf32>,
          %get3A_267 = vector.shape_cast %get3A_266 : vector<1x16xf32> to vector<16xf32>
          %get3A_268 = arith.index_cast %scan3A_125 : i32 to index
          %get3A_269 = arith.constant 160 : index
          %get3A_270 = tpu.vector_load %arg12[%get3A_268, %get3A_269] {strides = array<i32>} : memref<32x768xf32, #tpu.memory_space<vmem>>, vector<1x16xf32>,
          %get3A_271 = vector.shape_cast %get3A_270 : vector<1x16xf32> to vector<16xf32>
          %add3A_272 = arith.addf %get3A_267, %get3A_271 : vector<16xf32>
          %swap3A_273 = arith.index_cast %scan3A_125 : i32 to index
          %swap3A_274 = arith.constant 160 : index
          %swap3A_275 = tpu.vector_load %arg10[%swap3A_273, %swap3A_274] {strides = array<i32>} : memref<32x768xf32, #tpu.memory_space<vmem>>, vector<1x16xf32>,
          %swap3A_276 = vector.shape_cast %swap3A_275 : vector<1x16xf32> to vector<16xf32>
          %swap3A_277 = vector.shape_cast %add3A_272 : vector<16xf32> to vector<1x16xf32>
          tpu.vector_store %arg10[%swap3A_273, %swap3A_274], %swap3A_277 {strides = array<i32>} : memref<32x768xf32, #tpu.memory_space<vmem>>, vector<1x16xf32>,
          %get3A_278 = arith.index_cast %scan3A_125 : i32 to index
          %get3A_279 = arith.constant 176 : index
          %get3A_280 = tpu.vector_load %arg10[%get3A_278, %get3A_279] {strides = array<i32>} : memref<32x768xf32, #tpu.memory_space<vmem>>, vector<1x16xf32>,
          %get3A_281 = vector.shape_cast %get3A_280 : vector<1x16xf32> to vector<16xf32>
          %get3A_282 = arith.index_cast %scan3A_125 : i32 to index
          %get3A_283 = arith.constant 176 : index
          %get3A_284 = tpu.vector_load %arg12[%get3A_282, %get3A_283] {strides = array<i32>} : memref<32x768xf32, #tpu.memory_space<vmem>>, vector<1x16xf32>,
          %get3A_285 = vector.shape_cast %get3A_284 : vector<1x16xf32> to vector<16xf32>
          %add3A_286 = arith.addf %get3A_281, %get3A_285 : vector<16xf32>
          %swap3A_287 = arith.index_cast %scan3A_125 : i32 to index
          %swap3A_288 = arith.constant 176 : index
          %swap3A_289 = tpu.vector_load %arg10[%swap3A_287, %swap3A_288] {strides = array<i32>} : memref<32x768xf32, #tpu.memory_space<vmem>>, vector<1x16xf32>,
          %swap3A_290 = vector.shape_cast %swap3A_289 : vector<1x16xf32> to vector<16xf32>
          %swap3A_291 = vector.shape_cast %add3A_286 : vector<16xf32> to vector<1x16xf32>
          tpu.vector_store %arg10[%swap3A_287, %swap3A_288], %swap3A_291 {strides = array<i32>} : memref<32x768xf32, #tpu.memory_space<vmem>>, vector<1x16xf32>,
          %get3A_292 = arith.index_cast %scan3A_125 : i32 to index
          %get3A_293 = arith.constant 192 : index
          %get3A_294 = tpu.vector_load %arg10[%get3A_292, %get3A_293] {strides = array<i32>} : memref<32x768xf32, #tpu.memory_space<vmem>>, vector<1x16xf32>,
          %get3A_295 = vector.shape_cast %get3A_294 : vector<1x16xf32> to vector<16xf32>
          %get3A_296 = arith.index_cast %scan3A_125 : i32 to index
          %get3A_297 = arith.constant 192 : index
          %get3A_298 = tpu.vector_load %arg12[%get3A_296, %get3A_297] {strides = array<i32>} : memref<32x768xf32, #tpu.memory_space<vmem>>, vector<1x16xf32>,
          %get3A_299 = vector.shape_cast %get3A_298 : vector<1x16xf32> to vector<16xf32>
          %add3A_300 = arith.addf %get3A_295, %get3A_299 : vector<16xf32>
          %swap3A_301 = arith.index_cast %scan3A_125 : i32 to index
          %swap3A_302 = arith.constant 192 : index
          %swap3A_303 = tpu.vector_load %arg10[%swap3A_301, %swap3A_302] {strides = array<i32>} : memref<32x768xf32, #tpu.memory_space<vmem>>, vector<1x16xf32>,
          %swap3A_304 = vector.shape_cast %swap3A_303 : vector<1x16xf32> to vector<16xf32>
          %swap3A_305 = vector.shape_cast %add3A_300 : vector<16xf32> to vector<1x16xf32>
          tpu.vector_store %arg10[%swap3A_301, %swap3A_302], %swap3A_305 {strides = array<i32>} : memref<32x768xf32, #tpu.memory_space<vmem>>, vector<1x16xf32>,
          %get3A_306 = arith.index_cast %scan3A_125 : i32 to index
          %get3A_307 = arith.constant 208 : index
          %get3A_308 = tpu.vector_load %arg10[%get3A_306, %get3A_307] {strides = array<i32>} : memref<32x768xf32, #tpu.memory_space<vmem>>, vector<1x16xf32>,
          %get3A_309 = vector.shape_cast %get3A_308 : vector<1x16xf32> to vector<16xf32>
          %get3A_310 = arith.index_cast %scan3A_125 : i32 to index
          %get3A_311 = arith.constant 208 : index
          %get3A_312 = tpu.vector_load %arg12[%get3A_310, %get3A_311] {strides = array<i32>} : memref<32x768xf32, #tpu.memory_space<vmem>>, vector<1x16xf32>,
          %get3A_313 = vector.shape_cast %get3A_312 : vector<1x16xf32> to vector<16xf32>
          %add3A_314 = arith.addf %get3A_309, %get3A_313 : vector<16xf32>
          %swap3A_315 = arith.index_cast %scan3A_125 : i32 to index
          %swap3A_316 = arith.constant 208 : index
          %swap3A_317 = tpu.vector_load %arg10[%swap3A_315, %swap3A_316] {strides = array<i32>} : memref<32x768xf32, #tpu.memory_space<vmem>>, vector<1x16xf32>,
          %swap3A_318 = vector.shape_cast %swap3A_317 : vector<1x16xf32> to vector<16xf32>
          %swap3A_319 = vector.shape_cast %add3A_314 : vector<16xf32> to vector<1x16xf32>
          tpu.vector_store %arg10[%swap3A_315, %swap3A_316], %swap3A_319 {strides = array<i32>} : memref<32x768xf32, #tpu.memory_space<vmem>>, vector<1x16xf32>,
          %get3A_320 = arith.index_cast %scan3A_125 : i32 to index
          %get3A_321 = arith.constant 224 : index
          %get3A_322 = tpu.vector_load %arg10[%get3A_320, %get3A_321] {strides = array<i32>} : memref<32x768xf32, #tpu.memory_space<vmem>>, vector<1x16xf32>,
          %get3A_323 = vector.shape_cast %get3A_322 : vector<1x16xf32> to vector<16xf32>
          %get3A_324 = arith.index_cast %scan3A_125 : i32 to index
          %get3A_325 = arith.constant 224 : index
          %get3A_326 = tpu.vector_load %arg12[%get3A_324, %get3A_325] {strides = array<i32>} : memref<32x768xf32, #tpu.memory_space<vmem>>, vector<1x16xf32>,
          %get3A_327 = vector.shape_cast %get3A_326 : vector<1x16xf32> to vector<16xf32>
          %add3A_328 = arith.addf %get3A_323, %get3A_327 : vector<16xf32>
          %swap3A_329 = arith.index_cast %scan3A_125 : i32 to index
          %swap3A_330 = arith.constant 224 : index
          %swap3A_331 = tpu.vector_load %arg10[%swap3A_329, %swap3A_330] {strides = array<i32>} : memref<32x768xf32, #tpu.memory_space<vmem>>, vector<1x16xf32>,
          %swap3A_332 = vector.shape_cast %swap3A_331 : vector<1x16xf32> to vector<16xf32>
          %swap3A_333 = vector.shape_cast %add3A_328 : vector<16xf32> to vector<1x16xf32>
          tpu.vector_store %arg10[%swap3A_329, %swap3A_330], %swap3A_333 {strides = array<i32>} : memref<32x768xf32, #tpu.memory_space<vmem>>, vector<1x16xf32>,
          %get3A_334 = arith.index_cast %scan3A_125 : i32 to index
          %get3A_335 = arith.constant 240 : index
          %get3A_336 = tpu.vector_load %arg10[%get3A_334, %get3A_335] {strides = array<i32>} : memref<32x768xf32, #tpu.memory_space<vmem>>, vector<1x16xf32>,
          %get3A_337 = vector.shape_cast %get3A_336 : vector<1x16xf32> to vector<16xf32>
          %get3A_338 = arith.index_cast %scan3A_125 : i32 to index
          %get3A_339 = arith.constant 240 : index
          %get3A_340 = tpu.vector_load %arg12[%get3A_338, %get3A_339] {strides = array<i32>} : memref<32x768xf32, #tpu.memory_space<vmem>>, vector<1x16xf32>,
          %get3A_341 = vector.shape_cast %get3A_340 : vector<1x16xf32> to vector<16xf32>
          %add3A_342 = arith.addf %get3A_337, %get3A_341 : vector<16xf32>
          %swap3A_343 = arith.index_cast %scan3A_125 : i32 to index
          %swap3A_344 = arith.constant 240 : index
          %swap3A_345 = tpu.vector_load %arg10[%swap3A_343, %swap3A_344] {strides = array<i32>} : memref<32x768xf32, #tpu.memory_space<vmem>>, vector<1x16xf32>,
          %swap3A_346 = vector.shape_cast %swap3A_345 : vector<1x16xf32> to vector<16xf32>
          %swap3A_347 = vector.shape_cast %add3A_342 : vector<16xf32> to vector<1x16xf32>
          tpu.vector_store %arg10[%swap3A_343, %swap3A_344], %swap3A_347 {strides = array<i32>} : memref<32x768xf32, #tpu.memory_space<vmem>>, vector<1x16xf32>,
          %get3A_348 = arith.index_cast %scan3A_125 : i32 to index
          %get3A_349 = arith.constant 256 : index
          %get3A_350 = tpu.vector_load %arg10[%get3A_348, %get3A_349] {strides = array<i32>} : memref<32x768xf32, #tpu.memory_space<vmem>>, vector<1x16xf32>,
          %get3A_351 = vector.shape_cast %get3A_350 : vector<1x16xf32> to vector<16xf32>
          %get3A_352 = arith.index_cast %scan3A_125 : i32 to index
          %get3A_353 = arith.constant 256 : index
          %get3A_354 = tpu.vector_load %arg12[%get3A_352, %get3A_353] {strides = array<i32>} : memref<32x768xf32, #tpu.memory_space<vmem>>, vector<1x16xf32>,
          %get3A_355 = vector.shape_cast %get3A_354 : vector<1x16xf32> to vector<16xf32>
          %add3A_356 = arith.addf %get3A_351, %get3A_355 : vector<16xf32>
          %swap3A_357 = arith.index_cast %scan3A_125 : i32 to index
          %swap3A_358 = arith.constant 256 : index
          %swap3A_359 = tpu.vector_load %arg10[%swap3A_357, %swap3A_358] {strides = array<i32>} : memref<32x768xf32, #tpu.memory_space<vmem>>, vector<1x16xf32>,
          %swap3A_360 = vector.shape_cast %swap3A_359 : vector<1x16xf32> to vector<16xf32>
          %swap3A_361 = vector.shape_cast %add3A_356 : vector<16xf32> to vector<1x16xf32>
          tpu.vector_store %arg10[%swap3A_357, %swap3A_358], %swap3A_361 {strides = array<i32>} : memref<32x768xf32, #tpu.memory_space<vmem>>, vector<1x16xf32>,
          %get3A_362 = arith.index_cast %scan3A_125 : i32 to index
          %get3A_363 = arith.constant 272 : index
          %get3A_364 = tpu.vector_load %arg10[%get3A_362, %get3A_363] {strides = array<i32>} : memref<32x768xf32, #tpu.memory_space<vmem>>, vector<1x16xf32>,
          %get3A_365 = vector.shape_cast %get3A_364 : vector<1x16xf32> to vector<16xf32>
          %get3A_366 = arith.index_cast %scan3A_125 : i32 to index
          %get3A_367 = arith.constant 272 : index
          %get3A_368 = tpu.vector_load %arg12[%get3A_366, %get3A_367] {strides = array<i32>} : memref<32x768xf32, #tpu.memory_space<vmem>>, vector<1x16xf32>,
          %get3A_369 = vector.shape_cast %get3A_368 : vector<1x16xf32> to vector<16xf32>
          %add3A_370 = arith.addf %get3A_365, %get3A_369 : vector<16xf32>
          %swap3A_371 = arith.index_cast %scan3A_125 : i32 to index
          %swap3A_372 = arith.constant 272 : index
          %swap3A_373 = tpu.vector_load %arg10[%swap3A_371, %swap3A_372] {strides = array<i32>} : memref<32x768xf32, #tpu.memory_space<vmem>>, vector<1x16xf32>,
          %swap3A_374 = vector.shape_cast %swap3A_373 : vector<1x16xf32> to vector<16xf32>
          %swap3A_375 = vector.shape_cast %add3A_370 : vector<16xf32> to vector<1x16xf32>
          tpu.vector_store %arg10[%swap3A_371, %swap3A_372], %swap3A_375 {strides = array<i32>} : memref<32x768xf32, #tpu.memory_space<vmem>>, vector<1x16xf32>,
          %get3A_376 = arith.index_cast %scan3A_125 : i32 to index
          %get3A_377 = arith.constant 288 : index
          %get3A_378 = tpu.vector_load %arg10[%get3A_376, %get3A_377] {strides = array<i32>} : memref<32x768xf32, #tpu.memory_space<vmem>>, vector<1x16xf32>,
          %get3A_379 = vector.shape_cast %get3A_378 : vector<1x16xf32> to vector<16xf32>
          %get3A_380 = arith.index_cast %scan3A_125 : i32 to index
          %get3A_381 = arith.constant 288 : index
          %get3A_382 = tpu.vector_load %arg12[%get3A_380, %get3A_381] {strides = array<i32>} : memref<32x768xf32, #tpu.memory_space<vmem>>, vector<1x16xf32>,
          %get3A_383 = vector.shape_cast %get3A_382 : vector<1x16xf32> to vector<16xf32>
          %add3A_384 = arith.addf %get3A_379, %get3A_383 : vector<16xf32>
          %swap3A_385 = arith.index_cast %scan3A_125 : i32 to index
          %swap3A_386 = arith.constant 288 : index
          %swap3A_387 = tpu.vector_load %arg10[%swap3A_385, %swap3A_386] {strides = array<i32>} : memref<32x768xf32, #tpu.memory_space<vmem>>, vector<1x16xf32>,
          %swap3A_388 = vector.shape_cast %swap3A_387 : vector<1x16xf32> to vector<16xf32>
          %swap3A_389 = vector.shape_cast %add3A_384 : vector<16xf32> to vector<1x16xf32>
          tpu.vector_store %arg10[%swap3A_385, %swap3A_386], %swap3A_389 {strides = array<i32>} : memref<32x768xf32, #tpu.memory_space<vmem>>, vector<1x16xf32>,
          %get3A_390 = arith.index_cast %scan3A_125 : i32 to index
          %get3A_391 = arith.constant 304 : index
          %get3A_392 = tpu.vector_load %arg10[%get3A_390, %get3A_391] {strides = array<i32>} : memref<32x768xf32, #tpu.memory_space<vmem>>, vector<1x16xf32>,
          %get3A_393 = vector.shape_cast %get3A_392 : vector<1x16xf32> to vector<16xf32>
          %get3A_394 = arith.index_cast %scan3A_125 : i32 to index
          %get3A_395 = arith.constant 304 : index
          %get3A_396 = tpu.vector_load %arg12[%get3A_394, %get3A_395] {strides = array<i32>} : memref<32x768xf32, #tpu.memory_space<vmem>>, vector<1x16xf32>,
          %get3A_397 = vector.shape_cast %get3A_396 : vector<1x16xf32> to vector<16xf32>
          %add3A_398 = arith.addf %get3A_393, %get3A_397 : vector<16xf32>
          %swap3A_399 = arith.index_cast %scan3A_125 : i32 to index
          %swap3A_400 = arith.constant 304 : index
          %swap3A_401 = tpu.vector_load %arg10[%swap3A_399, %swap3A_400] {strides = array<i32>} : memref<32x768xf32, #tpu.memory_space<vmem>>, vector<1x16xf32>,
          %swap3A_402 = vector.shape_cast %swap3A_401 : vector<1x16xf32> to vector<16xf32>
          %swap3A_403 = vector.shape_cast %add3A_398 : vector<16xf32> to vector<1x16xf32>
          tpu.vector_store %arg10[%swap3A_399, %swap3A_400], %swap3A_403 {strides = array<i32>} : memref<32x768xf32, #tpu.memory_space<vmem>>, vector<1x16xf32>,
          %get3A_404 = arith.index_cast %scan3A_125 : i32 to index
          %get3A_405 = arith.constant 320 : index
          %get3A_406 = tpu.vector_load %arg10[%get3A_404, %get3A_405] {strides = array<i32>} : memref<32x768xf32, #tpu.memory_space<vmem>>, vector<1x16xf32>,
          %get3A_407 = vector.shape_cast %get3A_406 : vector<1x16xf32> to vector<16xf32>
          %get3A_408 = arith.index_cast %scan3A_125 : i32 to index
          %get3A_409 = arith.constant 320 : index
          %get3A_410 = tpu.vector_load %arg12[%get3A_408, %get3A_409] {strides = array<i32>} : memref<32x768xf32, #tpu.memory_space<vmem>>, vector<1x16xf32>,
          %get3A_411 = vector.shape_cast %get3A_410 : vector<1x16xf32> to vector<16xf32>
          %add3A_412 = arith.addf %get3A_407, %get3A_411 : vector<16xf32>
          %swap3A_413 = arith.index_cast %scan3A_125 : i32 to index
          %swap3A_414 = arith.constant 320 : index
          %swap3A_415 = tpu.vector_load %arg10[%swap3A_413, %swap3A_414] {strides = array<i32>} : memref<32x768xf32, #tpu.memory_space<vmem>>, vector<1x16xf32>,
          %swap3A_416 = vector.shape_cast %swap3A_415 : vector<1x16xf32> to vector<16xf32>
          %swap3A_417 = vector.shape_cast %add3A_412 : vector<16xf32> to vector<1x16xf32>
          tpu.vector_store %arg10[%swap3A_413, %swap3A_414], %swap3A_417 {strides = array<i32>} : memref<32x768xf32, #tpu.memory_space<vmem>>, vector<1x16xf32>,
          %get3A_418 = arith.index_cast %scan3A_125 : i32 to index
          %get3A_419 = arith.constant 336 : index
          %get3A_420 = tpu.vector_load %arg10[%get3A_418, %get3A_419] {strides = array<i32>} : memref<32x768xf32, #tpu.memory_space<vmem>>, vector<1x16xf32>,
          %get3A_421 = vector.shape_cast %get3A_420 : vector<1x16xf32> to vector<16xf32>
          %get3A_422 = arith.index_cast %scan3A_125 : i32 to index
          %get3A_423 = arith.constant 336 : index
          %get3A_424 = tpu.vector_load %arg12[%get3A_422, %get3A_423] {strides = array<i32>} : memref<32x768xf32, #tpu.memory_space<vmem>>, vector<1x16xf32>,
          %get3A_425 = vector.shape_cast %get3A_424 : vector<1x16xf32> to vector<16xf32>
          %add3A_426 = arith.addf %get3A_421, %get3A_425 : vector<16xf32>
          %swap3A_427 = arith.index_cast %scan3A_125 : i32 to index
          %swap3A_428 = arith.constant 336 : index
          %swap3A_429 = tpu.vector_load %arg10[%swap3A_427, %swap3A_428] {strides = array<i32>} : memref<32x768xf32, #tpu.memory_space<vmem>>, vector<1x16xf32>,
          %swap3A_430 = vector.shape_cast %swap3A_429 : vector<1x16xf32> to vector<16xf32>
          %swap3A_431 = vector.shape_cast %add3A_426 : vector<16xf32> to vector<1x16xf32>
          tpu.vector_store %arg10[%swap3A_427, %swap3A_428], %swap3A_431 {strides = array<i32>} : memref<32x768xf32, #tpu.memory_space<vmem>>, vector<1x16xf32>,
          %get3A_432 = arith.index_cast %scan3A_125 : i32 to index
          %get3A_433 = arith.constant 352 : index
          %get3A_434 = tpu.vector_load %arg10[%get3A_432, %get3A_433] {strides = array<i32>} : memref<32x768xf32, #tpu.memory_space<vmem>>, vector<1x16xf32>,
          %get3A_435 = vector.shape_cast %get3A_434 : vector<1x16xf32> to vector<16xf32>
          %get3A_436 = arith.index_cast %scan3A_125 : i32 to index
          %get3A_437 = arith.constant 352 : index
          %get3A_438 = tpu.vector_load %arg12[%get3A_436, %get3A_437] {strides = array<i32>} : memref<32x768xf32, #tpu.memory_space<vmem>>, vector<1x16xf32>,
          %get3A_439 = vector.shape_cast %get3A_438 : vector<1x16xf32> to vector<16xf32>
          %add3A_440 = arith.addf %get3A_435, %get3A_439 : vector<16xf32>
          %swap3A_441 = arith.index_cast %scan3A_125 : i32 to index
          %swap3A_442 = arith.constant 352 : index
          %swap3A_443 = tpu.vector_load %arg10[%swap3A_441, %swap3A_442] {strides = array<i32>} : memref<32x768xf32, #tpu.memory_space<vmem>>, vector<1x16xf32>,
          %swap3A_444 = vector.shape_cast %swap3A_443 : vector<1x16xf32> to vector<16xf32>
          %swap3A_445 = vector.shape_cast %add3A_440 : vector<16xf32> to vector<1x16xf32>
          tpu.vector_store %arg10[%swap3A_441, %swap3A_442], %swap3A_445 {strides = array<i32>} : memref<32x768xf32, #tpu.memory_space<vmem>>, vector<1x16xf32>,
          %get3A_446 = arith.index_cast %scan3A_125 : i32 to index
          %get3A_447 = arith.constant 368 : index
          %get3A_448 = tpu.vector_load %arg10[%get3A_446, %get3A_447] {strides = array<i32>} : memref<32x768xf32, #tpu.memory_space<vmem>>, vector<1x16xf32>,
          %get3A_449 = vector.shape_cast %get3A_448 : vector<1x16xf32> to vector<16xf32>
          %get3A_450 = arith.index_cast %scan3A_125 : i32 to index
          %get3A_451 = arith.constant 368 : index
          %get3A_452 = tpu.vector_load %arg12[%get3A_450, %get3A_451] {strides = array<i32>} : memref<32x768xf32, #tpu.memory_space<vmem>>, vector<1x16xf32>,
          %get3A_453 = vector.shape_cast %get3A_452 : vector<1x16xf32> to vector<16xf32>
          %add3A_454 = arith.addf %get3A_449, %get3A_453 : vector<16xf32>
          %swap3A_455 = arith.index_cast %scan3A_125 : i32 to index
          %swap3A_456 = arith.constant 368 : index
          %swap3A_457 = tpu.vector_load %arg10[%swap3A_455, %swap3A_456] {strides = array<i32>} : memref<32x768xf32, #tpu.memory_space<vmem>>, vector<1x16xf32>,
          %swap3A_458 = vector.shape_cast %swap3A_457 : vector<1x16xf32> to vector<16xf32>
          %swap3A_459 = vector.shape_cast %add3A_454 : vector<16xf32> to vector<1x16xf32>
          tpu.vector_store %arg10[%swap3A_455, %swap3A_456], %swap3A_459 {strides = array<i32>} : memref<32x768xf32, #tpu.memory_space<vmem>>, vector<1x16xf32>,
          %get3A_460 = arith.index_cast %scan3A_125 : i32 to index
          %get3A_461 = arith.constant 384 : index
          %get3A_462 = tpu.vector_load %arg10[%get3A_460, %get3A_461] {strides = array<i32>} : memref<32x768xf32, #tpu.memory_space<vmem>>, vector<1x16xf32>,
          %get3A_463 = vector.shape_cast %get3A_462 : vector<1x16xf32> to vector<16xf32>
          %get3A_464 = arith.index_cast %scan3A_125 : i32 to index
          %get3A_465 = arith.constant 384 : index
          %get3A_466 = tpu.vector_load %arg12[%get3A_464, %get3A_465] {strides = array<i32>} : memref<32x768xf32, #tpu.memory_space<vmem>>, vector<1x16xf32>,
          %get3A_467 = vector.shape_cast %get3A_466 : vector<1x16xf32> to vector<16xf32>
          %add3A_468 = arith.addf %get3A_463, %get3A_467 : vector<16xf32>
          %swap3A_469 = arith.index_cast %scan3A_125 : i32 to index
          %swap3A_470 = arith.constant 384 : index
          %swap3A_471 = tpu.vector_load %arg10[%swap3A_469, %swap3A_470] {strides = array<i32>} : memref<32x768xf32, #tpu.memory_space<vmem>>, vector<1x16xf32>,
          %swap3A_472 = vector.shape_cast %swap3A_471 : vector<1x16xf32> to vector<16xf32>
          %swap3A_473 = vector.shape_cast %add3A_468 : vector<16xf32> to vector<1x16xf32>
          tpu.vector_store %arg10[%swap3A_469, %swap3A_470], %swap3A_473 {strides = array<i32>} : memref<32x768xf32, #tpu.memory_space<vmem>>, vector<1x16xf32>,
          %get3A_474 = arith.index_cast %scan3A_125 : i32 to index
          %get3A_475 = arith.constant 400 : index
          %get3A_476 = tpu.vector_load %arg10[%get3A_474, %get3A_475] {strides = array<i32>} : memref<32x768xf32, #tpu.memory_space<vmem>>, vector<1x16xf32>,
          %get3A_477 = vector.shape_cast %get3A_476 : vector<1x16xf32> to vector<16xf32>
          %get3A_478 = arith.index_cast %scan3A_125 : i32 to index
          %get3A_479 = arith.constant 400 : index
          %get3A_480 = tpu.vector_load %arg12[%get3A_478, %get3A_479] {strides = array<i32>} : memref<32x768xf32, #tpu.memory_space<vmem>>, vector<1x16xf32>,
          %get3A_481 = vector.shape_cast %get3A_480 : vector<1x16xf32> to vector<16xf32>
          %add3A_482 = arith.addf %get3A_477, %get3A_481 : vector<16xf32>
          %swap3A_483 = arith.index_cast %scan3A_125 : i32 to index
          %swap3A_484 = arith.constant 400 : index
          %swap3A_485 = tpu.vector_load %arg10[%swap3A_483, %swap3A_484] {strides = array<i32>} : memref<32x768xf32, #tpu.memory_space<vmem>>, vector<1x16xf32>,
          %swap3A_486 = vector.shape_cast %swap3A_485 : vector<1x16xf32> to vector<16xf32>
          %swap3A_487 = vector.shape_cast %add3A_482 : vector<16xf32> to vector<1x16xf32>
          tpu.vector_store %arg10[%swap3A_483, %swap3A_484], %swap3A_487 {strides = array<i32>} : memref<32x768xf32, #tpu.memory_space<vmem>>, vector<1x16xf32>,
          %get3A_488 = arith.index_cast %scan3A_125 : i32 to index
          %get3A_489 = arith.constant 416 : index
          %get3A_490 = tpu.vector_load %arg10[%get3A_488, %get3A_489] {strides = array<i32>} : memref<32x768xf32, #tpu.memory_space<vmem>>, vector<1x16xf32>,
          %get3A_491 = vector.shape_cast %get3A_490 : vector<1x16xf32> to vector<16xf32>
          %get3A_492 = arith.index_cast %scan3A_125 : i32 to index
          %get3A_493 = arith.constant 416 : index
          %get3A_494 = tpu.vector_load %arg12[%get3A_492, %get3A_493] {strides = array<i32>} : memref<32x768xf32, #tpu.memory_space<vmem>>, vector<1x16xf32>,
          %get3A_495 = vector.shape_cast %get3A_494 : vector<1x16xf32> to vector<16xf32>
          %add3A_496 = arith.addf %get3A_491, %get3A_495 : vector<16xf32>
          %swap3A_497 = arith.index_cast %scan3A_125 : i32 to index
          %swap3A_498 = arith.constant 416 : index
          %swap3A_499 = tpu.vector_load %arg10[%swap3A_497, %swap3A_498] {strides = array<i32>} : memref<32x768xf32, #tpu.memory_space<vmem>>, vector<1x16xf32>,
          %swap3A_500 = vector.shape_cast %swap3A_499 : vector<1x16xf32> to vector<16xf32>
          %swap3A_501 = vector.shape_cast %add3A_496 : vector<16xf32> to vector<1x16xf32>
          tpu.vector_store %arg10[%swap3A_497, %swap3A_498], %swap3A_501 {strides = array<i32>} : memref<32x768xf32, #tpu.memory_space<vmem>>, vector<1x16xf32>,
          %get3A_502 = arith.index_cast %scan3A_125 : i32 to index
          %get3A_503 = arith.constant 432 : index
          %get3A_504 = tpu.vector_load %arg10[%get3A_502, %get3A_503] {strides = array<i32>} : memref<32x768xf32, #tpu.memory_space<vmem>>, vector<1x16xf32>,
          %get3A_505 = vector.shape_cast %get3A_504 : vector<1x16xf32> to vector<16xf32>
          %get3A_506 = arith.index_cast %scan3A_125 : i32 to index
          %get3A_507 = arith.constant 432 : index
          %get3A_508 = tpu.vector_load %arg12[%get3A_506, %get3A_507] {strides = array<i32>} : memref<32x768xf32, #tpu.memory_space<vmem>>, vector<1x16xf32>,
          %get3A_509 = vector.shape_cast %get3A_508 : vector<1x16xf32> to vector<16xf32>
          %add3A_510 = arith.addf %get3A_505, %get3A_509 : vector<16xf32>
          %swap3A_511 = arith.index_cast %scan3A_125 : i32 to index
          %swap3A_512 = arith.constant 432 : index
          %swap3A_513 = tpu.vector_load %arg10[%swap3A_511, %swap3A_512] {strides = array<i32>} : memref<32x768xf32, #tpu.memory_space<vmem>>, vector<1x16xf32>,
          %swap3A_514 = vector.shape_cast %swap3A_513 : vector<1x16xf32> to vector<16xf32>
          %swap3A_515 = vector.shape_cast %add3A_510 : vector<16xf32> to vector<1x16xf32>
          tpu.vector_store %arg10[%swap3A_511, %swap3A_512], %swap3A_515 {strides = array<i32>} : memref<32x768xf32, #tpu.memory_space<vmem>>, vector<1x16xf32>,
          %get3A_516 = arith.index_cast %scan3A_125 : i32 to index
          %get3A_517 = arith.constant 448 : index
          %get3A_518 = tpu.vector_load %arg10[%get3A_516, %get3A_517] {strides = array<i32>} : memref<32x768xf32, #tpu.memory_space<vmem>>, vector<1x16xf32>,
          %get3A_519 = vector.shape_cast %get3A_518 : vector<1x16xf32> to vector<16xf32>
          %get3A_520 = arith.index_cast %scan3A_125 : i32 to index
          %get3A_521 = arith.constant 448 : index
          %get3A_522 = tpu.vector_load %arg12[%get3A_520, %get3A_521] {strides = array<i32>} : memref<32x768xf32, #tpu.memory_space<vmem>>, vector<1x16xf32>,
          %get3A_523 = vector.shape_cast %get3A_522 : vector<1x16xf32> to vector<16xf32>
          %add3A_524 = arith.addf %get3A_519, %get3A_523 : vector<16xf32>
          %swap3A_525 = arith.index_cast %scan3A_125 : i32 to index
          %swap3A_526 = arith.constant 448 : index
          %swap3A_527 = tpu.vector_load %arg10[%swap3A_525, %swap3A_526] {strides = array<i32>} : memref<32x768xf32, #tpu.memory_space<vmem>>, vector<1x16xf32>,
          %swap3A_528 = vector.shape_cast %swap3A_527 : vector<1x16xf32> to vector<16xf32>
          %swap3A_529 = vector.shape_cast %add3A_524 : vector<16xf32> to vector<1x16xf32>
          tpu.vector_store %arg10[%swap3A_525, %swap3A_526], %swap3A_529 {strides = array<i32>} : memref<32x768xf32, #tpu.memory_space<vmem>>, vector<1x16xf32>,
          %get3A_530 = arith.index_cast %scan3A_125 : i32 to index
          %get3A_531 = arith.constant 464 : index
          %get3A_532 = tpu.vector_load %arg10[%get3A_530, %get3A_531] {strides = array<i32>} : memref<32x768xf32, #tpu.memory_space<vmem>>, vector<1x16xf32>,
          %get3A_533 = vector.shape_cast %get3A_532 : vector<1x16xf32> to vector<16xf32>
          %get3A_534 = arith.index_cast %scan3A_125 : i32 to index
          %get3A_535 = arith.constant 464 : index
          %get3A_536 = tpu.vector_load %arg12[%get3A_534, %get3A_535] {strides = array<i32>} : memref<32x768xf32, #tpu.memory_space<vmem>>, vector<1x16xf32>,
          %get3A_537 = vector.shape_cast %get3A_536 : vector<1x16xf32> to vector<16xf32>
          %add3A_538 = arith.addf %get3A_533, %get3A_537 : vector<16xf32>
          %swap3A_539 = arith.index_cast %scan3A_125 : i32 to index
          %swap3A_540 = arith.constant 464 : index
          %swap3A_541 = tpu.vector_load %arg10[%swap3A_539, %swap3A_540] {strides = array<i32>} : memref<32x768xf32, #tpu.memory_space<vmem>>, vector<1x16xf32>,
          %swap3A_542 = vector.shape_cast %swap3A_541 : vector<1x16xf32> to vector<16xf32>
          %swap3A_543 = vector.shape_cast %add3A_538 : vector<16xf32> to vector<1x16xf32>
          tpu.vector_store %arg10[%swap3A_539, %swap3A_540], %swap3A_543 {strides = array<i32>} : memref<32x768xf32, #tpu.memory_space<vmem>>, vector<1x16xf32>,
          %get3A_544 = arith.index_cast %scan3A_125 : i32 to index
          %get3A_545 = arith.constant 480 : index
          %get3A_546 = tpu.vector_load %arg10[%get3A_544, %get3A_545] {strides = array<i32>} : memref<32x768xf32, #tpu.memory_space<vmem>>, vector<1x16xf32>,
          %get3A_547 = vector.shape_cast %get3A_546 : vector<1x16xf32> to vector<16xf32>
          %get3A_548 = arith.index_cast %scan3A_125 : i32 to index
          %get3A_549 = arith.constant 480 : index
          %get3A_550 = tpu.vector_load %arg12[%get3A_548, %get3A_549] {strides = array<i32>} : memref<32x768xf32, #tpu.memory_space<vmem>>, vector<1x16xf32>,
          %get3A_551 = vector.shape_cast %get3A_550 : vector<1x16xf32> to vector<16xf32>
          %add3A_552 = arith.addf %get3A_547, %get3A_551 : vector<16xf32>
          %swap3A_553 = arith.index_cast %scan3A_125 : i32 to index
          %swap3A_554 = arith.constant 480 : index
          %swap3A_555 = tpu.vector_load %arg10[%swap3A_553, %swap3A_554] {strides = array<i32>} : memref<32x768xf32, #tpu.memory_space<vmem>>, vector<1x16xf32>,
          %swap3A_556 = vector.shape_cast %swap3A_555 : vector<1x16xf32> to vector<16xf32>
          %swap3A_557 = vector.shape_cast %add3A_552 : vector<16xf32> to vector<1x16xf32>
          tpu.vector_store %arg10[%swap3A_553, %swap3A_554], %swap3A_557 {strides = array<i32>} : memref<32x768xf32, #tpu.memory_space<vmem>>, vector<1x16xf32>,
          %get3A_558 = arith.index_cast %scan3A_125 : i32 to index
          %get3A_559 = arith.constant 496 : index
          %get3A_560 = tpu.vector_load %arg10[%get3A_558, %get3A_559] {strides = array<i32>} : memref<32x768xf32, #tpu.memory_space<vmem>>, vector<1x16xf32>,
          %get3A_561 = vector.shape_cast %get3A_560 : vector<1x16xf32> to vector<16xf32>
          %get3A_562 = arith.index_cast %scan3A_125 : i32 to index
          %get3A_563 = arith.constant 496 : index
          %get3A_564 = tpu.vector_load %arg12[%get3A_562, %get3A_563] {strides = array<i32>} : memref<32x768xf32, #tpu.memory_space<vmem>>, vector<1x16xf32>,
          %get3A_565 = vector.shape_cast %get3A_564 : vector<1x16xf32> to vector<16xf32>
          %add3A_566 = arith.addf %get3A_561, %get3A_565 : vector<16xf32>
          %swap3A_567 = arith.index_cast %scan3A_125 : i32 to index
          %swap3A_568 = arith.constant 496 : index
          %swap3A_569 = tpu.vector_load %arg10[%swap3A_567, %swap3A_568] {strides = array<i32>} : memref<32x768xf32, #tpu.memory_space<vmem>>, vector<1x16xf32>,
          %swap3A_570 = vector.shape_cast %swap3A_569 : vector<1x16xf32> to vector<16xf32>
          %swap3A_571 = vector.shape_cast %add3A_566 : vector<16xf32> to vector<1x16xf32>
          tpu.vector_store %arg10[%swap3A_567, %swap3A_568], %swap3A_571 {strides = array<i32>} : memref<32x768xf32, #tpu.memory_space<vmem>>, vector<1x16xf32>,
          %get3A_572 = arith.index_cast %scan3A_125 : i32 to index
          %get3A_573 = arith.constant 512 : index
          %get3A_574 = tpu.vector_load %arg10[%get3A_572, %get3A_573] {strides = array<i32>} : memref<32x768xf32, #tpu.memory_space<vmem>>, vector<1x16xf32>,
          %get3A_575 = vector.shape_cast %get3A_574 : vector<1x16xf32> to vector<16xf32>
          %get3A_576 = arith.index_cast %scan3A_125 : i32 to index
          %get3A_577 = arith.constant 512 : index
          %get3A_578 = tpu.vector_load %arg12[%get3A_576, %get3A_577] {strides = array<i32>} : memref<32x768xf32, #tpu.memory_space<vmem>>, vector<1x16xf32>,
          %get3A_579 = vector.shape_cast %get3A_578 : vector<1x16xf32> to vector<16xf32>
          %add3A_580 = arith.addf %get3A_575, %get3A_579 : vector<16xf32>
          %swap3A_581 = arith.index_cast %scan3A_125 : i32 to index
          %swap3A_582 = arith.constant 512 : index
          %swap3A_583 = tpu.vector_load %arg10[%swap3A_581, %swap3A_582] {strides = array<i32>} : memref<32x768xf32, #tpu.memory_space<vmem>>, vector<1x16xf32>,
          %swap3A_584 = vector.shape_cast %swap3A_583 : vector<1x16xf32> to vector<16xf32>
          %swap3A_585 = vector.shape_cast %add3A_580 : vector<16xf32> to vector<1x16xf32>
          tpu.vector_store %arg10[%swap3A_581, %swap3A_582], %swap3A_585 {strides = array<i32>} : memref<32x768xf32, #tpu.memory_space<vmem>>, vector<1x16xf32>,
          %get3A_586 = arith.index_cast %scan3A_125 : i32 to index
          %get3A_587 = arith.constant 528 : index
          %get3A_588 = tpu.vector_load %arg10[%get3A_586, %get3A_587] {strides = array<i32>} : memref<32x768xf32, #tpu.memory_space<vmem>>, vector<1x16xf32>,
          %get3A_589 = vector.shape_cast %get3A_588 : vector<1x16xf32> to vector<16xf32>
          %get3A_590 = arith.index_cast %scan3A_125 : i32 to index
          %get3A_591 = arith.constant 528 : index
          %get3A_592 = tpu.vector_load %arg12[%get3A_590, %get3A_591] {strides = array<i32>} : memref<32x768xf32, #tpu.memory_space<vmem>>, vector<1x16xf32>,
          %get3A_593 = vector.shape_cast %get3A_592 : vector<1x16xf32> to vector<16xf32>
          %add3A_594 = arith.addf %get3A_589, %get3A_593 : vector<16xf32>
          %swap3A_595 = arith.index_cast %scan3A_125 : i32 to index
          %swap3A_596 = arith.constant 528 : index
          %swap3A_597 = tpu.vector_load %arg10[%swap3A_595, %swap3A_596] {strides = array<i32>} : memref<32x768xf32, #tpu.memory_space<vmem>>, vector<1x16xf32>,
          %swap3A_598 = vector.shape_cast %swap3A_597 : vector<1x16xf32> to vector<16xf32>
          %swap3A_599 = vector.shape_cast %add3A_594 : vector<16xf32> to vector<1x16xf32>
          tpu.vector_store %arg10[%swap3A_595, %swap3A_596], %swap3A_599 {strides = array<i32>} : memref<32x768xf32, #tpu.memory_space<vmem>>, vector<1x16xf32>,
          %get3A_600 = arith.index_cast %scan3A_125 : i32 to index
          %get3A_601 = arith.constant 544 : index
          %get3A_602 = tpu.vector_load %arg10[%get3A_600, %get3A_601] {strides = array<i32>} : memref<32x768xf32, #tpu.memory_space<vmem>>, vector<1x16xf32>,
          %get3A_603 = vector.shape_cast %get3A_602 : vector<1x16xf32> to vector<16xf32>
          %get3A_604 = arith.index_cast %scan3A_125 : i32 to index
          %get3A_605 = arith.constant 544 : index
          %get3A_606 = tpu.vector_load %arg12[%get3A_604, %get3A_605] {strides = array<i32>} : memref<32x768xf32, #tpu.memory_space<vmem>>, vector<1x16xf32>,
          %get3A_607 = vector.shape_cast %get3A_606 : vector<1x16xf32> to vector<16xf32>
          %add3A_608 = arith.addf %get3A_603, %get3A_607 : vector<16xf32>
          %swap3A_609 = arith.index_cast %scan3A_125 : i32 to index
          %swap3A_610 = arith.constant 544 : index
          %swap3A_611 = tpu.vector_load %arg10[%swap3A_609, %swap3A_610] {strides = array<i32>} : memref<32x768xf32, #tpu.memory_space<vmem>>, vector<1x16xf32>,
          %swap3A_612 = vector.shape_cast %swap3A_611 : vector<1x16xf32> to vector<16xf32>
          %swap3A_613 = vector.shape_cast %add3A_608 : vector<16xf32> to vector<1x16xf32>
          tpu.vector_store %arg10[%swap3A_609, %swap3A_610], %swap3A_613 {strides = array<i32>} : memref<32x768xf32, #tpu.memory_space<vmem>>, vector<1x16xf32>,
          %get3A_614 = arith.index_cast %scan3A_125 : i32 to index
          %get3A_615 = arith.constant 560 : index
          %get3A_616 = tpu.vector_load %arg10[%get3A_614, %get3A_615] {strides = array<i32>} : memref<32x768xf32, #tpu.memory_space<vmem>>, vector<1x16xf32>,
          %get3A_617 = vector.shape_cast %get3A_616 : vector<1x16xf32> to vector<16xf32>
          %get3A_618 = arith.index_cast %scan3A_125 : i32 to index
          %get3A_619 = arith.constant 560 : index
          %get3A_620 = tpu.vector_load %arg12[%get3A_618, %get3A_619] {strides = array<i32>} : memref<32x768xf32, #tpu.memory_space<vmem>>, vector<1x16xf32>,
          %get3A_621 = vector.shape_cast %get3A_620 : vector<1x16xf32> to vector<16xf32>
          %add3A_622 = arith.addf %get3A_617, %get3A_621 : vector<16xf32>
          %swap3A_623 = arith.index_cast %scan3A_125 : i32 to index
          %swap3A_624 = arith.constant 560 : index
          %swap3A_625 = tpu.vector_load %arg10[%swap3A_623, %swap3A_624] {strides = array<i32>} : memref<32x768xf32, #tpu.memory_space<vmem>>, vector<1x16xf32>,
          %swap3A_626 = vector.shape_cast %swap3A_625 : vector<1x16xf32> to vector<16xf32>
          %swap3A_627 = vector.shape_cast %add3A_622 : vector<16xf32> to vector<1x16xf32>
          tpu.vector_store %arg10[%swap3A_623, %swap3A_624], %swap3A_627 {strides = array<i32>} : memref<32x768xf32, #tpu.memory_space<vmem>>, vector<1x16xf32>,
          %get3A_628 = arith.index_cast %scan3A_125 : i32 to index
          %get3A_629 = arith.constant 576 : index
          %get3A_630 = tpu.vector_load %arg10[%get3A_628, %get3A_629] {strides = array<i32>} : memref<32x768xf32, #tpu.memory_space<vmem>>, vector<1x16xf32>,
          %get3A_631 = vector.shape_cast %get3A_630 : vector<1x16xf32> to vector<16xf32>
          %get3A_632 = arith.index_cast %scan3A_125 : i32 to index
          %get3A_633 = arith.constant 576 : index
          %get3A_634 = tpu.vector_load %arg12[%get3A_632, %get3A_633] {strides = array<i32>} : memref<32x768xf32, #tpu.memory_space<vmem>>, vector<1x16xf32>,
          %get3A_635 = vector.shape_cast %get3A_634 : vector<1x16xf32> to vector<16xf32>
          %add3A_636 = arith.addf %get3A_631, %get3A_635 : vector<16xf32>
          %swap3A_637 = arith.index_cast %scan3A_125 : i32 to index
          %swap3A_638 = arith.constant 576 : index
          %swap3A_639 = tpu.vector_load %arg10[%swap3A_637, %swap3A_638] {strides = array<i32>} : memref<32x768xf32, #tpu.memory_space<vmem>>, vector<1x16xf32>,
          %swap3A_640 = vector.shape_cast %swap3A_639 : vector<1x16xf32> to vector<16xf32>
          %swap3A_641 = vector.shape_cast %add3A_636 : vector<16xf32> to vector<1x16xf32>
          tpu.vector_store %arg10[%swap3A_637, %swap3A_638], %swap3A_641 {strides = array<i32>} : memref<32x768xf32, #tpu.memory_space<vmem>>, vector<1x16xf32>,
          %get3A_642 = arith.index_cast %scan3A_125 : i32 to index
          %get3A_643 = arith.constant 592 : index
          %get3A_644 = tpu.vector_load %arg10[%get3A_642, %get3A_643] {strides = array<i32>} : memref<32x768xf32, #tpu.memory_space<vmem>>, vector<1x16xf32>,
          %get3A_645 = vector.shape_cast %get3A_644 : vector<1x16xf32> to vector<16xf32>
          %get3A_646 = arith.index_cast %scan3A_125 : i32 to index
          %get3A_647 = arith.constant 592 : index
          %get3A_648 = tpu.vector_load %arg12[%get3A_646, %get3A_647] {strides = array<i32>} : memref<32x768xf32, #tpu.memory_space<vmem>>, vector<1x16xf32>,
          %get3A_649 = vector.shape_cast %get3A_648 : vector<1x16xf32> to vector<16xf32>
          %add3A_650 = arith.addf %get3A_645, %get3A_649 : vector<16xf32>
          %swap3A_651 = arith.index_cast %scan3A_125 : i32 to index
          %swap3A_652 = arith.constant 592 : index
          %swap3A_653 = tpu.vector_load %arg10[%swap3A_651, %swap3A_652] {strides = array<i32>} : memref<32x768xf32, #tpu.memory_space<vmem>>, vector<1x16xf32>,
          %swap3A_654 = vector.shape_cast %swap3A_653 : vector<1x16xf32> to vector<16xf32>
          %swap3A_655 = vector.shape_cast %add3A_650 : vector<16xf32> to vector<1x16xf32>
          tpu.vector_store %arg10[%swap3A_651, %swap3A_652], %swap3A_655 {strides = array<i32>} : memref<32x768xf32, #tpu.memory_space<vmem>>, vector<1x16xf32>,
          %get3A_656 = arith.index_cast %scan3A_125 : i32 to index
          %get3A_657 = arith.constant 608 : index
          %get3A_658 = tpu.vector_load %arg10[%get3A_656, %get3A_657] {strides = array<i32>} : memref<32x768xf32, #tpu.memory_space<vmem>>, vector<1x16xf32>,
          %get3A_659 = vector.shape_cast %get3A_658 : vector<1x16xf32> to vector<16xf32>
          %get3A_660 = arith.index_cast %scan3A_125 : i32 to index
          %get3A_661 = arith.constant 608 : index
          %get3A_662 = tpu.vector_load %arg12[%get3A_660, %get3A_661] {strides = array<i32>} : memref<32x768xf32, #tpu.memory_space<vmem>>, vector<1x16xf32>,
          %get3A_663 = vector.shape_cast %get3A_662 : vector<1x16xf32> to vector<16xf32>
          %add3A_664 = arith.addf %get3A_659, %get3A_663 : vector<16xf32>
          %swap3A_665 = arith.index_cast %scan3A_125 : i32 to index
          %swap3A_666 = arith.constant 608 : index
          %swap3A_667 = tpu.vector_load %arg10[%swap3A_665, %swap3A_666] {strides = array<i32>} : memref<32x768xf32, #tpu.memory_space<vmem>>, vector<1x16xf32>,
          %swap3A_668 = vector.shape_cast %swap3A_667 : vector<1x16xf32> to vector<16xf32>
          %swap3A_669 = vector.shape_cast %add3A_664 : vector<16xf32> to vector<1x16xf32>
          tpu.vector_store %arg10[%swap3A_665, %swap3A_666], %swap3A_669 {strides = array<i32>} : memref<32x768xf32, #tpu.memory_space<vmem>>, vector<1x16xf32>,
          %get3A_670 = arith.index_cast %scan3A_125 : i32 to index
          %get3A_671 = arith.constant 624 : index
          %get3A_672 = tpu.vector_load %arg10[%get3A_670, %get3A_671] {strides = array<i32>} : memref<32x768xf32, #tpu.memory_space<vmem>>, vector<1x16xf32>,
          %get3A_673 = vector.shape_cast %get3A_672 : vector<1x16xf32> to vector<16xf32>
          %get3A_674 = arith.index_cast %scan3A_125 : i32 to index
          %get3A_675 = arith.constant 624 : index
          %get3A_676 = tpu.vector_load %arg12[%get3A_674, %get3A_675] {strides = array<i32>} : memref<32x768xf32, #tpu.memory_space<vmem>>, vector<1x16xf32>,
          %get3A_677 = vector.shape_cast %get3A_676 : vector<1x16xf32> to vector<16xf32>
          %add3A_678 = arith.addf %get3A_673, %get3A_677 : vector<16xf32>
          %swap3A_679 = arith.index_cast %scan3A_125 : i32 to index
          %swap3A_680 = arith.constant 624 : index
          %swap3A_681 = tpu.vector_load %arg10[%swap3A_679, %swap3A_680] {strides = array<i32>} : memref<32x768xf32, #tpu.memory_space<vmem>>, vector<1x16xf32>,
          %swap3A_682 = vector.shape_cast %swap3A_681 : vector<1x16xf32> to vector<16xf32>
          %swap3A_683 = vector.shape_cast %add3A_678 : vector<16xf32> to vector<1x16xf32>
          tpu.vector_store %arg10[%swap3A_679, %swap3A_680], %swap3A_683 {strides = array<i32>} : memref<32x768xf32, #tpu.memory_space<vmem>>, vector<1x16xf32>,
          %get3A_684 = arith.index_cast %scan3A_125 : i32 to index
          %get3A_685 = arith.constant 640 : index
          %get3A_686 = tpu.vector_load %arg10[%get3A_684, %get3A_685] {strides = array<i32>} : memref<32x768xf32, #tpu.memory_space<vmem>>, vector<1x16xf32>,
          %get3A_687 = vector.shape_cast %get3A_686 : vector<1x16xf32> to vector<16xf32>
          %get3A_688 = arith.index_cast %scan3A_125 : i32 to index
          %get3A_689 = arith.constant 640 : index
          %get3A_690 = tpu.vector_load %arg12[%get3A_688, %get3A_689] {strides = array<i32>} : memref<32x768xf32, #tpu.memory_space<vmem>>, vector<1x16xf32>,
          %get3A_691 = vector.shape_cast %get3A_690 : vector<1x16xf32> to vector<16xf32>
          %add3A_692 = arith.addf %get3A_687, %get3A_691 : vector<16xf32>
          %swap3A_693 = arith.index_cast %scan3A_125 : i32 to index
          %swap3A_694 = arith.constant 640 : index
          %swap3A_695 = tpu.vector_load %arg10[%swap3A_693, %swap3A_694] {strides = array<i32>} : memref<32x768xf32, #tpu.memory_space<vmem>>, vector<1x16xf32>,
          %swap3A_696 = vector.shape_cast %swap3A_695 : vector<1x16xf32> to vector<16xf32>
          %swap3A_697 = vector.shape_cast %add3A_692 : vector<16xf32> to vector<1x16xf32>
          tpu.vector_store %arg10[%swap3A_693, %swap3A_694], %swap3A_697 {strides = array<i32>} : memref<32x768xf32, #tpu.memory_space<vmem>>, vector<1x16xf32>,
          %get3A_698 = arith.index_cast %scan3A_125 : i32 to index
          %get3A_699 = arith.constant 656 : index
          %get3A_700 = tpu.vector_load %arg10[%get3A_698, %get3A_699] {strides = array<i32>} : memref<32x768xf32, #tpu.memory_space<vmem>>, vector<1x16xf32>,
          %get3A_701 = vector.shape_cast %get3A_700 : vector<1x16xf32> to vector<16xf32>
          %get3A_702 = arith.index_cast %scan3A_125 : i32 to index
          %get3A_703 = arith.constant 656 : index
          %get3A_704 = tpu.vector_load %arg12[%get3A_702, %get3A_703] {strides = array<i32>} : memref<32x768xf32, #tpu.memory_space<vmem>>, vector<1x16xf32>,
          %get3A_705 = vector.shape_cast %get3A_704 : vector<1x16xf32> to vector<16xf32>
          %add3A_706 = arith.addf %get3A_701, %get3A_705 : vector<16xf32>
          %swap3A_707 = arith.index_cast %scan3A_125 : i32 to index
          %swap3A_708 = arith.constant 656 : index
          %swap3A_709 = tpu.vector_load %arg10[%swap3A_707, %swap3A_708] {strides = array<i32>} : memref<32x768xf32, #tpu.memory_space<vmem>>, vector<1x16xf32>,
          %swap3A_710 = vector.shape_cast %swap3A_709 : vector<1x16xf32> to vector<16xf32>
          %swap3A_711 = vector.shape_cast %add3A_706 : vector<16xf32> to vector<1x16xf32>
          tpu.vector_store %arg10[%swap3A_707, %swap3A_708], %swap3A_711 {strides = array<i32>} : memref<32x768xf32, #tpu.memory_space<vmem>>, vector<1x16xf32>,
          %get3A_712 = arith.index_cast %scan3A_125 : i32 to index
          %get3A_713 = arith.constant 672 : index
          %get3A_714 = tpu.vector_load %arg10[%get3A_712, %get3A_713] {strides = array<i32>} : memref<32x768xf32, #tpu.memory_space<vmem>>, vector<1x16xf32>,
          %get3A_715 = vector.shape_cast %get3A_714 : vector<1x16xf32> to vector<16xf32>
          %get3A_716 = arith.index_cast %scan3A_125 : i32 to index
          %get3A_717 = arith.constant 672 : index
          %get3A_718 = tpu.vector_load %arg12[%get3A_716, %get3A_717] {strides = array<i32>} : memref<32x768xf32, #tpu.memory_space<vmem>>, vector<1x16xf32>,
          %get3A_719 = vector.shape_cast %get3A_718 : vector<1x16xf32> to vector<16xf32>
          %add3A_720 = arith.addf %get3A_715, %get3A_719 : vector<16xf32>
          %swap3A_721 = arith.index_cast %scan3A_125 : i32 to index
          %swap3A_722 = arith.constant 672 : index
          %swap3A_723 = tpu.vector_load %arg10[%swap3A_721, %swap3A_722] {strides = array<i32>} : memref<32x768xf32, #tpu.memory_space<vmem>>, vector<1x16xf32>,
          %swap3A_724 = vector.shape_cast %swap3A_723 : vector<1x16xf32> to vector<16xf32>
          %swap3A_725 = vector.shape_cast %add3A_720 : vector<16xf32> to vector<1x16xf32>
          tpu.vector_store %arg10[%swap3A_721, %swap3A_722], %swap3A_725 {strides = array<i32>} : memref<32x768xf32, #tpu.memory_space<vmem>>, vector<1x16xf32>,
          %get3A_726 = arith.index_cast %scan3A_125 : i32 to index
          %get3A_727 = arith.constant 688 : index
          %get3A_728 = tpu.vector_load %arg10[%get3A_726, %get3A_727] {strides = array<i32>} : memref<32x768xf32, #tpu.memory_space<vmem>>, vector<1x16xf32>,
          %get3A_729 = vector.shape_cast %get3A_728 : vector<1x16xf32> to vector<16xf32>
          %get3A_730 = arith.index_cast %scan3A_125 : i32 to index
          %get3A_731 = arith.constant 688 : index
          %get3A_732 = tpu.vector_load %arg12[%get3A_730, %get3A_731] {strides = array<i32>} : memref<32x768xf32, #tpu.memory_space<vmem>>, vector<1x16xf32>,
          %get3A_733 = vector.shape_cast %get3A_732 : vector<1x16xf32> to vector<16xf32>
          %add3A_734 = arith.addf %get3A_729, %get3A_733 : vector<16xf32>
          %swap3A_735 = arith.index_cast %scan3A_125 : i32 to index
          %swap3A_736 = arith.constant 688 : index
          %swap3A_737 = tpu.vector_load %arg10[%swap3A_735, %swap3A_736] {strides = array<i32>} : memref<32x768xf32, #tpu.memory_space<vmem>>, vector<1x16xf32>,
          %swap3A_738 = vector.shape_cast %swap3A_737 : vector<1x16xf32> to vector<16xf32>
          %swap3A_739 = vector.shape_cast %add3A_734 : vector<16xf32> to vector<1x16xf32>
          tpu.vector_store %arg10[%swap3A_735, %swap3A_736], %swap3A_739 {strides = array<i32>} : memref<32x768xf32, #tpu.memory_space<vmem>>, vector<1x16xf32>,
          %get3A_740 = arith.index_cast %scan3A_125 : i32 to index
          %get3A_741 = arith.constant 704 : index
          %get3A_742 = tpu.vector_load %arg10[%get3A_740, %get3A_741] {strides = array<i32>} : memref<32x768xf32, #tpu.memory_space<vmem>>, vector<1x16xf32>,
          %get3A_743 = vector.shape_cast %get3A_742 : vector<1x16xf32> to vector<16xf32>
          %get3A_744 = arith.index_cast %scan3A_125 : i32 to index
          %get3A_745 = arith.constant 704 : index
          %get3A_746 = tpu.vector_load %arg12[%get3A_744, %get3A_745] {strides = array<i32>} : memref<32x768xf32, #tpu.memory_space<vmem>>, vector<1x16xf32>,
          %get3A_747 = vector.shape_cast %get3A_746 : vector<1x16xf32> to vector<16xf32>
          %add3A_748 = arith.addf %get3A_743, %get3A_747 : vector<16xf32>
          %swap3A_749 = arith.index_cast %scan3A_125 : i32 to index
          %swap3A_750 = arith.constant 704 : index
          %swap3A_751 = tpu.vector_load %arg10[%swap3A_749, %swap3A_750] {strides = array<i32>} : memref<32x768xf32, #tpu.memory_space<vmem>>, vector<1x16xf32>,
          %swap3A_752 = vector.shape_cast %swap3A_751 : vector<1x16xf32> to vector<16xf32>
          %swap3A_753 = vector.shape_cast %add3A_748 : vector<16xf32> to vector<1x16xf32>
          tpu.vector_store %arg10[%swap3A_749, %swap3A_750], %swap3A_753 {strides = array<i32>} : memref<32x768xf32, #tpu.memory_space<vmem>>, vector<1x16xf32>,
          %get3A_754 = arith.index_cast %scan3A_125 : i32 to index
          %get3A_755 = arith.constant 720 : index
          %get3A_756 = tpu.vector_load %arg10[%get3A_754, %get3A_755] {strides = array<i32>} : memref<32x768xf32, #tpu.memory_space<vmem>>, vector<1x16xf32>,
          %get3A_757 = vector.shape_cast %get3A_756 : vector<1x16xf32> to vector<16xf32>
          %get3A_758 = arith.index_cast %scan3A_125 : i32 to index
          %get3A_759 = arith.constant 720 : index
          %get3A_760 = tpu.vector_load %arg12[%get3A_758, %get3A_759] {strides = array<i32>} : memref<32x768xf32, #tpu.memory_space<vmem>>, vector<1x16xf32>,
          %get3A_761 = vector.shape_cast %get3A_760 : vector<1x16xf32> to vector<16xf32>
          %add3A_762 = arith.addf %get3A_757, %get3A_761 : vector<16xf32>
          %swap3A_763 = arith.index_cast %scan3A_125 : i32 to index
          %swap3A_764 = arith.constant 720 : index
          %swap3A_765 = tpu.vector_load %arg10[%swap3A_763, %swap3A_764] {strides = array<i32>} : memref<32x768xf32, #tpu.memory_space<vmem>>, vector<1x16xf32>,
          %swap3A_766 = vector.shape_cast %swap3A_765 : vector<1x16xf32> to vector<16xf32>
          %swap3A_767 = vector.shape_cast %add3A_762 : vector<16xf32> to vector<1x16xf32>
          tpu.vector_store %arg10[%swap3A_763, %swap3A_764], %swap3A_767 {strides = array<i32>} : memref<32x768xf32, #tpu.memory_space<vmem>>, vector<1x16xf32>,
          %get3A_768 = arith.index_cast %scan3A_125 : i32 to index
          %get3A_769 = arith.constant 736 : index
          %get3A_770 = tpu.vector_load %arg10[%get3A_768, %get3A_769] {strides = array<i32>} : memref<32x768xf32, #tpu.memory_space<vmem>>, vector<1x16xf32>,
          %get3A_771 = vector.shape_cast %get3A_770 : vector<1x16xf32> to vector<16xf32>
          %get3A_772 = arith.index_cast %scan3A_125 : i32 to index
          %get3A_773 = arith.constant 736 : index
          %get3A_774 = tpu.vector_load %arg12[%get3A_772, %get3A_773] {strides = array<i32>} : memref<32x768xf32, #tpu.memory_space<vmem>>, vector<1x16xf32>,
          %get3A_775 = vector.shape_cast %get3A_774 : vector<1x16xf32> to vector<16xf32>
          %add3A_776 = arith.addf %get3A_771, %get3A_775 : vector<16xf32>
          %swap3A_777 = arith.index_cast %scan3A_125 : i32 to index
          %swap3A_778 = arith.constant 736 : index
          %swap3A_779 = tpu.vector_load %arg10[%swap3A_777, %swap3A_778] {strides = array<i32>} : memref<32x768xf32, #tpu.memory_space<vmem>>, vector<1x16xf32>,
          %swap3A_780 = vector.shape_cast %swap3A_779 : vector<1x16xf32> to vector<16xf32>
          %swap3A_781 = vector.shape_cast %add3A_776 : vector<16xf32> to vector<1x16xf32>
          tpu.vector_store %arg10[%swap3A_777, %swap3A_778], %swap3A_781 {strides = array<i32>} : memref<32x768xf32, #tpu.memory_space<vmem>>, vector<1x16xf32>,
          %get3A_782 = arith.index_cast %scan3A_125 : i32 to index
          %get3A_783 = arith.constant 752 : index
          %get3A_784 = tpu.vector_load %arg10[%get3A_782, %get3A_783] {strides = array<i32>} : memref<32x768xf32, #tpu.memory_space<vmem>>, vector<1x16xf32>,
          %get3A_785 = vector.shape_cast %get3A_784 : vector<1x16xf32> to vector<16xf32>
          %get3A_786 = arith.index_cast %scan3A_125 : i32 to index
          %get3A_787 = arith.constant 752 : index
          %get3A_788 = tpu.vector_load %arg12[%get3A_786, %get3A_787] {strides = array<i32>} : memref<32x768xf32, #tpu.memory_space<vmem>>, vector<1x16xf32>,
          %get3A_789 = vector.shape_cast %get3A_788 : vector<1x16xf32> to vector<16xf32>
          %add3A_790 = arith.addf %get3A_785, %get3A_789 : vector<16xf32>
          %swap3A_791 = arith.index_cast %scan3A_125 : i32 to index
          %swap3A_792 = arith.constant 752 : index
          %swap3A_793 = tpu.vector_load %arg10[%swap3A_791, %swap3A_792] {strides = array<i32>} : memref<32x768xf32, #tpu.memory_space<vmem>>, vector<1x16xf32>,
          %swap3A_794 = vector.shape_cast %swap3A_793 : vector<1x16xf32> to vector<16xf32>
          %swap3A_795 = vector.shape_cast %add3A_790 : vector<16xf32> to vector<1x16xf32>
          tpu.vector_store %arg10[%swap3A_791, %swap3A_792], %swap3A_795 {strides = array<i32>} : memref<32x768xf32, #tpu.memory_space<vmem>>, vector<1x16xf32>,
        }
        %scan3A_92 = arith.constant 16 : i32
        %dma_start3A_93 = arith.constant 0 : i32
        %dma_start3A_94 = arith.constant 0 : i32
        %dma_start3A_95 = tpu.memref_slice %arg10[%dma_start3A_93, %dma_start3A_94] : memref<32x768xf32, #tpu.memory_space<vmem>> -> memref<16x768xf32, #tpu.memory_space<vmem>>
        %dma_start3A_96 = arith.constant 0 : i32
        %dma_start3A_97 = tpu.memref_slice %arg6[%scan3A_34, %mul3A_2, %dma_start3A_96] : memref<77x1024x768xf32, #tpu.memory_space<hbm>> -> memref<1x16x768xf32, #tpu.memory_space<hbm>>
        %dma_start3A_98 = tpu.memref_squeeze %dma_start3A_97 : memref<1x16x768xf32, #tpu.memory_space<hbm>> -> memref<16x768xf32, #tpu.memory_space<hbm>>
        %dma_start3A_99 = arith.constant 0 : i32
        %dma_start3A_100 = tpu.memref_slice %arg6[%scan3A_34, %mul3A_2, %dma_start3A_99] : memref<77x1024x768xf32, #tpu.memory_space<hbm>> -> memref<1x16x768xf32, #tpu.memory_space<hbm>>
        %dma_start3A_101 = tpu.memref_squeeze %dma_start3A_100 : memref<1x16x768xf32, #tpu.memory_space<hbm>> -> memref<16x768xf32, #tpu.memory_space<hbm>>
        %dma_start3A_102 = arith.constant 0 : i32
        %dma_start3A_103 = arith.constant 0 : i32
        %dma_start3A_104 = tpu.memref_slice %arg10[%dma_start3A_102, %dma_start3A_103] : memref<32x768xf32, #tpu.memory_space<vmem>> -> memref<16x768xf32, #tpu.memory_space<vmem>>
        tpu.enqueue_dma source(%dma_start3A_104 : memref<16x768xf32, #tpu.memory_space<vmem>>) target(%dma_start3A_101 : memref<16x768xf32, #tpu.memory_space<hbm>>) target_semaphore(%arg16 : memref<!tpu.dma_semaphore, #tpu.memory_space<semaphore_mem>>)
        %scan3A_105 = arith.constant 0 : i32
        %scan3A_106 = arith.constant 16 : i32
        %scan3A_107 = arith.constant 16 : i32
        %scan3A_108 = arith.addi %scan3A_106, %scan3A_107 : i32
        %scan3A_109 = arith.constant 1 : i32
        scf.for %scan3A_125 = %scan3A_106 to %scan3A_108 step %scan3A_109  : i32 {
          %get3A = arith.index_cast %scan3A_125 : i32 to index
          %get3A_126 = arith.constant 0 : index
          %get3A_127 = tpu.vector_load %arg10[%get3A, %get3A_126] {strides = array<i32>} : memref<32x768xf32, #tpu.memory_space<vmem>>, vector<1x16xf32>,
          %get3A_128 = vector.shape_cast %get3A_127 : vector<1x16xf32> to vector<16xf32>
          %get3A_129 = arith.index_cast %scan3A_125 : i32 to index
          %get3A_130 = arith.constant 0 : index
          %get3A_131 = tpu.vector_load %arg12[%get3A_129, %get3A_130] {strides = array<i32>} : memref<32x768xf32, #tpu.memory_space<vmem>>, vector<1x16xf32>,
          %get3A_132 = vector.shape_cast %get3A_131 : vector<1x16xf32> to vector<16xf32>
          %add3A_133 = arith.addf %get3A_128, %get3A_132 : vector<16xf32>
          %swap3A = arith.index_cast %scan3A_125 : i32 to index
          %swap3A_134 = arith.constant 0 : index
          %swap3A_135 = tpu.vector_load %arg10[%swap3A, %swap3A_134] {strides = array<i32>} : memref<32x768xf32, #tpu.memory_space<vmem>>, vector<1x16xf32>,
          %swap3A_136 = vector.shape_cast %swap3A_135 : vector<1x16xf32> to vector<16xf32>
          %swap3A_137 = vector.shape_cast %add3A_133 : vector<16xf32> to vector<1x16xf32>
          tpu.vector_store %arg10[%swap3A, %swap3A_134], %swap3A_137 {strides = array<i32>} : memref<32x768xf32, #tpu.memory_space<vmem>>, vector<1x16xf32>,
          %get3A_138 = arith.index_cast %scan3A_125 : i32 to index
          %get3A_139 = arith.constant 16 : index
          %get3A_140 = tpu.vector_load %arg10[%get3A_138, %get3A_139] {strides = array<i32>} : memref<32x768xf32, #tpu.memory_space<vmem>>, vector<1x16xf32>,
          %get3A_141 = vector.shape_cast %get3A_140 : vector<1x16xf32> to vector<16xf32>
          %get3A_142 = arith.index_cast %scan3A_125 : i32 to index
          %get3A_143 = arith.constant 16 : index
          %get3A_144 = tpu.vector_load %arg12[%get3A_142, %get3A_143] {strides = array<i32>} : memref<32x768xf32, #tpu.memory_space<vmem>>, vector<1x16xf32>,
          %get3A_145 = vector.shape_cast %get3A_144 : vector<1x16xf32> to vector<16xf32>
          %add3A_146 = arith.addf %get3A_141, %get3A_145 : vector<16xf32>
          %swap3A_147 = arith.index_cast %scan3A_125 : i32 to index
          %swap3A_148 = arith.constant 16 : index
          %swap3A_149 = tpu.vector_load %arg10[%swap3A_147, %swap3A_148] {strides = array<i32>} : memref<32x768xf32, #tpu.memory_space<vmem>>, vector<1x16xf32>,
          %swap3A_150 = vector.shape_cast %swap3A_149 : vector<1x16xf32> to vector<16xf32>
          %swap3A_151 = vector.shape_cast %add3A_146 : vector<16xf32> to vector<1x16xf32>
          tpu.vector_store %arg10[%swap3A_147, %swap3A_148], %swap3A_151 {strides = array<i32>} : memref<32x768xf32, #tpu.memory_space<vmem>>, vector<1x16xf32>,
          %get3A_152 = arith.index_cast %scan3A_125 : i32 to index
          %get3A_153 = arith.constant 32 : index
          %get3A_154 = tpu.vector_load %arg10[%get3A_152, %get3A_153] {strides = array<i32>} : memref<32x768xf32, #tpu.memory_space<vmem>>, vector<1x16xf32>,
          %get3A_155 = vector.shape_cast %get3A_154 : vector<1x16xf32> to vector<16xf32>
          %get3A_156 = arith.index_cast %scan3A_125 : i32 to index
          %get3A_157 = arith.constant 32 : index
          %get3A_158 = tpu.vector_load %arg12[%get3A_156, %get3A_157] {strides = array<i32>} : memref<32x768xf32, #tpu.memory_space<vmem>>, vector<1x16xf32>,
          %get3A_159 = vector.shape_cast %get3A_158 : vector<1x16xf32> to vector<16xf32>
          %add3A_160 = arith.addf %get3A_155, %get3A_159 : vector<16xf32>
          %swap3A_161 = arith.index_cast %scan3A_125 : i32 to index
          %swap3A_162 = arith.constant 32 : index
          %swap3A_163 = tpu.vector_load %arg10[%swap3A_161, %swap3A_162] {strides = array<i32>} : memref<32x768xf32, #tpu.memory_space<vmem>>, vector<1x16xf32>,
          %swap3A_164 = vector.shape_cast %swap3A_163 : vector<1x16xf32> to vector<16xf32>
          %swap3A_165 = vector.shape_cast %add3A_160 : vector<16xf32> to vector<1x16xf32>
          tpu.vector_store %arg10[%swap3A_161, %swap3A_162], %swap3A_165 {strides = array<i32>} : memref<32x768xf32, #tpu.memory_space<vmem>>, vector<1x16xf32>,
          %get3A_166 = arith.index_cast %scan3A_125 : i32 to index
          %get3A_167 = arith.constant 48 : index
          %get3A_168 = tpu.vector_load %arg10[%get3A_166, %get3A_167] {strides = array<i32>} : memref<32x768xf32, #tpu.memory_space<vmem>>, vector<1x16xf32>,
          %get3A_169 = vector.shape_cast %get3A_168 : vector<1x16xf32> to vector<16xf32>
          %get3A_170 = arith.index_cast %scan3A_125 : i32 to index
          %get3A_171 = arith.constant 48 : index
          %get3A_172 = tpu.vector_load %arg12[%get3A_170, %get3A_171] {strides = array<i32>} : memref<32x768xf32, #tpu.memory_space<vmem>>, vector<1x16xf32>,
          %get3A_173 = vector.shape_cast %get3A_172 : vector<1x16xf32> to vector<16xf32>
          %add3A_174 = arith.addf %get3A_169, %get3A_173 : vector<16xf32>
          %swap3A_175 = arith.index_cast %scan3A_125 : i32 to index
          %swap3A_176 = arith.constant 48 : index
          %swap3A_177 = tpu.vector_load %arg10[%swap3A_175, %swap3A_176] {strides = array<i32>} : memref<32x768xf32, #tpu.memory_space<vmem>>, vector<1x16xf32>,
          %swap3A_178 = vector.shape_cast %swap3A_177 : vector<1x16xf32> to vector<16xf32>
          %swap3A_179 = vector.shape_cast %add3A_174 : vector<16xf32> to vector<1x16xf32>
          tpu.vector_store %arg10[%swap3A_175, %swap3A_176], %swap3A_179 {strides = array<i32>} : memref<32x768xf32, #tpu.memory_space<vmem>>, vector<1x16xf32>,
          %get3A_180 = arith.index_cast %scan3A_125 : i32 to index
          %get3A_181 = arith.constant 64 : index
          %get3A_182 = tpu.vector_load %arg10[%get3A_180, %get3A_181] {strides = array<i32>} : memref<32x768xf32, #tpu.memory_space<vmem>>, vector<1x16xf32>,
          %get3A_183 = vector.shape_cast %get3A_182 : vector<1x16xf32> to vector<16xf32>
          %get3A_184 = arith.index_cast %scan3A_125 : i32 to index
          %get3A_185 = arith.constant 64 : index
          %get3A_186 = tpu.vector_load %arg12[%get3A_184, %get3A_185] {strides = array<i32>} : memref<32x768xf32, #tpu.memory_space<vmem>>, vector<1x16xf32>,
          %get3A_187 = vector.shape_cast %get3A_186 : vector<1x16xf32> to vector<16xf32>
          %add3A_188 = arith.addf %get3A_183, %get3A_187 : vector<16xf32>
          %swap3A_189 = arith.index_cast %scan3A_125 : i32 to index
          %swap3A_190 = arith.constant 64 : index
          %swap3A_191 = tpu.vector_load %arg10[%swap3A_189, %swap3A_190] {strides = array<i32>} : memref<32x768xf32, #tpu.memory_space<vmem>>, vector<1x16xf32>,
          %swap3A_192 = vector.shape_cast %swap3A_191 : vector<1x16xf32> to vector<16xf32>
          %swap3A_193 = vector.shape_cast %add3A_188 : vector<16xf32> to vector<1x16xf32>
          tpu.vector_store %arg10[%swap3A_189, %swap3A_190], %swap3A_193 {strides = array<i32>} : memref<32x768xf32, #tpu.memory_space<vmem>>, vector<1x16xf32>,
          %get3A_194 = arith.index_cast %scan3A_125 : i32 to index
          %get3A_195 = arith.constant 80 : index
          %get3A_196 = tpu.vector_load %arg10[%get3A_194, %get3A_195] {strides = array<i32>} : memref<32x768xf32, #tpu.memory_space<vmem>>, vector<1x16xf32>,
          %get3A_197 = vector.shape_cast %get3A_196 : vector<1x16xf32> to vector<16xf32>
          %get3A_198 = arith.index_cast %scan3A_125 : i32 to index
          %get3A_199 = arith.constant 80 : index
          %get3A_200 = tpu.vector_load %arg12[%get3A_198, %get3A_199] {strides = array<i32>} : memref<32x768xf32, #tpu.memory_space<vmem>>, vector<1x16xf32>,
          %get3A_201 = vector.shape_cast %get3A_200 : vector<1x16xf32> to vector<16xf32>
          %add3A_202 = arith.addf %get3A_197, %get3A_201 : vector<16xf32>
          %swap3A_203 = arith.index_cast %scan3A_125 : i32 to index
          %swap3A_204 = arith.constant 80 : index
          %swap3A_205 = tpu.vector_load %arg10[%swap3A_203, %swap3A_204] {strides = array<i32>} : memref<32x768xf32, #tpu.memory_space<vmem>>, vector<1x16xf32>,
          %swap3A_206 = vector.shape_cast %swap3A_205 : vector<1x16xf32> to vector<16xf32>
          %swap3A_207 = vector.shape_cast %add3A_202 : vector<16xf32> to vector<1x16xf32>
          tpu.vector_store %arg10[%swap3A_203, %swap3A_204], %swap3A_207 {strides = array<i32>} : memref<32x768xf32, #tpu.memory_space<vmem>>, vector<1x16xf32>,
          %get3A_208 = arith.index_cast %scan3A_125 : i32 to index
          %get3A_209 = arith.constant 96 : index
          %get3A_210 = tpu.vector_load %arg10[%get3A_208, %get3A_209] {strides = array<i32>} : memref<32x768xf32, #tpu.memory_space<vmem>>, vector<1x16xf32>,
          %get3A_211 = vector.shape_cast %get3A_210 : vector<1x16xf32> to vector<16xf32>
          %get3A_212 = arith.index_cast %scan3A_125 : i32 to index
          %get3A_213 = arith.constant 96 : index
          %get3A_214 = tpu.vector_load %arg12[%get3A_212, %get3A_213] {strides = array<i32>} : memref<32x768xf32, #tpu.memory_space<vmem>>, vector<1x16xf32>,
          %get3A_215 = vector.shape_cast %get3A_214 : vector<1x16xf32> to vector<16xf32>
          %add3A_216 = arith.addf %get3A_211, %get3A_215 : vector<16xf32>
          %swap3A_217 = arith.index_cast %scan3A_125 : i32 to index
          %swap3A_218 = arith.constant 96 : index
          %swap3A_219 = tpu.vector_load %arg10[%swap3A_217, %swap3A_218] {strides = array<i32>} : memref<32x768xf32, #tpu.memory_space<vmem>>, vector<1x16xf32>,
          %swap3A_220 = vector.shape_cast %swap3A_219 : vector<1x16xf32> to vector<16xf32>
          %swap3A_221 = vector.shape_cast %add3A_216 : vector<16xf32> to vector<1x16xf32>
          tpu.vector_store %arg10[%swap3A_217, %swap3A_218], %swap3A_221 {strides = array<i32>} : memref<32x768xf32, #tpu.memory_space<vmem>>, vector<1x16xf32>,
          %get3A_222 = arith.index_cast %scan3A_125 : i32 to index
          %get3A_223 = arith.constant 112 : index
          %get3A_224 = tpu.vector_load %arg10[%get3A_222, %get3A_223] {strides = array<i32>} : memref<32x768xf32, #tpu.memory_space<vmem>>, vector<1x16xf32>,
          %get3A_225 = vector.shape_cast %get3A_224 : vector<1x16xf32> to vector<16xf32>
          %get3A_226 = arith.index_cast %scan3A_125 : i32 to index
          %get3A_227 = arith.constant 112 : index
          %get3A_228 = tpu.vector_load %arg12[%get3A_226, %get3A_227] {strides = array<i32>} : memref<32x768xf32, #tpu.memory_space<vmem>>, vector<1x16xf32>,
          %get3A_229 = vector.shape_cast %get3A_228 : vector<1x16xf32> to vector<16xf32>
          %add3A_230 = arith.addf %get3A_225, %get3A_229 : vector<16xf32>
          %swap3A_231 = arith.index_cast %scan3A_125 : i32 to index
          %swap3A_232 = arith.constant 112 : index
          %swap3A_233 = tpu.vector_load %arg10[%swap3A_231, %swap3A_232] {strides = array<i32>} : memref<32x768xf32, #tpu.memory_space<vmem>>, vector<1x16xf32>,
          %swap3A_234 = vector.shape_cast %swap3A_233 : vector<1x16xf32> to vector<16xf32>
          %swap3A_235 = vector.shape_cast %add3A_230 : vector<16xf32> to vector<1x16xf32>
          tpu.vector_store %arg10[%swap3A_231, %swap3A_232], %swap3A_235 {strides = array<i32>} : memref<32x768xf32, #tpu.memory_space<vmem>>, vector<1x16xf32>,
          %get3A_236 = arith.index_cast %scan3A_125 : i32 to index
          %get3A_237 = arith.constant 128 : index
          %get3A_238 = tpu.vector_load %arg10[%get3A_236, %get3A_237] {strides = array<i32>} : memref<32x768xf32, #tpu.memory_space<vmem>>, vector<1x16xf32>,
          %get3A_239 = vector.shape_cast %get3A_238 : vector<1x16xf32> to vector<16xf32>
          %get3A_240 = arith.index_cast %scan3A_125 : i32 to index
          %get3A_241 = arith.constant 128 : index
          %get3A_242 = tpu.vector_load %arg12[%get3A_240, %get3A_241] {strides = array<i32>} : memref<32x768xf32, #tpu.memory_space<vmem>>, vector<1x16xf32>,
          %get3A_243 = vector.shape_cast %get3A_242 : vector<1x16xf32> to vector<16xf32>
          %add3A_244 = arith.addf %get3A_239, %get3A_243 : vector<16xf32>
          %swap3A_245 = arith.index_cast %scan3A_125 : i32 to index
          %swap3A_246 = arith.constant 128 : index
          %swap3A_247 = tpu.vector_load %arg10[%swap3A_245, %swap3A_246] {strides = array<i32>} : memref<32x768xf32, #tpu.memory_space<vmem>>, vector<1x16xf32>,
          %swap3A_248 = vector.shape_cast %swap3A_247 : vector<1x16xf32> to vector<16xf32>
          %swap3A_249 = vector.shape_cast %add3A_244 : vector<16xf32> to vector<1x16xf32>
          tpu.vector_store %arg10[%swap3A_245, %swap3A_246], %swap3A_249 {strides = array<i32>} : memref<32x768xf32, #tpu.memory_space<vmem>>, vector<1x16xf32>,
          %get3A_250 = arith.index_cast %scan3A_125 : i32 to index
          %get3A_251 = arith.constant 144 : index
          %get3A_252 = tpu.vector_load %arg10[%get3A_250, %get3A_251] {strides = array<i32>} : memref<32x768xf32, #tpu.memory_space<vmem>>, vector<1x16xf32>,
          %get3A_253 = vector.shape_cast %get3A_252 : vector<1x16xf32> to vector<16xf32>
          %get3A_254 = arith.index_cast %scan3A_125 : i32 to index
          %get3A_255 = arith.constant 144 : index
          %get3A_256 = tpu.vector_load %arg12[%get3A_254, %get3A_255] {strides = array<i32>} : memref<32x768xf32, #tpu.memory_space<vmem>>, vector<1x16xf32>,
          %get3A_257 = vector.shape_cast %get3A_256 : vector<1x16xf32> to vector<16xf32>
          %add3A_258 = arith.addf %get3A_253, %get3A_257 : vector<16xf32>
          %swap3A_259 = arith.index_cast %scan3A_125 : i32 to index
          %swap3A_260 = arith.constant 144 : index
          %swap3A_261 = tpu.vector_load %arg10[%swap3A_259, %swap3A_260] {strides = array<i32>} : memref<32x768xf32, #tpu.memory_space<vmem>>, vector<1x16xf32>,
          %swap3A_262 = vector.shape_cast %swap3A_261 : vector<1x16xf32> to vector<16xf32>
          %swap3A_263 = vector.shape_cast %add3A_258 : vector<16xf32> to vector<1x16xf32>
          tpu.vector_store %arg10[%swap3A_259, %swap3A_260], %swap3A_263 {strides = array<i32>} : memref<32x768xf32, #tpu.memory_space<vmem>>, vector<1x16xf32>,
          %get3A_264 = arith.index_cast %scan3A_125 : i32 to index
          %get3A_265 = arith.constant 160 : index
          %get3A_266 = tpu.vector_load %arg10[%get3A_264, %get3A_265] {strides = array<i32>} : memref<32x768xf32, #tpu.memory_space<vmem>>, vector<1x16xf32>,
          %get3A_267 = vector.shape_cast %get3A_266 : vector<1x16xf32> to vector<16xf32>
          %get3A_268 = arith.index_cast %scan3A_125 : i32 to index
          %get3A_269 = arith.constant 160 : index
          %get3A_270 = tpu.vector_load %arg12[%get3A_268, %get3A_269] {strides = array<i32>} : memref<32x768xf32, #tpu.memory_space<vmem>>, vector<1x16xf32>,
          %get3A_271 = vector.shape_cast %get3A_270 : vector<1x16xf32> to vector<16xf32>
          %add3A_272 = arith.addf %get3A_267, %get3A_271 : vector<16xf32>
          %swap3A_273 = arith.index_cast %scan3A_125 : i32 to index
          %swap3A_274 = arith.constant 160 : index
          %swap3A_275 = tpu.vector_load %arg10[%swap3A_273, %swap3A_274] {strides = array<i32>} : memref<32x768xf32, #tpu.memory_space<vmem>>, vector<1x16xf32>,
          %swap3A_276 = vector.shape_cast %swap3A_275 : vector<1x16xf32> to vector<16xf32>
          %swap3A_277 = vector.shape_cast %add3A_272 : vector<16xf32> to vector<1x16xf32>
          tpu.vector_store %arg10[%swap3A_273, %swap3A_274], %swap3A_277 {strides = array<i32>} : memref<32x768xf32, #tpu.memory_space<vmem>>, vector<1x16xf32>,
          %get3A_278 = arith.index_cast %scan3A_125 : i32 to index
          %get3A_279 = arith.constant 176 : index
          %get3A_280 = tpu.vector_load %arg10[%get3A_278, %get3A_279] {strides = array<i32>} : memref<32x768xf32, #tpu.memory_space<vmem>>, vector<1x16xf32>,
          %get3A_281 = vector.shape_cast %get3A_280 : vector<1x16xf32> to vector<16xf32>
          %get3A_282 = arith.index_cast %scan3A_125 : i32 to index
          %get3A_283 = arith.constant 176 : index
          %get3A_284 = tpu.vector_load %arg12[%get3A_282, %get3A_283] {strides = array<i32>} : memref<32x768xf32, #tpu.memory_space<vmem>>, vector<1x16xf32>,
          %get3A_285 = vector.shape_cast %get3A_284 : vector<1x16xf32> to vector<16xf32>
          %add3A_286 = arith.addf %get3A_281, %get3A_285 : vector<16xf32>
          %swap3A_287 = arith.index_cast %scan3A_125 : i32 to index
          %swap3A_288 = arith.constant 176 : index
          %swap3A_289 = tpu.vector_load %arg10[%swap3A_287, %swap3A_288] {strides = array<i32>} : memref<32x768xf32, #tpu.memory_space<vmem>>, vector<1x16xf32>,
          %swap3A_290 = vector.shape_cast %swap3A_289 : vector<1x16xf32> to vector<16xf32>
          %swap3A_291 = vector.shape_cast %add3A_286 : vector<16xf32> to vector<1x16xf32>
          tpu.vector_store %arg10[%swap3A_287, %swap3A_288], %swap3A_291 {strides = array<i32>} : memref<32x768xf32, #tpu.memory_space<vmem>>, vector<1x16xf32>,
          %get3A_292 = arith.index_cast %scan3A_125 : i32 to index
          %get3A_293 = arith.constant 192 : index
          %get3A_294 = tpu.vector_load %arg10[%get3A_292, %get3A_293] {strides = array<i32>} : memref<32x768xf32, #tpu.memory_space<vmem>>, vector<1x16xf32>,
          %get3A_295 = vector.shape_cast %get3A_294 : vector<1x16xf32> to vector<16xf32>
          %get3A_296 = arith.index_cast %scan3A_125 : i32 to index
          %get3A_297 = arith.constant 192 : index
          %get3A_298 = tpu.vector_load %arg12[%get3A_296, %get3A_297] {strides = array<i32>} : memref<32x768xf32, #tpu.memory_space<vmem>>, vector<1x16xf32>,
          %get3A_299 = vector.shape_cast %get3A_298 : vector<1x16xf32> to vector<16xf32>
          %add3A_300 = arith.addf %get3A_295, %get3A_299 : vector<16xf32>
          %swap3A_301 = arith.index_cast %scan3A_125 : i32 to index
          %swap3A_302 = arith.constant 192 : index
          %swap3A_303 = tpu.vector_load %arg10[%swap3A_301, %swap3A_302] {strides = array<i32>} : memref<32x768xf32, #tpu.memory_space<vmem>>, vector<1x16xf32>,
          %swap3A_304 = vector.shape_cast %swap3A_303 : vector<1x16xf32> to vector<16xf32>
          %swap3A_305 = vector.shape_cast %add3A_300 : vector<16xf32> to vector<1x16xf32>
          tpu.vector_store %arg10[%swap3A_301, %swap3A_302], %swap3A_305 {strides = array<i32>} : memref<32x768xf32, #tpu.memory_space<vmem>>, vector<1x16xf32>,
          %get3A_306 = arith.index_cast %scan3A_125 : i32 to index
          %get3A_307 = arith.constant 208 : index
          %get3A_308 = tpu.vector_load %arg10[%get3A_306, %get3A_307] {strides = array<i32>} : memref<32x768xf32, #tpu.memory_space<vmem>>, vector<1x16xf32>,
          %get3A_309 = vector.shape_cast %get3A_308 : vector<1x16xf32> to vector<16xf32>
          %get3A_310 = arith.index_cast %scan3A_125 : i32 to index
          %get3A_311 = arith.constant 208 : index
          %get3A_312 = tpu.vector_load %arg12[%get3A_310, %get3A_311] {strides = array<i32>} : memref<32x768xf32, #tpu.memory_space<vmem>>, vector<1x16xf32>,
          %get3A_313 = vector.shape_cast %get3A_312 : vector<1x16xf32> to vector<16xf32>
          %add3A_314 = arith.addf %get3A_309, %get3A_313 : vector<16xf32>
          %swap3A_315 = arith.index_cast %scan3A_125 : i32 to index
          %swap3A_316 = arith.constant 208 : index
          %swap3A_317 = tpu.vector_load %arg10[%swap3A_315, %swap3A_316] {strides = array<i32>} : memref<32x768xf32, #tpu.memory_space<vmem>>, vector<1x16xf32>,
          %swap3A_318 = vector.shape_cast %swap3A_317 : vector<1x16xf32> to vector<16xf32>
          %swap3A_319 = vector.shape_cast %add3A_314 : vector<16xf32> to vector<1x16xf32>
          tpu.vector_store %arg10[%swap3A_315, %swap3A_316], %swap3A_319 {strides = array<i32>} : memref<32x768xf32, #tpu.memory_space<vmem>>, vector<1x16xf32>,
          %get3A_320 = arith.index_cast %scan3A_125 : i32 to index
          %get3A_321 = arith.constant 224 : index
          %get3A_322 = tpu.vector_load %arg10[%get3A_320, %get3A_321] {strides = array<i32>} : memref<32x768xf32, #tpu.memory_space<vmem>>, vector<1x16xf32>,
          %get3A_323 = vector.shape_cast %get3A_322 : vector<1x16xf32> to vector<16xf32>
          %get3A_324 = arith.index_cast %scan3A_125 : i32 to index
          %get3A_325 = arith.constant 224 : index
          %get3A_326 = tpu.vector_load %arg12[%get3A_324, %get3A_325] {strides = array<i32>} : memref<32x768xf32, #tpu.memory_space<vmem>>, vector<1x16xf32>,
          %get3A_327 = vector.shape_cast %get3A_326 : vector<1x16xf32> to vector<16xf32>
          %add3A_328 = arith.addf %get3A_323, %get3A_327 : vector<16xf32>
          %swap3A_329 = arith.index_cast %scan3A_125 : i32 to index
          %swap3A_330 = arith.constant 224 : index
          %swap3A_331 = tpu.vector_load %arg10[%swap3A_329, %swap3A_330] {strides = array<i32>} : memref<32x768xf32, #tpu.memory_space<vmem>>, vector<1x16xf32>,
          %swap3A_332 = vector.shape_cast %swap3A_331 : vector<1x16xf32> to vector<16xf32>
          %swap3A_333 = vector.shape_cast %add3A_328 : vector<16xf32> to vector<1x16xf32>
          tpu.vector_store %arg10[%swap3A_329, %swap3A_330], %swap3A_333 {strides = array<i32>} : memref<32x768xf32, #tpu.memory_space<vmem>>, vector<1x16xf32>,
          %get3A_334 = arith.index_cast %scan3A_125 : i32 to index
          %get3A_335 = arith.constant 240 : index
          %get3A_336 = tpu.vector_load %arg10[%get3A_334, %get3A_335] {strides = array<i32>} : memref<32x768xf32, #tpu.memory_space<vmem>>, vector<1x16xf32>,
          %get3A_337 = vector.shape_cast %get3A_336 : vector<1x16xf32> to vector<16xf32>
          %get3A_338 = arith.index_cast %scan3A_125 : i32 to index
          %get3A_339 = arith.constant 240 : index
          %get3A_340 = tpu.vector_load %arg12[%get3A_338, %get3A_339] {strides = array<i32>} : memref<32x768xf32, #tpu.memory_space<vmem>>, vector<1x16xf32>,
          %get3A_341 = vector.shape_cast %get3A_340 : vector<1x16xf32> to vector<16xf32>
          %add3A_342 = arith.addf %get3A_337, %get3A_341 : vector<16xf32>
          %swap3A_343 = arith.index_cast %scan3A_125 : i32 to index
          %swap3A_344 = arith.constant 240 : index
          %swap3A_345 = tpu.vector_load %arg10[%swap3A_343, %swap3A_344] {strides = array<i32>} : memref<32x768xf32, #tpu.memory_space<vmem>>, vector<1x16xf32>,
          %swap3A_346 = vector.shape_cast %swap3A_345 : vector<1x16xf32> to vector<16xf32>
          %swap3A_347 = vector.shape_cast %add3A_342 : vector<16xf32> to vector<1x16xf32>
          tpu.vector_store %arg10[%swap3A_343, %swap3A_344], %swap3A_347 {strides = array<i32>} : memref<32x768xf32, #tpu.memory_space<vmem>>, vector<1x16xf32>,
          %get3A_348 = arith.index_cast %scan3A_125 : i32 to index
          %get3A_349 = arith.constant 256 : index
          %get3A_350 = tpu.vector_load %arg10[%get3A_348, %get3A_349] {strides = array<i32>} : memref<32x768xf32, #tpu.memory_space<vmem>>, vector<1x16xf32>,
          %get3A_351 = vector.shape_cast %get3A_350 : vector<1x16xf32> to vector<16xf32>
          %get3A_352 = arith.index_cast %scan3A_125 : i32 to index
          %get3A_353 = arith.constant 256 : index
          %get3A_354 = tpu.vector_load %arg12[%get3A_352, %get3A_353] {strides = array<i32>} : memref<32x768xf32, #tpu.memory_space<vmem>>, vector<1x16xf32>,
          %get3A_355 = vector.shape_cast %get3A_354 : vector<1x16xf32> to vector<16xf32>
          %add3A_356 = arith.addf %get3A_351, %get3A_355 : vector<16xf32>
          %swap3A_357 = arith.index_cast %scan3A_125 : i32 to index
          %swap3A_358 = arith.constant 256 : index
          %swap3A_359 = tpu.vector_load %arg10[%swap3A_357, %swap3A_358] {strides = array<i32>} : memref<32x768xf32, #tpu.memory_space<vmem>>, vector<1x16xf32>,
          %swap3A_360 = vector.shape_cast %swap3A_359 : vector<1x16xf32> to vector<16xf32>
          %swap3A_361 = vector.shape_cast %add3A_356 : vector<16xf32> to vector<1x16xf32>
          tpu.vector_store %arg10[%swap3A_357, %swap3A_358], %swap3A_361 {strides = array<i32>} : memref<32x768xf32, #tpu.memory_space<vmem>>, vector<1x16xf32>,
          %get3A_362 = arith.index_cast %scan3A_125 : i32 to index
          %get3A_363 = arith.constant 272 : index
          %get3A_364 = tpu.vector_load %arg10[%get3A_362, %get3A_363] {strides = array<i32>} : memref<32x768xf32, #tpu.memory_space<vmem>>, vector<1x16xf32>,
          %get3A_365 = vector.shape_cast %get3A_364 : vector<1x16xf32> to vector<16xf32>
          %get3A_366 = arith.index_cast %scan3A_125 : i32 to index
          %get3A_367 = arith.constant 272 : index
          %get3A_368 = tpu.vector_load %arg12[%get3A_366, %get3A_367] {strides = array<i32>} : memref<32x768xf32, #tpu.memory_space<vmem>>, vector<1x16xf32>,
          %get3A_369 = vector.shape_cast %get3A_368 : vector<1x16xf32> to vector<16xf32>
          %add3A_370 = arith.addf %get3A_365, %get3A_369 : vector<16xf32>
          %swap3A_371 = arith.index_cast %scan3A_125 : i32 to index
          %swap3A_372 = arith.constant 272 : index
          %swap3A_373 = tpu.vector_load %arg10[%swap3A_371, %swap3A_372] {strides = array<i32>} : memref<32x768xf32, #tpu.memory_space<vmem>>, vector<1x16xf32>,
          %swap3A_374 = vector.shape_cast %swap3A_373 : vector<1x16xf32> to vector<16xf32>
          %swap3A_375 = vector.shape_cast %add3A_370 : vector<16xf32> to vector<1x16xf32>
          tpu.vector_store %arg10[%swap3A_371, %swap3A_372], %swap3A_375 {strides = array<i32>} : memref<32x768xf32, #tpu.memory_space<vmem>>, vector<1x16xf32>,
          %get3A_376 = arith.index_cast %scan3A_125 : i32 to index
          %get3A_377 = arith.constant 288 : index
          %get3A_378 = tpu.vector_load %arg10[%get3A_376, %get3A_377] {strides = array<i32>} : memref<32x768xf32, #tpu.memory_space<vmem>>, vector<1x16xf32>,
          %get3A_379 = vector.shape_cast %get3A_378 : vector<1x16xf32> to vector<16xf32>
          %get3A_380 = arith.index_cast %scan3A_125 : i32 to index
          %get3A_381 = arith.constant 288 : index
          %get3A_382 = tpu.vector_load %arg12[%get3A_380, %get3A_381] {strides = array<i32>} : memref<32x768xf32, #tpu.memory_space<vmem>>, vector<1x16xf32>,
          %get3A_383 = vector.shape_cast %get3A_382 : vector<1x16xf32> to vector<16xf32>
          %add3A_384 = arith.addf %get3A_379, %get3A_383 : vector<16xf32>
          %swap3A_385 = arith.index_cast %scan3A_125 : i32 to index
          %swap3A_386 = arith.constant 288 : index
          %swap3A_387 = tpu.vector_load %arg10[%swap3A_385, %swap3A_386] {strides = array<i32>} : memref<32x768xf32, #tpu.memory_space<vmem>>, vector<1x16xf32>,
          %swap3A_388 = vector.shape_cast %swap3A_387 : vector<1x16xf32> to vector<16xf32>
          %swap3A_389 = vector.shape_cast %add3A_384 : vector<16xf32> to vector<1x16xf32>
          tpu.vector_store %arg10[%swap3A_385, %swap3A_386], %swap3A_389 {strides = array<i32>} : memref<32x768xf32, #tpu.memory_space<vmem>>, vector<1x16xf32>,
          %get3A_390 = arith.index_cast %scan3A_125 : i32 to index
          %get3A_391 = arith.constant 304 : index
          %get3A_392 = tpu.vector_load %arg10[%get3A_390, %get3A_391] {strides = array<i32>} : memref<32x768xf32, #tpu.memory_space<vmem>>, vector<1x16xf32>,
          %get3A_393 = vector.shape_cast %get3A_392 : vector<1x16xf32> to vector<16xf32>
          %get3A_394 = arith.index_cast %scan3A_125 : i32 to index
          %get3A_395 = arith.constant 304 : index
          %get3A_396 = tpu.vector_load %arg12[%get3A_394, %get3A_395] {strides = array<i32>} : memref<32x768xf32, #tpu.memory_space<vmem>>, vector<1x16xf32>,
          %get3A_397 = vector.shape_cast %get3A_396 : vector<1x16xf32> to vector<16xf32>
          %add3A_398 = arith.addf %get3A_393, %get3A_397 : vector<16xf32>
          %swap3A_399 = arith.index_cast %scan3A_125 : i32 to index
          %swap3A_400 = arith.constant 304 : index
          %swap3A_401 = tpu.vector_load %arg10[%swap3A_399, %swap3A_400] {strides = array<i32>} : memref<32x768xf32, #tpu.memory_space<vmem>>, vector<1x16xf32>,
          %swap3A_402 = vector.shape_cast %swap3A_401 : vector<1x16xf32> to vector<16xf32>
          %swap3A_403 = vector.shape_cast %add3A_398 : vector<16xf32> to vector<1x16xf32>
          tpu.vector_store %arg10[%swap3A_399, %swap3A_400], %swap3A_403 {strides = array<i32>} : memref<32x768xf32, #tpu.memory_space<vmem>>, vector<1x16xf32>,
          %get3A_404 = arith.index_cast %scan3A_125 : i32 to index
          %get3A_405 = arith.constant 320 : index
          %get3A_406 = tpu.vector_load %arg10[%get3A_404, %get3A_405] {strides = array<i32>} : memref<32x768xf32, #tpu.memory_space<vmem>>, vector<1x16xf32>,
          %get3A_407 = vector.shape_cast %get3A_406 : vector<1x16xf32> to vector<16xf32>
          %get3A_408 = arith.index_cast %scan3A_125 : i32 to index
          %get3A_409 = arith.constant 320 : index
          %get3A_410 = tpu.vector_load %arg12[%get3A_408, %get3A_409] {strides = array<i32>} : memref<32x768xf32, #tpu.memory_space<vmem>>, vector<1x16xf32>,
          %get3A_411 = vector.shape_cast %get3A_410 : vector<1x16xf32> to vector<16xf32>
          %add3A_412 = arith.addf %get3A_407, %get3A_411 : vector<16xf32>
          %swap3A_413 = arith.index_cast %scan3A_125 : i32 to index
          %swap3A_414 = arith.constant 320 : index
          %swap3A_415 = tpu.vector_load %arg10[%swap3A_413, %swap3A_414] {strides = array<i32>} : memref<32x768xf32, #tpu.memory_space<vmem>>, vector<1x16xf32>,
          %swap3A_416 = vector.shape_cast %swap3A_415 : vector<1x16xf32> to vector<16xf32>
          %swap3A_417 = vector.shape_cast %add3A_412 : vector<16xf32> to vector<1x16xf32>
          tpu.vector_store %arg10[%swap3A_413, %swap3A_414], %swap3A_417 {strides = array<i32>} : memref<32x768xf32, #tpu.memory_space<vmem>>, vector<1x16xf32>,
          %get3A_418 = arith.index_cast %scan3A_125 : i32 to index
          %get3A_419 = arith.constant 336 : index
          %get3A_420 = tpu.vector_load %arg10[%get3A_418, %get3A_419] {strides = array<i32>} : memref<32x768xf32, #tpu.memory_space<vmem>>, vector<1x16xf32>,
          %get3A_421 = vector.shape_cast %get3A_420 : vector<1x16xf32> to vector<16xf32>
          %get3A_422 = arith.index_cast %scan3A_125 : i32 to index
          %get3A_423 = arith.constant 336 : index
          %get3A_424 = tpu.vector_load %arg12[%get3A_422, %get3A_423] {strides = array<i32>} : memref<32x768xf32, #tpu.memory_space<vmem>>, vector<1x16xf32>,
          %get3A_425 = vector.shape_cast %get3A_424 : vector<1x16xf32> to vector<16xf32>
          %add3A_426 = arith.addf %get3A_421, %get3A_425 : vector<16xf32>
          %swap3A_427 = arith.index_cast %scan3A_125 : i32 to index
          %swap3A_428 = arith.constant 336 : index
          %swap3A_429 = tpu.vector_load %arg10[%swap3A_427, %swap3A_428] {strides = array<i32>} : memref<32x768xf32, #tpu.memory_space<vmem>>, vector<1x16xf32>,
          %swap3A_430 = vector.shape_cast %swap3A_429 : vector<1x16xf32> to vector<16xf32>
          %swap3A_431 = vector.shape_cast %add3A_426 : vector<16xf32> to vector<1x16xf32>
          tpu.vector_store %arg10[%swap3A_427, %swap3A_428], %swap3A_431 {strides = array<i32>} : memref<32x768xf32, #tpu.memory_space<vmem>>, vector<1x16xf32>,
          %get3A_432 = arith.index_cast %scan3A_125 : i32 to index
          %get3A_433 = arith.constant 352 : index
          %get3A_434 = tpu.vector_load %arg10[%get3A_432, %get3A_433] {strides = array<i32>} : memref<32x768xf32, #tpu.memory_space<vmem>>, vector<1x16xf32>,
          %get3A_435 = vector.shape_cast %get3A_434 : vector<1x16xf32> to vector<16xf32>
          %get3A_436 = arith.index_cast %scan3A_125 : i32 to index
          %get3A_437 = arith.constant 352 : index
          %get3A_438 = tpu.vector_load %arg12[%get3A_436, %get3A_437] {strides = array<i32>} : memref<32x768xf32, #tpu.memory_space<vmem>>, vector<1x16xf32>,
          %get3A_439 = vector.shape_cast %get3A_438 : vector<1x16xf32> to vector<16xf32>
          %add3A_440 = arith.addf %get3A_435, %get3A_439 : vector<16xf32>
          %swap3A_441 = arith.index_cast %scan3A_125 : i32 to index
          %swap3A_442 = arith.constant 352 : index
          %swap3A_443 = tpu.vector_load %arg10[%swap3A_441, %swap3A_442] {strides = array<i32>} : memref<32x768xf32, #tpu.memory_space<vmem>>, vector<1x16xf32>,
          %swap3A_444 = vector.shape_cast %swap3A_443 : vector<1x16xf32> to vector<16xf32>
          %swap3A_445 = vector.shape_cast %add3A_440 : vector<16xf32> to vector<1x16xf32>
          tpu.vector_store %arg10[%swap3A_441, %swap3A_442], %swap3A_445 {strides = array<i32>} : memref<32x768xf32, #tpu.memory_space<vmem>>, vector<1x16xf32>,
          %get3A_446 = arith.index_cast %scan3A_125 : i32 to index
          %get3A_447 = arith.constant 368 : index
          %get3A_448 = tpu.vector_load %arg10[%get3A_446, %get3A_447] {strides = array<i32>} : memref<32x768xf32, #tpu.memory_space<vmem>>, vector<1x16xf32>,
          %get3A_449 = vector.shape_cast %get3A_448 : vector<1x16xf32> to vector<16xf32>
          %get3A_450 = arith.index_cast %scan3A_125 : i32 to index
          %get3A_451 = arith.constant 368 : index
          %get3A_452 = tpu.vector_load %arg12[%get3A_450, %get3A_451] {strides = array<i32>} : memref<32x768xf32, #tpu.memory_space<vmem>>, vector<1x16xf32>,
          %get3A_453 = vector.shape_cast %get3A_452 : vector<1x16xf32> to vector<16xf32>
          %add3A_454 = arith.addf %get3A_449, %get3A_453 : vector<16xf32>
          %swap3A_455 = arith.index_cast %scan3A_125 : i32 to index
          %swap3A_456 = arith.constant 368 : index
          %swap3A_457 = tpu.vector_load %arg10[%swap3A_455, %swap3A_456] {strides = array<i32>} : memref<32x768xf32, #tpu.memory_space<vmem>>, vector<1x16xf32>,
          %swap3A_458 = vector.shape_cast %swap3A_457 : vector<1x16xf32> to vector<16xf32>
          %swap3A_459 = vector.shape_cast %add3A_454 : vector<16xf32> to vector<1x16xf32>
          tpu.vector_store %arg10[%swap3A_455, %swap3A_456], %swap3A_459 {strides = array<i32>} : memref<32x768xf32, #tpu.memory_space<vmem>>, vector<1x16xf32>,
          %get3A_460 = arith.index_cast %scan3A_125 : i32 to index
          %get3A_461 = arith.constant 384 : index
          %get3A_462 = tpu.vector_load %arg10[%get3A_460, %get3A_461] {strides = array<i32>} : memref<32x768xf32, #tpu.memory_space<vmem>>, vector<1x16xf32>,
          %get3A_463 = vector.shape_cast %get3A_462 : vector<1x16xf32> to vector<16xf32>
          %get3A_464 = arith.index_cast %scan3A_125 : i32 to index
          %get3A_465 = arith.constant 384 : index
          %get3A_466 = tpu.vector_load %arg12[%get3A_464, %get3A_465] {strides = array<i32>} : memref<32x768xf32, #tpu.memory_space<vmem>>, vector<1x16xf32>,
          %get3A_467 = vector.shape_cast %get3A_466 : vector<1x16xf32> to vector<16xf32>
          %add3A_468 = arith.addf %get3A_463, %get3A_467 : vector<16xf32>
          %swap3A_469 = arith.index_cast %scan3A_125 : i32 to index
          %swap3A_470 = arith.constant 384 : index
          %swap3A_471 = tpu.vector_load %arg10[%swap3A_469, %swap3A_470] {strides = array<i32>} : memref<32x768xf32, #tpu.memory_space<vmem>>, vector<1x16xf32>,
          %swap3A_472 = vector.shape_cast %swap3A_471 : vector<1x16xf32> to vector<16xf32>
          %swap3A_473 = vector.shape_cast %add3A_468 : vector<16xf32> to vector<1x16xf32>
          tpu.vector_store %arg10[%swap3A_469, %swap3A_470], %swap3A_473 {strides = array<i32>} : memref<32x768xf32, #tpu.memory_space<vmem>>, vector<1x16xf32>,
          %get3A_474 = arith.index_cast %scan3A_125 : i32 to index
          %get3A_475 = arith.constant 400 : index
          %get3A_476 = tpu.vector_load %arg10[%get3A_474, %get3A_475] {strides = array<i32>} : memref<32x768xf32, #tpu.memory_space<vmem>>, vector<1x16xf32>,
          %get3A_477 = vector.shape_cast %get3A_476 : vector<1x16xf32> to vector<16xf32>
          %get3A_478 = arith.index_cast %scan3A_125 : i32 to index
          %get3A_479 = arith.constant 400 : index
          %get3A_480 = tpu.vector_load %arg12[%get3A_478, %get3A_479] {strides = array<i32>} : memref<32x768xf32, #tpu.memory_space<vmem>>, vector<1x16xf32>,
          %get3A_481 = vector.shape_cast %get3A_480 : vector<1x16xf32> to vector<16xf32>
          %add3A_482 = arith.addf %get3A_477, %get3A_481 : vector<16xf32>
          %swap3A_483 = arith.index_cast %scan3A_125 : i32 to index
          %swap3A_484 = arith.constant 400 : index
          %swap3A_485 = tpu.vector_load %arg10[%swap3A_483, %swap3A_484] {strides = array<i32>} : memref<32x768xf32, #tpu.memory_space<vmem>>, vector<1x16xf32>,
          %swap3A_486 = vector.shape_cast %swap3A_485 : vector<1x16xf32> to vector<16xf32>
          %swap3A_487 = vector.shape_cast %add3A_482 : vector<16xf32> to vector<1x16xf32>
          tpu.vector_store %arg10[%swap3A_483, %swap3A_484], %swap3A_487 {strides = array<i32>} : memref<32x768xf32, #tpu.memory_space<vmem>>, vector<1x16xf32>,
          %get3A_488 = arith.index_cast %scan3A_125 : i32 to index
          %get3A_489 = arith.constant 416 : index
          %get3A_490 = tpu.vector_load %arg10[%get3A_488, %get3A_489] {strides = array<i32>} : memref<32x768xf32, #tpu.memory_space<vmem>>, vector<1x16xf32>,
          %get3A_491 = vector.shape_cast %get3A_490 : vector<1x16xf32> to vector<16xf32>
          %get3A_492 = arith.index_cast %scan3A_125 : i32 to index
          %get3A_493 = arith.constant 416 : index
          %get3A_494 = tpu.vector_load %arg12[%get3A_492, %get3A_493] {strides = array<i32>} : memref<32x768xf32, #tpu.memory_space<vmem>>, vector<1x16xf32>,
          %get3A_495 = vector.shape_cast %get3A_494 : vector<1x16xf32> to vector<16xf32>
          %add3A_496 = arith.addf %get3A_491, %get3A_495 : vector<16xf32>
          %swap3A_497 = arith.index_cast %scan3A_125 : i32 to index
          %swap3A_498 = arith.constant 416 : index
          %swap3A_499 = tpu.vector_load %arg10[%swap3A_497, %swap3A_498] {strides = array<i32>} : memref<32x768xf32, #tpu.memory_space<vmem>>, vector<1x16xf32>,
          %swap3A_500 = vector.shape_cast %swap3A_499 : vector<1x16xf32> to vector<16xf32>
          %swap3A_501 = vector.shape_cast %add3A_496 : vector<16xf32> to vector<1x16xf32>
          tpu.vector_store %arg10[%swap3A_497, %swap3A_498], %swap3A_501 {strides = array<i32>} : memref<32x768xf32, #tpu.memory_space<vmem>>, vector<1x16xf32>,
          %get3A_502 = arith.index_cast %scan3A_125 : i32 to index
          %get3A_503 = arith.constant 432 : index
          %get3A_504 = tpu.vector_load %arg10[%get3A_502, %get3A_503] {strides = array<i32>} : memref<32x768xf32, #tpu.memory_space<vmem>>, vector<1x16xf32>,
          %get3A_505 = vector.shape_cast %get3A_504 : vector<1x16xf32> to vector<16xf32>
          %get3A_506 = arith.index_cast %scan3A_125 : i32 to index
          %get3A_507 = arith.constant 432 : index
          %get3A_508 = tpu.vector_load %arg12[%get3A_506, %get3A_507] {strides = array<i32>} : memref<32x768xf32, #tpu.memory_space<vmem>>, vector<1x16xf32>,
          %get3A_509 = vector.shape_cast %get3A_508 : vector<1x16xf32> to vector<16xf32>
          %add3A_510 = arith.addf %get3A_505, %get3A_509 : vector<16xf32>
          %swap3A_511 = arith.index_cast %scan3A_125 : i32 to index
          %swap3A_512 = arith.constant 432 : index
          %swap3A_513 = tpu.vector_load %arg10[%swap3A_511, %swap3A_512] {strides = array<i32>} : memref<32x768xf32, #tpu.memory_space<vmem>>, vector<1x16xf32>,
          %swap3A_514 = vector.shape_cast %swap3A_513 : vector<1x16xf32> to vector<16xf32>
          %swap3A_515 = vector.shape_cast %add3A_510 : vector<16xf32> to vector<1x16xf32>
          tpu.vector_store %arg10[%swap3A_511, %swap3A_512], %swap3A_515 {strides = array<i32>} : memref<32x768xf32, #tpu.memory_space<vmem>>, vector<1x16xf32>,
          %get3A_516 = arith.index_cast %scan3A_125 : i32 to index
          %get3A_517 = arith.constant 448 : index
          %get3A_518 = tpu.vector_load %arg10[%get3A_516, %get3A_517] {strides = array<i32>} : memref<32x768xf32, #tpu.memory_space<vmem>>, vector<1x16xf32>,
          %get3A_519 = vector.shape_cast %get3A_518 : vector<1x16xf32> to vector<16xf32>
          %get3A_520 = arith.index_cast %scan3A_125 : i32 to index
          %get3A_521 = arith.constant 448 : index
          %get3A_522 = tpu.vector_load %arg12[%get3A_520, %get3A_521] {strides = array<i32>} : memref<32x768xf32, #tpu.memory_space<vmem>>, vector<1x16xf32>,
          %get3A_523 = vector.shape_cast %get3A_522 : vector<1x16xf32> to vector<16xf32>
          %add3A_524 = arith.addf %get3A_519, %get3A_523 : vector<16xf32>
          %swap3A_525 = arith.index_cast %scan3A_125 : i32 to index
          %swap3A_526 = arith.constant 448 : index
          %swap3A_527 = tpu.vector_load %arg10[%swap3A_525, %swap3A_526] {strides = array<i32>} : memref<32x768xf32, #tpu.memory_space<vmem>>, vector<1x16xf32>,
          %swap3A_528 = vector.shape_cast %swap3A_527 : vector<1x16xf32> to vector<16xf32>
          %swap3A_529 = vector.shape_cast %add3A_524 : vector<16xf32> to vector<1x16xf32>
          tpu.vector_store %arg10[%swap3A_525, %swap3A_526], %swap3A_529 {strides = array<i32>} : memref<32x768xf32, #tpu.memory_space<vmem>>, vector<1x16xf32>,
          %get3A_530 = arith.index_cast %scan3A_125 : i32 to index
          %get3A_531 = arith.constant 464 : index
          %get3A_532 = tpu.vector_load %arg10[%get3A_530, %get3A_531] {strides = array<i32>} : memref<32x768xf32, #tpu.memory_space<vmem>>, vector<1x16xf32>,
          %get3A_533 = vector.shape_cast %get3A_532 : vector<1x16xf32> to vector<16xf32>
          %get3A_534 = arith.index_cast %scan3A_125 : i32 to index
          %get3A_535 = arith.constant 464 : index
          %get3A_536 = tpu.vector_load %arg12[%get3A_534, %get3A_535] {strides = array<i32>} : memref<32x768xf32, #tpu.memory_space<vmem>>, vector<1x16xf32>,
          %get3A_537 = vector.shape_cast %get3A_536 : vector<1x16xf32> to vector<16xf32>
          %add3A_538 = arith.addf %get3A_533, %get3A_537 : vector<16xf32>
          %swap3A_539 = arith.index_cast %scan3A_125 : i32 to index
          %swap3A_540 = arith.constant 464 : index
          %swap3A_541 = tpu.vector_load %arg10[%swap3A_539, %swap3A_540] {strides = array<i32>} : memref<32x768xf32, #tpu.memory_space<vmem>>, vector<1x16xf32>,
          %swap3A_542 = vector.shape_cast %swap3A_541 : vector<1x16xf32> to vector<16xf32>
          %swap3A_543 = vector.shape_cast %add3A_538 : vector<16xf32> to vector<1x16xf32>
          tpu.vector_store %arg10[%swap3A_539, %swap3A_540], %swap3A_543 {strides = array<i32>} : memref<32x768xf32, #tpu.memory_space<vmem>>, vector<1x16xf32>,
          %get3A_544 = arith.index_cast %scan3A_125 : i32 to index
          %get3A_545 = arith.constant 480 : index
          %get3A_546 = tpu.vector_load %arg10[%get3A_544, %get3A_545] {strides = array<i32>} : memref<32x768xf32, #tpu.memory_space<vmem>>, vector<1x16xf32>,
          %get3A_547 = vector.shape_cast %get3A_546 : vector<1x16xf32> to vector<16xf32>
          %get3A_548 = arith.index_cast %scan3A_125 : i32 to index
          %get3A_549 = arith.constant 480 : index
          %get3A_550 = tpu.vector_load %arg12[%get3A_548, %get3A_549] {strides = array<i32>} : memref<32x768xf32, #tpu.memory_space<vmem>>, vector<1x16xf32>,
          %get3A_551 = vector.shape_cast %get3A_550 : vector<1x16xf32> to vector<16xf32>
          %add3A_552 = arith.addf %get3A_547, %get3A_551 : vector<16xf32>
          %swap3A_553 = arith.index_cast %scan3A_125 : i32 to index
          %swap3A_554 = arith.constant 480 : index
          %swap3A_555 = tpu.vector_load %arg10[%swap3A_553, %swap3A_554] {strides = array<i32>} : memref<32x768xf32, #tpu.memory_space<vmem>>, vector<1x16xf32>,
          %swap3A_556 = vector.shape_cast %swap3A_555 : vector<1x16xf32> to vector<16xf32>
          %swap3A_557 = vector.shape_cast %add3A_552 : vector<16xf32> to vector<1x16xf32>
          tpu.vector_store %arg10[%swap3A_553, %swap3A_554], %swap3A_557 {strides = array<i32>} : memref<32x768xf32, #tpu.memory_space<vmem>>, vector<1x16xf32>,
          %get3A_558 = arith.index_cast %scan3A_125 : i32 to index
          %get3A_559 = arith.constant 496 : index
          %get3A_560 = tpu.vector_load %arg10[%get3A_558, %get3A_559] {strides = array<i32>} : memref<32x768xf32, #tpu.memory_space<vmem>>, vector<1x16xf32>,
          %get3A_561 = vector.shape_cast %get3A_560 : vector<1x16xf32> to vector<16xf32>
          %get3A_562 = arith.index_cast %scan3A_125 : i32 to index
          %get3A_563 = arith.constant 496 : index
          %get3A_564 = tpu.vector_load %arg12[%get3A_562, %get3A_563] {strides = array<i32>} : memref<32x768xf32, #tpu.memory_space<vmem>>, vector<1x16xf32>,
          %get3A_565 = vector.shape_cast %get3A_564 : vector<1x16xf32> to vector<16xf32>
          %add3A_566 = arith.addf %get3A_561, %get3A_565 : vector<16xf32>
          %swap3A_567 = arith.index_cast %scan3A_125 : i32 to index
          %swap3A_568 = arith.constant 496 : index
          %swap3A_569 = tpu.vector_load %arg10[%swap3A_567, %swap3A_568] {strides = array<i32>} : memref<32x768xf32, #tpu.memory_space<vmem>>, vector<1x16xf32>,
          %swap3A_570 = vector.shape_cast %swap3A_569 : vector<1x16xf32> to vector<16xf32>
          %swap3A_571 = vector.shape_cast %add3A_566 : vector<16xf32> to vector<1x16xf32>
          tpu.vector_store %arg10[%swap3A_567, %swap3A_568], %swap3A_571 {strides = array<i32>} : memref<32x768xf32, #tpu.memory_space<vmem>>, vector<1x16xf32>,
          %get3A_572 = arith.index_cast %scan3A_125 : i32 to index
          %get3A_573 = arith.constant 512 : index
          %get3A_574 = tpu.vector_load %arg10[%get3A_572, %get3A_573] {strides = array<i32>} : memref<32x768xf32, #tpu.memory_space<vmem>>, vector<1x16xf32>,
          %get3A_575 = vector.shape_cast %get3A_574 : vector<1x16xf32> to vector<16xf32>
          %get3A_576 = arith.index_cast %scan3A_125 : i32 to index
          %get3A_577 = arith.constant 512 : index
          %get3A_578 = tpu.vector_load %arg12[%get3A_576, %get3A_577] {strides = array<i32>} : memref<32x768xf32, #tpu.memory_space<vmem>>, vector<1x16xf32>,
          %get3A_579 = vector.shape_cast %get3A_578 : vector<1x16xf32> to vector<16xf32>
          %add3A_580 = arith.addf %get3A_575, %get3A_579 : vector<16xf32>
          %swap3A_581 = arith.index_cast %scan3A_125 : i32 to index
          %swap3A_582 = arith.constant 512 : index
          %swap3A_583 = tpu.vector_load %arg10[%swap3A_581, %swap3A_582] {strides = array<i32>} : memref<32x768xf32, #tpu.memory_space<vmem>>, vector<1x16xf32>,
          %swap3A_584 = vector.shape_cast %swap3A_583 : vector<1x16xf32> to vector<16xf32>
          %swap3A_585 = vector.shape_cast %add3A_580 : vector<16xf32> to vector<1x16xf32>
          tpu.vector_store %arg10[%swap3A_581, %swap3A_582], %swap3A_585 {strides = array<i32>} : memref<32x768xf32, #tpu.memory_space<vmem>>, vector<1x16xf32>,
          %get3A_586 = arith.index_cast %scan3A_125 : i32 to index
          %get3A_587 = arith.constant 528 : index
          %get3A_588 = tpu.vector_load %arg10[%get3A_586, %get3A_587] {strides = array<i32>} : memref<32x768xf32, #tpu.memory_space<vmem>>, vector<1x16xf32>,
          %get3A_589 = vector.shape_cast %get3A_588 : vector<1x16xf32> to vector<16xf32>
          %get3A_590 = arith.index_cast %scan3A_125 : i32 to index
          %get3A_591 = arith.constant 528 : index
          %get3A_592 = tpu.vector_load %arg12[%get3A_590, %get3A_591] {strides = array<i32>} : memref<32x768xf32, #tpu.memory_space<vmem>>, vector<1x16xf32>,
          %get3A_593 = vector.shape_cast %get3A_592 : vector<1x16xf32> to vector<16xf32>
          %add3A_594 = arith.addf %get3A_589, %get3A_593 : vector<16xf32>
          %swap3A_595 = arith.index_cast %scan3A_125 : i32 to index
          %swap3A_596 = arith.constant 528 : index
          %swap3A_597 = tpu.vector_load %arg10[%swap3A_595, %swap3A_596] {strides = array<i32>} : memref<32x768xf32, #tpu.memory_space<vmem>>, vector<1x16xf32>,
          %swap3A_598 = vector.shape_cast %swap3A_597 : vector<1x16xf32> to vector<16xf32>
          %swap3A_599 = vector.shape_cast %add3A_594 : vector<16xf32> to vector<1x16xf32>
          tpu.vector_store %arg10[%swap3A_595, %swap3A_596], %swap3A_599 {strides = array<i32>} : memref<32x768xf32, #tpu.memory_space<vmem>>, vector<1x16xf32>,
          %get3A_600 = arith.index_cast %scan3A_125 : i32 to index
          %get3A_601 = arith.constant 544 : index
          %get3A_602 = tpu.vector_load %arg10[%get3A_600, %get3A_601] {strides = array<i32>} : memref<32x768xf32, #tpu.memory_space<vmem>>, vector<1x16xf32>,
          %get3A_603 = vector.shape_cast %get3A_602 : vector<1x16xf32> to vector<16xf32>
          %get3A_604 = arith.index_cast %scan3A_125 : i32 to index
          %get3A_605 = arith.constant 544 : index
          %get3A_606 = tpu.vector_load %arg12[%get3A_604, %get3A_605] {strides = array<i32>} : memref<32x768xf32, #tpu.memory_space<vmem>>, vector<1x16xf32>,
          %get3A_607 = vector.shape_cast %get3A_606 : vector<1x16xf32> to vector<16xf32>
          %add3A_608 = arith.addf %get3A_603, %get3A_607 : vector<16xf32>
          %swap3A_609 = arith.index_cast %scan3A_125 : i32 to index
          %swap3A_610 = arith.constant 544 : index
          %swap3A_611 = tpu.vector_load %arg10[%swap3A_609, %swap3A_610] {strides = array<i32>} : memref<32x768xf32, #tpu.memory_space<vmem>>, vector<1x16xf32>,
          %swap3A_612 = vector.shape_cast %swap3A_611 : vector<1x16xf32> to vector<16xf32>
          %swap3A_613 = vector.shape_cast %add3A_608 : vector<16xf32> to vector<1x16xf32>
          tpu.vector_store %arg10[%swap3A_609, %swap3A_610], %swap3A_613 {strides = array<i32>} : memref<32x768xf32, #tpu.memory_space<vmem>>, vector<1x16xf32>,
          %get3A_614 = arith.index_cast %scan3A_125 : i32 to index
          %get3A_615 = arith.constant 560 : index
          %get3A_616 = tpu.vector_load %arg10[%get3A_614, %get3A_615] {strides = array<i32>} : memref<32x768xf32, #tpu.memory_space<vmem>>, vector<1x16xf32>,
          %get3A_617 = vector.shape_cast %get3A_616 : vector<1x16xf32> to vector<16xf32>
          %get3A_618 = arith.index_cast %scan3A_125 : i32 to index
          %get3A_619 = arith.constant 560 : index
          %get3A_620 = tpu.vector_load %arg12[%get3A_618, %get3A_619] {strides = array<i32>} : memref<32x768xf32, #tpu.memory_space<vmem>>, vector<1x16xf32>,
          %get3A_621 = vector.shape_cast %get3A_620 : vector<1x16xf32> to vector<16xf32>
          %add3A_622 = arith.addf %get3A_617, %get3A_621 : vector<16xf32>
          %swap3A_623 = arith.index_cast %scan3A_125 : i32 to index
          %swap3A_624 = arith.constant 560 : index
          %swap3A_625 = tpu.vector_load %arg10[%swap3A_623, %swap3A_624] {strides = array<i32>} : memref<32x768xf32, #tpu.memory_space<vmem>>, vector<1x16xf32>,
          %swap3A_626 = vector.shape_cast %swap3A_625 : vector<1x16xf32> to vector<16xf32>
          %swap3A_627 = vector.shape_cast %add3A_622 : vector<16xf32> to vector<1x16xf32>
          tpu.vector_store %arg10[%swap3A_623, %swap3A_624], %swap3A_627 {strides = array<i32>} : memref<32x768xf32, #tpu.memory_space<vmem>>, vector<1x16xf32>,
          %get3A_628 = arith.index_cast %scan3A_125 : i32 to index
          %get3A_629 = arith.constant 576 : index
          %get3A_630 = tpu.vector_load %arg10[%get3A_628, %get3A_629] {strides = array<i32>} : memref<32x768xf32, #tpu.memory_space<vmem>>, vector<1x16xf32>,
          %get3A_631 = vector.shape_cast %get3A_630 : vector<1x16xf32> to vector<16xf32>
          %get3A_632 = arith.index_cast %scan3A_125 : i32 to index
          %get3A_633 = arith.constant 576 : index
          %get3A_634 = tpu.vector_load %arg12[%get3A_632, %get3A_633] {strides = array<i32>} : memref<32x768xf32, #tpu.memory_space<vmem>>, vector<1x16xf32>,
          %get3A_635 = vector.shape_cast %get3A_634 : vector<1x16xf32> to vector<16xf32>
          %add3A_636 = arith.addf %get3A_631, %get3A_635 : vector<16xf32>
          %swap3A_637 = arith.index_cast %scan3A_125 : i32 to index
          %swap3A_638 = arith.constant 576 : index
          %swap3A_639 = tpu.vector_load %arg10[%swap3A_637, %swap3A_638] {strides = array<i32>} : memref<32x768xf32, #tpu.memory_space<vmem>>, vector<1x16xf32>,
          %swap3A_640 = vector.shape_cast %swap3A_639 : vector<1x16xf32> to vector<16xf32>
          %swap3A_641 = vector.shape_cast %add3A_636 : vector<16xf32> to vector<1x16xf32>
          tpu.vector_store %arg10[%swap3A_637, %swap3A_638], %swap3A_641 {strides = array<i32>} : memref<32x768xf32, #tpu.memory_space<vmem>>, vector<1x16xf32>,
          %get3A_642 = arith.index_cast %scan3A_125 : i32 to index
          %get3A_643 = arith.constant 592 : index
          %get3A_644 = tpu.vector_load %arg10[%get3A_642, %get3A_643] {strides = array<i32>} : memref<32x768xf32, #tpu.memory_space<vmem>>, vector<1x16xf32>,
          %get3A_645 = vector.shape_cast %get3A_644 : vector<1x16xf32> to vector<16xf32>
          %get3A_646 = arith.index_cast %scan3A_125 : i32 to index
          %get3A_647 = arith.constant 592 : index
          %get3A_648 = tpu.vector_load %arg12[%get3A_646, %get3A_647] {strides = array<i32>} : memref<32x768xf32, #tpu.memory_space<vmem>>, vector<1x16xf32>,
          %get3A_649 = vector.shape_cast %get3A_648 : vector<1x16xf32> to vector<16xf32>
          %add3A_650 = arith.addf %get3A_645, %get3A_649 : vector<16xf32>
          %swap3A_651 = arith.index_cast %scan3A_125 : i32 to index
          %swap3A_652 = arith.constant 592 : index
          %swap3A_653 = tpu.vector_load %arg10[%swap3A_651, %swap3A_652] {strides = array<i32>} : memref<32x768xf32, #tpu.memory_space<vmem>>, vector<1x16xf32>,
          %swap3A_654 = vector.shape_cast %swap3A_653 : vector<1x16xf32> to vector<16xf32>
          %swap3A_655 = vector.shape_cast %add3A_650 : vector<16xf32> to vector<1x16xf32>
          tpu.vector_store %arg10[%swap3A_651, %swap3A_652], %swap3A_655 {strides = array<i32>} : memref<32x768xf32, #tpu.memory_space<vmem>>, vector<1x16xf32>,
          %get3A_656 = arith.index_cast %scan3A_125 : i32 to index
          %get3A_657 = arith.constant 608 : index
          %get3A_658 = tpu.vector_load %arg10[%get3A_656, %get3A_657] {strides = array<i32>} : memref<32x768xf32, #tpu.memory_space<vmem>>, vector<1x16xf32>,
          %get3A_659 = vector.shape_cast %get3A_658 : vector<1x16xf32> to vector<16xf32>
          %get3A_660 = arith.index_cast %scan3A_125 : i32 to index
          %get3A_661 = arith.constant 608 : index
          %get3A_662 = tpu.vector_load %arg12[%get3A_660, %get3A_661] {strides = array<i32>} : memref<32x768xf32, #tpu.memory_space<vmem>>, vector<1x16xf32>,
          %get3A_663 = vector.shape_cast %get3A_662 : vector<1x16xf32> to vector<16xf32>
          %add3A_664 = arith.addf %get3A_659, %get3A_663 : vector<16xf32>
          %swap3A_665 = arith.index_cast %scan3A_125 : i32 to index
          %swap3A_666 = arith.constant 608 : index
          %swap3A_667 = tpu.vector_load %arg10[%swap3A_665, %swap3A_666] {strides = array<i32>} : memref<32x768xf32, #tpu.memory_space<vmem>>, vector<1x16xf32>,
          %swap3A_668 = vector.shape_cast %swap3A_667 : vector<1x16xf32> to vector<16xf32>
          %swap3A_669 = vector.shape_cast %add3A_664 : vector<16xf32> to vector<1x16xf32>
          tpu.vector_store %arg10[%swap3A_665, %swap3A_666], %swap3A_669 {strides = array<i32>} : memref<32x768xf32, #tpu.memory_space<vmem>>, vector<1x16xf32>,
          %get3A_670 = arith.index_cast %scan3A_125 : i32 to index
          %get3A_671 = arith.constant 624 : index
          %get3A_672 = tpu.vector_load %arg10[%get3A_670, %get3A_671] {strides = array<i32>} : memref<32x768xf32, #tpu.memory_space<vmem>>, vector<1x16xf32>,
          %get3A_673 = vector.shape_cast %get3A_672 : vector<1x16xf32> to vector<16xf32>
          %get3A_674 = arith.index_cast %scan3A_125 : i32 to index
          %get3A_675 = arith.constant 624 : index
          %get3A_676 = tpu.vector_load %arg12[%get3A_674, %get3A_675] {strides = array<i32>} : memref<32x768xf32, #tpu.memory_space<vmem>>, vector<1x16xf32>,
          %get3A_677 = vector.shape_cast %get3A_676 : vector<1x16xf32> to vector<16xf32>
          %add3A_678 = arith.addf %get3A_673, %get3A_677 : vector<16xf32>
          %swap3A_679 = arith.index_cast %scan3A_125 : i32 to index
          %swap3A_680 = arith.constant 624 : index
          %swap3A_681 = tpu.vector_load %arg10[%swap3A_679, %swap3A_680] {strides = array<i32>} : memref<32x768xf32, #tpu.memory_space<vmem>>, vector<1x16xf32>,
          %swap3A_682 = vector.shape_cast %swap3A_681 : vector<1x16xf32> to vector<16xf32>
          %swap3A_683 = vector.shape_cast %add3A_678 : vector<16xf32> to vector<1x16xf32>
          tpu.vector_store %arg10[%swap3A_679, %swap3A_680], %swap3A_683 {strides = array<i32>} : memref<32x768xf32, #tpu.memory_space<vmem>>, vector<1x16xf32>,
          %get3A_684 = arith.index_cast %scan3A_125 : i32 to index
          %get3A_685 = arith.constant 640 : index
          %get3A_686 = tpu.vector_load %arg10[%get3A_684, %get3A_685] {strides = array<i32>} : memref<32x768xf32, #tpu.memory_space<vmem>>, vector<1x16xf32>,
          %get3A_687 = vector.shape_cast %get3A_686 : vector<1x16xf32> to vector<16xf32>
          %get3A_688 = arith.index_cast %scan3A_125 : i32 to index
          %get3A_689 = arith.constant 640 : index
          %get3A_690 = tpu.vector_load %arg12[%get3A_688, %get3A_689] {strides = array<i32>} : memref<32x768xf32, #tpu.memory_space<vmem>>, vector<1x16xf32>,
          %get3A_691 = vector.shape_cast %get3A_690 : vector<1x16xf32> to vector<16xf32>
          %add3A_692 = arith.addf %get3A_687, %get3A_691 : vector<16xf32>
          %swap3A_693 = arith.index_cast %scan3A_125 : i32 to index
          %swap3A_694 = arith.constant 640 : index
          %swap3A_695 = tpu.vector_load %arg10[%swap3A_693, %swap3A_694] {strides = array<i32>} : memref<32x768xf32, #tpu.memory_space<vmem>>, vector<1x16xf32>,
          %swap3A_696 = vector.shape_cast %swap3A_695 : vector<1x16xf32> to vector<16xf32>
          %swap3A_697 = vector.shape_cast %add3A_692 : vector<16xf32> to vector<1x16xf32>
          tpu.vector_store %arg10[%swap3A_693, %swap3A_694], %swap3A_697 {strides = array<i32>} : memref<32x768xf32, #tpu.memory_space<vmem>>, vector<1x16xf32>,
          %get3A_698 = arith.index_cast %scan3A_125 : i32 to index
          %get3A_699 = arith.constant 656 : index
          %get3A_700 = tpu.vector_load %arg10[%get3A_698, %get3A_699] {strides = array<i32>} : memref<32x768xf32, #tpu.memory_space<vmem>>, vector<1x16xf32>,
          %get3A_701 = vector.shape_cast %get3A_700 : vector<1x16xf32> to vector<16xf32>
          %get3A_702 = arith.index_cast %scan3A_125 : i32 to index
          %get3A_703 = arith.constant 656 : index
          %get3A_704 = tpu.vector_load %arg12[%get3A_702, %get3A_703] {strides = array<i32>} : memref<32x768xf32, #tpu.memory_space<vmem>>, vector<1x16xf32>,
          %get3A_705 = vector.shape_cast %get3A_704 : vector<1x16xf32> to vector<16xf32>
          %add3A_706 = arith.addf %get3A_701, %get3A_705 : vector<16xf32>
          %swap3A_707 = arith.index_cast %scan3A_125 : i32 to index
          %swap3A_708 = arith.constant 656 : index
          %swap3A_709 = tpu.vector_load %arg10[%swap3A_707, %swap3A_708] {strides = array<i32>} : memref<32x768xf32, #tpu.memory_space<vmem>>, vector<1x16xf32>,
          %swap3A_710 = vector.shape_cast %swap3A_709 : vector<1x16xf32> to vector<16xf32>
          %swap3A_711 = vector.shape_cast %add3A_706 : vector<16xf32> to vector<1x16xf32>
          tpu.vector_store %arg10[%swap3A_707, %swap3A_708], %swap3A_711 {strides = array<i32>} : memref<32x768xf32, #tpu.memory_space<vmem>>, vector<1x16xf32>,
          %get3A_712 = arith.index_cast %scan3A_125 : i32 to index
          %get3A_713 = arith.constant 672 : index
          %get3A_714 = tpu.vector_load %arg10[%get3A_712, %get3A_713] {strides = array<i32>} : memref<32x768xf32, #tpu.memory_space<vmem>>, vector<1x16xf32>,
          %get3A_715 = vector.shape_cast %get3A_714 : vector<1x16xf32> to vector<16xf32>
          %get3A_716 = arith.index_cast %scan3A_125 : i32 to index
          %get3A_717 = arith.constant 672 : index
          %get3A_718 = tpu.vector_load %arg12[%get3A_716, %get3A_717] {strides = array<i32>} : memref<32x768xf32, #tpu.memory_space<vmem>>, vector<1x16xf32>,
          %get3A_719 = vector.shape_cast %get3A_718 : vector<1x16xf32> to vector<16xf32>
          %add3A_720 = arith.addf %get3A_715, %get3A_719 : vector<16xf32>
          %swap3A_721 = arith.index_cast %scan3A_125 : i32 to index
          %swap3A_722 = arith.constant 672 : index
          %swap3A_723 = tpu.vector_load %arg10[%swap3A_721, %swap3A_722] {strides = array<i32>} : memref<32x768xf32, #tpu.memory_space<vmem>>, vector<1x16xf32>,
          %swap3A_724 = vector.shape_cast %swap3A_723 : vector<1x16xf32> to vector<16xf32>
          %swap3A_725 = vector.shape_cast %add3A_720 : vector<16xf32> to vector<1x16xf32>
          tpu.vector_store %arg10[%swap3A_721, %swap3A_722], %swap3A_725 {strides = array<i32>} : memref<32x768xf32, #tpu.memory_space<vmem>>, vector<1x16xf32>,
          %get3A_726 = arith.index_cast %scan3A_125 : i32 to index
          %get3A_727 = arith.constant 688 : index
          %get3A_728 = tpu.vector_load %arg10[%get3A_726, %get3A_727] {strides = array<i32>} : memref<32x768xf32, #tpu.memory_space<vmem>>, vector<1x16xf32>,
          %get3A_729 = vector.shape_cast %get3A_728 : vector<1x16xf32> to vector<16xf32>
          %get3A_730 = arith.index_cast %scan3A_125 : i32 to index
          %get3A_731 = arith.constant 688 : index
          %get3A_732 = tpu.vector_load %arg12[%get3A_730, %get3A_731] {strides = array<i32>} : memref<32x768xf32, #tpu.memory_space<vmem>>, vector<1x16xf32>,
          %get3A_733 = vector.shape_cast %get3A_732 : vector<1x16xf32> to vector<16xf32>
          %add3A_734 = arith.addf %get3A_729, %get3A_733 : vector<16xf32>
          %swap3A_735 = arith.index_cast %scan3A_125 : i32 to index
          %swap3A_736 = arith.constant 688 : index
          %swap3A_737 = tpu.vector_load %arg10[%swap3A_735, %swap3A_736] {strides = array<i32>} : memref<32x768xf32, #tpu.memory_space<vmem>>, vector<1x16xf32>,
          %swap3A_738 = vector.shape_cast %swap3A_737 : vector<1x16xf32> to vector<16xf32>
          %swap3A_739 = vector.shape_cast %add3A_734 : vector<16xf32> to vector<1x16xf32>
          tpu.vector_store %arg10[%swap3A_735, %swap3A_736], %swap3A_739 {strides = array<i32>} : memref<32x768xf32, #tpu.memory_space<vmem>>, vector<1x16xf32>,
          %get3A_740 = arith.index_cast %scan3A_125 : i32 to index
          %get3A_741 = arith.constant 704 : index
          %get3A_742 = tpu.vector_load %arg10[%get3A_740, %get3A_741] {strides = array<i32>} : memref<32x768xf32, #tpu.memory_space<vmem>>, vector<1x16xf32>,
          %get3A_743 = vector.shape_cast %get3A_742 : vector<1x16xf32> to vector<16xf32>
          %get3A_744 = arith.index_cast %scan3A_125 : i32 to index
          %get3A_745 = arith.constant 704 : index
          %get3A_746 = tpu.vector_load %arg12[%get3A_744, %get3A_745] {strides = array<i32>} : memref<32x768xf32, #tpu.memory_space<vmem>>, vector<1x16xf32>,
          %get3A_747 = vector.shape_cast %get3A_746 : vector<1x16xf32> to vector<16xf32>
          %add3A_748 = arith.addf %get3A_743, %get3A_747 : vector<16xf32>
          %swap3A_749 = arith.index_cast %scan3A_125 : i32 to index
          %swap3A_750 = arith.constant 704 : index
          %swap3A_751 = tpu.vector_load %arg10[%swap3A_749, %swap3A_750] {strides = array<i32>} : memref<32x768xf32, #tpu.memory_space<vmem>>, vector<1x16xf32>,
          %swap3A_752 = vector.shape_cast %swap3A_751 : vector<1x16xf32> to vector<16xf32>
          %swap3A_753 = vector.shape_cast %add3A_748 : vector<16xf32> to vector<1x16xf32>
          tpu.vector_store %arg10[%swap3A_749, %swap3A_750], %swap3A_753 {strides = array<i32>} : memref<32x768xf32, #tpu.memory_space<vmem>>, vector<1x16xf32>,
          %get3A_754 = arith.index_cast %scan3A_125 : i32 to index
          %get3A_755 = arith.constant 720 : index
          %get3A_756 = tpu.vector_load %arg10[%get3A_754, %get3A_755] {strides = array<i32>} : memref<32x768xf32, #tpu.memory_space<vmem>>, vector<1x16xf32>,
          %get3A_757 = vector.shape_cast %get3A_756 : vector<1x16xf32> to vector<16xf32>
          %get3A_758 = arith.index_cast %scan3A_125 : i32 to index
          %get3A_759 = arith.constant 720 : index
          %get3A_760 = tpu.vector_load %arg12[%get3A_758, %get3A_759] {strides = array<i32>} : memref<32x768xf32, #tpu.memory_space<vmem>>, vector<1x16xf32>,
          %get3A_761 = vector.shape_cast %get3A_760 : vector<1x16xf32> to vector<16xf32>
          %add3A_762 = arith.addf %get3A_757, %get3A_761 : vector<16xf32>
          %swap3A_763 = arith.index_cast %scan3A_125 : i32 to index
          %swap3A_764 = arith.constant 720 : index
          %swap3A_765 = tpu.vector_load %arg10[%swap3A_763, %swap3A_764] {strides = array<i32>} : memref<32x768xf32, #tpu.memory_space<vmem>>, vector<1x16xf32>,
          %swap3A_766 = vector.shape_cast %swap3A_765 : vector<1x16xf32> to vector<16xf32>
          %swap3A_767 = vector.shape_cast %add3A_762 : vector<16xf32> to vector<1x16xf32>
          tpu.vector_store %arg10[%swap3A_763, %swap3A_764], %swap3A_767 {strides = array<i32>} : memref<32x768xf32, #tpu.memory_space<vmem>>, vector<1x16xf32>,
          %get3A_768 = arith.index_cast %scan3A_125 : i32 to index
          %get3A_769 = arith.constant 736 : index
          %get3A_770 = tpu.vector_load %arg10[%get3A_768, %get3A_769] {strides = array<i32>} : memref<32x768xf32, #tpu.memory_space<vmem>>, vector<1x16xf32>,
          %get3A_771 = vector.shape_cast %get3A_770 : vector<1x16xf32> to vector<16xf32>
          %get3A_772 = arith.index_cast %scan3A_125 : i32 to index
          %get3A_773 = arith.constant 736 : index
          %get3A_774 = tpu.vector_load %arg12[%get3A_772, %get3A_773] {strides = array<i32>} : memref<32x768xf32, #tpu.memory_space<vmem>>, vector<1x16xf32>,
          %get3A_775 = vector.shape_cast %get3A_774 : vector<1x16xf32> to vector<16xf32>
          %add3A_776 = arith.addf %get3A_771, %get3A_775 : vector<16xf32>
          %swap3A_777 = arith.index_cast %scan3A_125 : i32 to index
          %swap3A_778 = arith.constant 736 : index
          %swap3A_779 = tpu.vector_load %arg10[%swap3A_777, %swap3A_778] {strides = array<i32>} : memref<32x768xf32, #tpu.memory_space<vmem>>, vector<1x16xf32>,
          %swap3A_780 = vector.shape_cast %swap3A_779 : vector<1x16xf32> to vector<16xf32>
          %swap3A_781 = vector.shape_cast %add3A_776 : vector<16xf32> to vector<1x16xf32>
          tpu.vector_store %arg10[%swap3A_777, %swap3A_778], %swap3A_781 {strides = array<i32>} : memref<32x768xf32, #tpu.memory_space<vmem>>, vector<1x16xf32>,
          %get3A_782 = arith.index_cast %scan3A_125 : i32 to index
          %get3A_783 = arith.constant 752 : index
          %get3A_784 = tpu.vector_load %arg10[%get3A_782, %get3A_783] {strides = array<i32>} : memref<32x768xf32, #tpu.memory_space<vmem>>, vector<1x16xf32>,
          %get3A_785 = vector.shape_cast %get3A_784 : vector<1x16xf32> to vector<16xf32>
          %get3A_786 = arith.index_cast %scan3A_125 : i32 to index
          %get3A_787 = arith.constant 752 : index
          %get3A_788 = tpu.vector_load %arg12[%get3A_786, %get3A_787] {strides = array<i32>} : memref<32x768xf32, #tpu.memory_space<vmem>>, vector<1x16xf32>,
          %get3A_789 = vector.shape_cast %get3A_788 : vector<1x16xf32> to vector<16xf32>
          %add3A_790 = arith.addf %get3A_785, %get3A_789 : vector<16xf32>
          %swap3A_791 = arith.index_cast %scan3A_125 : i32 to index
          %swap3A_792 = arith.constant 752 : index
          %swap3A_793 = tpu.vector_load %arg10[%swap3A_791, %swap3A_792] {strides = array<i32>} : memref<32x768xf32, #tpu.memory_space<vmem>>, vector<1x16xf32>,
          %swap3A_794 = vector.shape_cast %swap3A_793 : vector<1x16xf32> to vector<16xf32>
          %swap3A_795 = vector.shape_cast %add3A_790 : vector<16xf32> to vector<1x16xf32>
          tpu.vector_store %arg10[%swap3A_791, %swap3A_792], %swap3A_795 {strides = array<i32>} : memref<32x768xf32, #tpu.memory_space<vmem>>, vector<1x16xf32>,
        }
        %scan3A_110 = arith.constant 16 : i32
        %add3A_111 = arith.constant 16 : i32
        %add3A_112 = arith.addi %mul3A_2, %add3A_111 : i32
        %dma_start3A_113 = arith.constant 16 : i32
        %dma_start3A_114 = arith.constant 0 : i32
        %dma_start3A_115 = tpu.memref_slice %arg10[%dma_start3A_113, %dma_start3A_114] : memref<32x768xf32, #tpu.memory_space<vmem>> -> memref<16x768xf32, #tpu.memory_space<vmem>>
        %dma_start3A_116 = arith.constant 0 : i32
        %dma_start3A_117 = tpu.memref_slice %arg6[%scan3A_34, %add3A_112, %dma_start3A_116] : memref<77x1024x768xf32, #tpu.memory_space<hbm>> -> memref<1x16x768xf32, #tpu.memory_space<hbm>>
        %dma_start3A_118 = tpu.memref_squeeze %dma_start3A_117 : memref<1x16x768xf32, #tpu.memory_space<hbm>> -> memref<16x768xf32, #tpu.memory_space<hbm>>
        %dma_start3A_119 = arith.constant 0 : i32
        %dma_start3A_120 = tpu.memref_slice %arg6[%scan3A_34, %add3A_112, %dma_start3A_119] : memref<77x1024x768xf32, #tpu.memory_space<hbm>> -> memref<1x16x768xf32, #tpu.memory_space<hbm>>
        %dma_start3A_121 = tpu.memref_squeeze %dma_start3A_120 : memref<1x16x768xf32, #tpu.memory_space<hbm>> -> memref<16x768xf32, #tpu.memory_space<hbm>>
        %dma_start3A_122 = arith.constant 16 : i32
        %dma_start3A_123 = arith.constant 0 : i32
        %dma_start3A_124 = tpu.memref_slice %arg10[%dma_start3A_122, %dma_start3A_123] : memref<32x768xf32, #tpu.memory_space<vmem>> -> memref<16x768xf32, #tpu.memory_space<vmem>>
        tpu.enqueue_dma source(%dma_start3A_124 : memref<16x768xf32, #tpu.memory_space<vmem>>) target(%dma_start3A_121 : memref<16x768xf32, #tpu.memory_space<hbm>>) target_semaphore(%arg16 : memref<!tpu.dma_semaphore, #tpu.memory_space<semaphore_mem>>)
      } else {
      }
    }
    %scan3A_20 = arith.constant 77 : i32
    %dma_wait3A = arith.constant 0 : i32
    %dma_wait3A_21 = arith.constant 0 : i32
    %dma_wait3A_22 = tpu.memref_slice %arg6[%dma_wait3A, %mul3A_2, %dma_wait3A_21] : memref<77x1024x768xf32, #tpu.memory_space<hbm>> -> memref<1x32x768xf32, #tpu.memory_space<hbm>>
    %dma_wait3A_23 = tpu.memref_squeeze %dma_wait3A_22 : memref<1x32x768xf32, #tpu.memory_space<hbm>> -> memref<32x768xf32, #tpu.memory_space<hbm>>
    %dma_wait3A_24 = arith.constant 0 : i32
    %dma_wait3A_25 = tpu.memref_slice %arg6[%dma_wait3A, %mul3A_2, %dma_wait3A_24] : memref<77x1024x768xf32, #tpu.memory_space<hbm>> -> memref<1x32x768xf32, #tpu.memory_space<hbm>>
    %dma_wait3A_26 = tpu.memref_squeeze %dma_wait3A_25 : memref<1x32x768xf32, #tpu.memory_space<hbm>> -> memref<32x768xf32, #tpu.memory_space<hbm>>
    tpu.wait_dma2 semaphore(%arg15 : memref<!tpu.dma_semaphore, #tpu.memory_space<semaphore_mem>>) src(%arg9 : memref<32x768xf32, #tpu.memory_space<vmem>>) dst(%dma_wait3A_26 : memref<32x768xf32, #tpu.memory_space<hbm>>)
    %dma_wait3A_27 = arith.constant 0 : i32
    %dma_wait3A_28 = arith.constant 0 : i32
    %dma_wait3A_29 = tpu.memref_slice %arg6[%dma_wait3A_27, %mul3A_2, %dma_wait3A_28] : memref<77x1024x768xf32, #tpu.memory_space<hbm>> -> memref<1x32x768xf32, #tpu.memory_space<hbm>>
    %dma_wait3A_30 = tpu.memref_squeeze %dma_wait3A_29 : memref<1x32x768xf32, #tpu.memory_space<hbm>> -> memref<32x768xf32, #tpu.memory_space<hbm>>
    %dma_wait3A_31 = arith.constant 0 : i32
    %dma_wait3A_32 = tpu.memref_slice %arg6[%dma_wait3A_27, %mul3A_2, %dma_wait3A_31] : memref<77x1024x768xf32, #tpu.memory_space<hbm>> -> memref<1x32x768xf32, #tpu.memory_space<hbm>>
    %dma_wait3A_33 = tpu.memref_squeeze %dma_wait3A_32 : memref<1x32x768xf32, #tpu.memory_space<hbm>> -> memref<32x768xf32, #tpu.memory_space<hbm>>
    tpu.wait_dma2 semaphore(%arg16 : memref<!tpu.dma_semaphore, #tpu.memory_space<semaphore_mem>>) src(%arg10 : memref<32x768xf32, #tpu.memory_space<vmem>>) dst(%dma_wait3A_33 : memref<32x768xf32, #tpu.memory_space<hbm>>)
    return
  }
}

</mosaic_0001>

<sc_bundles>
// kernel: kernel.3.cloned.1.call-start
scs
__scs_entry_jumppad:
0x0: {  	(pc) =	sbr.rel $0x88, $3  }
0x1: {  	(tag) =	ssettag $0x0;
	lr =	simm.s32 $0x1  }
0x2: {  	[smem:$0x3F9D] =	sst lr;
	_ =	strace $0xD0000000  }
0x3: {  	_ = 	snop  }
0x4: {  	_ = 	snop  }
0x5: {  	_ = 	snop  }
0x6: {  	_ = 	snop  }
0x7: {  	_ = 	snop  }
__scs_overlays_trampoline_lowered:
0x8: {  	[smem:$0x3FAC] =	sst s0  }
0x9: {  	[smem:$0x3FAD] =	sst s1  }
0xa: {  	[smem:$0x3FAE] =	sst s2  }
0xb: {  	[smem:$0x3FAF] =	sst s3  }
0xc: {  	[smem:$0x3FB0] =	sst s4  }
0xd: {  	[smem:$0x3FB1] =	sst s5  }
0xe: {  	[smem:$0x3FB2] =	sst s6  }
0xf: {  	[smem:$0x3FB3] =	sst s7  }
0x10: {  	[smem:$0x3FB4] =	sst s8  }
0x11: {  	[smem:$0x3FB5] =	sst s9;
	s0 =	simm.s32 @!p0 $0x0  }
0x12: {  	s1 =	sld [smem:$0x3F9B];
	s0 =	simm.s32 @p0 $0x1  }
0x13: {  	[smem:$0x3FB6] =	sst s0;
	s0 =	simm.s32 @!p1 $0x0  }
0x14: {  	s2 =	sld [smem:$0x3F9A];
	s0 =	simm.s32 @p1 $0x1  }
0x15: {  	[smem:$0x3FB7] =	sst s0;
	s0 =	simm.s32 @!p2 $0x0  }
0x16: {  	s3 =	sld [smem:$0x3FDB];
	s0 =	simm.s32 @p2 $0x1  }
0x17: {  	s4 =	simm.s32 $0x1BF5;
	[smem:$0x3FB9] =	sst s0  }
0x18: {  	s0 =	sld [smem:$0x3F9C];
	_ =	swait.ge [sflag:s4], $0x0  }
0x19: {  	s7 =	sld [smem:$0x3F9D]  }
0x1a: {  	s8 =	sadd.s32 $0xFFFFE003, lr  }
0x1b: {  	s9 =	sadd.s32 $0xFFFFFEF7, lr;
	s5 =	simm.s32 $0xFFFFFFFF;
	p2 =	slt.u32 s8, $0xFFFFF086  }
0x1c: {  	p1 =	slt.u32 s9, $0xF7A;
	s5 =	simm.s32 @!p2 $0x0  }
0x1d: {  	s5 =	simm.s32 @p1 $0x1;
	p0 =	seq.s32 s7, s2  }
0x1e: {  	s7 =	smul.u32 @!p0 $0xF7A, s2;
	p2 =	seq.s32 @!p0 s5, $0x0  }
0x1f: {  	s9 =	smul.u32 $0xF7A, s1;
	s8 =	simm.s32 @!p0 $0x1BF5;
	p2 =	por !p2, p0  }
0x20: {  	[sflag:s8] =	ssyncset.s32 @!p0 $0xFFFFF086;
	s6 =	sadd.s32 @!p0 s3, s7;
	s7 =	simm.s32 @!p0 $0x108  }
0x21: {  	s3 =	sadd.s32 s3, s9;
	s6 =	sadd.s32 @!p0 $0x88, s6;
	s7 =	simm.s32 @p2 $0x1082  }
0x22: {  	[simem:s7], [sflag:s8] =	dma.local @!p0 [hbm:s6], $0xF7A  }
0x23: {  	s9 =	sor.u32 $0xD0000000, s2;
	s6 =	simm.s32 $0x108;
	_ =	swait.ge @!p0 [sflag:s8], $0x0  }
0x24: {  	s3 =	sadd.s32 $0x88, s3;
	s6 =	simm.s32 @!p1 $0x1082;
	[sflag:s4] =	ssyncset.s32 $0xFFFFF086  }
0x25: {  	[simem:s6], [sflag:s4] =	dma.local [hbm:s3], $0xF7A  }
0x26: {  	[smem:$0x3F9D] =	sst s1;
	(tag) =	ssettag s2;
	_ =	strace s9  }
0x27: {  	s1 =	sld [smem:$0x3FAD]  }
0x28: {  	s2 =	sld [smem:$0x3FAE]  }
0x29: {  	s4 =	sld [smem:$0x3FB0]  }
0x2a: {  	p0 =	seq.s32 s5, $0x0;
	s5 =	sld [smem:$0x3FB1]  }
0x2b: {  	s6 =	sld [smem:$0x3FB2]  }
0x2c: {  	s7 =	sld [smem:$0x3FB3]  }
0x2d: {  	s3 =	simm.s32 $0x108;
	s8 =	sld [smem:$0x3FB4]  }
0x2e: {  	s3 =	simm.s32 @!p0 $0x1082;
	s9 =	sld [smem:$0x3FB5]  }
0x2f: {  	lr =	sadd.s32 s0, s3;
	s0 =	sld [smem:$0x3FAC]  }
0x30: {  	s3 =	sld [smem:$0x3FAF]  }
0x31: {  	[smem:$0x3FB8] =	sst s10  }
0x32: {  	s10 =	sld [smem:$0x3FB6];
	_ =	sdelay $0x3  }
0x33: {  	p0 =	seq.s32 s10, $0x1;
	s10 =	sld [smem:$0x3FB8];
	_ =	sdelay $0x3  }
0x34: {  	[smem:$0x3FB8] =	sst s10  }
0x35: {  	s10 =	sld [smem:$0x3FB7];
	_ =	sdelay $0x3  }
0x36: {  	p1 =	seq.s32 s10, $0x1;
	s10 =	sld [smem:$0x3FB8];
	_ =	sdelay $0x3  }
0x37: {  	[smem:$0x3FB8] =	sst s10  }
0x38: {  	s10 =	sld [smem:$0x3FB9]  }
0x39: {  	_ = 	snop;
	(pc) =	sbr.ind lr, $3  }
0x3a: {  	_ = 	snop  }
0x3b: {  	_ = 	snop  }
0x3c: {  	p2 =	seq.s32 s10, $0x1;
	s10 =	sld [smem:$0x3FB8]  }
0x3d: {  	_ =	shalt  }
0x3e: {  	_ =	shalt  }
0x3f: {  	_ =	shalt  }
0x40: {  	_ =	shalt  }
0x41: {  	_ =	shalt  }
0x42: {  	_ =	shalt  }
0x43: {  	_ =	shalt  }
0x44: {  	_ =	shalt  }
0x45: {  	_ =	shalt  }
0x46: {  	_ =	shalt  }
0x47: {  	_ =	shalt  }
0x48: {  	_ =	shalt  }
0x49: {  	_ =	shalt  }
0x4a: {  	_ =	shalt  }
0x4b: {  	_ =	shalt  }
0x4c: {  	_ =	shalt  }
0x4d: {  	_ =	shalt  }
0x4e: {  	_ =	shalt  }
0x4f: {  	_ =	shalt  }
0x50: {  	_ =	shalt  }
0x51: {  	_ =	shalt  }
0x52: {  	_ =	shalt  }
0x53: {  	_ =	shalt  }
0x54: {  	_ =	shalt  }
0x55: {  	_ =	shalt  }
0x56: {  	_ =	shalt  }
0x57: {  	_ =	shalt  }
0x58: {  	_ =	shalt  }
0x59: {  	_ =	shalt  }
0x5a: {  	_ =	shalt  }
0x5b: {  	_ =	shalt  }
0x5c: {  	_ =	shalt  }
0x5d: {  	_ =	shalt  }
0x5e: {  	_ =	shalt  }
0x5f: {  	_ =	shalt  }
0x60: {  	_ =	shalt  }
0x61: {  	_ =	shalt  }
0x62: {  	_ =	shalt  }
0x63: {  	_ =	shalt  }
0x64: {  	_ =	shalt  }
0x65: {  	_ =	shalt  }
0x66: {  	_ =	shalt  }
0x67: {  	_ =	shalt  }
0x68: {  	_ =	shalt  }
0x69: {  	_ =	shalt  }
0x6a: {  	_ =	shalt  }
0x6b: {  	_ =	shalt  }
0x6c: {  	_ =	shalt  }
0x6d: {  	_ =	shalt  }
0x6e: {  	_ =	shalt  }
0x6f: {  	_ =	shalt  }
0x70: {  	_ =	shalt  }
0x71: {  	_ =	shalt  }
0x72: {  	_ =	shalt  }
0x73: {  	_ =	shalt  }
0x74: {  	_ =	shalt  }
0x75: {  	_ =	shalt  }
0x76: {  	_ =	shalt  }
0x77: {  	_ =	shalt  }
0x78: {  	_ =	shalt  }
0x79: {  	_ =	shalt  }
0x7a: {  	_ =	shalt  }
0x7b: {  	_ =	shalt  }
0x7c: {  	_ =	shalt  }
0x7d: {  	_ =	shalt  }
0x7e: {  	_ =	shalt  }
0x7f: {  	_ =	shalt  }
0x80: {  	_ =	shalt  }
0x81: {  	_ =	shalt  }
0x82: {  	_ =	shalt  }
0x83: {  	_ =	shalt  }
0x84: {  	_ =	shalt  }
0x85: {  	_ =	shalt  }
0x86: {  	_ =	shalt  }
0x87: {  	_ =	shalt  }
.Lfunc_end0:
.L_simem_size_0:
called_computation_lowered:
.L_overlay_start_0:
0x88: {  	s2 =	sld [smem:$0x3FD9]  }
0x89: {  	s3 =	sld [smem:$0x3FFE];
	_ =	sdelay $0x1  }
0x8a: {  	s1 =	srdreg.scid  }
0x8b: {  	s0 =	sand.u32 $0x1, s1  }
0x8c: {  	s17 =	sshll.u32 s0, $0xA;
	s2 =	sadd.s32 s3, s2  }
0x8d: {  	s2 =	sadd.s32 s2, s17  }
0x8e: {  	[smem:$0x3FC4] =	sst s2  }
0x8f: {  	_ = 	snop  }
0x90: {  	s2 =	sld [smem:$0x3FC7]  }
0x91: {  	s18 =	sld [smem:$0x3FC6]  }
0x92: {  	s4 =	sld [smem:$0x3FD0];
	(tm) =	ssettm $0x1  }
0x93: {  	s5 =	sld [smem:$0x3FFB];
	_ =	sdelay $0x3  }
0x94: {  	_ =	strace s5  }
0x95: {  	s5 =	sld [smem:$0x3FFC];
	_ =	sdelay $0x3  }
0x96: {  	_ =	strace s5  }
0x97: {  	s5 =	sld [smem:$0x3FFD];
	_ =	sdelay $0x3  }
0x98: {  	_ =	strace s5  }
0x99: {  	_ =	strace $0x8FFFFFFF  }
0x9a: {  	s19 =	sld [smem:$0x3FDB];
	_ =	sdelay $0x1  }
0x9b: {  	s6 =	simm.s32 $_scs_section_size  }
0x9c: {  	s7 =	simm.s32 $_size__tile_overlayer_lowered;
	s8 =	simm.s32 $_tile_overlayer_lowered  }
0x9d: {  	s22 =	simm.s32 $0x1BFF;
	s21 =	sshll.u32 s8, $0x1;
	s5 =	sadd.s32 s6, s19  }
0x9e: {  	s9 =	simm.s32 $0x0;
	s20 =	sshll.u32 s7, $0x1;
	s7 =	sadd.s32 s21, s5  }
0x9f: {  	[timem:s9], [sflag:s22] =	dma.local [hbm:s7], s20  }
0xa0: {  	_ =	swait.ge [sflag:s22], s20  }
0xa1: {  	s6 =	ssub.s32 $0x0, s20;
	[sflag:s22] =	ssyncset.done $0x0  }
0xa2: {  	[sflag:s22] =	ssyncadd.s32 s6;
	_ =	sdelay $0x1  }
0xa3: {  	s23 =	simm.s32 $0x1B8B  }
0xa4: {  	_ =	swait.ge [sflag:s23], $0x1  }
0xa5: {  	[sflag:s23] =	ssyncset.done $0x0  }
0xa6: {  	s25 =	simm.s32 $0x1B8E;
	s24 =	sld [smem:$0x3FFE];
	[sflag:s23] =	ssyncadd.s32 $0xFFFFFFFF  }
0xa7: {  	s26 =	simm.s32 $execute0_lowered;
	[smem:$0x3FD2] =	sst s25  }
0xa8: {  	s7 =	sshll.u32 s26, $0x1;
	_ =	strace $0x80000046;
	[dreg:$0x1] =	wrdreg $0xFFFFFFFF  }
0xa9: {  	s28 =	simm.s32 $_size_execute0_lowered;
	s5 =	sadd.s32 s5, s7;
	[dreg:$0x0] =	wrdreg $0x0  }
0xaa: {  	s7 =	sshll.u32 s28, $0x1;
	[dreg:$0x2] =	wrdreg s5  }
0xab: {  	[dreg:$0x3] =	wrdreg s7  }
0xac: {  	[dreg:$0x4] =	wrdreg $0xC0  }
0xad: {  	_ =	task [dreg:s9], $0x5FFFF  }
0xae: {  	[dreg:$0x1] =	wrdreg $0xFFFFFFFF  }
0xaf: {  	[dreg:$0x0] =	wrdreg $0x60  }
0xb0: {  	[dreg:$0x2] =	wrdreg s24  }
0xb1: {  	[dreg:$0x3] =	wrdreg s2  }
0xb2: {  	[dreg:$0x4] =	wrdreg s18  }
0xb3: {  	[dreg:$0x5] =	wrdreg s4  }
0xb4: {  	[dreg:$0x6] =	wrdreg $0x9  }
0xb5: {  	_ =	task.clear_ibuf [dreg:s9], $0x7FFFF;
	_ =	strace $0x90000046  }
0xb6: {  	s29 =	simm.s32 $0x9;
	_ =	strace $0x80000048  }
0xb7: {  	_ =	swait.ge [sflag:s29], $0x1  }
0xb8: {  	[sflag:s29] =	ssyncadd.s32 $0xFFFFFFFF  }
0xb9: {  	_ =	strace $0x90000048  }
0xba: {  	_ =	sfence  }
0xbb: {  	s30 =	sld [smem:$0x0];
	_ =	sdelay $0x2  }
0xbc: {  	s31 =	sshll.u32 s1, $0xD;
	s1 =	sshrl.u32 s1, $0x2  }
0xbd: {  	s3 =	sand.u32 $0x4000, s31;
	s1 =	sadd.s32 s1, s30  }
0xbe: {  	s0 =	sor.u32 s3, s0;
	s1 =	sshll.u32 s1, $0x11  }
0xbf: {  	s0 =	sor.u32 s1, s0  }
0xc0: {  	s0 =	sadd.s32 $0x8F2B, s0  }
0xc1: {  	[sflag:s0] =	ssyncadd.remote.s32 $0x1  }
0xc2: {  	_ =	sfence.sel $0xFFFF  }
0xc3: {  	[dreg:$0x0] =	wrdreg $0xFFFFFFFF;
	(pc) =	sbr.abs _section_cstart, $3  }
0xc4: {  	[dreg:$0x1] =	wrdreg $0xFFFFFFFF  }
0xc5: {  	_ =	task.clear_ibuf [dreg:s9], $0x2FFFF;
	_ =	strace $0x9FFFFFFF  }
0xc6: {  	(tm) =	ssettm $0x7FFFFFFF  }
0xc7: {  	_ =	shalt  }
tec
execute0_lowered:
.L_overlay_start_1:
0x0: {  	(tag) =	ssettag $0x1  }
0x1: {  	s0 =	rddreg [dreg:$0x0];
	s2 =	srdreg.scid  }
0x2: {  	s3 =	stileid.u32;
	s1 =	rddreg [dreg:$0x1]  }
0x3: {  	s5 =	simm.s32 $0x0;
	s17 =	simm.s32 $0x5000;
	s23 =	simm.s32 $0x8000  }
0x4: {  	s15 =	simm.s32 $0x15000;
	s18 =	simm.s32 $0x15800;
	s19 =	simm.s32 $0x16000  }
0x5: {  	s20 =	simm.s32 $0x16800;
	s21 =	simm.s32 $0x2;
	s22 =	simm.s32 $0xB000  }
0x6: {  	s24 =	simm.s32 $0xE000;
	s25 =	simm.s32 $0x3;
	s28 =	simm.s32 $0x1  }
0x7: {  	s29 =	simm.s32 $0x0;
	s4 =	sshll.u32 s3, $0x1;
	s3 =	rddreg [dreg:$0x2]  }
0x8: {  	s2 =	sand.u32 $0x1, s2;
	[smem:$0x7FF] =	sst s5;
	s8 =	sadd.s32 $0x100, s1  }
0x9: {  	s10 =	sadd.s32 $0x200, s1;
	s6 =	sor.u32 s2, s4;
	s2 =	ssub.s32 $0x2, s2  }
0xa: {  	s4 =	rddreg [dreg:$0x3];
	s7 =	smul.u32 $0x500, s6;
	s26 =	sshrl.u32 s2, $0x1  }
.Ltmp0:
0xb: {  	_ =	strace $0x80000047;
	s2 =	ssub.s32 s2, s26;
	(pc) =	sbr.rel .LBB2_1-.Ltmp0, $4  }
0xc: {  	s11 =	sadd.s32 $0x100, s3;
	s0 =	sadd.s32 s7, s0;
	s31 =	smax.u32 s2, $0x1  }
0xd: {  	v2 =	vlaneseq.u32;
	s9 =	smul.u32 $0x6000, s6;
	s30 =	sadd.s32 $0xA400, s0;
	[dreg:$0x7] =	wrdreg s31  }
0xe: {  	vm0 =	vmmov $0xffff;
	v1 =	vshrl.u32 v2, $0x3;
	s12 =	sadd.s32 $0x200, s3;
	s0 =	sadd.s32 $0x400, s0;
	[dreg:$0x5] =	wrdreg s30  }
0xf: {  	v0 =	vand.u32 $0x7, v2;
	v2 =	vor.u32 $0x8, v2;
	v1 =	vmul.u32 $0x8, v1;
	s26 =	simm.s32 $0x4;
	s13 =	sadd.s32 $0x3000, s9;
	[dreg:$0x6] =	wrdreg s0  }
.LBB2_20:
0x10: {  	_ =	swait.ge [sflag:s25], $0x6000  }
0x11: {  	[sflag:s25] =	ssyncset.done $0x0  }
0x12: {  	[sflag:s25] =	ssyncadd.s32 $0xFFFFA000  }
0x13: {  	_ =	swait.ge [sflag:s26], $0x6000  }
0x14: {  	s29 =	sadd.s32 $0x1, s29;
	s0 =	rddreg [dreg:$0x7]  }
0x15: {  	p0 =	sne.s32 s29, s0  }
.Ltmp1:
0x16: {  	_ = 	snop;
	(pc) =	sbr.rel @!p0 .LBB2_21-.Ltmp1, $3  }
0x17: {  	_ =	sdelay $0x1  }
0x18: {  	[sflag:s26] =	ssyncset.done $0x0  }
0x19: {  	[sflag:s26] =	ssyncadd.s32 $0xFFFFA000  }
.LBB2_1:
0x1a: {  	s0 =	rddreg [dreg:$0x5];
	s2 =	simm.s32 $0x5  }
0x1b: {  	[tilespmem:s5], [sflag:$0x5] =	stream.linear.gather [hbm4b:s0+s5], $0x2680, $0x38;
	[tilespmem:$0x1D000] =	vst v63  }
0x1c: {  	_ =	swait.ge [sflag:s2], $0x2680  }
0x1d: {  	[sflag:s2] =	ssyncset.done $0x0  }
0x1e: {  	s6 =	simm.s32 $0x2800;
	s31 =	rddreg [dreg:$0x6];
	[sflag:s2] =	ssyncadd.s32 $0xFFFFD980  }
0x1f: {  	[tilespmem:s6], [sflag:$0x5] =	stream.linear.gather [hbm4b:s31+s5], $0x2680, $0x38;
	[tilespmem:$0x1D000] =	vst v63  }
0x20: {  	_ =	swait.ge [sflag:s2], $0x2680  }
0x21: {  	[sflag:s2] =	ssyncset.done $0x0  }
0x22: {  	[sflag:s2] =	ssyncadd.s32 $0xFFFFD980  }
0x23: {  	v3 =	vld [tilespmem:$0x0];
	_ =	sdelay $0x4  }
0x24: {  	v4 =	vshrl.u32 v3, $0x3  }
0x25: {  	v4 =	vmul.u32 $0x30, v4  }
0x26: {  	v3 =	vand.u32 $0x7, v3  }
0x27: {  	v3 =	vor.u32 v3, v4  }
0x28: {  	v4 =	vperm.xlane v3, v0;
	_ =	sdelay $0x1  }
0x29: {  	v4 =	vadd.s32 v1, v4;
	_ =	sdelay $0x3  }
0x2a: {  	v3 =	vperm.xlane v3, v2  }
0x2b: {  	[tilespmem:s17], [sflag:$0x1] =	stream.indirect_vreg.gather [hbm4b:s1+s5], $0x80, v4, vm0, $0xb8;
	[tilespmem:$0x1D000] =	vst v63  }
0x2c: {  	s2 =	simm.s32 $0x5800;
	v3 =	vadd.s32 v1, v3  }
0x2d: {  	[tilespmem:s2], [sflag:$0x1] =	stream.indirect_vreg.gather [hbm4b:s8+s5], $0x80, v4, vm0, $0xb8;
	[tilespmem:$0x1D000] =	vst v63  }
0x2e: {  	s6 =	simm.s32 $0x6000  }
0x2f: {  	[tilespmem:s6], [sflag:$0x1] =	stream.indirect_vreg.gather [hbm4b:s10+s5], $0x80, v4, vm0, $0xb8;
	[tilespmem:$0x1D000] =	vst v63  }
0x30: {  	s7 =	simm.s32 $0x6800  }
0x31: {  	[tilespmem:s7], [sflag:$0x1] =	stream.indirect_vreg.gather [hbm4b:s1+s5], $0x80, v3, vm0, $0xb8;
	[tilespmem:$0x1D000] =	vst v63  }
0x32: {  	s14 =	simm.s32 $0x7000  }
0x33: {  	[tilespmem:s14], [sflag:$0x1] =	stream.indirect_vreg.gather [hbm4b:s8+s5], $0x80, v3, vm0, $0xb8;
	[tilespmem:$0x1D000] =	vst v63  }
0x34: {  	s16 =	simm.s32 $0x7800  }
0x35: {  	[tilespmem:s16], [sflag:$0x1] =	stream.indirect_vreg.gather [hbm4b:s10+s5], $0x80, v3, vm0, $0xb8;
	[tilespmem:$0x1D000] =	vst v63  }
0x36: {  	v3 =	vld [tilespmem:$0x10];
	_ =	sdelay $0x4  }
0x37: {  	v61 =	vshrl.u32 v3, $0x3  }
0x38: {  	v4 =	vmul.u32 $0x30, v61  }
0x39: {  	v3 =	vand.u32 $0x7, v3  }
0x3a: {  	v3 =	vor.u32 v3, v4  }
0x3b: {  	v4 =	vperm.xlane v3, v0;
	_ =	sdelay $0x1  }
0x3c: {  	v4 =	vadd.s32 v1, v4;
	_ =	sdelay $0x3  }
0x3d: {  	v3 =	vperm.xlane v3, v2  }
0x3e: {  	[tilespmem:s23], [sflag:$0x1] =	stream.indirect_vreg.gather [hbm4b:s1+s5], $0x80, v4, vm0, $0xb8;
	[tilespmem:$0x1D000] =	vst v63  }
0x3f: {  	s31 =	simm.s32 $0x8800;
	v3 =	vadd.s32 v1, v3  }
0x40: {  	[tilespmem:s31], [sflag:$0x1] =	stream.indirect_vreg.gather [hbm4b:s8+s5], $0x80, v4, vm0, $0xb8;
	[tilespmem:$0x1D000] =	vst v63  }
0x41: {  	s2 =	simm.s32 $0x9000  }
0x42: {  	[tilespmem:s2], [sflag:$0x1] =	stream.indirect_vreg.gather [hbm4b:s10+s5], $0x80, v4, vm0, $0xb8;
	[tilespmem:$0x1D000] =	vst v63  }
0x43: {  	s6 =	simm.s32 $0x9800  }
0x44: {  	[tilespmem:s6], [sflag:$0x1] =	stream.indirect_vreg.gather [hbm4b:s1+s5], $0x80, v3, vm0, $0xb8;
	[tilespmem:$0x1D000] =	vst v63  }
0x45: {  	s7 =	simm.s32 $0xA000  }
0x46: {  	[tilespmem:s7], [sflag:$0x1] =	stream.indirect_vreg.gather [hbm4b:s8+s5], $0x80, v3, vm0, $0xb8;
	[tilespmem:$0x1D000] =	vst v63  }
0x47: {  	s14 =	simm.s32 $0xA800  }
0x48: {  	[tilespmem:s14], [sflag:$0x1] =	stream.indirect_vreg.gather [hbm4b:s10+s5], $0x80, v3, vm0, $0xb8;
	[tilespmem:$0x1D000] =	vst v63  }
0x49: {  	v3 =	vld [tilespmem:$0x2800];
	_ =	sdelay $0x4  }
0x4a: {  	v62 =	vshrl.u32 v3, $0x3  }
0x4b: {  	v4 =	vmul.u32 $0x30, v62  }
0x4c: {  	v3 =	vand.u32 $0x7, v3  }
0x4d: {  	v3 =	vor.u32 v3, v4  }
0x4e: {  	v4 =	vperm.xlane v3, v0;
	_ =	sdelay $0x1  }
0x4f: {  	v4 =	vadd.s32 v1, v4;
	_ =	sdelay $0x3  }
0x50: {  	s16 =	simm.s32 $0x11000;
	v3 =	vperm.xlane v3, v2  }
0x51: {  	[tilespmem:s16], [sflag:$0x1] =	stream.indirect_vreg.gather [hbm4b:s3+s5], $0x80, v4, vm0, $0xb8;
	[tilespmem:$0x1D000] =	vst v63  }
0x52: {  	s31 =	simm.s32 $0x11800;
	v3 =	vadd.s32 v1, v3  }
0x53: {  	[tilespmem:s31], [sflag:$0x1] =	stream.indirect_vreg.gather [hbm4b:s11+s5], $0x80, v4, vm0, $0xb8;
	[tilespmem:$0x1D000] =	vst v63  }
0x54: {  	s2 =	simm.s32 $0x12000  }
0x55: {  	[tilespmem:s2], [sflag:$0x1] =	stream.indirect_vreg.gather [hbm4b:s12+s5], $0x80, v4, vm0, $0xb8;
	[tilespmem:$0x1D000] =	vst v63  }
0x56: {  	s6 =	simm.s32 $0x12800  }
0x57: {  	[tilespmem:s6], [sflag:$0x1] =	stream.indirect_vreg.gather [hbm4b:s3+s5], $0x80, v3, vm0, $0xb8;
	[tilespmem:$0x1D000] =	vst v63  }
0x58: {  	s7 =	simm.s32 $0x13000  }
0x59: {  	[tilespmem:s7], [sflag:$0x1] =	stream.indirect_vreg.gather [hbm4b:s11+s5], $0x80, v3, vm0, $0xb8;
	[tilespmem:$0x1D000] =	vst v63  }
0x5a: {  	s14 =	simm.s32 $0x13800  }
0x5b: {  	[tilespmem:s14], [sflag:$0x1] =	stream.indirect_vreg.gather [hbm4b:s12+s5], $0x80, v3, vm0, $0xb8;
	[tilespmem:$0x1D000] =	vst v63  }
0x5c: {  	v3 =	vld [tilespmem:$0x2810];
	_ =	sdelay $0x4  }
0x5d: {  	v63 =	vshrl.u32 v3, $0x3  }
0x5e: {  	v4 =	vmul.u32 $0x30, v63  }
0x5f: {  	v3 =	vand.u32 $0x7, v3  }
0x60: {  	v3 =	vor.u32 v3, v4  }
0x61: {  	v4 =	vperm.xlane v3, v0;
	_ =	sdelay $0x1  }
0x62: {  	v4 =	vadd.s32 v1, v4;
	_ =	sdelay $0x3  }
0x63: {  	s16 =	simm.s32 $0x14000;
	v3 =	vperm.xlane v3, v2  }
0x64: {  	[tilespmem:s16], [sflag:$0x1] =	stream.indirect_vreg.gather [hbm4b:s3+s5], $0x80, v4, vm0, $0xb8;
	[tilespmem:$0x1D000] =	vst v63  }
0x65: {  	s31 =	simm.s32 $0x14800;
	v3 =	vadd.s32 v1, v3  }
0x66: {  	[tilespmem:s31], [sflag:$0x1] =	stream.indirect_vreg.gather [hbm4b:s11+s5], $0x80, v4, vm0, $0xb8;
	[tilespmem:$0x1D000] =	vst v63  }
0x67: {  	_ = 	snop  }
0x68: {  	[tilespmem:s15], [sflag:$0x1] =	stream.indirect_vreg.gather [hbm4b:s12+s5], $0x80, v4, vm0, $0xb8;
	[tilespmem:$0x1D000] =	vst v63  }
0x69: {  	_ = 	snop  }
0x6a: {  	[tilespmem:s18], [sflag:$0x1] =	stream.indirect_vreg.gather [hbm4b:s3+s5], $0x80, v3, vm0, $0xb8;
	[tilespmem:$0x1D000] =	vst v63  }
.Ltmp2:
0x6b: {  	_ = 	snop;
	(pc) =	sbr.rel .LBB2_2-.Ltmp2, $4  }
0x6c: {  	_ = 	snop  }
0x6d: {  	[tilespmem:s19], [sflag:$0x1] =	stream.indirect_vreg.gather [hbm4b:s11+s5], $0x80, v3, vm0, $0xb8;
	[tilespmem:$0x1D000] =	vst v63  }
0x6e: {  	s30 =	simm.s32 $0x0  }
0x6f: {  	[tilespmem:s20], [sflag:$0x1] =	stream.indirect_vreg.gather [hbm4b:s12+s5], $0x80, v3, vm0, $0xb8;
	[tilespmem:$0x1D000] =	vst v63  }
.LBB2_19:
0x70: {  	s30 =	sadd.s32 $0x1, s30  }
0x71: {  	p0 =	sne.s32 s30, $0x4D  }
.Ltmp3:
0x72: {  	_ = 	snop;
	(pc) =	sbr.rel @!p0 .LBB2_20-.Ltmp3, $1  }
0x73: {  	_ =	sdelay $0x3  }
.LBB2_2:
0x74: {  	s31 =	sand.u32 $0x1, s30  }
0x75: {  	p0 =	seq.s32 s31, $0x1  }
.Ltmp4:
0x76: {  	_ = 	snop;
	(pc) =	sbr.rel @p0 .LBB2_12-.Ltmp4, $1  }
0x77: {  	_ =	sdelay $0x3  }
0x78: {  	p0 =	seq.s32 s30, $0x0  }
.Ltmp5:
0x79: {  	_ = 	snop;
	(pc) =	sbr.rel @p0 .LBB2_6-.Ltmp5, $1  }
0x7a: {  	_ =	sdelay $0x3  }
0x7b: {  	p0 =	seq.s32 s30, $0x4C  }
.Ltmp6:
0x7c: {  	_ = 	snop;
	(pc) =	sbr.rel @p0 .LBB2_7-.Ltmp6, $1  }
0x7d: {  	_ =	sdelay $0x3  }
0x7e: {  	_ =	swait.ge [sflag:s26], $0x6000  }
0x7f: {  	[sflag:s26] =	ssyncset.done $0x0  }
0x80: {  	[sflag:s26] =	ssyncadd.s32 $0xFFFFA000  }
.LBB2_6:
0x81: {  	s0 =	sshll.u32 s30, $0x7  }
0x82: {  	s2 =	sor.u32 $0x80, s0  }
0x83: {  	v3 =	vld [tilespmem:s2+$0x0];
	_ =	sdelay $0x4  }
0x84: {  	v4 =	vshrl.u32 v3, $0x3  }
0x85: {  	v4 =	vmul.u32 $0x30, v4  }
0x86: {  	v3 =	vand.u32 $0x7, v3  }
0x87: {  	v3 =	vor.u32 v3, v4  }
0x88: {  	v4 =	vperm.xlane v3, v0;
	_ =	sdelay $0x1  }
0x89: {  	v4 =	vadd.s32 v1, v4;
	_ =	sdelay $0x3  }
0x8a: {  	v3 =	vperm.xlane v3, v2  }
0x8b: {  	[tilespmem:s22], [sflag:$0x2] =	stream.indirect_vreg.gather [hbm4b:s1+s5], $0x80, v4, vm0, $0xb8;
	[tilespmem:$0x1D000] =	vst v63  }
0x8c: {  	s14 =	simm.s32 $0xB800;
	v3 =	vadd.s32 v1, v3  }
0x8d: {  	[tilespmem:s14], [sflag:$0x2] =	stream.indirect_vreg.gather [hbm4b:s8+s5], $0x80, v4, vm0, $0xb8;
	[tilespmem:$0x1D000] =	vst v63  }
0x8e: {  	s16 =	simm.s32 $0xC000  }
0x8f: {  	[tilespmem:s16], [sflag:$0x2] =	stream.indirect_vreg.gather [hbm4b:s10+s5], $0x80, v4, vm0, $0xb8;
	[tilespmem:$0x1D000] =	vst v63  }
0x90: {  	s6 =	simm.s32 $0xC800  }
0x91: {  	[tilespmem:s6], [sflag:$0x2] =	stream.indirect_vreg.gather [hbm4b:s1+s5], $0x80, v3, vm0, $0xb8;
	[tilespmem:$0x1D000] =	vst v63  }
0x92: {  	s7 =	simm.s32 $0xD000  }
0x93: {  	[tilespmem:s7], [sflag:$0x2] =	stream.indirect_vreg.gather [hbm4b:s8+s5], $0x80, v3, vm0, $0xb8;
	[tilespmem:$0x1D000] =	vst v63  }
0x94: {  	s14 =	simm.s32 $0xD800;
	s16 =	sor.u32 $0x90, s0  }
0x95: {  	[tilespmem:s14], [sflag:$0x2] =	stream.indirect_vreg.gather [hbm4b:s10+s5], $0x80, v3, vm0, $0xb8;
	[tilespmem:$0x1D000] =	vst v63  }
0x96: {  	v3 =	vld [tilespmem:s16+$0x0];
	_ =	sdelay $0x4  }
0x97: {  	v61 =	vshrl.u32 v3, $0x3  }
0x98: {  	v4 =	vmul.u32 $0x30, v61  }
0x99: {  	v3 =	vand.u32 $0x7, v3  }
0x9a: {  	v3 =	vor.u32 v3, v4  }
0x9b: {  	v4 =	vperm.xlane v3, v0;
	_ =	sdelay $0x1  }
0x9c: {  	v4 =	vadd.s32 v1, v4;
	_ =	sdelay $0x3  }
0x9d: {  	v3 =	vperm.xlane v3, v2  }
0x9e: {  	[tilespmem:s24], [sflag:$0x2] =	stream.indirect_vreg.gather [hbm4b:s1+s5], $0x80, v4, vm0, $0xb8;
	[tilespmem:$0x1D000] =	vst v63  }
0x9f: {  	s6 =	simm.s32 $0xE800;
	v3 =	vadd.s32 v1, v3  }
0xa0: {  	[tilespmem:s6], [sflag:$0x2] =	stream.indirect_vreg.gather [hbm4b:s8+s5], $0x80, v4, vm0, $0xb8;
	[tilespmem:$0x1D000] =	vst v63  }
0xa1: {  	s7 =	simm.s32 $0xF000  }
0xa2: {  	[tilespmem:s7], [sflag:$0x2] =	stream.indirect_vreg.gather [hbm4b:s10+s5], $0x80, v4, vm0, $0xb8;
	[tilespmem:$0x1D000] =	vst v63  }
0xa3: {  	s14 =	simm.s32 $0xF800  }
0xa4: {  	[tilespmem:s14], [sflag:$0x2] =	stream.indirect_vreg.gather [hbm4b:s1+s5], $0x80, v3, vm0, $0xb8;
	[tilespmem:$0x1D000] =	vst v63  }
0xa5: {  	s16 =	simm.s32 $0x10000  }
0xa6: {  	[tilespmem:s16], [sflag:$0x2] =	stream.indirect_vreg.gather [hbm4b:s8+s5], $0x80, v3, vm0, $0xb8;
	[tilespmem:$0x1D000] =	vst v63  }
0xa7: {  	s6 =	simm.s32 $0x10800  }
0xa8: {  	[tilespmem:s6], [sflag:$0x2] =	stream.indirect_vreg.gather [hbm4b:s10+s5], $0x80, v3, vm0, $0xb8;
	[tilespmem:$0x1D000] =	vst v63  }
0xa9: {  	v3 =	vld [tilespmem:s0+$0x2880];
	_ =	sdelay $0x4  }
0xaa: {  	v62 =	vshrl.u32 v3, $0x3  }
0xab: {  	v4 =	vmul.u32 $0x30, v62  }
0xac: {  	v3 =	vand.u32 $0x7, v3  }
0xad: {  	v3 =	vor.u32 v3, v4  }
0xae: {  	v4 =	vperm.xlane v3, v0;
	_ =	sdelay $0x1  }
0xaf: {  	v4 =	vadd.s32 v1, v4;
	_ =	sdelay $0x3  }
0xb0: {  	s7 =	simm.s32 $0x17000;
	v3 =	vperm.xlane v3, v2  }
0xb1: {  	[tilespmem:s7], [sflag:$0x2] =	stream.indirect_vreg.gather [hbm4b:s3+s5], $0x80, v4, vm0, $0xb8;
	[tilespmem:$0x1D000] =	vst v63  }
0xb2: {  	s14 =	simm.s32 $0x17800;
	v3 =	vadd.s32 v1, v3  }
0xb3: {  	[tilespmem:s14], [sflag:$0x2] =	stream.indirect_vreg.gather [hbm4b:s11+s5], $0x80, v4, vm0, $0xb8;
	[tilespmem:$0x1D000] =	vst v63  }
0xb4: {  	s16 =	simm.s32 $0x18000  }
0xb5: {  	[tilespmem:s16], [sflag:$0x2] =	stream.indirect_vreg.gather [hbm4b:s12+s5], $0x80, v4, vm0, $0xb8;
	[tilespmem:$0x1D000] =	vst v63  }
0xb6: {  	s6 =	simm.s32 $0x18800  }
0xb7: {  	[tilespmem:s6], [sflag:$0x2] =	stream.indirect_vreg.gather [hbm4b:s3+s5], $0x80, v3, vm0, $0xb8;
	[tilespmem:$0x1D000] =	vst v63  }
0xb8: {  	s7 =	simm.s32 $0x19000  }
0xb9: {  	[tilespmem:s7], [sflag:$0x2] =	stream.indirect_vreg.gather [hbm4b:s11+s5], $0x80, v3, vm0, $0xb8;
	[tilespmem:$0x1D000] =	vst v63  }
0xba: {  	s14 =	simm.s32 $0x19800  }
0xbb: {  	[tilespmem:s14], [sflag:$0x2] =	stream.indirect_vreg.gather [hbm4b:s12+s5], $0x80, v3, vm0, $0xb8;
	[tilespmem:$0x1D000] =	vst v63  }
0xbc: {  	v3 =	vld [tilespmem:s0+$0x2890];
	_ =	sdelay $0x4  }
0xbd: {  	v63 =	vshrl.u32 v3, $0x3  }
0xbe: {  	v4 =	vmul.u32 $0x30, v63  }
0xbf: {  	v3 =	vand.u32 $0x7, v3  }
0xc0: {  	v3 =	vor.u32 v3, v4  }
0xc1: {  	v4 =	vperm.xlane v3, v0;
	_ =	sdelay $0x1  }
0xc2: {  	v4 =	vadd.s32 v1, v4;
	_ =	sdelay $0x3  }
0xc3: {  	s16 =	simm.s32 $0x1A000;
	v3 =	vperm.xlane v3, v2  }
0xc4: {  	[tilespmem:s16], [sflag:$0x2] =	stream.indirect_vreg.gather [hbm4b:s3+s5], $0x80, v4, vm0, $0xb8;
	[tilespmem:$0x1D000] =	vst v63  }
0xc5: {  	s2 =	simm.s32 $0x1A800;
	v3 =	vadd.s32 v1, v3  }
0xc6: {  	[tilespmem:s2], [sflag:$0x2] =	stream.indirect_vreg.gather [hbm4b:s11+s5], $0x80, v4, vm0, $0xb8;
	[tilespmem:$0x1D000] =	vst v63  }
0xc7: {  	s6 =	simm.s32 $0x1B000  }
0xc8: {  	[tilespmem:s6], [sflag:$0x2] =	stream.indirect_vreg.gather [hbm4b:s12+s5], $0x80, v4, vm0, $0xb8;
	[tilespmem:$0x1D000] =	vst v63  }
0xc9: {  	s7 =	simm.s32 $0x1B800  }
0xca: {  	[tilespmem:s7], [sflag:$0x2] =	stream.indirect_vreg.gather [hbm4b:s3+s5], $0x80, v3, vm0, $0xb8;
	[tilespmem:$0x1D000] =	vst v63  }
0xcb: {  	s14 =	simm.s32 $0x1C000  }
0xcc: {  	[tilespmem:s14], [sflag:$0x2] =	stream.indirect_vreg.gather [hbm4b:s11+s5], $0x80, v3, vm0, $0xb8;
	[tilespmem:$0x1D000] =	vst v63  }
0xcd: {  	s16 =	simm.s32 $0x1C800  }
0xce: {  	[tilespmem:s16], [sflag:$0x2] =	stream.indirect_vreg.gather [hbm4b:s12+s5], $0x80, v3, vm0, $0xb8;
	[tilespmem:$0x1D000] =	vst v63  }
.LBB2_7:
0xcf: {  	_ =	swait.ge [sflag:s28], $0x6000  }
0xd0: {  	[sflag:s28] =	ssyncset.done $0x0  }
0xd1: {  	s0 =	simm.s32 $0x0;
	[sflag:s28] =	ssyncadd.s32 $0xFFFFA000  }
0xd2: {  	s2 =	simm.s32 $0x0;
	s0 =	smul.u32 $0x1800, s0;
	_ =	swait.ge [sflag:s28], $0x6000  }
0xd3: {  	s6 =	sand.u32 $0x380, s2;
	[sflag:s28] =	ssyncset.done $0x0  }
0xd4: {  	s0 =	sor.u32 s6, s0;
	[sflag:s28] =	ssyncadd.s32 $0xFFFFA000  }
0xd5: {  	v12 =	vld [tilespmem:s0+$0x11000]  }
0xd6: {  	v13 =	vld [tilespmem:s0+$0x11010]  }
0xd7: {  	v14 =	vld [tilespmem:s0+$0x11020]  }
0xd8: {  	v15 =	vld [tilespmem:s0+$0x11030]  }
0xd9: {  	v16 =	vld [tilespmem:s0+$0x11040]  }
0xda: {  	v17 =	vld [tilespmem:s0+$0x11050]  }
0xdb: {  	v18 =	vld [tilespmem:s0+$0x11060]  }
0xdc: {  	v19 =	vld [tilespmem:s0+$0x11070]  }
0xdd: {  	v20 =	vld [tilespmem:s0+$0x11400]  }
0xde: {  	v21 =	vld [tilespmem:s0+$0x11410]  }
0xdf: {  	v22 =	vld [tilespmem:s0+$0x11420]  }
0xe0: {  	v23 =	vld [tilespmem:s0+$0x11430]  }
0xe1: {  	v24 =	vld [tilespmem:s0+$0x11440]  }
0xe2: {  	v25 =	vld [tilespmem:s0+$0x11450]  }
0xe3: {  	v26 =	vld [tilespmem:s0+$0x11460]  }
0xe4: {  	v27 =	vld [tilespmem:s0+$0x11470]  }
0xe5: {  	v28 =	vld [tilespmem:s0+$0x11800]  }
0xe6: {  	v29 =	vld [tilespmem:s0+$0x11810]  }
0xe7: {  	v30 =	vld [tilespmem:s0+$0x11820]  }
0xe8: {  	v31 =	vld [tilespmem:s0+$0x11830]  }
0xe9: {  	v32 =	vld [tilespmem:s0+$0x11840]  }
0xea: {  	v33 =	vld [tilespmem:s0+$0x11850]  }
0xeb: {  	v34 =	vld [tilespmem:s0+$0x11860]  }
0xec: {  	v35 =	vld [tilespmem:s0+$0x11870]  }
0xed: {  	v36 =	vld [tilespmem:s0+$0x11C00]  }
0xee: {  	v37 =	vld [tilespmem:s0+$0x11C10]  }
0xef: {  	v38 =	vld [tilespmem:s0+$0x11C20]  }
0xf0: {  	v39 =	vld [tilespmem:s0+$0x11C30]  }
0xf1: {  	v40 =	vld [tilespmem:s0+$0x11C40]  }
0xf2: {  	v41 =	vld [tilespmem:s0+$0x11C50]  }
0xf3: {  	v42 =	vld [tilespmem:s0+$0x11C60]  }
0xf4: {  	v43 =	vld [tilespmem:s0+$0x11C70]  }
0xf5: {  	v44 =	vld [tilespmem:s0+$0x12000]  }
0xf6: {  	v45 =	vld [tilespmem:s0+$0x12010]  }
0xf7: {  	v46 =	vld [tilespmem:s0+$0x12020]  }
0xf8: {  	v47 =	vld [tilespmem:s0+$0x12030]  }
0xf9: {  	v48 =	vld [tilespmem:s0+$0x12040]  }
0xfa: {  	v49 =	vld [tilespmem:s0+$0x12050]  }
0xfb: {  	v50 =	vld [tilespmem:s0+$0x12060]  }
0xfc: {  	v11 =	vld [tilespmem:s0+$0x12070]  }
0xfd: {  	v10 =	vld [tilespmem:s0+$0x12400]  }
0xfe: {  	v9 =	vld [tilespmem:s0+$0x12410]  }
0xff: {  	v8 =	vld [tilespmem:s0+$0x12420]  }
0x100: {  	v7 =	vld [tilespmem:s0+$0x12430]  }
0x101: {  	v6 =	vld [tilespmem:s0+$0x12440]  }
0x102: {  	v51 =	vld [tilespmem:s0+$0x5000]  }
0x103: {  	v52 =	vld [tilespmem:s0+$0x5010]  }
0x104: {  	v53 =	vld [tilespmem:s0+$0x5020]  }
0x105: {  	v54 =	vld [tilespmem:s0+$0x5030]  }
0x106: {  	v55 =	vld [tilespmem:s0+$0x5040]  }
0x107: {  	v62 =	vld [tilespmem:s0+$0x5050];
	v12 =	vadd.f32 v12, v51  }
0x108: {  	v63 =	vld [tilespmem:s0+$0x5060];
	v13 =	vadd.f32 v13, v52  }
0x109: {  	[tilespmem:s0+$0x5000] =	vst v12;
	v12 =	vadd.f32 v14, v53;
	v14 =	vld [tilespmem:s0+$0x5070]  }
0x10a: {  	[tilespmem:s0+$0x5010] =	vst v13;
	v13 =	vadd.f32 v15, v54;
	v15 =	vld [tilespmem:s0+$0x5400]  }
0x10b: {  	[tilespmem:s0+$0x5020] =	vst v12;
	v12 =	vadd.f32 v16, v55;
	v16 =	vld [tilespmem:s0+$0x5410]  }
0x10c: {  	[tilespmem:s0+$0x5030] =	vst v13;
	v13 =	vadd.f32 v17, v62;
	v17 =	vld [tilespmem:s0+$0x5420]  }
0x10d: {  	v5 =	vld [tilespmem:s0+$0x12450]  }
0x10e: {  	[tilespmem:s0+$0x5040] =	vst v12;
	v12 =	vadd.f32 v18, v63;
	v18 =	vld [tilespmem:s0+$0x5470]  }
0x10f: {  	[tilespmem:s0+$0x5050] =	vst v13;
	v13 =	vadd.f32 v19, v14;
	v14 =	vld [tilespmem:s0+$0x5430]  }
0x110: {  	[tilespmem:s0+$0x5060] =	vst v12;
	v12 =	vadd.f32 v20, v15;
	v15 =	vld [tilespmem:s0+$0x5440]  }
0x111: {  	[tilespmem:s0+$0x5070] =	vst v13;
	v13 =	vadd.f32 v21, v16;
	v16 =	vadd.f32 v22, v17;
	v17 =	vld [tilespmem:s0+$0x5460]  }
0x112: {  	[tilespmem:s0+$0x5400] =	vst v12;
	v12 =	vld [tilespmem:s0+$0x5450]  }
0x113: {  	[tilespmem:s0+$0x5410] =	vst v13;
	v13 =	vld [tilespmem:s0+$0x5800];
	v18 =	vadd.f32 v27, v18  }
0x114: {  	[tilespmem:s0+$0x5420] =	vst v16;
	v16 =	vld [tilespmem:s0+$0x5810];
	v14 =	vadd.f32 v23, v14  }
0x115: {  	v4 =	vld [tilespmem:s0+$0x12460];
	v15 =	vadd.f32 v24, v15;
	[tilespmem:s0+$0x5470] =	vst v18  }
0x116: {  	[tilespmem:s0+$0x5430] =	vst v14;
	v14 =	vld [tilespmem:s0+$0x5820];
	v17 =	vadd.f32 v26, v17  }
0x117: {  	v12 =	vadd.f32 v25, v12;
	[tilespmem:s0+$0x5440] =	vst v15;
	v15 =	vld [tilespmem:s0+$0x5830]  }
0x118: {  	v18 =	vld [tilespmem:s0+$0x5870];
	[tilespmem:s0+$0x5460] =	vst v17;
	v13 =	vadd.f32 v28, v13  }
0x119: {  	v16 =	vadd.f32 v29, v16;
	[tilespmem:s0+$0x5450] =	vst v12;
	v12 =	vld [tilespmem:s0+$0x5840]  }
0x11a: {  	v17 =	vld [tilespmem:s0+$0x5850];
	[tilespmem:s0+$0x5800] =	vst v13  }
0x11b: {  	[tilespmem:s0+$0x5810] =	vst v16;
	v16 =	vld [tilespmem:s0+$0x5860];
	v13 =	vadd.f32 v30, v14  }
0x11c: {  	v14 =	vld [tilespmem:s0+$0x5C00];
	v15 =	vadd.f32 v31, v15  }
0x11d: {  	[tilespmem:s0+$0x5820] =	vst v13;
	v13 =	vld [tilespmem:s0+$0x5C10]  }
0x11e: {  	v12 =	vadd.f32 v32, v12;
	[tilespmem:s0+$0x5830] =	vst v15;
	v15 =	vld [tilespmem:s0+$0x5C20]  }
0x11f: {  	v3 =	vld [tilespmem:s0+$0x12470];
	v17 =	vadd.f32 v33, v17  }
0x120: {  	v16 =	vadd.f32 v34, v16;
	[tilespmem:s0+$0x5840] =	vst v12;
	v12 =	vld [tilespmem:s0+$0x5C30]  }
0x121: {  	[tilespmem:s0+$0x5850] =	vst v17;
	v17 =	vld [tilespmem:s0+$0x5C40];
	v14 =	vadd.f32 v36, v14  }
0x122: {  	v18 =	vadd.f32 v35, v18;
	[tilespmem:s0+$0x5860] =	vst v16;
	v16 =	vld [tilespmem:s0+$0x5C50]  }
0x123: {  	v13 =	vadd.f32 v37, v13;
	[tilespmem:s0+$0x5C00] =	vst v14;
	v14 =	vadd.f32 v38, v15;
	v15 =	vld [tilespmem:s0+$0x5C60]  }
0x124: {  	[tilespmem:s0+$0x5870] =	vst v18;
	v18 =	vld [tilespmem:s0+$0x5C70]  }
0x125: {  	[tilespmem:s0+$0x5C10] =	vst v13;
	v13 =	vld [tilespmem:s0+$0x6000];
	v12 =	vadd.f32 v39, v12  }
0x126: {  	v17 =	vadd.f32 v40, v17;
	[tilespmem:s0+$0x5C20] =	vst v14;
	v14 =	vld [tilespmem:s0+$0x6010]  }
0x127: {  	v16 =	vadd.f32 v41, v16;
	[tilespmem:s0+$0x5C30] =	vst v12;
	v12 =	vld [tilespmem:s0+$0x6020]  }
0x128: {  	[tilespmem:s0+$0x5C40] =	vst v17;
	v17 =	vld [tilespmem:s0+$0x6030];
	v15 =	vadd.f32 v42, v15  }
0x129: {  	v19 =	vld [tilespmem:s0+$0x6040];
	[tilespmem:s0+$0x5C50] =	vst v16;
	v16 =	vadd.f32 v43, v18  }
0x12a: {  	v18 =	vld [tilespmem:s0+$0x6050];
	v13 =	vadd.f32 v44, v13;
	[tilespmem:s0+$0x5C60] =	vst v15  }
0x12b: {  	v20 =	vld [tilespmem:s0+$0x6060];
	[tilespmem:s0+$0x5C70] =	vst v16;
	v14 =	vadd.f32 v45, v14  }
0x12c: {  	v16 =	vld [tilespmem:s0+$0x6070];
	[tilespmem:s0+$0x6000] =	vst v13;
	v12 =	vadd.f32 v46, v12  }
0x12d: {  	v15 =	vld [tilespmem:s0+$0x6400];
	v13 =	vadd.f32 v47, v17;
	[tilespmem:s0+$0x6010] =	vst v14  }
0x12e: {  	v14 =	vld [tilespmem:s0+$0x6410];
	[tilespmem:s0+$0x6020] =	vst v12;
	v12 =	vadd.f32 v48, v19  }
0x12f: {  	[tilespmem:s0+$0x6030] =	vst v13;
	v13 =	vld [tilespmem:s0+$0x6420];
	v18 =	vadd.f32 v49, v18  }
0x130: {  	s16 =	simm.s32 $0x1;
	v17 =	vadd.f32 v50, v20;
	[tilespmem:s0+$0x6040] =	vst v12;
	v12 =	vld [tilespmem:s0+$0x6430]  }
.LBB2_8:
0x131: {  	s6 =	sshrl.u32 s16, $0x3;
	p0 =	sne.s32 s16, $0xF;
	[tilespmem:s0+$0x6050] =	vst v18;
	v11 =	vadd.f32 v11, v16;
	v16 =	vld [tilespmem:s0+$0x6440]  }
0x132: {  	s2 =	sadd.s32 $0x80, s2;
	s6 =	smul.u32 $0x1800, s6;
	[tilespmem:s0+$0x6060] =	vst v17;
	v10 =	vadd.f32 v10, v15;
	v15 =	vld [tilespmem:s0+$0x6450]  }
0x133: {  	s7 =	sand.u32 $0x380, s2;
	[tilespmem:s0+$0x6070] =	vst v11;
	v9 =	vadd.f32 v9, v14;
	v11 =	vld [tilespmem:s0+$0x6460]  }
0x134: {  	s6 =	sor.u32 s7, s6;
	[tilespmem:s0+$0x6400] =	vst v10;
	v8 =	vadd.f32 v8, v13;
	v10 =	vld [tilespmem:s0+$0x6470]  }
0x135: {  	v39 =	vld [tilespmem:s6+$0x11000];
	[tilespmem:s0+$0x6410] =	vst v9;
	v7 =	vadd.f32 v7, v12  }
0x136: {  	v40 =	vld [tilespmem:s6+$0x11010];
	[tilespmem:s0+$0x6420] =	vst v8;
	v6 =	vadd.f32 v6, v16  }
0x137: {  	v41 =	vld [tilespmem:s6+$0x11020];
	[tilespmem:s0+$0x6430] =	vst v7;
	v5 =	vadd.f32 v5, v15  }
0x138: {  	v42 =	vld [tilespmem:s6+$0x11030];
	[tilespmem:s0+$0x6440] =	vst v6;
	v4 =	vadd.f32 v4, v11  }
0x139: {  	v43 =	vld [tilespmem:s6+$0x11040];
	[tilespmem:s0+$0x6450] =	vst v5;
	v3 =	vadd.f32 v3, v10  }
0x13a: {  	v44 =	vld [tilespmem:s6+$0x11050];
	[tilespmem:s0+$0x6460] =	vst v4  }
0x13b: {  	v45 =	vld [tilespmem:s6+$0x11060];
	[tilespmem:s0+$0x6470] =	vst v3;
	s0 =	smov.u32 s6  }
0x13c: {  	v46 =	vld [tilespmem:s0+$0x11070]  }
0x13d: {  	v47 =	vld [tilespmem:s0+$0x11400]  }
0x13e: {  	v48 =	vld [tilespmem:s0+$0x11410]  }
0x13f: {  	v49 =	vld [tilespmem:s0+$0x11420]  }
0x140: {  	v50 =	vld [tilespmem:s0+$0x11430]  }
0x141: {  	v38 =	vld [tilespmem:s0+$0x11440]  }
0x142: {  	v37 =	vld [tilespmem:s0+$0x11450]  }
0x143: {  	v36 =	vld [tilespmem:s0+$0x11460]  }
0x144: {  	v35 =	vld [tilespmem:s0+$0x11470]  }
0x145: {  	v34 =	vld [tilespmem:s0+$0x11800]  }
0x146: {  	v33 =	vld [tilespmem:s0+$0x11810]  }
0x147: {  	v32 =	vld [tilespmem:s0+$0x11820]  }
0x148: {  	v31 =	vld [tilespmem:s0+$0x11830]  }
0x149: {  	v30 =	vld [tilespmem:s0+$0x11840]  }
0x14a: {  	v29 =	vld [tilespmem:s0+$0x11850]  }
0x14b: {  	v28 =	vld [tilespmem:s0+$0x11860]  }
0x14c: {  	v27 =	vld [tilespmem:s0+$0x11870]  }
0x14d: {  	v26 =	vld [tilespmem:s0+$0x11C00]  }
0x14e: {  	v25 =	vld [tilespmem:s0+$0x11C10]  }
0x14f: {  	v24 =	vld [tilespmem:s0+$0x11C20]  }
0x150: {  	v23 =	vld [tilespmem:s0+$0x11C30]  }
0x151: {  	v22 =	vld [tilespmem:s0+$0x11C40]  }
0x152: {  	v21 =	vld [tilespmem:s0+$0x11C50]  }
0x153: {  	v20 =	vld [tilespmem:s0+$0x11C60]  }
0x154: {  	v19 =	vld [tilespmem:s0+$0x11C70]  }
0x155: {  	v18 =	vld [tilespmem:s0+$0x12000]  }
0x156: {  	v17 =	vld [tilespmem:s0+$0x12010]  }
0x157: {  	v16 =	vld [tilespmem:s0+$0x12020]  }
0x158: {  	v15 =	vld [tilespmem:s0+$0x12030]  }
0x159: {  	v14 =	vld [tilespmem:s0+$0x12040]  }
0x15a: {  	v13 =	vld [tilespmem:s0+$0x12050]  }
0x15b: {  	v12 =	vld [tilespmem:s0+$0x12060]  }
0x15c: {  	v11 =	vld [tilespmem:s0+$0x12070]  }
0x15d: {  	v10 =	vld [tilespmem:s0+$0x12400]  }
0x15e: {  	v9 =	vld [tilespmem:s0+$0x12410]  }
0x15f: {  	v8 =	vld [tilespmem:s0+$0x12420]  }
0x160: {  	v7 =	vld [tilespmem:s0+$0x12430]  }
0x161: {  	v6 =	vld [tilespmem:s0+$0x12440]  }
0x162: {  	v5 =	vld [tilespmem:s0+$0x12450]  }
0x163: {  	v4 =	vld [tilespmem:s0+$0x12460]  }
0x164: {  	v3 =	vld [tilespmem:s0+$0x12470]  }
0x165: {  	v51 =	vld [tilespmem:s0+$0x5000]  }
0x166: {  	v52 =	vld [tilespmem:s0+$0x5010]  }
0x167: {  	v53 =	vld [tilespmem:s0+$0x5020]  }
0x168: {  	v54 =	vld [tilespmem:s0+$0x5030]  }
0x169: {  	v55 =	vld [tilespmem:s0+$0x5040]  }
0x16a: {  	v39 =	vadd.f32 v39, v51;
	v51 =	vld [tilespmem:s0+$0x5050]  }
0x16b: {  	v40 =	vadd.f32 v40, v52;
	v52 =	vld [tilespmem:s0+$0x5060]  }
0x16c: {  	[tilespmem:s0+$0x5000] =	vst v39;
	v39 =	vadd.f32 v41, v53;
	v41 =	vld [tilespmem:s0+$0x5070]  }
0x16d: {  	[tilespmem:s0+$0x5010] =	vst v40;
	v40 =	vadd.f32 v42, v54;
	v42 =	vld [tilespmem:s0+$0x5400]  }
0x16e: {  	[tilespmem:s0+$0x5020] =	vst v39;
	v39 =	vadd.f32 v43, v55;
	v43 =	vld [tilespmem:s0+$0x5410]  }
0x16f: {  	[tilespmem:s0+$0x5030] =	vst v40;
	v40 =	vadd.f32 v44, v51;
	v44 =	vld [tilespmem:s0+$0x5420]  }
0x170: {  	[tilespmem:s0+$0x5040] =	vst v39;
	v39 =	vadd.f32 v45, v52;
	v45 =	vld [tilespmem:s0+$0x5430]  }
0x171: {  	[tilespmem:s0+$0x5050] =	vst v40;
	v40 =	vadd.f32 v46, v41;
	v41 =	vld [tilespmem:s0+$0x5440]  }
0x172: {  	[tilespmem:s0+$0x5060] =	vst v39;
	v39 =	vadd.f32 v47, v42;
	v42 =	vld [tilespmem:s0+$0x5450]  }
0x173: {  	[tilespmem:s0+$0x5070] =	vst v40;
	v40 =	vadd.f32 v48, v43;
	v43 =	vld [tilespmem:s0+$0x5460]  }
0x174: {  	[tilespmem:s0+$0x5400] =	vst v39;
	v39 =	vadd.f32 v49, v44;
	v44 =	vld [tilespmem:s0+$0x5470]  }
0x175: {  	[tilespmem:s0+$0x5410] =	vst v40;
	v40 =	vadd.f32 v50, v45;
	v45 =	vld [tilespmem:s0+$0x5800]  }
0x176: {  	[tilespmem:s0+$0x5420] =	vst v39;
	v38 =	vadd.f32 v38, v41;
	v39 =	vld [tilespmem:s0+$0x5810]  }
0x177: {  	[tilespmem:s0+$0x5430] =	vst v40;
	v37 =	vadd.f32 v37, v42;
	v40 =	vld [tilespmem:s0+$0x5820]  }
0x178: {  	[tilespmem:s0+$0x5440] =	vst v38;
	v36 =	vadd.f32 v36, v43;
	v38 =	vld [tilespmem:s0+$0x5830]  }
0x179: {  	[tilespmem:s0+$0x5450] =	vst v37;
	v35 =	vadd.f32 v35, v44;
	v37 =	vld [tilespmem:s0+$0x5840]  }
0x17a: {  	[tilespmem:s0+$0x5460] =	vst v36;
	v34 =	vadd.f32 v34, v45;
	v36 =	vld [tilespmem:s0+$0x5850]  }
0x17b: {  	[tilespmem:s0+$0x5470] =	vst v35;
	v33 =	vadd.f32 v33, v39;
	v35 =	vld [tilespmem:s0+$0x5860]  }
0x17c: {  	[tilespmem:s0+$0x5800] =	vst v34;
	v32 =	vadd.f32 v32, v40;
	v34 =	vld [tilespmem:s0+$0x5870]  }
0x17d: {  	[tilespmem:s0+$0x5810] =	vst v33;
	v31 =	vadd.f32 v31, v38;
	v33 =	vld [tilespmem:s0+$0x5C00]  }
0x17e: {  	[tilespmem:s0+$0x5820] =	vst v32;
	v30 =	vadd.f32 v30, v37;
	v32 =	vld [tilespmem:s0+$0x5C10]  }
0x17f: {  	[tilespmem:s0+$0x5830] =	vst v31;
	v29 =	vadd.f32 v29, v36;
	v31 =	vld [tilespmem:s0+$0x5C20]  }
0x180: {  	[tilespmem:s0+$0x5840] =	vst v30;
	v28 =	vadd.f32 v28, v35;
	v30 =	vld [tilespmem:s0+$0x5C30]  }
0x181: {  	[tilespmem:s0+$0x5850] =	vst v29;
	v27 =	vadd.f32 v27, v34;
	v29 =	vld [tilespmem:s0+$0x5C40]  }
0x182: {  	[tilespmem:s0+$0x5860] =	vst v28;
	v26 =	vadd.f32 v26, v33;
	v28 =	vld [tilespmem:s0+$0x5C50]  }
0x183: {  	[tilespmem:s0+$0x5870] =	vst v27;
	v25 =	vadd.f32 v25, v32;
	v27 =	vld [tilespmem:s0+$0x5C60]  }
0x184: {  	[tilespmem:s0+$0x5C00] =	vst v26;
	v24 =	vadd.f32 v24, v31;
	v26 =	vld [tilespmem:s0+$0x5C70]  }
0x185: {  	[tilespmem:s0+$0x5C10] =	vst v25;
	v23 =	vadd.f32 v23, v30;
	v25 =	vld [tilespmem:s0+$0x6000]  }
0x186: {  	[tilespmem:s0+$0x5C20] =	vst v24;
	v22 =	vadd.f32 v22, v29;
	v24 =	vld [tilespmem:s0+$0x6010]  }
0x187: {  	[tilespmem:s0+$0x5C30] =	vst v23;
	v21 =	vadd.f32 v21, v28;
	v23 =	vld [tilespmem:s0+$0x6020]  }
0x188: {  	[tilespmem:s0+$0x5C40] =	vst v22;
	v20 =	vadd.f32 v20, v27;
	v22 =	vld [tilespmem:s0+$0x6030]  }
0x189: {  	[tilespmem:s0+$0x5C50] =	vst v21;
	v19 =	vadd.f32 v19, v26;
	v21 =	vld [tilespmem:s0+$0x6040]  }
0x18a: {  	[tilespmem:s0+$0x5C60] =	vst v20;
	v18 =	vadd.f32 v18, v25;
	v20 =	vld [tilespmem:s0+$0x6050]  }
0x18b: {  	[tilespmem:s0+$0x5C70] =	vst v19;
	v17 =	vadd.f32 v17, v24;
	v19 =	vld [tilespmem:s0+$0x6060]  }
.Ltmp7:
0x18c: {  	[tilespmem:s0+$0x6000] =	vst v18;
	v18 =	vadd.f32 v16, v23;
	v16 =	vld [tilespmem:s0+$0x6070];
	(pc) =	sbr.rel @p0 .LBB2_8-.Ltmp7, $4  }
0x18d: {  	[tilespmem:s0+$0x6010] =	vst v17;
	v17 =	vadd.f32 v15, v22;
	v15 =	vld [tilespmem:s0+$0x6400]  }
0x18e: {  	[tilespmem:s0+$0x6020] =	vst v18;
	v21 =	vadd.f32 v14, v21;
	v14 =	vld [tilespmem:s0+$0x6410]  }
0x18f: {  	[tilespmem:s0+$0x6030] =	vst v17;
	v18 =	vadd.f32 v13, v20;
	v13 =	vld [tilespmem:s0+$0x6420]  }
0x190: {  	s16 =	sadd.s32 $0x1, s16;
	[tilespmem:s0+$0x6040] =	vst v21;
	v17 =	vadd.f32 v12, v19;
	v12 =	vld [tilespmem:s0+$0x6430]  }
0x191: {  	[tilespmem:s0+$0x6050] =	vst v18;
	v18 =	vld [tilespmem:s0+$0x6440];
	v11 =	vadd.f32 v11, v16  }
0x192: {  	v16 =	vld [tilespmem:s0+$0x6450];
	[tilespmem:s0+$0x6060] =	vst v17;
	v10 =	vadd.f32 v10, v15  }
0x193: {  	[tilespmem:s0+$0x6070] =	vst v11;
	v9 =	vadd.f32 v9, v14;
	v11 =	vld [tilespmem:s0+$0x6460]  }
0x194: {  	[tilespmem:s0+$0x6400] =	vst v10;
	v8 =	vadd.f32 v8, v13;
	v10 =	vld [tilespmem:s0+$0x6470]  }
0x195: {  	[tilespmem:s0+$0x6410] =	vst v9;
	v7 =	vadd.f32 v7, v12  }
0x196: {  	[tilespmem:s0+$0x6420] =	vst v8;
	v6 =	vadd.f32 v6, v18  }
0x197: {  	s2 =	smul.u32 $0xC0000, s30;
	v5 =	vadd.f32 v5, v16;
	[tilespmem:s0+$0x6430] =	vst v7  }
0x198: {  	[tilespmem:s0+$0x6440] =	vst v6;
	v4 =	vadd.f32 v4, v11  }
0x199: {  	s6 =	sadd.s32 s9, s2;
	[tilespmem:s0+$0x6450] =	vst v5;
	v3 =	vadd.f32 v3, v10  }
0x19a: {  	s7 =	simm.s32 $0x2;
	s16 =	simm.s32 $0x800;
	s6 =	sshrl.u32 s6, $0x3;
	[tilespmem:s0+$0x6460] =	vst v4  }
0x19b: {  	s14 =	sand.u32 $0x380, s16;
	s6 =	sadd.s32 s4, s6;
	[tilespmem:s0+$0x6470] =	vst v3;
	s0 =	smul.u32 $0x1800, s7  }
0x19c: {  	[hbm4b:s6+s5] =	stream.linear.scatter [tilespmem:s17], [sflag:$0x3], $0x3000, $0x38;
	[tilespmem:$0x1D000] =	vst v63  }
0x19d: {  	s0 =	sor.u32 s14, s0  }
0x19e: {  	v12 =	vld [tilespmem:s0+$0x11000]  }
0x19f: {  	v13 =	vld [tilespmem:s0+$0x11010]  }
0x1a0: {  	v14 =	vld [tilespmem:s0+$0x11020]  }
0x1a1: {  	v15 =	vld [tilespmem:s0+$0x11030]  }
0x1a2: {  	v16 =	vld [tilespmem:s0+$0x11040]  }
0x1a3: {  	v17 =	vld [tilespmem:s0+$0x11050]  }
0x1a4: {  	v18 =	vld [tilespmem:s0+$0x11060]  }
0x1a5: {  	v19 =	vld [tilespmem:s0+$0x11070]  }
0x1a6: {  	v20 =	vld [tilespmem:s0+$0x11400]  }
0x1a7: {  	v21 =	vld [tilespmem:s0+$0x11410]  }
0x1a8: {  	v22 =	vld [tilespmem:s0+$0x11420]  }
0x1a9: {  	v23 =	vld [tilespmem:s0+$0x11430]  }
0x1aa: {  	v24 =	vld [tilespmem:s0+$0x11440]  }
0x1ab: {  	v25 =	vld [tilespmem:s0+$0x11450]  }
0x1ac: {  	v26 =	vld [tilespmem:s0+$0x11460]  }
0x1ad: {  	v27 =	vld [tilespmem:s0+$0x11470]  }
0x1ae: {  	v28 =	vld [tilespmem:s0+$0x11800]  }
0x1af: {  	v29 =	vld [tilespmem:s0+$0x11810]  }
0x1b0: {  	v30 =	vld [tilespmem:s0+$0x11820]  }
0x1b1: {  	v31 =	vld [tilespmem:s0+$0x11830]  }
0x1b2: {  	v32 =	vld [tilespmem:s0+$0x11840]  }
0x1b3: {  	v33 =	vld [tilespmem:s0+$0x11850]  }
0x1b4: {  	v34 =	vld [tilespmem:s0+$0x11860]  }
0x1b5: {  	v35 =	vld [tilespmem:s0+$0x11870]  }
0x1b6: {  	v36 =	vld [tilespmem:s0+$0x11C00]  }
0x1b7: {  	v37 =	vld [tilespmem:s0+$0x11C10]  }
0x1b8: {  	v38 =	vld [tilespmem:s0+$0x11C20]  }
0x1b9: {  	v39 =	vld [tilespmem:s0+$0x11C30]  }
0x1ba: {  	v40 =	vld [tilespmem:s0+$0x11C40]  }
0x1bb: {  	v41 =	vld [tilespmem:s0+$0x11C50]  }
0x1bc: {  	v42 =	vld [tilespmem:s0+$0x11C60]  }
0x1bd: {  	v43 =	vld [tilespmem:s0+$0x11C70]  }
0x1be: {  	v44 =	vld [tilespmem:s0+$0x12000]  }
0x1bf: {  	v45 =	vld [tilespmem:s0+$0x12010]  }
0x1c0: {  	v46 =	vld [tilespmem:s0+$0x12020]  }
0x1c1: {  	v47 =	vld [tilespmem:s0+$0x12030]  }
0x1c2: {  	v48 =	vld [tilespmem:s0+$0x12040]  }
0x1c3: {  	v49 =	vld [tilespmem:s0+$0x12050]  }
0x1c4: {  	v50 =	vld [tilespmem:s0+$0x12060]  }
0x1c5: {  	v11 =	vld [tilespmem:s0+$0x12070]  }
0x1c6: {  	v10 =	vld [tilespmem:s0+$0x12400]  }
0x1c7: {  	v9 =	vld [tilespmem:s0+$0x12410]  }
0x1c8: {  	v8 =	vld [tilespmem:s0+$0x12420]  }
0x1c9: {  	v7 =	vld [tilespmem:s0+$0x12430]  }
0x1ca: {  	v6 =	vld [tilespmem:s0+$0x12440]  }
0x1cb: {  	v51 =	vld [tilespmem:s0+$0x5000]  }
0x1cc: {  	v52 =	vld [tilespmem:s0+$0x5010]  }
0x1cd: {  	v53 =	vld [tilespmem:s0+$0x5020]  }
0x1ce: {  	v54 =	vld [tilespmem:s0+$0x5030]  }
0x1cf: {  	v55 =	vld [tilespmem:s0+$0x5040]  }
0x1d0: {  	v62 =	vld [tilespmem:s0+$0x5050];
	v12 =	vadd.f32 v12, v51  }
0x1d1: {  	v63 =	vld [tilespmem:s0+$0x5060];
	v13 =	vadd.f32 v13, v52  }
0x1d2: {  	[tilespmem:s0+$0x5000] =	vst v12;
	v12 =	vadd.f32 v14, v53;
	v14 =	vld [tilespmem:s0+$0x5070]  }
0x1d3: {  	[tilespmem:s0+$0x5010] =	vst v13;
	v13 =	vadd.f32 v15, v54;
	v15 =	vld [tilespmem:s0+$0x5400]  }
0x1d4: {  	[tilespmem:s0+$0x5020] =	vst v12;
	v12 =	vadd.f32 v16, v55;
	v16 =	vld [tilespmem:s0+$0x5410]  }
0x1d5: {  	[tilespmem:s0+$0x5030] =	vst v13;
	v13 =	vadd.f32 v17, v62;
	v17 =	vld [tilespmem:s0+$0x5420]  }
0x1d6: {  	v5 =	vld [tilespmem:s0+$0x12450]  }
0x1d7: {  	[tilespmem:s0+$0x5040] =	vst v12;
	v12 =	vadd.f32 v18, v63;
	v18 =	vld [tilespmem:s0+$0x5470]  }
0x1d8: {  	[tilespmem:s0+$0x5050] =	vst v13;
	v13 =	vadd.f32 v19, v14;
	v14 =	vld [tilespmem:s0+$0x5430]  }
0x1d9: {  	[tilespmem:s0+$0x5060] =	vst v12;
	v12 =	vadd.f32 v20, v15;
	v15 =	vld [tilespmem:s0+$0x5440]  }
0x1da: {  	[tilespmem:s0+$0x5070] =	vst v13;
	v13 =	vadd.f32 v21, v16;
	v16 =	vadd.f32 v22, v17;
	v17 =	vld [tilespmem:s0+$0x5460]  }
0x1db: {  	[tilespmem:s0+$0x5400] =	vst v12;
	v12 =	vld [tilespmem:s0+$0x5450]  }
0x1dc: {  	[tilespmem:s0+$0x5410] =	vst v13;
	v13 =	vld [tilespmem:s0+$0x5800];
	v18 =	vadd.f32 v27, v18  }
0x1dd: {  	[tilespmem:s0+$0x5420] =	vst v16;
	v16 =	vld [tilespmem:s0+$0x5810];
	v14 =	vadd.f32 v23, v14  }
0x1de: {  	v4 =	vld [tilespmem:s0+$0x12460];
	v15 =	vadd.f32 v24, v15;
	[tilespmem:s0+$0x5470] =	vst v18  }
0x1df: {  	[tilespmem:s0+$0x5430] =	vst v14;
	v14 =	vld [tilespmem:s0+$0x5820];
	v17 =	vadd.f32 v26, v17  }
0x1e0: {  	v12 =	vadd.f32 v25, v12;
	[tilespmem:s0+$0x5440] =	vst v15;
	v15 =	vld [tilespmem:s0+$0x5830]  }
0x1e1: {  	v18 =	vld [tilespmem:s0+$0x5870];
	[tilespmem:s0+$0x5460] =	vst v17;
	v13 =	vadd.f32 v28, v13  }
0x1e2: {  	v16 =	vadd.f32 v29, v16;
	[tilespmem:s0+$0x5450] =	vst v12;
	v12 =	vld [tilespmem:s0+$0x5840]  }
0x1e3: {  	v17 =	vld [tilespmem:s0+$0x5850];
	[tilespmem:s0+$0x5800] =	vst v13  }
0x1e4: {  	[tilespmem:s0+$0x5810] =	vst v16;
	v16 =	vld [tilespmem:s0+$0x5860];
	v13 =	vadd.f32 v30, v14  }
0x1e5: {  	v14 =	vld [tilespmem:s0+$0x5C00];
	v15 =	vadd.f32 v31, v15  }
0x1e6: {  	[tilespmem:s0+$0x5820] =	vst v13;
	v13 =	vld [tilespmem:s0+$0x5C10]  }
0x1e7: {  	v12 =	vadd.f32 v32, v12;
	[tilespmem:s0+$0x5830] =	vst v15;
	v15 =	vld [tilespmem:s0+$0x5C20]  }
0x1e8: {  	v3 =	vld [tilespmem:s0+$0x12470];
	v17 =	vadd.f32 v33, v17  }
0x1e9: {  	v16 =	vadd.f32 v34, v16;
	[tilespmem:s0+$0x5840] =	vst v12;
	v12 =	vld [tilespmem:s0+$0x5C30]  }
0x1ea: {  	[tilespmem:s0+$0x5850] =	vst v17;
	v17 =	vld [tilespmem:s0+$0x5C40];
	v14 =	vadd.f32 v36, v14  }
0x1eb: {  	v18 =	vadd.f32 v35, v18;
	[tilespmem:s0+$0x5860] =	vst v16;
	v16 =	vld [tilespmem:s0+$0x5C50]  }
0x1ec: {  	v13 =	vadd.f32 v37, v13;
	[tilespmem:s0+$0x5C00] =	vst v14;
	v14 =	vadd.f32 v38, v15;
	v15 =	vld [tilespmem:s0+$0x5C60]  }
0x1ed: {  	[tilespmem:s0+$0x5870] =	vst v18;
	v18 =	vld [tilespmem:s0+$0x5C70]  }
0x1ee: {  	[tilespmem:s0+$0x5C10] =	vst v13;
	v13 =	vld [tilespmem:s0+$0x6000];
	v12 =	vadd.f32 v39, v12  }
0x1ef: {  	v17 =	vadd.f32 v40, v17;
	[tilespmem:s0+$0x5C20] =	vst v14;
	v14 =	vld [tilespmem:s0+$0x6010]  }
0x1f0: {  	v16 =	vadd.f32 v41, v16;
	[tilespmem:s0+$0x5C30] =	vst v12;
	v12 =	vld [tilespmem:s0+$0x6020]  }
0x1f1: {  	[tilespmem:s0+$0x5C40] =	vst v17;
	v17 =	vld [tilespmem:s0+$0x6030];
	v15 =	vadd.f32 v42, v15  }
0x1f2: {  	v19 =	vld [tilespmem:s0+$0x6040];
	[tilespmem:s0+$0x5C50] =	vst v16;
	v16 =	vadd.f32 v43, v18  }
0x1f3: {  	v18 =	vld [tilespmem:s0+$0x6050];
	v13 =	vadd.f32 v44, v13;
	[tilespmem:s0+$0x5C60] =	vst v15  }
0x1f4: {  	v20 =	vld [tilespmem:s0+$0x6060];
	[tilespmem:s0+$0x5C70] =	vst v16;
	v14 =	vadd.f32 v45, v14  }
0x1f5: {  	v16 =	vld [tilespmem:s0+$0x6070];
	[tilespmem:s0+$0x6000] =	vst v13;
	v12 =	vadd.f32 v46, v12  }
0x1f6: {  	v15 =	vld [tilespmem:s0+$0x6400];
	v13 =	vadd.f32 v47, v17;
	[tilespmem:s0+$0x6010] =	vst v14  }
0x1f7: {  	v14 =	vld [tilespmem:s0+$0x6410];
	[tilespmem:s0+$0x6020] =	vst v12;
	v12 =	vadd.f32 v48, v19  }
0x1f8: {  	[tilespmem:s0+$0x6030] =	vst v13;
	v13 =	vld [tilespmem:s0+$0x6420];
	v18 =	vadd.f32 v49, v18  }
0x1f9: {  	s6 =	simm.s32 $0x11;
	v17 =	vadd.f32 v50, v20;
	[tilespmem:s0+$0x6040] =	vst v12;
	v12 =	vld [tilespmem:s0+$0x6430]  }
.LBB2_10:
0x1fa: {  	s7 =	sshrl.u32 s6, $0x3;
	p0 =	sne.s32 s6, $0x1F;
	[tilespmem:s0+$0x6050] =	vst v18;
	v11 =	vadd.f32 v11, v16;
	v16 =	vld [tilespmem:s0+$0x6440]  }
0x1fb: {  	s16 =	sadd.s32 $0x80, s16;
	s7 =	smul.u32 $0x1800, s7;
	[tilespmem:s0+$0x6060] =	vst v17;
	v10 =	vadd.f32 v10, v15;
	v15 =	vld [tilespmem:s0+$0x6450]  }
0x1fc: {  	s14 =	sand.u32 $0x380, s16;
	[tilespmem:s0+$0x6070] =	vst v11;
	v9 =	vadd.f32 v9, v14;
	v11 =	vld [tilespmem:s0+$0x6460]  }
0x1fd: {  	s7 =	sor.u32 s14, s7;
	[tilespmem:s0+$0x6400] =	vst v10;
	v8 =	vadd.f32 v8, v13;
	v10 =	vld [tilespmem:s0+$0x6470]  }
0x1fe: {  	v39 =	vld [tilespmem:s7+$0x11000];
	[tilespmem:s0+$0x6410] =	vst v9;
	v7 =	vadd.f32 v7, v12  }
0x1ff: {  	v40 =	vld [tilespmem:s7+$0x11010];
	[tilespmem:s0+$0x6420] =	vst v8;
	v6 =	vadd.f32 v6, v16  }
0x200: {  	v41 =	vld [tilespmem:s7+$0x11020];
	[tilespmem:s0+$0x6430] =	vst v7;
	v5 =	vadd.f32 v5, v15  }
0x201: {  	v42 =	vld [tilespmem:s7+$0x11030];
	[tilespmem:s0+$0x6440] =	vst v6;
	v4 =	vadd.f32 v4, v11  }
0x202: {  	v43 =	vld [tilespmem:s7+$0x11040];
	[tilespmem:s0+$0x6450] =	vst v5;
	v3 =	vadd.f32 v3, v10  }
0x203: {  	v44 =	vld [tilespmem:s7+$0x11050];
	[tilespmem:s0+$0x6460] =	vst v4  }
0x204: {  	v45 =	vld [tilespmem:s7+$0x11060];
	[tilespmem:s0+$0x6470] =	vst v3;
	s0 =	smov.u32 s7  }
0x205: {  	v46 =	vld [tilespmem:s0+$0x11070]  }
0x206: {  	v47 =	vld [tilespmem:s0+$0x11400]  }
0x207: {  	v48 =	vld [tilespmem:s0+$0x11410]  }
0x208: {  	v49 =	vld [tilespmem:s0+$0x11420]  }
0x209: {  	v50 =	vld [tilespmem:s0+$0x11430]  }
0x20a: {  	v38 =	vld [tilespmem:s0+$0x11440]  }
0x20b: {  	v37 =	vld [tilespmem:s0+$0x11450]  }
0x20c: {  	v36 =	vld [tilespmem:s0+$0x11460]  }
0x20d: {  	v35 =	vld [tilespmem:s0+$0x11470]  }
0x20e: {  	v34 =	vld [tilespmem:s0+$0x11800]  }
0x20f: {  	v33 =	vld [tilespmem:s0+$0x11810]  }
0x210: {  	v32 =	vld [tilespmem:s0+$0x11820]  }
0x211: {  	v31 =	vld [tilespmem:s0+$0x11830]  }
0x212: {  	v30 =	vld [tilespmem:s0+$0x11840]  }
0x213: {  	v29 =	vld [tilespmem:s0+$0x11850]  }
0x214: {  	v28 =	vld [tilespmem:s0+$0x11860]  }
0x215: {  	v27 =	vld [tilespmem:s0+$0x11870]  }
0x216: {  	v26 =	vld [tilespmem:s0+$0x11C00]  }
0x217: {  	v25 =	vld [tilespmem:s0+$0x11C10]  }
0x218: {  	v24 =	vld [tilespmem:s0+$0x11C20]  }
0x219: {  	v23 =	vld [tilespmem:s0+$0x11C30]  }
0x21a: {  	v22 =	vld [tilespmem:s0+$0x11C40]  }
0x21b: {  	v21 =	vld [tilespmem:s0+$0x11C50]  }
0x21c: {  	v20 =	vld [tilespmem:s0+$0x11C60]  }
0x21d: {  	v19 =	vld [tilespmem:s0+$0x11C70]  }
0x21e: {  	v18 =	vld [tilespmem:s0+$0x12000]  }
0x21f: {  	v17 =	vld [tilespmem:s0+$0x12010]  }
0x220: {  	v16 =	vld [tilespmem:s0+$0x12020]  }
0x221: {  	v15 =	vld [tilespmem:s0+$0x12030]  }
0x222: {  	v14 =	vld [tilespmem:s0+$0x12040]  }
0x223: {  	v13 =	vld [tilespmem:s0+$0x12050]  }
0x224: {  	v12 =	vld [tilespmem:s0+$0x12060]  }
0x225: {  	v11 =	vld [tilespmem:s0+$0x12070]  }
0x226: {  	v10 =	vld [tilespmem:s0+$0x12400]  }
0x227: {  	v9 =	vld [tilespmem:s0+$0x12410]  }
0x228: {  	v8 =	vld [tilespmem:s0+$0x12420]  }
0x229: {  	v7 =	vld [tilespmem:s0+$0x12430]  }
0x22a: {  	v6 =	vld [tilespmem:s0+$0x12440]  }
0x22b: {  	v5 =	vld [tilespmem:s0+$0x12450]  }
0x22c: {  	v4 =	vld [tilespmem:s0+$0x12460]  }
0x22d: {  	v3 =	vld [tilespmem:s0+$0x12470]  }
0x22e: {  	v51 =	vld [tilespmem:s0+$0x5000]  }
0x22f: {  	v52 =	vld [tilespmem:s0+$0x5010]  }
0x230: {  	v53 =	vld [tilespmem:s0+$0x5020]  }
0x231: {  	v54 =	vld [tilespmem:s0+$0x5030]  }
0x232: {  	v55 =	vld [tilespmem:s0+$0x5040]  }
0x233: {  	v39 =	vadd.f32 v39, v51;
	v51 =	vld [tilespmem:s0+$0x5050]  }
0x234: {  	v40 =	vadd.f32 v40, v52;
	v52 =	vld [tilespmem:s0+$0x5060]  }
0x235: {  	[tilespmem:s0+$0x5000] =	vst v39;
	v39 =	vadd.f32 v41, v53;
	v41 =	vld [tilespmem:s0+$0x5070]  }
0x236: {  	[tilespmem:s0+$0x5010] =	vst v40;
	v40 =	vadd.f32 v42, v54;
	v42 =	vld [tilespmem:s0+$0x5400]  }
0x237: {  	[tilespmem:s0+$0x5020] =	vst v39;
	v39 =	vadd.f32 v43, v55;
	v43 =	vld [tilespmem:s0+$0x5410]  }
0x238: {  	[tilespmem:s0+$0x5030] =	vst v40;
	v40 =	vadd.f32 v44, v51;
	v44 =	vld [tilespmem:s0+$0x5420]  }
0x239: {  	[tilespmem:s0+$0x5040] =	vst v39;
	v39 =	vadd.f32 v45, v52;
	v45 =	vld [tilespmem:s0+$0x5430]  }
0x23a: {  	[tilespmem:s0+$0x5050] =	vst v40;
	v40 =	vadd.f32 v46, v41;
	v41 =	vld [tilespmem:s0+$0x5440]  }
0x23b: {  	[tilespmem:s0+$0x5060] =	vst v39;
	v39 =	vadd.f32 v47, v42;
	v42 =	vld [tilespmem:s0+$0x5450]  }
0x23c: {  	[tilespmem:s0+$0x5070] =	vst v40;
	v40 =	vadd.f32 v48, v43;
	v43 =	vld [tilespmem:s0+$0x5460]  }
0x23d: {  	[tilespmem:s0+$0x5400] =	vst v39;
	v39 =	vadd.f32 v49, v44;
	v44 =	vld [tilespmem:s0+$0x5470]  }
0x23e: {  	[tilespmem:s0+$0x5410] =	vst v40;
	v40 =	vadd.f32 v50, v45;
	v45 =	vld [tilespmem:s0+$0x5800]  }
0x23f: {  	[tilespmem:s0+$0x5420] =	vst v39;
	v38 =	vadd.f32 v38, v41;
	v39 =	vld [tilespmem:s0+$0x5810]  }
0x240: {  	[tilespmem:s0+$0x5430] =	vst v40;
	v37 =	vadd.f32 v37, v42;
	v40 =	vld [tilespmem:s0+$0x5820]  }
0x241: {  	[tilespmem:s0+$0x5440] =	vst v38;
	v36 =	vadd.f32 v36, v43;
	v38 =	vld [tilespmem:s0+$0x5830]  }
0x242: {  	[tilespmem:s0+$0x5450] =	vst v37;
	v35 =	vadd.f32 v35, v44;
	v37 =	vld [tilespmem:s0+$0x5840]  }
0x243: {  	[tilespmem:s0+$0x5460] =	vst v36;
	v34 =	vadd.f32 v34, v45;
	v36 =	vld [tilespmem:s0+$0x5850]  }
0x244: {  	[tilespmem:s0+$0x5470] =	vst v35;
	v33 =	vadd.f32 v33, v39;
	v35 =	vld [tilespmem:s0+$0x5860]  }
0x245: {  	[tilespmem:s0+$0x5800] =	vst v34;
	v32 =	vadd.f32 v32, v40;
	v34 =	vld [tilespmem:s0+$0x5870]  }
0x246: {  	[tilespmem:s0+$0x5810] =	vst v33;
	v31 =	vadd.f32 v31, v38;
	v33 =	vld [tilespmem:s0+$0x5C00]  }
0x247: {  	[tilespmem:s0+$0x5820] =	vst v32;
	v30 =	vadd.f32 v30, v37;
	v32 =	vld [tilespmem:s0+$0x5C10]  }
0x248: {  	[tilespmem:s0+$0x5830] =	vst v31;
	v29 =	vadd.f32 v29, v36;
	v31 =	vld [tilespmem:s0+$0x5C20]  }
0x249: {  	[tilespmem:s0+$0x5840] =	vst v30;
	v28 =	vadd.f32 v28, v35;
	v30 =	vld [tilespmem:s0+$0x5C30]  }
0x24a: {  	[tilespmem:s0+$0x5850] =	vst v29;
	v27 =	vadd.f32 v27, v34;
	v29 =	vld [tilespmem:s0+$0x5C40]  }
0x24b: {  	[tilespmem:s0+$0x5860] =	vst v28;
	v26 =	vadd.f32 v26, v33;
	v28 =	vld [tilespmem:s0+$0x5C50]  }
0x24c: {  	[tilespmem:s0+$0x5870] =	vst v27;
	v25 =	vadd.f32 v25, v32;
	v27 =	vld [tilespmem:s0+$0x5C60]  }
0x24d: {  	[tilespmem:s0+$0x5C00] =	vst v26;
	v24 =	vadd.f32 v24, v31;
	v26 =	vld [tilespmem:s0+$0x5C70]  }
0x24e: {  	[tilespmem:s0+$0x5C10] =	vst v25;
	v23 =	vadd.f32 v23, v30;
	v25 =	vld [tilespmem:s0+$0x6000]  }
0x24f: {  	[tilespmem:s0+$0x5C20] =	vst v24;
	v22 =	vadd.f32 v22, v29;
	v24 =	vld [tilespmem:s0+$0x6010]  }
0x250: {  	[tilespmem:s0+$0x5C30] =	vst v23;
	v21 =	vadd.f32 v21, v28;
	v23 =	vld [tilespmem:s0+$0x6020]  }
0x251: {  	[tilespmem:s0+$0x5C40] =	vst v22;
	v20 =	vadd.f32 v20, v27;
	v22 =	vld [tilespmem:s0+$0x6030]  }
0x252: {  	[tilespmem:s0+$0x5C50] =	vst v21;
	v19 =	vadd.f32 v19, v26;
	v21 =	vld [tilespmem:s0+$0x6040]  }
0x253: {  	[tilespmem:s0+$0x5C60] =	vst v20;
	v18 =	vadd.f32 v18, v25;
	v20 =	vld [tilespmem:s0+$0x6050]  }
0x254: {  	[tilespmem:s0+$0x5C70] =	vst v19;
	v17 =	vadd.f32 v17, v24;
	v19 =	vld [tilespmem:s0+$0x6060]  }
.Ltmp8:
0x255: {  	[tilespmem:s0+$0x6000] =	vst v18;
	v18 =	vadd.f32 v16, v23;
	v16 =	vld [tilespmem:s0+$0x6070];
	(pc) =	sbr.rel @p0 .LBB2_10-.Ltmp8, $4  }
0x256: {  	[tilespmem:s0+$0x6010] =	vst v17;
	v17 =	vadd.f32 v15, v22;
	v15 =	vld [tilespmem:s0+$0x6400]  }
0x257: {  	[tilespmem:s0+$0x6020] =	vst v18;
	v21 =	vadd.f32 v14, v21;
	v14 =	vld [tilespmem:s0+$0x6410]  }
0x258: {  	[tilespmem:s0+$0x6030] =	vst v17;
	v18 =	vadd.f32 v13, v20;
	v13 =	vld [tilespmem:s0+$0x6420]  }
0x259: {  	s6 =	sadd.s32 $0x1, s6;
	[tilespmem:s0+$0x6040] =	vst v21;
	v17 =	vadd.f32 v12, v19;
	v12 =	vld [tilespmem:s0+$0x6430]  }
0x25a: {  	[tilespmem:s0+$0x6050] =	vst v18;
	v60 =	vld [tilespmem:s0+$0x6440];
	v11 =	vadd.f32 v11, v16  }
0x25b: {  	v61 =	vld [tilespmem:s0+$0x6450];
	[tilespmem:s0+$0x6060] =	vst v17;
	v10 =	vadd.f32 v10, v15  }
0x25c: {  	v62 =	vld [tilespmem:s0+$0x6460];
	[tilespmem:s0+$0x6070] =	vst v11;
	v9 =	vadd.f32 v9, v14  }
0x25d: {  	v63 =	vld [tilespmem:s0+$0x6470];
	[tilespmem:s0+$0x6400] =	vst v10;
	v8 =	vadd.f32 v8, v13  }
0x25e: {  	[tilespmem:s0+$0x6410] =	vst v9;
	v7 =	vadd.f32 v7, v12  }
0x25f: {  	[tilespmem:s0+$0x6420] =	vst v8;
	v6 =	vadd.f32 v6, v60  }
0x260: {  	p0 =	seq.s32 s31, $0x0;
	v5 =	vadd.f32 v5, v61;
	[tilespmem:s0+$0x6430] =	vst v7  }
.Ltmp9:
0x261: {  	v4 =	vadd.f32 v4, v62;
	[tilespmem:s0+$0x6440] =	vst v6;
	(pc) =	sbr.rel @p0 .LBB2_19-.Ltmp9, $4  }
0x262: {  	s2 =	sadd.s32 s13, s2;
	v3 =	vadd.f32 v3, v63;
	[tilespmem:s0+$0x6450] =	vst v5  }
0x263: {  	s2 =	sshrl.u32 s2, $0x3;
	[tilespmem:s0+$0x6460] =	vst v4  }
0x264: {  	s16 =	sadd.s32 s4, s2;
	[tilespmem:s0+$0x6470] =	vst v3  }
0x265: {  	[hbm4b:s16+s5] =	stream.linear.scatter [tilespmem:s23], [sflag:$0x3], $0x3000, $0x38;
	[tilespmem:$0x1D000] =	vst v63  }
.LBB2_12:
0x266: {  	p0 =	seq.s32 s30, $0x4C  }
.Ltmp10:
0x267: {  	_ = 	snop;
	(pc) =	sbr.rel @p0 .LBB2_14-.Ltmp10, $1  }
0x268: {  	_ =	sdelay $0x3  }
0x269: {  	_ =	swait.ge [sflag:s25], $0x6000  }
0x26a: {  	[sflag:s25] =	ssyncset.done $0x0  }
0x26b: {  	s0 =	sshll.u32 s30, $0x7;
	[sflag:s25] =	ssyncadd.s32 $0xFFFFA000  }
0x26c: {  	v3 =	vld [tilespmem:s0+$0x80];
	_ =	sdelay $0x4  }
0x26d: {  	v4 =	vshrl.u32 v3, $0x3  }
0x26e: {  	v4 =	vmul.u32 $0x30, v4  }
0x26f: {  	v3 =	vand.u32 $0x7, v3  }
0x270: {  	v3 =	vor.u32 v3, v4  }
0x271: {  	v4 =	vperm.xlane v3, v0;
	_ =	sdelay $0x1  }
0x272: {  	v4 =	vadd.s32 v1, v4;
	_ =	sdelay $0x3  }
0x273: {  	v3 =	vperm.xlane v3, v2  }
0x274: {  	[tilespmem:s17], [sflag:$0x1] =	stream.indirect_vreg.gather [hbm4b:s1+s5], $0x80, v4, vm0, $0xb8;
	[tilespmem:$0x1D000] =	vst v63  }
0x275: {  	s2 =	simm.s32 $0x5800;
	v3 =	vadd.s32 v1, v3  }
0x276: {  	[tilespmem:s2], [sflag:$0x1] =	stream.indirect_vreg.gather [hbm4b:s8+s5], $0x80, v4, vm0, $0xb8;
	[tilespmem:$0x1D000] =	vst v63  }
0x277: {  	s16 =	simm.s32 $0x6000  }
0x278: {  	[tilespmem:s16], [sflag:$0x1] =	stream.indirect_vreg.gather [hbm4b:s10+s5], $0x80, v4, vm0, $0xb8;
	[tilespmem:$0x1D000] =	vst v63  }
0x279: {  	s31 =	simm.s32 $0x6800  }
0x27a: {  	[tilespmem:s31], [sflag:$0x1] =	stream.indirect_vreg.gather [hbm4b:s1+s5], $0x80, v3, vm0, $0xb8;
	[tilespmem:$0x1D000] =	vst v63  }
0x27b: {  	s6 =	simm.s32 $0x7000  }
0x27c: {  	[tilespmem:s6], [sflag:$0x1] =	stream.indirect_vreg.gather [hbm4b:s8+s5], $0x80, v3, vm0, $0xb8;
	[tilespmem:$0x1D000] =	vst v63  }
0x27d: {  	s7 =	simm.s32 $0x7800  }
0x27e: {  	[tilespmem:s7], [sflag:$0x1] =	stream.indirect_vreg.gather [hbm4b:s10+s5], $0x80, v3, vm0, $0xb8;
	[tilespmem:$0x1D000] =	vst v63  }
0x27f: {  	v3 =	vld [tilespmem:s0+$0x90];
	_ =	sdelay $0x4  }
0x280: {  	v61 =	vshrl.u32 v3, $0x3  }
0x281: {  	v4 =	vmul.u32 $0x30, v61  }
0x282: {  	v3 =	vand.u32 $0x7, v3  }
0x283: {  	v3 =	vor.u32 v3, v4  }
0x284: {  	v4 =	vperm.xlane v3, v0;
	_ =	sdelay $0x1  }
0x285: {  	v4 =	vadd.s32 v1, v4;
	_ =	sdelay $0x3  }
0x286: {  	v3 =	vperm.xlane v3, v2  }
0x287: {  	[tilespmem:s23], [sflag:$0x1] =	stream.indirect_vreg.gather [hbm4b:s1+s5], $0x80, v4, vm0, $0xb8;
	[tilespmem:$0x1D000] =	vst v63  }
0x288: {  	s14 =	simm.s32 $0x8800;
	v3 =	vadd.s32 v1, v3  }
0x289: {  	[tilespmem:s14], [sflag:$0x1] =	stream.indirect_vreg.gather [hbm4b:s8+s5], $0x80, v4, vm0, $0xb8;
	[tilespmem:$0x1D000] =	vst v63  }
0x28a: {  	s16 =	simm.s32 $0x9000  }
0x28b: {  	[tilespmem:s16], [sflag:$0x1] =	stream.indirect_vreg.gather [hbm4b:s10+s5], $0x80, v4, vm0, $0xb8;
	[tilespmem:$0x1D000] =	vst v63  }
0x28c: {  	s31 =	simm.s32 $0x9800  }
0x28d: {  	[tilespmem:s31], [sflag:$0x1] =	stream.indirect_vreg.gather [hbm4b:s1+s5], $0x80, v3, vm0, $0xb8;
	[tilespmem:$0x1D000] =	vst v63  }
0x28e: {  	s6 =	simm.s32 $0xA000  }
0x28f: {  	[tilespmem:s6], [sflag:$0x1] =	stream.indirect_vreg.gather [hbm4b:s8+s5], $0x80, v3, vm0, $0xb8;
	[tilespmem:$0x1D000] =	vst v63  }
0x290: {  	s7 =	simm.s32 $0xA800  }
0x291: {  	[tilespmem:s7], [sflag:$0x1] =	stream.indirect_vreg.gather [hbm4b:s10+s5], $0x80, v3, vm0, $0xb8;
	[tilespmem:$0x1D000] =	vst v63  }
0x292: {  	v3 =	vld [tilespmem:s0+$0x2880];
	_ =	sdelay $0x4  }
0x293: {  	v62 =	vshrl.u32 v3, $0x3  }
0x294: {  	v4 =	vmul.u32 $0x30, v62  }
0x295: {  	v3 =	vand.u32 $0x7, v3  }
0x296: {  	v3 =	vor.u32 v3, v4  }
0x297: {  	v4 =	vperm.xlane v3, v0;
	_ =	sdelay $0x1  }
0x298: {  	v4 =	vadd.s32 v1, v4;
	_ =	sdelay $0x3  }
0x299: {  	s14 =	simm.s32 $0x11000;
	v3 =	vperm.xlane v3, v2  }
0x29a: {  	[tilespmem:s14], [sflag:$0x1] =	stream.indirect_vreg.gather [hbm4b:s3+s5], $0x80, v4, vm0, $0xb8;
	[tilespmem:$0x1D000] =	vst v63  }
0x29b: {  	s16 =	simm.s32 $0x11800;
	v3 =	vadd.s32 v1, v3  }
0x29c: {  	[tilespmem:s16], [sflag:$0x1] =	stream.indirect_vreg.gather [hbm4b:s11+s5], $0x80, v4, vm0, $0xb8;
	[tilespmem:$0x1D000] =	vst v63  }
0x29d: {  	s31 =	simm.s32 $0x12000  }
0x29e: {  	[tilespmem:s31], [sflag:$0x1] =	stream.indirect_vreg.gather [hbm4b:s12+s5], $0x80, v4, vm0, $0xb8;
	[tilespmem:$0x1D000] =	vst v63  }
0x29f: {  	s6 =	simm.s32 $0x12800  }
0x2a0: {  	[tilespmem:s6], [sflag:$0x1] =	stream.indirect_vreg.gather [hbm4b:s3+s5], $0x80, v3, vm0, $0xb8;
	[tilespmem:$0x1D000] =	vst v63  }
0x2a1: {  	s7 =	simm.s32 $0x13000  }
0x2a2: {  	[tilespmem:s7], [sflag:$0x1] =	stream.indirect_vreg.gather [hbm4b:s11+s5], $0x80, v3, vm0, $0xb8;
	[tilespmem:$0x1D000] =	vst v63  }
0x2a3: {  	s14 =	simm.s32 $0x13800  }
0x2a4: {  	[tilespmem:s14], [sflag:$0x1] =	stream.indirect_vreg.gather [hbm4b:s12+s5], $0x80, v3, vm0, $0xb8;
	[tilespmem:$0x1D000] =	vst v63  }
0x2a5: {  	v3 =	vld [tilespmem:s0+$0x2890];
	_ =	sdelay $0x4  }
0x2a6: {  	v63 =	vshrl.u32 v3, $0x3  }
0x2a7: {  	v4 =	vmul.u32 $0x30, v63  }
0x2a8: {  	v3 =	vand.u32 $0x7, v3  }
0x2a9: {  	v3 =	vor.u32 v3, v4  }
0x2aa: {  	v4 =	vperm.xlane v3, v0;
	_ =	sdelay $0x1  }
0x2ab: {  	v4 =	vadd.s32 v1, v4;
	_ =	sdelay $0x3  }
0x2ac: {  	s16 =	simm.s32 $0x14000;
	v3 =	vperm.xlane v3, v2  }
0x2ad: {  	[tilespmem:s16], [sflag:$0x1] =	stream.indirect_vreg.gather [hbm4b:s3+s5], $0x80, v4, vm0, $0xb8;
	[tilespmem:$0x1D000] =	vst v63  }
0x2ae: {  	s31 =	simm.s32 $0x14800;
	v3 =	vadd.s32 v1, v3  }
0x2af: {  	[tilespmem:s31], [sflag:$0x1] =	stream.indirect_vreg.gather [hbm4b:s11+s5], $0x80, v4, vm0, $0xb8;
	[tilespmem:$0x1D000] =	vst v63  }
0x2b0: {  	_ = 	snop  }
0x2b1: {  	[tilespmem:s15], [sflag:$0x1] =	stream.indirect_vreg.gather [hbm4b:s12+s5], $0x80, v4, vm0, $0xb8;
	[tilespmem:$0x1D000] =	vst v63  }
0x2b2: {  	_ = 	snop  }
0x2b3: {  	[tilespmem:s18], [sflag:$0x1] =	stream.indirect_vreg.gather [hbm4b:s3+s5], $0x80, v3, vm0, $0xb8;
	[tilespmem:$0x1D000] =	vst v63  }
0x2b4: {  	_ = 	snop  }
0x2b5: {  	[tilespmem:s19], [sflag:$0x1] =	stream.indirect_vreg.gather [hbm4b:s11+s5], $0x80, v3, vm0, $0xb8;
	[tilespmem:$0x1D000] =	vst v63  }
0x2b6: {  	_ = 	snop  }
0x2b7: {  	[tilespmem:s20], [sflag:$0x1] =	stream.indirect_vreg.gather [hbm4b:s12+s5], $0x80, v3, vm0, $0xb8;
	[tilespmem:$0x1D000] =	vst v63  }
.LBB2_14:
0x2b8: {  	_ =	swait.ge [sflag:s21], $0x6000  }
0x2b9: {  	[sflag:s21] =	ssyncset.done $0x0  }
0x2ba: {  	s0 =	simm.s32 $0x0;
	[sflag:s21] =	ssyncadd.s32 $0xFFFFA000  }
0x2bb: {  	s2 =	simm.s32 $0x0;
	s0 =	smul.u32 $0x1800, s0;
	_ =	swait.ge [sflag:s21], $0x6000  }
0x2bc: {  	s6 =	sand.u32 $0x380, s2;
	[sflag:s21] =	ssyncset.done $0x0  }
0x2bd: {  	s0 =	sor.u32 s6, s0;
	[sflag:s21] =	ssyncadd.s32 $0xFFFFA000  }
0x2be: {  	v12 =	vld [tilespmem:s0+$0x17000]  }
0x2bf: {  	v13 =	vld [tilespmem:s0+$0x17010]  }
0x2c0: {  	v14 =	vld [tilespmem:s0+$0x17020]  }
0x2c1: {  	v15 =	vld [tilespmem:s0+$0x17030]  }
0x2c2: {  	v16 =	vld [tilespmem:s0+$0x17040]  }
0x2c3: {  	v17 =	vld [tilespmem:s0+$0x17050]  }
0x2c4: {  	v18 =	vld [tilespmem:s0+$0x17060]  }
0x2c5: {  	v19 =	vld [tilespmem:s0+$0x17070]  }
0x2c6: {  	v20 =	vld [tilespmem:s0+$0x17400]  }
0x2c7: {  	v21 =	vld [tilespmem:s0+$0x17410]  }
0x2c8: {  	v22 =	vld [tilespmem:s0+$0x17420]  }
0x2c9: {  	v23 =	vld [tilespmem:s0+$0x17430]  }
0x2ca: {  	v24 =	vld [tilespmem:s0+$0x17440]  }
0x2cb: {  	v25 =	vld [tilespmem:s0+$0x17450]  }
0x2cc: {  	v26 =	vld [tilespmem:s0+$0x17460]  }
0x2cd: {  	v27 =	vld [tilespmem:s0+$0x17470]  }
0x2ce: {  	v28 =	vld [tilespmem:s0+$0x17800]  }
0x2cf: {  	v29 =	vld [tilespmem:s0+$0x17810]  }
0x2d0: {  	v30 =	vld [tilespmem:s0+$0x17820]  }
0x2d1: {  	v31 =	vld [tilespmem:s0+$0x17830]  }
0x2d2: {  	v32 =	vld [tilespmem:s0+$0x17840]  }
0x2d3: {  	v33 =	vld [tilespmem:s0+$0x17850]  }
0x2d4: {  	v34 =	vld [tilespmem:s0+$0x17860]  }
0x2d5: {  	v35 =	vld [tilespmem:s0+$0x17870]  }
0x2d6: {  	v36 =	vld [tilespmem:s0+$0x17C00]  }
0x2d7: {  	v37 =	vld [tilespmem:s0+$0x17C10]  }
0x2d8: {  	v38 =	vld [tilespmem:s0+$0x17C20]  }
0x2d9: {  	v39 =	vld [tilespmem:s0+$0x17C30]  }
0x2da: {  	v40 =	vld [tilespmem:s0+$0x17C40]  }
0x2db: {  	v41 =	vld [tilespmem:s0+$0x17C50]  }
0x2dc: {  	v42 =	vld [tilespmem:s0+$0x17C60]  }
0x2dd: {  	v43 =	vld [tilespmem:s0+$0x17C70]  }
0x2de: {  	v44 =	vld [tilespmem:s0+$0x18000]  }
0x2df: {  	v45 =	vld [tilespmem:s0+$0x18010]  }
0x2e0: {  	v46 =	vld [tilespmem:s0+$0x18020]  }
0x2e1: {  	v47 =	vld [tilespmem:s0+$0x18030]  }
0x2e2: {  	v48 =	vld [tilespmem:s0+$0x18040]  }
0x2e3: {  	v49 =	vld [tilespmem:s0+$0x18050]  }
0x2e4: {  	v50 =	vld [tilespmem:s0+$0x18060]  }
0x2e5: {  	v11 =	vld [tilespmem:s0+$0x18070]  }
0x2e6: {  	v10 =	vld [tilespmem:s0+$0x18400]  }
0x2e7: {  	v9 =	vld [tilespmem:s0+$0x18410]  }
0x2e8: {  	v8 =	vld [tilespmem:s0+$0x18420]  }
0x2e9: {  	v7 =	vld [tilespmem:s0+$0x18430]  }
0x2ea: {  	v6 =	vld [tilespmem:s0+$0x18440]  }
0x2eb: {  	v51 =	vld [tilespmem:s0+$0xB000]  }
0x2ec: {  	v52 =	vld [tilespmem:s0+$0xB010]  }
0x2ed: {  	v53 =	vld [tilespmem:s0+$0xB020]  }
0x2ee: {  	v54 =	vld [tilespmem:s0+$0xB030]  }
0x2ef: {  	v55 =	vld [tilespmem:s0+$0xB040]  }
0x2f0: {  	v62 =	vld [tilespmem:s0+$0xB050];
	v12 =	vadd.f32 v12, v51  }
0x2f1: {  	v63 =	vld [tilespmem:s0+$0xB060];
	v13 =	vadd.f32 v13, v52  }
0x2f2: {  	[tilespmem:s0+$0xB000] =	vst v12;
	v12 =	vadd.f32 v14, v53;
	v14 =	vld [tilespmem:s0+$0xB070]  }
0x2f3: {  	[tilespmem:s0+$0xB010] =	vst v13;
	v13 =	vadd.f32 v15, v54;
	v15 =	vld [tilespmem:s0+$0xB400]  }
0x2f4: {  	[tilespmem:s0+$0xB020] =	vst v12;
	v12 =	vadd.f32 v16, v55;
	v16 =	vld [tilespmem:s0+$0xB410]  }
0x2f5: {  	[tilespmem:s0+$0xB030] =	vst v13;
	v13 =	vadd.f32 v17, v62;
	v17 =	vld [tilespmem:s0+$0xB420]  }
0x2f6: {  	v5 =	vld [tilespmem:s0+$0x18450]  }
0x2f7: {  	[tilespmem:s0+$0xB040] =	vst v12;
	v12 =	vadd.f32 v18, v63;
	v18 =	vld [tilespmem:s0+$0xB470]  }
0x2f8: {  	[tilespmem:s0+$0xB050] =	vst v13;
	v13 =	vadd.f32 v19, v14;
	v14 =	vld [tilespmem:s0+$0xB430]  }
0x2f9: {  	[tilespmem:s0+$0xB060] =	vst v12;
	v12 =	vadd.f32 v20, v15;
	v15 =	vld [tilespmem:s0+$0xB440]  }
0x2fa: {  	[tilespmem:s0+$0xB070] =	vst v13;
	v13 =	vadd.f32 v21, v16;
	v16 =	vadd.f32 v22, v17;
	v17 =	vld [tilespmem:s0+$0xB460]  }
0x2fb: {  	[tilespmem:s0+$0xB400] =	vst v12;
	v12 =	vld [tilespmem:s0+$0xB450]  }
0x2fc: {  	[tilespmem:s0+$0xB410] =	vst v13;
	v13 =	vld [tilespmem:s0+$0xB800];
	v18 =	vadd.f32 v27, v18  }
0x2fd: {  	[tilespmem:s0+$0xB420] =	vst v16;
	v16 =	vld [tilespmem:s0+$0xB810];
	v14 =	vadd.f32 v23, v14  }
0x2fe: {  	v4 =	vld [tilespmem:s0+$0x18460];
	v15 =	vadd.f32 v24, v15;
	[tilespmem:s0+$0xB470] =	vst v18  }
0x2ff: {  	[tilespmem:s0+$0xB430] =	vst v14;
	v14 =	vld [tilespmem:s0+$0xB820];
	v17 =	vadd.f32 v26, v17  }
0x300: {  	v12 =	vadd.f32 v25, v12;
	[tilespmem:s0+$0xB440] =	vst v15;
	v15 =	vld [tilespmem:s0+$0xB830]  }
0x301: {  	v18 =	vld [tilespmem:s0+$0xB870];
	[tilespmem:s0+$0xB460] =	vst v17;
	v13 =	vadd.f32 v28, v13  }
0x302: {  	v16 =	vadd.f32 v29, v16;
	[tilespmem:s0+$0xB450] =	vst v12;
	v12 =	vld [tilespmem:s0+$0xB840]  }
0x303: {  	v17 =	vld [tilespmem:s0+$0xB850];
	[tilespmem:s0+$0xB800] =	vst v13  }
0x304: {  	[tilespmem:s0+$0xB810] =	vst v16;
	v16 =	vld [tilespmem:s0+$0xB860];
	v13 =	vadd.f32 v30, v14  }
0x305: {  	v14 =	vld [tilespmem:s0+$0xBC00];
	v15 =	vadd.f32 v31, v15  }
0x306: {  	[tilespmem:s0+$0xB820] =	vst v13;
	v13 =	vld [tilespmem:s0+$0xBC10]  }
0x307: {  	v12 =	vadd.f32 v32, v12;
	[tilespmem:s0+$0xB830] =	vst v15;
	v15 =	vld [tilespmem:s0+$0xBC20]  }
0x308: {  	v3 =	vld [tilespmem:s0+$0x18470];
	v17 =	vadd.f32 v33, v17  }
0x309: {  	v16 =	vadd.f32 v34, v16;
	[tilespmem:s0+$0xB840] =	vst v12;
	v12 =	vld [tilespmem:s0+$0xBC30]  }
0x30a: {  	[tilespmem:s0+$0xB850] =	vst v17;
	v17 =	vld [tilespmem:s0+$0xBC40];
	v14 =	vadd.f32 v36, v14  }
0x30b: {  	v18 =	vadd.f32 v35, v18;
	[tilespmem:s0+$0xB860] =	vst v16;
	v16 =	vld [tilespmem:s0+$0xBC50]  }
0x30c: {  	v13 =	vadd.f32 v37, v13;
	[tilespmem:s0+$0xBC00] =	vst v14;
	v14 =	vadd.f32 v38, v15;
	v15 =	vld [tilespmem:s0+$0xBC60]  }
0x30d: {  	[tilespmem:s0+$0xB870] =	vst v18;
	v18 =	vld [tilespmem:s0+$0xBC70]  }
0x30e: {  	[tilespmem:s0+$0xBC10] =	vst v13;
	v13 =	vld [tilespmem:s0+$0xC000];
	v12 =	vadd.f32 v39, v12  }
0x30f: {  	v17 =	vadd.f32 v40, v17;
	[tilespmem:s0+$0xBC20] =	vst v14;
	v14 =	vld [tilespmem:s0+$0xC010]  }
0x310: {  	v16 =	vadd.f32 v41, v16;
	[tilespmem:s0+$0xBC30] =	vst v12;
	v12 =	vld [tilespmem:s0+$0xC020]  }
0x311: {  	[tilespmem:s0+$0xBC40] =	vst v17;
	v17 =	vld [tilespmem:s0+$0xC030];
	v15 =	vadd.f32 v42, v15  }
0x312: {  	v19 =	vld [tilespmem:s0+$0xC040];
	[tilespmem:s0+$0xBC50] =	vst v16;
	v16 =	vadd.f32 v43, v18  }
0x313: {  	v18 =	vld [tilespmem:s0+$0xC050];
	v13 =	vadd.f32 v44, v13;
	[tilespmem:s0+$0xBC60] =	vst v15  }
0x314: {  	v20 =	vld [tilespmem:s0+$0xC060];
	[tilespmem:s0+$0xBC70] =	vst v16;
	v14 =	vadd.f32 v45, v14  }
0x315: {  	v16 =	vld [tilespmem:s0+$0xC070];
	[tilespmem:s0+$0xC000] =	vst v13;
	v12 =	vadd.f32 v46, v12  }
0x316: {  	v15 =	vld [tilespmem:s0+$0xC400];
	v13 =	vadd.f32 v47, v17;
	[tilespmem:s0+$0xC010] =	vst v14  }
0x317: {  	v14 =	vld [tilespmem:s0+$0xC410];
	[tilespmem:s0+$0xC020] =	vst v12;
	v12 =	vadd.f32 v48, v19  }
0x318: {  	[tilespmem:s0+$0xC030] =	vst v13;
	v13 =	vld [tilespmem:s0+$0xC420];
	v18 =	vadd.f32 v49, v18  }
0x319: {  	s6 =	simm.s32 $0x1;
	v17 =	vadd.f32 v50, v20;
	[tilespmem:s0+$0xC040] =	vst v12;
	v12 =	vld [tilespmem:s0+$0xC430]  }
.LBB2_15:
0x31a: {  	s7 =	sshrl.u32 s6, $0x3;
	p0 =	sne.s32 s6, $0xF;
	[tilespmem:s0+$0xC050] =	vst v18;
	v11 =	vadd.f32 v11, v16;
	v16 =	vld [tilespmem:s0+$0xC440]  }
0x31b: {  	s2 =	sadd.s32 $0x80, s2;
	s7 =	smul.u32 $0x1800, s7;
	[tilespmem:s0+$0xC060] =	vst v17;
	v10 =	vadd.f32 v10, v15;
	v15 =	vld [tilespmem:s0+$0xC450]  }
0x31c: {  	s14 =	sand.u32 $0x380, s2;
	[tilespmem:s0+$0xC070] =	vst v11;
	v9 =	vadd.f32 v9, v14;
	v11 =	vld [tilespmem:s0+$0xC460]  }
0x31d: {  	s7 =	sor.u32 s14, s7;
	[tilespmem:s0+$0xC400] =	vst v10;
	v8 =	vadd.f32 v8, v13;
	v10 =	vld [tilespmem:s0+$0xC470]  }
0x31e: {  	v39 =	vld [tilespmem:s7+$0x17000];
	[tilespmem:s0+$0xC410] =	vst v9;
	v7 =	vadd.f32 v7, v12  }
0x31f: {  	v40 =	vld [tilespmem:s7+$0x17010];
	[tilespmem:s0+$0xC420] =	vst v8;
	v6 =	vadd.f32 v6, v16  }
0x320: {  	v41 =	vld [tilespmem:s7+$0x17020];
	[tilespmem:s0+$0xC430] =	vst v7;
	v5 =	vadd.f32 v5, v15  }
0x321: {  	v42 =	vld [tilespmem:s7+$0x17030];
	[tilespmem:s0+$0xC440] =	vst v6;
	v4 =	vadd.f32 v4, v11  }
0x322: {  	v43 =	vld [tilespmem:s7+$0x17040];
	[tilespmem:s0+$0xC450] =	vst v5;
	v3 =	vadd.f32 v3, v10  }
0x323: {  	v44 =	vld [tilespmem:s7+$0x17050];
	[tilespmem:s0+$0xC460] =	vst v4  }
0x324: {  	v45 =	vld [tilespmem:s7+$0x17060];
	[tilespmem:s0+$0xC470] =	vst v3;
	s0 =	smov.u32 s7  }
0x325: {  	v46 =	vld [tilespmem:s0+$0x17070]  }
0x326: {  	v47 =	vld [tilespmem:s0+$0x17400]  }
0x327: {  	v48 =	vld [tilespmem:s0+$0x17410]  }
0x328: {  	v49 =	vld [tilespmem:s0+$0x17420]  }
0x329: {  	v50 =	vld [tilespmem:s0+$0x17430]  }
0x32a: {  	v38 =	vld [tilespmem:s0+$0x17440]  }
0x32b: {  	v37 =	vld [tilespmem:s0+$0x17450]  }
0x32c: {  	v36 =	vld [tilespmem:s0+$0x17460]  }
0x32d: {  	v35 =	vld [tilespmem:s0+$0x17470]  }
0x32e: {  	v34 =	vld [tilespmem:s0+$0x17800]  }
0x32f: {  	v33 =	vld [tilespmem:s0+$0x17810]  }
0x330: {  	v32 =	vld [tilespmem:s0+$0x17820]  }
0x331: {  	v31 =	vld [tilespmem:s0+$0x17830]  }
0x332: {  	v30 =	vld [tilespmem:s0+$0x17840]  }
0x333: {  	v29 =	vld [tilespmem:s0+$0x17850]  }
0x334: {  	v28 =	vld [tilespmem:s0+$0x17860]  }
0x335: {  	v27 =	vld [tilespmem:s0+$0x17870]  }
0x336: {  	v26 =	vld [tilespmem:s0+$0x17C00]  }
0x337: {  	v25 =	vld [tilespmem:s0+$0x17C10]  }
0x338: {  	v24 =	vld [tilespmem:s0+$0x17C20]  }
0x339: {  	v23 =	vld [tilespmem:s0+$0x17C30]  }
0x33a: {  	v22 =	vld [tilespmem:s0+$0x17C40]  }
0x33b: {  	v21 =	vld [tilespmem:s0+$0x17C50]  }
0x33c: {  	v20 =	vld [tilespmem:s0+$0x17C60]  }
0x33d: {  	v19 =	vld [tilespmem:s0+$0x17C70]  }
0x33e: {  	v18 =	vld [tilespmem:s0+$0x18000]  }
0x33f: {  	v17 =	vld [tilespmem:s0+$0x18010]  }
0x340: {  	v16 =	vld [tilespmem:s0+$0x18020]  }
0x341: {  	v15 =	vld [tilespmem:s0+$0x18030]  }
0x342: {  	v14 =	vld [tilespmem:s0+$0x18040]  }
0x343: {  	v13 =	vld [tilespmem:s0+$0x18050]  }
0x344: {  	v12 =	vld [tilespmem:s0+$0x18060]  }
0x345: {  	v11 =	vld [tilespmem:s0+$0x18070]  }
0x346: {  	v10 =	vld [tilespmem:s0+$0x18400]  }
0x347: {  	v9 =	vld [tilespmem:s0+$0x18410]  }
0x348: {  	v8 =	vld [tilespmem:s0+$0x18420]  }
0x349: {  	v7 =	vld [tilespmem:s0+$0x18430]  }
0x34a: {  	v6 =	vld [tilespmem:s0+$0x18440]  }
0x34b: {  	v5 =	vld [tilespmem:s0+$0x18450]  }
0x34c: {  	v4 =	vld [tilespmem:s0+$0x18460]  }
0x34d: {  	v3 =	vld [tilespmem:s0+$0x18470]  }
0x34e: {  	v51 =	vld [tilespmem:s0+$0xB000]  }
0x34f: {  	v52 =	vld [tilespmem:s0+$0xB010]  }
0x350: {  	v53 =	vld [tilespmem:s0+$0xB020]  }
0x351: {  	v54 =	vld [tilespmem:s0+$0xB030]  }
0x352: {  	v55 =	vld [tilespmem:s0+$0xB040]  }
0x353: {  	v39 =	vadd.f32 v39, v51;
	v51 =	vld [tilespmem:s0+$0xB050]  }
0x354: {  	v40 =	vadd.f32 v40, v52;
	v52 =	vld [tilespmem:s0+$0xB060]  }
0x355: {  	[tilespmem:s0+$0xB000] =	vst v39;
	v39 =	vadd.f32 v41, v53;
	v41 =	vld [tilespmem:s0+$0xB070]  }
0x356: {  	[tilespmem:s0+$0xB010] =	vst v40;
	v40 =	vadd.f32 v42, v54;
	v42 =	vld [tilespmem:s0+$0xB400]  }
0x357: {  	[tilespmem:s0+$0xB020] =	vst v39;
	v39 =	vadd.f32 v43, v55;
	v43 =	vld [tilespmem:s0+$0xB410]  }
0x358: {  	[tilespmem:s0+$0xB030] =	vst v40;
	v40 =	vadd.f32 v44, v51;
	v44 =	vld [tilespmem:s0+$0xB420]  }
0x359: {  	[tilespmem:s0+$0xB040] =	vst v39;
	v39 =	vadd.f32 v45, v52;
	v45 =	vld [tilespmem:s0+$0xB430]  }
0x35a: {  	[tilespmem:s0+$0xB050] =	vst v40;
	v40 =	vadd.f32 v46, v41;
	v41 =	vld [tilespmem:s0+$0xB440]  }
0x35b: {  	[tilespmem:s0+$0xB060] =	vst v39;
	v39 =	vadd.f32 v47, v42;
	v42 =	vld [tilespmem:s0+$0xB450]  }
0x35c: {  	[tilespmem:s0+$0xB070] =	vst v40;
	v40 =	vadd.f32 v48, v43;
	v43 =	vld [tilespmem:s0+$0xB460]  }
0x35d: {  	[tilespmem:s0+$0xB400] =	vst v39;
	v39 =	vadd.f32 v49, v44;
	v44 =	vld [tilespmem:s0+$0xB470]  }
0x35e: {  	[tilespmem:s0+$0xB410] =	vst v40;
	v40 =	vadd.f32 v50, v45;
	v45 =	vld [tilespmem:s0+$0xB800]  }
0x35f: {  	[tilespmem:s0+$0xB420] =	vst v39;
	v38 =	vadd.f32 v38, v41;
	v39 =	vld [tilespmem:s0+$0xB810]  }
0x360: {  	[tilespmem:s0+$0xB430] =	vst v40;
	v37 =	vadd.f32 v37, v42;
	v40 =	vld [tilespmem:s0+$0xB820]  }
0x361: {  	[tilespmem:s0+$0xB440] =	vst v38;
	v36 =	vadd.f32 v36, v43;
	v38 =	vld [tilespmem:s0+$0xB830]  }
0x362: {  	[tilespmem:s0+$0xB450] =	vst v37;
	v35 =	vadd.f32 v35, v44;
	v37 =	vld [tilespmem:s0+$0xB840]  }
0x363: {  	[tilespmem:s0+$0xB460] =	vst v36;
	v34 =	vadd.f32 v34, v45;
	v36 =	vld [tilespmem:s0+$0xB850]  }
0x364: {  	[tilespmem:s0+$0xB470] =	vst v35;
	v33 =	vadd.f32 v33, v39;
	v35 =	vld [tilespmem:s0+$0xB860]  }
0x365: {  	[tilespmem:s0+$0xB800] =	vst v34;
	v32 =	vadd.f32 v32, v40;
	v34 =	vld [tilespmem:s0+$0xB870]  }
0x366: {  	[tilespmem:s0+$0xB810] =	vst v33;
	v31 =	vadd.f32 v31, v38;
	v33 =	vld [tilespmem:s0+$0xBC00]  }
0x367: {  	[tilespmem:s0+$0xB820] =	vst v32;
	v30 =	vadd.f32 v30, v37;
	v32 =	vld [tilespmem:s0+$0xBC10]  }
0x368: {  	[tilespmem:s0+$0xB830] =	vst v31;
	v29 =	vadd.f32 v29, v36;
	v31 =	vld [tilespmem:s0+$0xBC20]  }
0x369: {  	[tilespmem:s0+$0xB840] =	vst v30;
	v28 =	vadd.f32 v28, v35;
	v30 =	vld [tilespmem:s0+$0xBC30]  }
0x36a: {  	[tilespmem:s0+$0xB850] =	vst v29;
	v27 =	vadd.f32 v27, v34;
	v29 =	vld [tilespmem:s0+$0xBC40]  }
0x36b: {  	[tilespmem:s0+$0xB860] =	vst v28;
	v26 =	vadd.f32 v26, v33;
	v28 =	vld [tilespmem:s0+$0xBC50]  }
0x36c: {  	[tilespmem:s0+$0xB870] =	vst v27;
	v25 =	vadd.f32 v25, v32;
	v27 =	vld [tilespmem:s0+$0xBC60]  }
0x36d: {  	[tilespmem:s0+$0xBC00] =	vst v26;
	v24 =	vadd.f32 v24, v31;
	v26 =	vld [tilespmem:s0+$0xBC70]  }
0x36e: {  	[tilespmem:s0+$0xBC10] =	vst v25;
	v23 =	vadd.f32 v23, v30;
	v25 =	vld [tilespmem:s0+$0xC000]  }
0x36f: {  	[tilespmem:s0+$0xBC20] =	vst v24;
	v22 =	vadd.f32 v22, v29;
	v24 =	vld [tilespmem:s0+$0xC010]  }
0x370: {  	[tilespmem:s0+$0xBC30] =	vst v23;
	v21 =	vadd.f32 v21, v28;
	v23 =	vld [tilespmem:s0+$0xC020]  }
0x371: {  	[tilespmem:s0+$0xBC40] =	vst v22;
	v20 =	vadd.f32 v20, v27;
	v22 =	vld [tilespmem:s0+$0xC030]  }
0x372: {  	[tilespmem:s0+$0xBC50] =	vst v21;
	v19 =	vadd.f32 v19, v26;
	v21 =	vld [tilespmem:s0+$0xC040]  }
0x373: {  	[tilespmem:s0+$0xBC60] =	vst v20;
	v18 =	vadd.f32 v18, v25;
	v20 =	vld [tilespmem:s0+$0xC050]  }
0x374: {  	[tilespmem:s0+$0xBC70] =	vst v19;
	v17 =	vadd.f32 v17, v24;
	v19 =	vld [tilespmem:s0+$0xC060]  }
.Ltmp11:
0x375: {  	[tilespmem:s0+$0xC000] =	vst v18;
	v18 =	vadd.f32 v16, v23;
	v16 =	vld [tilespmem:s0+$0xC070];
	(pc) =	sbr.rel @p0 .LBB2_15-.Ltmp11, $4  }
0x376: {  	[tilespmem:s0+$0xC010] =	vst v17;
	v17 =	vadd.f32 v15, v22;
	v15 =	vld [tilespmem:s0+$0xC400]  }
0x377: {  	[tilespmem:s0+$0xC020] =	vst v18;
	v21 =	vadd.f32 v14, v21;
	v14 =	vld [tilespmem:s0+$0xC410]  }
0x378: {  	[tilespmem:s0+$0xC030] =	vst v17;
	v18 =	vadd.f32 v13, v20;
	v13 =	vld [tilespmem:s0+$0xC420]  }
0x379: {  	s6 =	sadd.s32 $0x1, s6;
	[tilespmem:s0+$0xC040] =	vst v21;
	v17 =	vadd.f32 v12, v19;
	v12 =	vld [tilespmem:s0+$0xC430]  }
0x37a: {  	[tilespmem:s0+$0xC050] =	vst v18;
	v18 =	vld [tilespmem:s0+$0xC440];
	v11 =	vadd.f32 v11, v16  }
0x37b: {  	v16 =	vld [tilespmem:s0+$0xC450];
	[tilespmem:s0+$0xC060] =	vst v17;
	v10 =	vadd.f32 v10, v15  }
0x37c: {  	[tilespmem:s0+$0xC070] =	vst v11;
	v9 =	vadd.f32 v9, v14;
	v11 =	vld [tilespmem:s0+$0xC460]  }
0x37d: {  	[tilespmem:s0+$0xC400] =	vst v10;
	v8 =	vadd.f32 v8, v13;
	v10 =	vld [tilespmem:s0+$0xC470]  }
0x37e: {  	[tilespmem:s0+$0xC410] =	vst v9;
	v7 =	vadd.f32 v7, v12  }
0x37f: {  	[tilespmem:s0+$0xC420] =	vst v8;
	v6 =	vadd.f32 v6, v18  }
0x380: {  	s2 =	smul.u32 $0xC0000, s30;
	v5 =	vadd.f32 v5, v16;
	[tilespmem:s0+$0xC430] =	vst v7  }
0x381: {  	[tilespmem:s0+$0xC440] =	vst v6;
	v4 =	vadd.f32 v4, v11  }
0x382: {  	s6 =	sadd.s32 s9, s2;
	[tilespmem:s0+$0xC450] =	vst v5;
	v3 =	vadd.f32 v3, v10  }
0x383: {  	s14 =	simm.s32 $0x2;
	s16 =	simm.s32 $0x800;
	s6 =	sshrl.u32 s6, $0x3;
	[tilespmem:s0+$0xC460] =	vst v4  }
0x384: {  	s31 =	sand.u32 $0x380, s16;
	s7 =	sadd.s32 s4, s6;
	[tilespmem:s0+$0xC470] =	vst v3;
	s0 =	smul.u32 $0x1800, s14  }
0x385: {  	[hbm4b:s7+s5] =	stream.linear.scatter [tilespmem:s22], [sflag:$0x4], $0x3000, $0x38;
	[tilespmem:$0x1D000] =	vst v63  }
0x386: {  	s0 =	sor.u32 s31, s0  }
0x387: {  	v12 =	vld [tilespmem:s0+$0x17000]  }
0x388: {  	v13 =	vld [tilespmem:s0+$0x17010]  }
0x389: {  	v14 =	vld [tilespmem:s0+$0x17020]  }
0x38a: {  	v15 =	vld [tilespmem:s0+$0x17030]  }
0x38b: {  	v16 =	vld [tilespmem:s0+$0x17040]  }
0x38c: {  	v17 =	vld [tilespmem:s0+$0x17050]  }
0x38d: {  	v18 =	vld [tilespmem:s0+$0x17060]  }
0x38e: {  	v19 =	vld [tilespmem:s0+$0x17070]  }
0x38f: {  	v20 =	vld [tilespmem:s0+$0x17400]  }
0x390: {  	v21 =	vld [tilespmem:s0+$0x17410]  }
0x391: {  	v22 =	vld [tilespmem:s0+$0x17420]  }
0x392: {  	v23 =	vld [tilespmem:s0+$0x17430]  }
0x393: {  	v24 =	vld [tilespmem:s0+$0x17440]  }
0x394: {  	v25 =	vld [tilespmem:s0+$0x17450]  }
0x395: {  	v26 =	vld [tilespmem:s0+$0x17460]  }
0x396: {  	v27 =	vld [tilespmem:s0+$0x17470]  }
0x397: {  	v28 =	vld [tilespmem:s0+$0x17800]  }
0x398: {  	v29 =	vld [tilespmem:s0+$0x17810]  }
0x399: {  	v30 =	vld [tilespmem:s0+$0x17820]  }
0x39a: {  	v31 =	vld [tilespmem:s0+$0x17830]  }
0x39b: {  	v32 =	vld [tilespmem:s0+$0x17840]  }
0x39c: {  	v33 =	vld [tilespmem:s0+$0x17850]  }
0x39d: {  	v34 =	vld [tilespmem:s0+$0x17860]  }
0x39e: {  	v35 =	vld [tilespmem:s0+$0x17870]  }
0x39f: {  	v36 =	vld [tilespmem:s0+$0x17C00]  }
0x3a0: {  	v37 =	vld [tilespmem:s0+$0x17C10]  }
0x3a1: {  	v38 =	vld [tilespmem:s0+$0x17C20]  }
0x3a2: {  	v39 =	vld [tilespmem:s0+$0x17C30]  }
0x3a3: {  	v40 =	vld [tilespmem:s0+$0x17C40]  }
0x3a4: {  	v41 =	vld [tilespmem:s0+$0x17C50]  }
0x3a5: {  	v42 =	vld [tilespmem:s0+$0x17C60]  }
0x3a6: {  	v43 =	vld [tilespmem:s0+$0x17C70]  }
0x3a7: {  	v44 =	vld [tilespmem:s0+$0x18000]  }
0x3a8: {  	v45 =	vld [tilespmem:s0+$0x18010]  }
0x3a9: {  	v46 =	vld [tilespmem:s0+$0x18020]  }
0x3aa: {  	v47 =	vld [tilespmem:s0+$0x18030]  }
0x3ab: {  	v48 =	vld [tilespmem:s0+$0x18040]  }
0x3ac: {  	v49 =	vld [tilespmem:s0+$0x18050]  }
0x3ad: {  	v50 =	vld [tilespmem:s0+$0x18060]  }
0x3ae: {  	v11 =	vld [tilespmem:s0+$0x18070]  }
0x3af: {  	v10 =	vld [tilespmem:s0+$0x18400]  }
0x3b0: {  	v9 =	vld [tilespmem:s0+$0x18410]  }
0x3b1: {  	v8 =	vld [tilespmem:s0+$0x18420]  }
0x3b2: {  	v7 =	vld [tilespmem:s0+$0x18430]  }
0x3b3: {  	v6 =	vld [tilespmem:s0+$0x18440]  }
0x3b4: {  	v51 =	vld [tilespmem:s0+$0xB000]  }
0x3b5: {  	v52 =	vld [tilespmem:s0+$0xB010]  }
0x3b6: {  	v53 =	vld [tilespmem:s0+$0xB020]  }
0x3b7: {  	v54 =	vld [tilespmem:s0+$0xB030]  }
0x3b8: {  	v55 =	vld [tilespmem:s0+$0xB040]  }
0x3b9: {  	v62 =	vld [tilespmem:s0+$0xB050];
	v12 =	vadd.f32 v12, v51  }
0x3ba: {  	v63 =	vld [tilespmem:s0+$0xB060];
	v13 =	vadd.f32 v13, v52  }
0x3bb: {  	[tilespmem:s0+$0xB000] =	vst v12;
	v12 =	vadd.f32 v14, v53;
	v14 =	vld [tilespmem:s0+$0xB070]  }
0x3bc: {  	[tilespmem:s0+$0xB010] =	vst v13;
	v13 =	vadd.f32 v15, v54;
	v15 =	vld [tilespmem:s0+$0xB400]  }
0x3bd: {  	[tilespmem:s0+$0xB020] =	vst v12;
	v12 =	vadd.f32 v16, v55;
	v16 =	vld [tilespmem:s0+$0xB410]  }
0x3be: {  	[tilespmem:s0+$0xB030] =	vst v13;
	v13 =	vadd.f32 v17, v62;
	v17 =	vld [tilespmem:s0+$0xB420]  }
0x3bf: {  	v5 =	vld [tilespmem:s0+$0x18450]  }
0x3c0: {  	[tilespmem:s0+$0xB040] =	vst v12;
	v12 =	vadd.f32 v18, v63;
	v18 =	vld [tilespmem:s0+$0xB470]  }
0x3c1: {  	[tilespmem:s0+$0xB050] =	vst v13;
	v13 =	vadd.f32 v19, v14;
	v14 =	vld [tilespmem:s0+$0xB430]  }
0x3c2: {  	[tilespmem:s0+$0xB060] =	vst v12;
	v12 =	vadd.f32 v20, v15;
	v15 =	vld [tilespmem:s0+$0xB440]  }
0x3c3: {  	[tilespmem:s0+$0xB070] =	vst v13;
	v13 =	vadd.f32 v21, v16;
	v16 =	vadd.f32 v22, v17;
	v17 =	vld [tilespmem:s0+$0xB460]  }
0x3c4: {  	[tilespmem:s0+$0xB400] =	vst v12;
	v12 =	vld [tilespmem:s0+$0xB450]  }
0x3c5: {  	[tilespmem:s0+$0xB410] =	vst v13;
	v13 =	vld [tilespmem:s0+$0xB800];
	v18 =	vadd.f32 v27, v18  }
0x3c6: {  	[tilespmem:s0+$0xB420] =	vst v16;
	v16 =	vld [tilespmem:s0+$0xB810];
	v14 =	vadd.f32 v23, v14  }
0x3c7: {  	v4 =	vld [tilespmem:s0+$0x18460];
	v15 =	vadd.f32 v24, v15;
	[tilespmem:s0+$0xB470] =	vst v18  }
0x3c8: {  	[tilespmem:s0+$0xB430] =	vst v14;
	v14 =	vld [tilespmem:s0+$0xB820];
	v17 =	vadd.f32 v26, v17  }
0x3c9: {  	v12 =	vadd.f32 v25, v12;
	[tilespmem:s0+$0xB440] =	vst v15;
	v15 =	vld [tilespmem:s0+$0xB830]  }
0x3ca: {  	v18 =	vld [tilespmem:s0+$0xB870];
	[tilespmem:s0+$0xB460] =	vst v17;
	v13 =	vadd.f32 v28, v13  }
0x3cb: {  	v16 =	vadd.f32 v29, v16;
	[tilespmem:s0+$0xB450] =	vst v12;
	v12 =	vld [tilespmem:s0+$0xB840]  }
0x3cc: {  	v17 =	vld [tilespmem:s0+$0xB850];
	[tilespmem:s0+$0xB800] =	vst v13  }
0x3cd: {  	[tilespmem:s0+$0xB810] =	vst v16;
	v16 =	vld [tilespmem:s0+$0xB860];
	v13 =	vadd.f32 v30, v14  }
0x3ce: {  	v14 =	vld [tilespmem:s0+$0xBC00];
	v15 =	vadd.f32 v31, v15  }
0x3cf: {  	[tilespmem:s0+$0xB820] =	vst v13;
	v13 =	vld [tilespmem:s0+$0xBC10]  }
0x3d0: {  	v12 =	vadd.f32 v32, v12;
	[tilespmem:s0+$0xB830] =	vst v15;
	v15 =	vld [tilespmem:s0+$0xBC20]  }
0x3d1: {  	v3 =	vld [tilespmem:s0+$0x18470];
	v17 =	vadd.f32 v33, v17  }
0x3d2: {  	v16 =	vadd.f32 v34, v16;
	[tilespmem:s0+$0xB840] =	vst v12;
	v12 =	vld [tilespmem:s0+$0xBC30]  }
0x3d3: {  	[tilespmem:s0+$0xB850] =	vst v17;
	v17 =	vld [tilespmem:s0+$0xBC40];
	v14 =	vadd.f32 v36, v14  }
0x3d4: {  	v18 =	vadd.f32 v35, v18;
	[tilespmem:s0+$0xB860] =	vst v16;
	v16 =	vld [tilespmem:s0+$0xBC50]  }
0x3d5: {  	v13 =	vadd.f32 v37, v13;
	[tilespmem:s0+$0xBC00] =	vst v14;
	v14 =	vadd.f32 v38, v15;
	v15 =	vld [tilespmem:s0+$0xBC60]  }
0x3d6: {  	[tilespmem:s0+$0xB870] =	vst v18;
	v18 =	vld [tilespmem:s0+$0xBC70]  }
0x3d7: {  	[tilespmem:s0+$0xBC10] =	vst v13;
	v13 =	vld [tilespmem:s0+$0xC000];
	v12 =	vadd.f32 v39, v12  }
0x3d8: {  	v17 =	vadd.f32 v40, v17;
	[tilespmem:s0+$0xBC20] =	vst v14;
	v14 =	vld [tilespmem:s0+$0xC010]  }
0x3d9: {  	v16 =	vadd.f32 v41, v16;
	[tilespmem:s0+$0xBC30] =	vst v12;
	v12 =	vld [tilespmem:s0+$0xC020]  }
0x3da: {  	[tilespmem:s0+$0xBC40] =	vst v17;
	v17 =	vld [tilespmem:s0+$0xC030];
	v15 =	vadd.f32 v42, v15  }
0x3db: {  	v19 =	vld [tilespmem:s0+$0xC040];
	[tilespmem:s0+$0xBC50] =	vst v16;
	v16 =	vadd.f32 v43, v18  }
0x3dc: {  	v18 =	vld [tilespmem:s0+$0xC050];
	v13 =	vadd.f32 v44, v13;
	[tilespmem:s0+$0xBC60] =	vst v15  }
0x3dd: {  	v20 =	vld [tilespmem:s0+$0xC060];
	[tilespmem:s0+$0xBC70] =	vst v16;
	v14 =	vadd.f32 v45, v14  }
0x3de: {  	v16 =	vld [tilespmem:s0+$0xC070];
	[tilespmem:s0+$0xC000] =	vst v13;
	v12 =	vadd.f32 v46, v12  }
0x3df: {  	v15 =	vld [tilespmem:s0+$0xC400];
	v13 =	vadd.f32 v47, v17;
	[tilespmem:s0+$0xC010] =	vst v14  }
0x3e0: {  	v14 =	vld [tilespmem:s0+$0xC410];
	[tilespmem:s0+$0xC020] =	vst v12;
	v12 =	vadd.f32 v48, v19  }
0x3e1: {  	[tilespmem:s0+$0xC030] =	vst v13;
	v13 =	vld [tilespmem:s0+$0xC420];
	v18 =	vadd.f32 v49, v18  }
0x3e2: {  	s6 =	simm.s32 $0x11;
	v17 =	vadd.f32 v50, v20;
	[tilespmem:s0+$0xC040] =	vst v12;
	v12 =	vld [tilespmem:s0+$0xC430]  }
.LBB2_17:
0x3e3: {  	s7 =	sshrl.u32 s6, $0x3;
	p0 =	sne.s32 s6, $0x1F;
	[tilespmem:s0+$0xC050] =	vst v18;
	v11 =	vadd.f32 v11, v16;
	v16 =	vld [tilespmem:s0+$0xC440]  }
0x3e4: {  	s16 =	sadd.s32 $0x80, s16;
	s7 =	smul.u32 $0x1800, s7;
	[tilespmem:s0+$0xC060] =	vst v17;
	v10 =	vadd.f32 v10, v15;
	v15 =	vld [tilespmem:s0+$0xC450]  }
0x3e5: {  	s14 =	sand.u32 $0x380, s16;
	[tilespmem:s0+$0xC070] =	vst v11;
	v9 =	vadd.f32 v9, v14;
	v11 =	vld [tilespmem:s0+$0xC460]  }
0x3e6: {  	s7 =	sor.u32 s14, s7;
	[tilespmem:s0+$0xC400] =	vst v10;
	v8 =	vadd.f32 v8, v13;
	v10 =	vld [tilespmem:s0+$0xC470]  }
0x3e7: {  	v39 =	vld [tilespmem:s7+$0x17000];
	[tilespmem:s0+$0xC410] =	vst v9;
	v7 =	vadd.f32 v7, v12  }
0x3e8: {  	v40 =	vld [tilespmem:s7+$0x17010];
	[tilespmem:s0+$0xC420] =	vst v8;
	v6 =	vadd.f32 v6, v16  }
0x3e9: {  	v41 =	vld [tilespmem:s7+$0x17020];
	[tilespmem:s0+$0xC430] =	vst v7;
	v5 =	vadd.f32 v5, v15  }
0x3ea: {  	v42 =	vld [tilespmem:s7+$0x17030];
	[tilespmem:s0+$0xC440] =	vst v6;
	v4 =	vadd.f32 v4, v11  }
0x3eb: {  	v43 =	vld [tilespmem:s7+$0x17040];
	[tilespmem:s0+$0xC450] =	vst v5;
	v3 =	vadd.f32 v3, v10  }
0x3ec: {  	v44 =	vld [tilespmem:s7+$0x17050];
	[tilespmem:s0+$0xC460] =	vst v4  }
0x3ed: {  	v45 =	vld [tilespmem:s7+$0x17060];
	[tilespmem:s0+$0xC470] =	vst v3;
	s0 =	smov.u32 s7  }
0x3ee: {  	v46 =	vld [tilespmem:s0+$0x17070]  }
0x3ef: {  	v47 =	vld [tilespmem:s0+$0x17400]  }
0x3f0: {  	v48 =	vld [tilespmem:s0+$0x17410]  }
0x3f1: {  	v49 =	vld [tilespmem:s0+$0x17420]  }
0x3f2: {  	v50 =	vld [tilespmem:s0+$0x17430]  }
0x3f3: {  	v38 =	vld [tilespmem:s0+$0x17440]  }
0x3f4: {  	v37 =	vld [tilespmem:s0+$0x17450]  }
0x3f5: {  	v36 =	vld [tilespmem:s0+$0x17460]  }
0x3f6: {  	v35 =	vld [tilespmem:s0+$0x17470]  }
0x3f7: {  	v34 =	vld [tilespmem:s0+$0x17800]  }
0x3f8: {  	v33 =	vld [tilespmem:s0+$0x17810]  }
0x3f9: {  	v32 =	vld [tilespmem:s0+$0x17820]  }
0x3fa: {  	v31 =	vld [tilespmem:s0+$0x17830]  }
0x3fb: {  	v30 =	vld [tilespmem:s0+$0x17840]  }
0x3fc: {  	v29 =	vld [tilespmem:s0+$0x17850]  }
0x3fd: {  	v28 =	vld [tilespmem:s0+$0x17860]  }
0x3fe: {  	v27 =	vld [tilespmem:s0+$0x17870]  }
0x3ff: {  	v26 =	vld [tilespmem:s0+$0x17C00]  }
0x400: {  	v25 =	vld [tilespmem:s0+$0x17C10]  }
0x401: {  	v24 =	vld [tilespmem:s0+$0x17C20]  }
0x402: {  	v23 =	vld [tilespmem:s0+$0x17C30]  }
0x403: {  	v22 =	vld [tilespmem:s0+$0x17C40]  }
0x404: {  	v21 =	vld [tilespmem:s0+$0x17C50]  }
0x405: {  	v20 =	vld [tilespmem:s0+$0x17C60]  }
0x406: {  	v19 =	vld [tilespmem:s0+$0x17C70]  }
0x407: {  	v18 =	vld [tilespmem:s0+$0x18000]  }
0x408: {  	v17 =	vld [tilespmem:s0+$0x18010]  }
0x409: {  	v16 =	vld [tilespmem:s0+$0x18020]  }
0x40a: {  	v15 =	vld [tilespmem:s0+$0x18030]  }
0x40b: {  	v14 =	vld [tilespmem:s0+$0x18040]  }
0x40c: {  	v13 =	vld [tilespmem:s0+$0x18050]  }
0x40d: {  	v12 =	vld [tilespmem:s0+$0x18060]  }
0x40e: {  	v11 =	vld [tilespmem:s0+$0x18070]  }
0x40f: {  	v10 =	vld [tilespmem:s0+$0x18400]  }
0x410: {  	v9 =	vld [tilespmem:s0+$0x18410]  }
0x411: {  	v8 =	vld [tilespmem:s0+$0x18420]  }
0x412: {  	v7 =	vld [tilespmem:s0+$0x18430]  }
0x413: {  	v6 =	vld [tilespmem:s0+$0x18440]  }
0x414: {  	v5 =	vld [tilespmem:s0+$0x18450]  }
0x415: {  	v4 =	vld [tilespmem:s0+$0x18460]  }
0x416: {  	v3 =	vld [tilespmem:s0+$0x18470]  }
0x417: {  	v51 =	vld [tilespmem:s0+$0xB000]  }
0x418: {  	v52 =	vld [tilespmem:s0+$0xB010]  }
0x419: {  	v53 =	vld [tilespmem:s0+$0xB020]  }
0x41a: {  	v54 =	vld [tilespmem:s0+$0xB030]  }
0x41b: {  	v55 =	vld [tilespmem:s0+$0xB040]  }
0x41c: {  	v39 =	vadd.f32 v39, v51;
	v51 =	vld [tilespmem:s0+$0xB050]  }
0x41d: {  	v40 =	vadd.f32 v40, v52;
	v52 =	vld [tilespmem:s0+$0xB060]  }
0x41e: {  	[tilespmem:s0+$0xB000] =	vst v39;
	v39 =	vadd.f32 v41, v53;
	v41 =	vld [tilespmem:s0+$0xB070]  }
0x41f: {  	[tilespmem:s0+$0xB010] =	vst v40;
	v40 =	vadd.f32 v42, v54;
	v42 =	vld [tilespmem:s0+$0xB400]  }
0x420: {  	[tilespmem:s0+$0xB020] =	vst v39;
	v39 =	vadd.f32 v43, v55;
	v43 =	vld [tilespmem:s0+$0xB410]  }
0x421: {  	[tilespmem:s0+$0xB030] =	vst v40;
	v40 =	vadd.f32 v44, v51;
	v44 =	vld [tilespmem:s0+$0xB420]  }
0x422: {  	[tilespmem:s0+$0xB040] =	vst v39;
	v39 =	vadd.f32 v45, v52;
	v45 =	vld [tilespmem:s0+$0xB430]  }
0x423: {  	[tilespmem:s0+$0xB050] =	vst v40;
	v40 =	vadd.f32 v46, v41;
	v41 =	vld [tilespmem:s0+$0xB440]  }
0x424: {  	[tilespmem:s0+$0xB060] =	vst v39;
	v39 =	vadd.f32 v47, v42;
	v42 =	vld [tilespmem:s0+$0xB450]  }
0x425: {  	[tilespmem:s0+$0xB070] =	vst v40;
	v40 =	vadd.f32 v48, v43;
	v43 =	vld [tilespmem:s0+$0xB460]  }
0x426: {  	[tilespmem:s0+$0xB400] =	vst v39;
	v39 =	vadd.f32 v49, v44;
	v44 =	vld [tilespmem:s0+$0xB470]  }
0x427: {  	[tilespmem:s0+$0xB410] =	vst v40;
	v40 =	vadd.f32 v50, v45;
	v45 =	vld [tilespmem:s0+$0xB800]  }
0x428: {  	[tilespmem:s0+$0xB420] =	vst v39;
	v38 =	vadd.f32 v38, v41;
	v39 =	vld [tilespmem:s0+$0xB810]  }
0x429: {  	[tilespmem:s0+$0xB430] =	vst v40;
	v37 =	vadd.f32 v37, v42;
	v40 =	vld [tilespmem:s0+$0xB820]  }
0x42a: {  	[tilespmem:s0+$0xB440] =	vst v38;
	v36 =	vadd.f32 v36, v43;
	v38 =	vld [tilespmem:s0+$0xB830]  }
0x42b: {  	[tilespmem:s0+$0xB450] =	vst v37;
	v35 =	vadd.f32 v35, v44;
	v37 =	vld [tilespmem:s0+$0xB840]  }
0x42c: {  	[tilespmem:s0+$0xB460] =	vst v36;
	v34 =	vadd.f32 v34, v45;
	v36 =	vld [tilespmem:s0+$0xB850]  }
0x42d: {  	[tilespmem:s0+$0xB470] =	vst v35;
	v33 =	vadd.f32 v33, v39;
	v35 =	vld [tilespmem:s0+$0xB860]  }
0x42e: {  	[tilespmem:s0+$0xB800] =	vst v34;
	v32 =	vadd.f32 v32, v40;
	v34 =	vld [tilespmem:s0+$0xB870]  }
0x42f: {  	[tilespmem:s0+$0xB810] =	vst v33;
	v31 =	vadd.f32 v31, v38;
	v33 =	vld [tilespmem:s0+$0xBC00]  }
0x430: {  	[tilespmem:s0+$0xB820] =	vst v32;
	v30 =	vadd.f32 v30, v37;
	v32 =	vld [tilespmem:s0+$0xBC10]  }
0x431: {  	[tilespmem:s0+$0xB830] =	vst v31;
	v29 =	vadd.f32 v29, v36;
	v31 =	vld [tilespmem:s0+$0xBC20]  }
0x432: {  	[tilespmem:s0+$0xB840] =	vst v30;
	v28 =	vadd.f32 v28, v35;
	v30 =	vld [tilespmem:s0+$0xBC30]  }
0x433: {  	[tilespmem:s0+$0xB850] =	vst v29;
	v27 =	vadd.f32 v27, v34;
	v29 =	vld [tilespmem:s0+$0xBC40]  }
0x434: {  	[tilespmem:s0+$0xB860] =	vst v28;
	v26 =	vadd.f32 v26, v33;
	v28 =	vld [tilespmem:s0+$0xBC50]  }
0x435: {  	[tilespmem:s0+$0xB870] =	vst v27;
	v25 =	vadd.f32 v25, v32;
	v27 =	vld [tilespmem:s0+$0xBC60]  }
0x436: {  	[tilespmem:s0+$0xBC00] =	vst v26;
	v24 =	vadd.f32 v24, v31;
	v26 =	vld [tilespmem:s0+$0xBC70]  }
0x437: {  	[tilespmem:s0+$0xBC10] =	vst v25;
	v23 =	vadd.f32 v23, v30;
	v25 =	vld [tilespmem:s0+$0xC000]  }
0x438: {  	[tilespmem:s0+$0xBC20] =	vst v24;
	v22 =	vadd.f32 v22, v29;
	v24 =	vld [tilespmem:s0+$0xC010]  }
0x439: {  	[tilespmem:s0+$0xBC30] =	vst v23;
	v21 =	vadd.f32 v21, v28;
	v23 =	vld [tilespmem:s0+$0xC020]  }
0x43a: {  	[tilespmem:s0+$0xBC40] =	vst v22;
	v20 =	vadd.f32 v20, v27;
	v22 =	vld [tilespmem:s0+$0xC030]  }
0x43b: {  	[tilespmem:s0+$0xBC50] =	vst v21;
	v19 =	vadd.f32 v19, v26;
	v21 =	vld [tilespmem:s0+$0xC040]  }
0x43c: {  	[tilespmem:s0+$0xBC60] =	vst v20;
	v18 =	vadd.f32 v18, v25;
	v20 =	vld [tilespmem:s0+$0xC050]  }
0x43d: {  	[tilespmem:s0+$0xBC70] =	vst v19;
	v17 =	vadd.f32 v17, v24;
	v19 =	vld [tilespmem:s0+$0xC060]  }
.Ltmp12:
0x43e: {  	[tilespmem:s0+$0xC000] =	vst v18;
	v18 =	vadd.f32 v16, v23;
	v16 =	vld [tilespmem:s0+$0xC070];
	(pc) =	sbr.rel @p0 .LBB2_17-.Ltmp12, $4  }
0x43f: {  	[tilespmem:s0+$0xC010] =	vst v17;
	v17 =	vadd.f32 v15, v22;
	v15 =	vld [tilespmem:s0+$0xC400]  }
0x440: {  	[tilespmem:s0+$0xC020] =	vst v18;
	v21 =	vadd.f32 v14, v21;
	v14 =	vld [tilespmem:s0+$0xC410]  }
0x441: {  	[tilespmem:s0+$0xC030] =	vst v17;
	v18 =	vadd.f32 v13, v20;
	v13 =	vld [tilespmem:s0+$0xC420]  }
0x442: {  	s6 =	sadd.s32 $0x1, s6;
	[tilespmem:s0+$0xC040] =	vst v21;
	v17 =	vadd.f32 v12, v19;
	v12 =	vld [tilespmem:s0+$0xC430]  }
0x443: {  	[tilespmem:s0+$0xC050] =	vst v18;
	v60 =	vld [tilespmem:s0+$0xC440];
	v11 =	vadd.f32 v11, v16  }
0x444: {  	v61 =	vld [tilespmem:s0+$0xC450];
	[tilespmem:s0+$0xC060] =	vst v17;
	v10 =	vadd.f32 v10, v15  }
0x445: {  	v62 =	vld [tilespmem:s0+$0xC460];
	[tilespmem:s0+$0xC070] =	vst v11;
	v9 =	vadd.f32 v9, v14  }
0x446: {  	v63 =	vld [tilespmem:s0+$0xC470];
	[tilespmem:s0+$0xC400] =	vst v10;
	v8 =	vadd.f32 v8, v13  }
0x447: {  	[tilespmem:s0+$0xC410] =	vst v9;
	v7 =	vadd.f32 v7, v12  }
0x448: {  	[tilespmem:s0+$0xC420] =	vst v8;
	v6 =	vadd.f32 v6, v60  }
0x449: {  	v5 =	vadd.f32 v5, v61;
	[tilespmem:s0+$0xC430] =	vst v7  }
.Ltmp13:
0x44a: {  	v4 =	vadd.f32 v4, v62;
	[tilespmem:s0+$0xC440] =	vst v6;
	(pc) =	sbr.rel .LBB2_19-.Ltmp13, $4  }
0x44b: {  	s2 =	sadd.s32 s13, s2;
	v3 =	vadd.f32 v3, v63;
	[tilespmem:s0+$0xC450] =	vst v5  }
0x44c: {  	s2 =	sshrl.u32 s2, $0x3;
	[tilespmem:s0+$0xC460] =	vst v4  }
0x44d: {  	s31 =	sadd.s32 s4, s2;
	[tilespmem:s0+$0xC470] =	vst v3  }
0x44e: {  	[hbm4b:s31+s5] =	stream.linear.scatter [tilespmem:s24], [sflag:$0x4], $0x3000, $0x38;
	[tilespmem:$0x1D000] =	vst v63  }
.LBB2_21:
0x44f: {  	_ =	sfence.sel $0x180000  }
0x450: {  	[bflag:$0x0] =	sbarrier.arrive $0xFFFF  }
0x451: {  	_ =	strace $0x90000047  }
0x452: {  	s0 =	stileid.u32;
	[bflag:$0x2] =	sbarrier.arrive $0xFFFF  }
0x453: {  	p0 =	sne.s32 s0, $0x0;
	s0 =	rddreg [dreg:$0x4]  }
0x454: {  	s0 =	sadd.s32 @!p0 $0x100000, s0  }
0x455: {  	[sflag:s0] =	ssyncadd.tile.s32 @!p0 $0x1;
	_ =	shalt  }
.Lfunc_end2:
_tile_overlayer_lowered:
.L_overlay_start_2:
0x456: {  	(tag) =	ssettag $0x2  }
0x457: {  	s0 =	rddreg [dreg:$0x0];
	s2 =	stileid.u32  }
0x458: {  	s1 =	rddreg [dreg:$0x1];
	p0 =	sne.s32 s2, $0x0  }
0x459: {  	s3 =	rddreg [dreg:$0x2];
	[bflag:$0x3] =	sbarrier.arrive $0xFFFF;
	s2 =	simm.s32 @!p0 $0x1C05  }
0x45a: {  	[timem:s3], [sflag:s2] =	dma.local @!p0 [hbm:s0], s1  }
0x45b: {  	s0 =	simm.s32 @!p0 $0x5  }
0x45c: {  	_ =	swait.ge @!p0 [sflag:s0], s1  }
0x45d: {  	s1 =	ssub.s32 @!p0 $0x0, s1;
	[sflag:s0] =	ssyncset.done @!p0 $0x0  }
0x45e: {  	[sflag:s0] =	ssyncadd.s32 @!p0 s1  }
0x45f: {  	[bflag:$0x3] =	sbarrier.arrive $0xFFFF  }
0x460: {  	_ =	shalt  }

</sc_bundles>
